<compile_context>
chip_gen: v7x
topology: tpu7x:2x2x1
jax: 0.10.2.dev20260603
libtpu: 0.0.44.dev20260713+nightly
codegen_flags: <defaults>
</compile_context>

<pallas_src>
import functools
import jax
import jax.numpy as jnp
from jax import lax
from jax.experimental import pallas as pl
from jax.experimental.pallas import tpu as pltpu
from jax.experimental.pallas import tpu_sc as plsc

EPSN = 1e-5
K = 20
N = 1024
NB = 4

try:
    _sc_info = plsc.get_sparse_core_info()
    NC, NS = _sc_info.num_cores, _sc_info.num_subcores
except Exception:
    NC, NS = 2, 16
NW = NC * NS


def _lrelu(x):
    return jnp.where(x >= 0, x, 0.2 * x)


def _pd_topk_body(x_ref, idx_ref):
    b = pl.program_id(0)
    x = x_ref[0]
    g = lax.dot_general(x, x, (((0,), (0,)), ((), ())),
                        preferred_element_type=jnp.float32)
    s = jnp.sum(x * x, axis=0)
    pd = (2.0 * g - s[None, :]) - s[:, None]

    n = pd.shape[0]
    col = lax.broadcasted_iota(jnp.int32, (n, n), 1)
    work = pd
    neg = jnp.float32(-jnp.inf)
    for j in range(K):
        m = jnp.max(work, axis=1, keepdims=True)
        cand = jnp.where(work == m, col, n)
        sel = jnp.min(cand, axis=1, keepdims=True)
        idx_ref[0, :, j] = sel[:, 0] + b * n
        work = jnp.where(col == sel, neg, work)


def _pd_topk(x_cn):
    B, Cp, n = x_cn.shape
    return pl.pallas_call(
        _pd_topk_body,
        grid=(B,),
        in_specs=[pl.BlockSpec((1, Cp, n), lambda b: (b, 0, 0))],
        out_specs=pl.BlockSpec((1, n, K), lambda b: (b, 0, 0)),
        out_shape=jax.ShapeDtypeStruct((B, n, K), jnp.int32),
    )(x_cn)


def _gather_diff(xr, idx1d, Cp):
    P = 8
    RPC = P * K
    NCH = (NB * N) // (NW * P)
    TC16 = Cp // 16

    mesh = plsc.VectorSubcoreMesh(core_axis_name="c", subcore_axis_name="s")

    @functools.partial(
        pl.kernel,
        mesh=mesh,
        compiler_params=pltpu.CompilerParams(use_tc_tiling_on_sc=False),
        out_type=jax.ShapeDtypeStruct((NB * N * K, 2 * Cp), jnp.float32),
        scratch_types=[
            pltpu.VMEM((RPC,), jnp.int32),
            pltpu.VMEM((RPC, Cp), jnp.float32),
            pltpu.VMEM((P, Cp), jnp.float32),
            pltpu.VMEM((RPC, 2 * Cp), jnp.float32),
            pltpu.SemaphoreType.DMA,
            pltpu.SemaphoreType.DMA,
        ],
    )
    def sck(xr_hbm, idx_hbm, f_hbm, idx_v, rows_v, xc_v, out_v, sem0, sem1):
        wid = lax.axis_index("s") * NC + lax.axis_index("c")

        def chunk_body(ch, carry):
            pt0 = wid * (NCH * P) + ch * P
            r0 = pt0 * K
            pltpu.sync_copy(idx_hbm.at[pl.ds(r0, RPC)], idx_v)
            cp0 = pltpu.async_copy(
                xr_hbm.at[idx_v.at[pl.ds(0, 80)]], rows_v.at[pl.ds(0, 80)],
                sem0)
            cp1 = pltpu.async_copy(
                xr_hbm.at[idx_v.at[pl.ds(80, 80)]], rows_v.at[pl.ds(80, 80)],
                sem1)
            pltpu.sync_copy(xr_hbm.at[pl.ds(pt0, P)], xc_v)
            cp0.wait()
            cp1.wait()

            def p_body(p, c2):
                def j_body(j, c3):
                    r = p * K + j
                    for t in range(TC16):
                        c = xc_v[p, pl.ds(16 * t, 16)]
                        d = rows_v[r, pl.ds(16 * t, 16)] - c
                        out_v[r, pl.ds(16 * t, 16)] = d
                        out_v[r, pl.ds(Cp + 16 * t, 16)] = c
                    return c3
                return lax.fori_loop(0, K, j_body, c2)

            lax.fori_loop(0, P, p_body, 0)
            pltpu.sync_copy(out_v, f_hbm.at[pl.ds(r0, RPC)])
            return carry

        lax.fori_loop(0, NCH, chunk_body, 0)

    return sck(xr, idx1d)



def _conv_faithful_body(f_ref, w_ref, y4_ref, gmax_ref):
    fb = f_ref[0]
    chn = fb.shape[0]
    f2 = fb.reshape(chn * K, fb.shape[2])
    y = lax.dot_general(f2, w_ref[...], (((1,), (1,)), ((), ())),
                        preferred_element_type=jnp.float32)
    o = y.shape[1]
    y3 = y.reshape(chn, K, o)
    y4_ref[0] = y3
    gmax = y3[:, 0, :]
    for j in range(1, K):
        gmax = jnp.maximum(gmax, y3[:, j, :])
    gmax_ref[0] = gmax


def _conv_fast_body(f_ref, w_ref, gmax_ref, s1_ref, s2_ref):
    i = pl.program_id(1)
    fb = f_ref[0]
    chn = fb.shape[0]
    f2 = fb.reshape(chn * K, fb.shape[2])
    y = lax.dot_general(f2, w_ref[...], (((1,), (1,)), ((), ())),
                        preferred_element_type=jnp.float32)
    o = y.shape[1]
    y3 = y.reshape(chn, K, o)
    gmax = y3[:, 0, :]
    for j in range(1, K):
        gmax = jnp.maximum(gmax, y3[:, j, :])
    gmax_ref[0] = gmax
    s1 = jnp.sum(y, axis=0)[None, :]
    s2 = jnp.sum(y * y, axis=0)[None, :]

    @pl.when(i == 0)
    def _():
        s1_ref[0] = s1
        s2_ref[0] = s2

    @pl.when(i > 0)
    def _():
        s1_ref[0] += s1
        s2_ref[0] += s2


def _conv_faithful(f4, wp):
    B, n, k, c2 = f4.shape
    O = wp.shape[0]
    CHN = 512
    return pl.pallas_call(
        _conv_faithful_body,
        grid=(B, n // CHN),
        in_specs=[
            pl.BlockSpec((1, CHN, k, c2), lambda b, i: (b, i, 0, 0)),
            pl.BlockSpec((O, c2), lambda b, i: (0, 0)),
        ],
        out_specs=(
            pl.BlockSpec((1, CHN, k, O), lambda b, i: (b, i, 0, 0)),
            pl.BlockSpec((1, CHN, O), lambda b, i: (b, i, 0)),
        ),
        out_shape=(
            jax.ShapeDtypeStruct((B, n, k, O), jnp.float32),
            jax.ShapeDtypeStruct((B, n, O), jnp.float32),
        ),
    )(f4, wp)


def _conv_fast(f4, wp):
    B, n, k, c2 = f4.shape
    O = wp.shape[0]
    CHN = 512
    return pl.pallas_call(
        _conv_fast_body,
        grid=(B, n // CHN),
        in_specs=[
            pl.BlockSpec((1, CHN, k, c2), lambda b, i: (b, i, 0, 0)),
            pl.BlockSpec((O, c2), lambda b, i: (0, 0)),
        ],
        out_specs=(
            pl.BlockSpec((1, CHN, O), lambda b, i: (b, i, 0)),
            pl.BlockSpec((1, 1, O), lambda b, i: (b, 0, 0)),
            pl.BlockSpec((1, 1, O), lambda b, i: (b, 0, 0)),
        ),
        out_shape=(
            jax.ShapeDtypeStruct((B, n, O), jnp.float32),
            jax.ShapeDtypeStruct((B, 1, O), jnp.float32),
            jax.ShapeDtypeStruct((B, 1, O), jnp.float32),
        ),
    )(f4, wp)


def _finalize_mv_body(gmax_ref, m_ref, v_ref, xn_ref):
    scale = jnp.sqrt(v_ref[0] + EPSN)
    xn_ref[0] = _lrelu((gmax_ref[0] - m_ref[0]) / scale)


def _finalize_mv(gmax, m, v):
    B, n, O = gmax.shape
    return pl.pallas_call(
        _finalize_mv_body,
        grid=(B,),
        in_specs=[
            pl.BlockSpec((1, n, O), lambda b: (b, 0, 0)),
            pl.BlockSpec((1, 1, O), lambda b: (b, 0, 0)),
            pl.BlockSpec((1, 1, O), lambda b: (b, 0, 0)),
        ],
        out_specs=pl.BlockSpec((1, n, O), lambda b: (b, 0, 0)),
        out_shape=jax.ShapeDtypeStruct((B, n, O), jnp.float32),
    )(gmax, m, v)


def _finalize_fast_body(gmax_ref, s1_ref, s2_ref, xn_ref):
    nk = jnp.float32(N * K)
    m = s1_ref[0] / nk
    v = s2_ref[0] / nk - m * m
    scale = jnp.sqrt(v + EPSN)
    xn_ref[0] = _lrelu((gmax_ref[0] - m) / scale)


def _finalize_fast(gmax, s1, s2):
    B, n, O = gmax.shape
    return pl.pallas_call(
        _finalize_fast_body,
        grid=(B,),
        in_specs=[
            pl.BlockSpec((1, n, O), lambda b: (b, 0, 0)),
            pl.BlockSpec((1, 1, O), lambda b: (b, 0, 0)),
            pl.BlockSpec((1, 1, O), lambda b: (b, 0, 0)),
        ],
        out_specs=pl.BlockSpec((1, n, O), lambda b: (b, 0, 0)),
        out_shape=jax.ShapeDtypeStruct((B, n, O), jnp.float32),
    )(gmax, s1, s2)


def _final_body(x1_ref, x2_ref, x3_ref, x4_ref, w5_ref, out_ref):
    cat = jnp.concatenate(
        [x1_ref[0], x2_ref[0], x3_ref[0], x4_ref[0]], axis=1)
    y = lax.dot_general(w5_ref[...], cat, (((1,), (1,)), ((), ())),
                        preferred_element_type=jnp.float32)
    n = jnp.float32(y.shape[1])
    m = jnp.sum(y, axis=1, keepdims=True) / n
    v = jnp.sum(y * y, axis=1, keepdims=True) / n - m * m
    out_ref[0] = _lrelu((y - m) / jnp.sqrt(v + EPSN))


def _final(x1, x2, x3, x4, w5):
    B, n, _ = x1.shape
    return pl.pallas_call(
        _final_body,
        grid=(B,),
        in_specs=[
            pl.BlockSpec((1, n, x1.shape[2]), lambda b: (b, 0, 0)),
            pl.BlockSpec((1, n, x2.shape[2]), lambda b: (b, 0, 0)),
            pl.BlockSpec((1, n, x3.shape[2]), lambda b: (b, 0, 0)),
            pl.BlockSpec((1, n, x4.shape[2]), lambda b: (b, 0, 0)),
            pl.BlockSpec((512, 512), lambda b: (0, 0)),
        ],
        out_specs=pl.BlockSpec((1, 512, n), lambda b: (b, 0, 0)),
        out_shape=jax.ShapeDtypeStruct((B, 512, n), jnp.float32),
    )(x1, x2, x3, x4, w5)


def _pad_w(W, C, Cp):
    O = W.shape[0]
    wp = jnp.zeros((O, 2 * Cp), jnp.float32)
    return wp.at[:, :C].set(W[:, :C]).at[:, Cp:Cp + C].set(W[:, C:])


def _block_faithful(x_cn, xr, W, C):
    Cp = xr.shape[1]
    idx = _pd_topk(x_cn)
    f = _gather_diff(xr, idx.reshape(-1), Cp)
    f4 = f.reshape(NB, N, K, 2 * Cp)
    y4, gmax = _conv_faithful(f4, _pad_w(W, C, Cp))
    m = jnp.mean(y4, axis=(1, 2))[:, None, :]
    v = jnp.var(y4, axis=(1, 2))[:, None, :]
    return _finalize_mv(gmax, m, v)


def _block_fast(x_cn, xr, W, C):
    Cp = xr.shape[1]
    idx = _pd_topk(x_cn)
    f = _gather_diff(xr, idx.reshape(-1), Cp)
    f4 = f.reshape(NB, N, K, 2 * Cp)
    gmax, s1, s2 = _conv_fast(f4, _pad_w(W, C, Cp))
    return _finalize_fast(gmax, s1, s2)


def kernel(x, W1, W2, W3, W4, W5):
    B = x.shape[0]
    x_cn1 = jnp.pad(jnp.transpose(x, (0, 2, 1)), ((0, 0), (0, 5), (0, 0)))
    xr1 = jnp.pad(x.reshape(B * N, 3), ((0, 0), (0, 13)))
    x1 = _block_faithful(x_cn1, xr1, W1, 3)

    x2 = _block_faithful(jnp.transpose(x1, (0, 2, 1)),
                         x1.reshape(B * N, 64), W2, 64)
    x3 = _block_faithful(jnp.transpose(x2, (0, 2, 1)),
                         x2.reshape(B * N, 64), W3, 64)
    x4 = _block_fast(jnp.transpose(x3, (0, 2, 1)),
                     x3.reshape(B * N, 128), W4, 128)

    return _final(x1, x2, x3, x4, W5)

# --- scband reference (transcript-rebuilt; emitter-appended) ---
"""Pipeline reference for scband-dgcnn-63230508531858 (READ-ONLY COPY).

The authoritative reference and input builder live on the scoring server;
editing this copy changes nothing except your own understanding.
"""

import jax, jax.numpy as jnp
import numpy as np

EPS = 1e-5

def _instance_norm(x, axes):
    m = jnp.mean(x, axis=axes, keepdims=True)
    v = jnp.var(x, axis=axes, keepdims=True)
    return (x - m) / jnp.sqrt(v + EPS)

def _lrelu(x):
    return jnp.where(x >= 0, x, 0.2 * x)

def _knn(x, k):
    # x: [B, C, N]
    inner = -2.0 * jnp.einsum('bcn,bcm->bnm', x, x)
    xx = jnp.sum(x * x, axis=1, keepdims=True)  # [B,1,N]
    pd = -xx - inner - jnp.transpose(xx, (0, 2, 1))
    return jax.lax.top_k(pd, k)[1]  # [B,N,k]

def _graph_feature(x, k):
    # x: [B, C, N] -> [B, 2C, N, k]
    idx = _knn(x, k)
    xt = jnp.transpose(x, (0, 2, 1))  # [B,N,C]
    feat = jax.vmap(lambda xb, ib: xb[ib])(xt, idx)  # [B,N,k,C]
    xc = jnp.broadcast_to(xt[:, :, None, :], feat.shape)
    out = jnp.concatenate([feat - xc, xc], axis=3)
    return jnp.transpose(out, (0, 3, 1, 2))

def _block2d(f, W):
    y = jnp.einsum('oc,bcnk->bonk', W, f)
    return _lrelu(_instance_norm(y, (2, 3)))

def setup_inputs(seed: int = 0):
    key = jax.random.key(seed)
    ks = jax.random.split(key, 6)
    B, N = 4, 1024
    x = jax.random.normal(ks[0], (B, N, 3), dtype=jnp.float32)
    W1 = jax.random.normal(ks[1], (64, 6), dtype=jnp.float32) * 0.1
    W2 = jax.random.normal(ks[2], (64, 128), dtype=jnp.float32) * 0.1
    W3 = jax.random.normal(ks[3], (128, 128), dtype=jnp.float32) * 0.1
    W4 = jax.random.normal(ks[4], (256, 256), dtype=jnp.float32) * 0.06
    W5 = jax.random.normal(ks[5], (512, 512), dtype=jnp.float32) * 0.04
    return {"x": x, "W1": W1, "W2": W2, "W3": W3, "W4": W4, "W5": W5}

def reference(x, W1, W2, W3, W4, W5):
    k = 20
    xt = jnp.transpose(x, (0, 2, 1))  # [B,3,N]
    h = _block2d(_graph_feature(xt, k), W1)
    x1 = jnp.max(h, axis=-1)
    h = _block2d(_graph_feature(x1, k), W2)
    x2 = jnp.max(h, axis=-1)
    h = _block2d(_graph_feature(x2, k), W3)
    x3 = jnp.max(h, axis=-1)
    h = _block2d(_graph_feature(x3, k), W4)
    x4 = jnp.max(h, axis=-1)
    cat = jnp.concatenate([x1, x2, x3, x4], axis=1)  # [B,512,N]
    y = jnp.einsum('oc,bcn->bon', W5, cat)
    return _lrelu(_instance_norm(y, (2,)))

if __name__ == "__main__":
    import jax
    _d = setup_inputs()
    print(jax.jit(kernel)(*tuple(_d.values())))

</pallas_src>

<mosaic_0001>
#map = affine_map<(d0, d1) -> (0, 0)>
#map1 = affine_map<(d0, d1) -> (0)>
module attributes {stable_mosaic.version = 14 : i64} {
  func.func @sck(%arg0: i32, %arg1: i32, %arg2: memref<4096x64xf32, #tpu.memory_space<hbm>>, %arg3: memref<81920xi32, #tpu.memory_space<hbm>>, %arg4: memref<81920x128xf32, #tpu.memory_space<hbm>>, %arg5: memref<160xi32, #tpu.memory_space<vmem>>, %arg6: memref<160x64xf32, #tpu.memory_space<vmem>>, %arg7: memref<8x64xf32, #tpu.memory_space<vmem>>, %arg8: memref<160x128xf32, #tpu.memory_space<vmem>>, %arg9: memref<!tpu.dma_semaphore, #tpu.memory_space<semaphore_mem>>, %arg10: memref<!tpu.dma_semaphore, #tpu.memory_space<semaphore_mem>>) attributes {dimension_semantics = [#tpu.dimension_semantics<core_parallel>, #tpu.dimension_semantics<subcore_parallel>], iteration_bounds = array<i64: 2, 16>, scalar_prefetch = 0 : i64, scratch_operands = 6 : i64, tpu.core_type = #tpu.core_type<sc_vector_subcore>, window_params = [{transform_indices = #map}, {transform_indices = #map1}, {transform_indices = #map}]} {
    %mul3A = arith.constant 2 : i32
    %mul3A_0 = arith.muli %arg1, %mul3A : i32
    %add3A = arith.addi %mul3A_0, %arg0 : i32
    %scan3A = arith.constant 0 : i32
    %scan3A_1 = arith.constant 0 : i32
    %scan3A_2 = arith.constant 16 : i32
    %scan3A_3 = arith.addi %scan3A_1, %scan3A_2 : i32
    %scan3A_4 = arith.constant 1 : i32
    scf.for %scan3A_6 = %scan3A_1 to %scan3A_3 step %scan3A_4  : i32 {
      %mul3A_7 = arith.constant 128 : i32
      %mul3A_8 = arith.muli %add3A, %mul3A_7 : i32
      %mul3A_9 = arith.constant 8 : i32
      %mul3A_10 = arith.muli %scan3A_6, %mul3A_9 : i32
      %add3A_11 = arith.addi %mul3A_8, %mul3A_10 : i32
      %mul3A_12 = arith.constant 20 : i32
      %mul3A_13 = arith.muli %add3A_11, %mul3A_12 : i32
      "tpu.region"() ({
        %run_scoped3A = tpu.sem_alloc : memref<!tpu.dma_semaphore, #tpu.memory_space<semaphore_mem>>
        %dma_start3A_50 = tpu.memref_slice %arg3[%mul3A_13] : memref<81920xi32, #tpu.memory_space<hbm>> -> memref<160xi32, #tpu.memory_space<hbm>>
        %dma_start3A_51 = tpu.memref_slice %arg3[%mul3A_13] : memref<81920xi32, #tpu.memory_space<hbm>> -> memref<160xi32, #tpu.memory_space<hbm>>
        tpu.enqueue_dma source(%dma_start3A_51 : memref<160xi32, #tpu.memory_space<hbm>>) target(%arg5 : memref<160xi32, #tpu.memory_space<vmem>>) target_semaphore(%run_scoped3A : memref<!tpu.dma_semaphore, #tpu.memory_space<semaphore_mem>>)
        %dma_wait3A_52 = tpu.memref_slice %arg3[%mul3A_13] : memref<81920xi32, #tpu.memory_space<hbm>> -> memref<160xi32, #tpu.memory_space<hbm>>
        %dma_wait3A_53 = tpu.memref_slice %arg3[%mul3A_13] : memref<81920xi32, #tpu.memory_space<hbm>> -> memref<160xi32, #tpu.memory_space<hbm>>
        tpu.wait_dma2 semaphore(%run_scoped3A : memref<!tpu.dma_semaphore, #tpu.memory_space<semaphore_mem>>) src(%dma_wait3A_53 : memref<160xi32, #tpu.memory_space<hbm>>) dst(%arg5 : memref<160xi32, #tpu.memory_space<vmem>>)
        tpu.yield
      }) : () -> ()
      %dma_start3A = arith.constant 0 : i32
      %dma_start3A_14 = arith.constant 0 : i32
      %dma_start3A_15 = tpu.memref_slice %arg6[%dma_start3A, %dma_start3A_14] : memref<160x64xf32, #tpu.memory_space<vmem>> -> memref<80x64xf32, #tpu.memory_space<vmem>>
      %dma_start3A_16 = arith.constant 0 : i32
      %dma_start3A_17 = tpu.memref_slice %arg5[%dma_start3A_16] : memref<160xi32, #tpu.memory_space<vmem>> -> memref<80xi32, #tpu.memory_space<vmem>>
      %dma_start3A_18 = arith.constant 0 : i32
      %dma_start3A_19 = arith.constant 0 : i32
      %dma_start3A_20 = tpu.memref_slice %arg2[%dma_start3A_18, %dma_start3A_19] : memref<4096x64xf32, #tpu.memory_space<hbm>> -> memref<4096x64xf32, #tpu.memory_space<hbm>>
      tpu.enqueue_indirect_dma source(%dma_start3A_20 : memref<4096x64xf32, #tpu.memory_space<hbm>>) target(%dma_start3A_15 : memref<80x64xf32, #tpu.memory_space<vmem>>) offsets(%dma_start3A_17 : memref<80xi32, #tpu.memory_space<vmem>>) semaphore(%arg9 : memref<!tpu.dma_semaphore, #tpu.memory_space<semaphore_mem>>)
      %dma_start3A_21 = arith.constant 80 : i32
      %dma_start3A_22 = arith.constant 0 : i32
      %dma_start3A_23 = tpu.memref_slice %arg6[%dma_start3A_21, %dma_start3A_22] : memref<160x64xf32, #tpu.memory_space<vmem>> -> memref<80x64xf32, #tpu.memory_space<vmem>>
      %dma_start3A_24 = arith.constant 80 : i32
      %dma_start3A_25 = tpu.memref_slice %arg5[%dma_start3A_24] : memref<160xi32, #tpu.memory_space<vmem>> -> memref<80xi32, #tpu.memory_space<vmem>>
      %dma_start3A_26 = arith.constant 0 : i32
      %dma_start3A_27 = arith.constant 0 : i32
      %dma_start3A_28 = tpu.memref_slice %arg2[%dma_start3A_26, %dma_start3A_27] : memref<4096x64xf32, #tpu.memory_space<hbm>> -> memref<4096x64xf32, #tpu.memory_space<hbm>>
      tpu.enqueue_indirect_dma source(%dma_start3A_28 : memref<4096x64xf32, #tpu.memory_space<hbm>>) target(%dma_start3A_23 : memref<80x64xf32, #tpu.memory_space<vmem>>) offsets(%dma_start3A_25 : memref<80xi32, #tpu.memory_space<vmem>>) semaphore(%arg10 : memref<!tpu.dma_semaphore, #tpu.memory_space<semaphore_mem>>)
      "tpu.region"() ({
        %run_scoped3A = tpu.sem_alloc : memref<!tpu.dma_semaphore, #tpu.memory_space<semaphore_mem>>
        %dma_start3A_50 = arith.constant 0 : i32
        %dma_start3A_51 = tpu.memref_slice %arg2[%add3A_11, %dma_start3A_50] : memref<4096x64xf32, #tpu.memory_space<hbm>> -> memref<8x64xf32, #tpu.memory_space<hbm>>
        %dma_start3A_52 = arith.constant 0 : i32
        %dma_start3A_53 = tpu.memref_slice %arg2[%add3A_11, %dma_start3A_52] : memref<4096x64xf32, #tpu.memory_space<hbm>> -> memref<8x64xf32, #tpu.memory_space<hbm>>
        tpu.enqueue_dma source(%dma_start3A_53 : memref<8x64xf32, #tpu.memory_space<hbm>>) target(%arg7 : memref<8x64xf32, #tpu.memory_space<vmem>>) target_semaphore(%run_scoped3A : memref<!tpu.dma_semaphore, #tpu.memory_space<semaphore_mem>>)
        %dma_wait3A_54 = arith.constant 0 : i32
        %dma_wait3A_55 = tpu.memref_slice %arg2[%add3A_11, %dma_wait3A_54] : memref<4096x64xf32, #tpu.memory_space<hbm>> -> memref<8x64xf32, #tpu.memory_space<hbm>>
        %dma_wait3A_56 = arith.constant 0 : i32
        %dma_wait3A_57 = tpu.memref_slice %arg2[%add3A_11, %dma_wait3A_56] : memref<4096x64xf32, #tpu.memory_space<hbm>> -> memref<8x64xf32, #tpu.memory_space<hbm>>
        tpu.wait_dma2 semaphore(%run_scoped3A : memref<!tpu.dma_semaphore, #tpu.memory_space<semaphore_mem>>) src(%dma_wait3A_57 : memref<8x64xf32, #tpu.memory_space<hbm>>) dst(%arg7 : memref<8x64xf32, #tpu.memory_space<vmem>>)
        tpu.yield
      }) : () -> ()
      %dma_wait3A = arith.constant 0 : i32
      %dma_wait3A_29 = arith.constant 0 : i32
      %dma_wait3A_30 = tpu.memref_slice %arg6[%dma_wait3A, %dma_wait3A_29] : memref<160x64xf32, #tpu.memory_space<vmem>> -> memref<80x64xf32, #tpu.memory_space<vmem>>
      %dma_wait3A_31 = arith.constant 0 : i32
      %dma_wait3A_32 = tpu.memref_slice %arg5[%dma_wait3A_31] : memref<160xi32, #tpu.memory_space<vmem>> -> memref<80xi32, #tpu.memory_space<vmem>>
      %dma_wait3A_33 = arith.constant 0 : i32
      %dma_wait3A_34 = arith.constant 0 : i32
      %dma_wait3A_35 = tpu.memref_slice %arg2[%dma_wait3A_33, %dma_wait3A_34] : memref<4096x64xf32, #tpu.memory_space<hbm>> -> memref<4096x64xf32, #tpu.memory_space<hbm>>
      tpu.wait_indirect_dma semaphore(%arg9 : memref<!tpu.dma_semaphore, #tpu.memory_space<semaphore_mem>>) src(%dma_wait3A_35 : memref<4096x64xf32, #tpu.memory_space<hbm>>) dst(%dma_wait3A_30 : memref<80x64xf32, #tpu.memory_space<vmem>>)
      %dma_wait3A_36 = arith.constant 80 : i32
      %dma_wait3A_37 = arith.constant 0 : i32
      %dma_wait3A_38 = tpu.memref_slice %arg6[%dma_wait3A_36, %dma_wait3A_37] : memref<160x64xf32, #tpu.memory_space<vmem>> -> memref<80x64xf32, #tpu.memory_space<vmem>>
      %dma_wait3A_39 = arith.constant 80 : i32
      %dma_wait3A_40 = tpu.memref_slice %arg5[%dma_wait3A_39] : memref<160xi32, #tpu.memory_space<vmem>> -> memref<80xi32, #tpu.memory_space<vmem>>
      %dma_wait3A_41 = arith.constant 0 : i32
      %dma_wait3A_42 = arith.constant 0 : i32
      %dma_wait3A_43 = tpu.memref_slice %arg2[%dma_wait3A_41, %dma_wait3A_42] : memref<4096x64xf32, #tpu.memory_space<hbm>> -> memref<4096x64xf32, #tpu.memory_space<hbm>>
      tpu.wait_indirect_dma semaphore(%arg10 : memref<!tpu.dma_semaphore, #tpu.memory_space<semaphore_mem>>) src(%dma_wait3A_43 : memref<4096x64xf32, #tpu.memory_space<hbm>>) dst(%dma_wait3A_38 : memref<80x64xf32, #tpu.memory_space<vmem>>)
      %scan3A_44 = arith.constant 0 : i32
      %scan3A_45 = arith.constant 0 : i32
      %scan3A_46 = arith.constant 8 : i32
      %scan3A_47 = arith.addi %scan3A_45, %scan3A_46 : i32
      %scan3A_48 = arith.constant 1 : i32
      scf.for %scan3A_50 = %scan3A_45 to %scan3A_47 step %scan3A_48  : i32 {
        %scan3A_51 = arith.constant 0 : i32
        %scan3A_52 = arith.constant 20 : i32
        %scan3A_53 = arith.addi %scan3A_51, %scan3A_52 : i32
        %scan3A_54 = arith.constant 1 : i32
        scf.for %scan3A_56 = %scan3A_51 to %scan3A_53 step %scan3A_54  : i32 {
          %mul3A_57 = arith.constant 20 : i32
          %mul3A_58 = arith.muli %scan3A_50, %mul3A_57 : i32
          %add3A_59 = arith.addi %mul3A_58, %scan3A_56 : i32
          %get3A = arith.index_cast %scan3A_50 : i32 to index
          %get3A_60 = arith.constant 0 : index
          %get3A_61 = tpu.vector_load %arg7[%get3A, %get3A_60] {strides = array<i32>} : memref<8x64xf32, #tpu.memory_space<vmem>>, vector<1x16xf32>,
          %get3A_62 = vector.shape_cast %get3A_61 : vector<1x16xf32> to vector<16xf32>
          %get3A_63 = arith.index_cast %add3A_59 : i32 to index
          %get3A_64 = arith.constant 0 : index
          %get3A_65 = tpu.vector_load %arg6[%get3A_63, %get3A_64] {strides = array<i32>} : memref<160x64xf32, #tpu.memory_space<vmem>>, vector<1x16xf32>,
          %get3A_66 = vector.shape_cast %get3A_65 : vector<1x16xf32> to vector<16xf32>
          %sub3A = arith.subf %get3A_66, %get3A_62 : vector<16xf32>
          %swap3A = arith.index_cast %add3A_59 : i32 to index
          %swap3A_67 = arith.constant 0 : index
          %swap3A_68 = tpu.vector_load %arg8[%swap3A, %swap3A_67] {strides = array<i32>} : memref<160x128xf32, #tpu.memory_space<vmem>>, vector<1x16xf32>,
          %swap3A_69 = vector.shape_cast %swap3A_68 : vector<1x16xf32> to vector<16xf32>
          %swap3A_70 = vector.shape_cast %sub3A : vector<16xf32> to vector<1x16xf32>
          tpu.vector_store %arg8[%swap3A, %swap3A_67], %swap3A_70 {strides = array<i32>} : memref<160x128xf32, #tpu.memory_space<vmem>>, vector<1x16xf32>,
          %swap3A_71 = arith.index_cast %add3A_59 : i32 to index
          %swap3A_72 = arith.constant 64 : index
          %swap3A_73 = tpu.vector_load %arg8[%swap3A_71, %swap3A_72] {strides = array<i32>} : memref<160x128xf32, #tpu.memory_space<vmem>>, vector<1x16xf32>,
          %swap3A_74 = vector.shape_cast %swap3A_73 : vector<1x16xf32> to vector<16xf32>
          %swap3A_75 = vector.shape_cast %get3A_62 : vector<16xf32> to vector<1x16xf32>
          tpu.vector_store %arg8[%swap3A_71, %swap3A_72], %swap3A_75 {strides = array<i32>} : memref<160x128xf32, #tpu.memory_space<vmem>>, vector<1x16xf32>,
          %get3A_76 = arith.index_cast %scan3A_50 : i32 to index
          %get3A_77 = arith.constant 16 : index
          %get3A_78 = tpu.vector_load %arg7[%get3A_76, %get3A_77] {strides = array<i32>} : memref<8x64xf32, #tpu.memory_space<vmem>>, vector<1x16xf32>,
          %get3A_79 = vector.shape_cast %get3A_78 : vector<1x16xf32> to vector<16xf32>
          %get3A_80 = arith.index_cast %add3A_59 : i32 to index
          %get3A_81 = arith.constant 16 : index
          %get3A_82 = tpu.vector_load %arg6[%get3A_80, %get3A_81] {strides = array<i32>} : memref<160x64xf32, #tpu.memory_space<vmem>>, vector<1x16xf32>,
          %get3A_83 = vector.shape_cast %get3A_82 : vector<1x16xf32> to vector<16xf32>
          %sub3A_84 = arith.subf %get3A_83, %get3A_79 : vector<16xf32>
          %swap3A_85 = arith.index_cast %add3A_59 : i32 to index
          %swap3A_86 = arith.constant 16 : index
          %swap3A_87 = tpu.vector_load %arg8[%swap3A_85, %swap3A_86] {strides = array<i32>} : memref<160x128xf32, #tpu.memory_space<vmem>>, vector<1x16xf32>,
          %swap3A_88 = vector.shape_cast %swap3A_87 : vector<1x16xf32> to vector<16xf32>
          %swap3A_89 = vector.shape_cast %sub3A_84 : vector<16xf32> to vector<1x16xf32>
          tpu.vector_store %arg8[%swap3A_85, %swap3A_86], %swap3A_89 {strides = array<i32>} : memref<160x128xf32, #tpu.memory_space<vmem>>, vector<1x16xf32>,
          %swap3A_90 = arith.index_cast %add3A_59 : i32 to index
          %swap3A_91 = arith.constant 80 : index
          %swap3A_92 = tpu.vector_load %arg8[%swap3A_90, %swap3A_91] {strides = array<i32>} : memref<160x128xf32, #tpu.memory_space<vmem>>, vector<1x16xf32>,
          %swap3A_93 = vector.shape_cast %swap3A_92 : vector<1x16xf32> to vector<16xf32>
          %swap3A_94 = vector.shape_cast %get3A_79 : vector<16xf32> to vector<1x16xf32>
          tpu.vector_store %arg8[%swap3A_90, %swap3A_91], %swap3A_94 {strides = array<i32>} : memref<160x128xf32, #tpu.memory_space<vmem>>, vector<1x16xf32>,
          %get3A_95 = arith.index_cast %scan3A_50 : i32 to index
          %get3A_96 = arith.constant 32 : index
          %get3A_97 = tpu.vector_load %arg7[%get3A_95, %get3A_96] {strides = array<i32>} : memref<8x64xf32, #tpu.memory_space<vmem>>, vector<1x16xf32>,
          %get3A_98 = vector.shape_cast %get3A_97 : vector<1x16xf32> to vector<16xf32>
          %get3A_99 = arith.index_cast %add3A_59 : i32 to index
          %get3A_100 = arith.constant 32 : index
          %get3A_101 = tpu.vector_load %arg6[%get3A_99, %get3A_100] {strides = array<i32>} : memref<160x64xf32, #tpu.memory_space<vmem>>, vector<1x16xf32>,
          %get3A_102 = vector.shape_cast %get3A_101 : vector<1x16xf32> to vector<16xf32>
          %sub3A_103 = arith.subf %get3A_102, %get3A_98 : vector<16xf32>
          %swap3A_104 = arith.index_cast %add3A_59 : i32 to index
          %swap3A_105 = arith.constant 32 : index
          %swap3A_106 = tpu.vector_load %arg8[%swap3A_104, %swap3A_105] {strides = array<i32>} : memref<160x128xf32, #tpu.memory_space<vmem>>, vector<1x16xf32>,
          %swap3A_107 = vector.shape_cast %swap3A_106 : vector<1x16xf32> to vector<16xf32>
          %swap3A_108 = vector.shape_cast %sub3A_103 : vector<16xf32> to vector<1x16xf32>
          tpu.vector_store %arg8[%swap3A_104, %swap3A_105], %swap3A_108 {strides = array<i32>} : memref<160x128xf32, #tpu.memory_space<vmem>>, vector<1x16xf32>,
          %swap3A_109 = arith.index_cast %add3A_59 : i32 to index
          %swap3A_110 = arith.constant 96 : index
          %swap3A_111 = tpu.vector_load %arg8[%swap3A_109, %swap3A_110] {strides = array<i32>} : memref<160x128xf32, #tpu.memory_space<vmem>>, vector<1x16xf32>,
          %swap3A_112 = vector.shape_cast %swap3A_111 : vector<1x16xf32> to vector<16xf32>
          %swap3A_113 = vector.shape_cast %get3A_98 : vector<16xf32> to vector<1x16xf32>
          tpu.vector_store %arg8[%swap3A_109, %swap3A_110], %swap3A_113 {strides = array<i32>} : memref<160x128xf32, #tpu.memory_space<vmem>>, vector<1x16xf32>,
          %get3A_114 = arith.index_cast %scan3A_50 : i32 to index
          %get3A_115 = arith.constant 48 : index
          %get3A_116 = tpu.vector_load %arg7[%get3A_114, %get3A_115] {strides = array<i32>} : memref<8x64xf32, #tpu.memory_space<vmem>>, vector<1x16xf32>,
          %get3A_117 = vector.shape_cast %get3A_116 : vector<1x16xf32> to vector<16xf32>
          %get3A_118 = arith.index_cast %add3A_59 : i32 to index
          %get3A_119 = arith.constant 48 : index
          %get3A_120 = tpu.vector_load %arg6[%get3A_118, %get3A_119] {strides = array<i32>} : memref<160x64xf32, #tpu.memory_space<vmem>>, vector<1x16xf32>,
          %get3A_121 = vector.shape_cast %get3A_120 : vector<1x16xf32> to vector<16xf32>
          %sub3A_122 = arith.subf %get3A_121, %get3A_117 : vector<16xf32>
          %swap3A_123 = arith.index_cast %add3A_59 : i32 to index
          %swap3A_124 = arith.constant 48 : index
          %swap3A_125 = tpu.vector_load %arg8[%swap3A_123, %swap3A_124] {strides = array<i32>} : memref<160x128xf32, #tpu.memory_space<vmem>>, vector<1x16xf32>,
          %swap3A_126 = vector.shape_cast %swap3A_125 : vector<1x16xf32> to vector<16xf32>
          %swap3A_127 = vector.shape_cast %sub3A_122 : vector<16xf32> to vector<1x16xf32>
          tpu.vector_store %arg8[%swap3A_123, %swap3A_124], %swap3A_127 {strides = array<i32>} : memref<160x128xf32, #tpu.memory_space<vmem>>, vector<1x16xf32>,
          %swap3A_128 = arith.index_cast %add3A_59 : i32 to index
          %swap3A_129 = arith.constant 112 : index
          %swap3A_130 = tpu.vector_load %arg8[%swap3A_128, %swap3A_129] {strides = array<i32>} : memref<160x128xf32, #tpu.memory_space<vmem>>, vector<1x16xf32>,
          %swap3A_131 = vector.shape_cast %swap3A_130 : vector<1x16xf32> to vector<16xf32>
          %swap3A_132 = vector.shape_cast %get3A_117 : vector<16xf32> to vector<1x16xf32>
          tpu.vector_store %arg8[%swap3A_128, %swap3A_129], %swap3A_132 {strides = array<i32>} : memref<160x128xf32, #tpu.memory_space<vmem>>, vector<1x16xf32>,
        }
        %scan3A_55 = arith.constant 20 : i32
      }
      %scan3A_49 = arith.constant 8 : i32
      "tpu.region"() ({
        %run_scoped3A = tpu.sem_alloc : memref<!tpu.dma_semaphore, #tpu.memory_space<semaphore_mem>>
        %dma_start3A_50 = arith.constant 0 : i32
        %dma_start3A_51 = tpu.memref_slice %arg4[%mul3A_13, %dma_start3A_50] : memref<81920x128xf32, #tpu.memory_space<hbm>> -> memref<160x128xf32, #tpu.memory_space<hbm>>
        %dma_start3A_52 = arith.constant 0 : i32
        %dma_start3A_53 = tpu.memref_slice %arg4[%mul3A_13, %dma_start3A_52] : memref<81920x128xf32, #tpu.memory_space<hbm>> -> memref<160x128xf32, #tpu.memory_space<hbm>>
        tpu.enqueue_dma source(%arg8 : memref<160x128xf32, #tpu.memory_space<vmem>>) target(%dma_start3A_53 : memref<160x128xf32, #tpu.memory_space<hbm>>) target_semaphore(%run_scoped3A : memref<!tpu.dma_semaphore, #tpu.memory_space<semaphore_mem>>)
        %dma_wait3A_54 = arith.constant 0 : i32
        %dma_wait3A_55 = tpu.memref_slice %arg4[%mul3A_13, %dma_wait3A_54] : memref<81920x128xf32, #tpu.memory_space<hbm>> -> memref<160x128xf32, #tpu.memory_space<hbm>>
        %dma_wait3A_56 = arith.constant 0 : i32
        %dma_wait3A_57 = tpu.memref_slice %arg4[%mul3A_13, %dma_wait3A_56] : memref<81920x128xf32, #tpu.memory_space<hbm>> -> memref<160x128xf32, #tpu.memory_space<hbm>>
        tpu.wait_dma2 semaphore(%run_scoped3A : memref<!tpu.dma_semaphore, #tpu.memory_space<semaphore_mem>>) src(%arg8 : memref<160x128xf32, #tpu.memory_space<vmem>>) dst(%dma_wait3A_57 : memref<160x128xf32, #tpu.memory_space<hbm>>)
        tpu.yield
      }) : () -> ()
    }
    %scan3A_5 = arith.constant 16 : i32
    return
  }
}

#map = affine_map<(d0, d1) -> (0, 0)>
#map1 = affine_map<(d0, d1) -> (0)>
module attributes {stable_mosaic.version = 14 : i64} {
  func.func @sck(%arg0: i32, %arg1: i32, %arg2: memref<4096x128xf32, #tpu.memory_space<hbm>>, %arg3: memref<81920xi32, #tpu.memory_space<hbm>>, %arg4: memref<81920x256xf32, #tpu.memory_space<hbm>>, %arg5: memref<160xi32, #tpu.memory_space<vmem>>, %arg6: memref<160x128xf32, #tpu.memory_space<vmem>>, %arg7: memref<8x128xf32, #tpu.memory_space<vmem>>, %arg8: memref<160x256xf32, #tpu.memory_space<vmem>>, %arg9: memref<!tpu.dma_semaphore, #tpu.memory_space<semaphore_mem>>, %arg10: memref<!tpu.dma_semaphore, #tpu.memory_space<semaphore_mem>>) attributes {dimension_semantics = [#tpu.dimension_semantics<core_parallel>, #tpu.dimension_semantics<subcore_parallel>], iteration_bounds = array<i64: 2, 16>, scalar_prefetch = 0 : i64, scratch_operands = 6 : i64, tpu.core_type = #tpu.core_type<sc_vector_subcore>, window_params = [{transform_indices = #map}, {transform_indices = #map1}, {transform_indices = #map}]} {
    %mul3A = arith.constant 2 : i32
    %mul3A_0 = arith.muli %arg1, %mul3A : i32
    %add3A = arith.addi %mul3A_0, %arg0 : i32
    %scan3A = arith.constant 0 : i32
    %scan3A_1 = arith.constant 0 : i32
    %scan3A_2 = arith.constant 16 : i32
    %scan3A_3 = arith.addi %scan3A_1, %scan3A_2 : i32
    %scan3A_4 = arith.constant 1 : i32
    scf.for %scan3A_6 = %scan3A_1 to %scan3A_3 step %scan3A_4  : i32 {
      %mul3A_7 = arith.constant 128 : i32
      %mul3A_8 = arith.muli %add3A, %mul3A_7 : i32
      %mul3A_9 = arith.constant 8 : i32
      %mul3A_10 = arith.muli %scan3A_6, %mul3A_9 : i32
      %add3A_11 = arith.addi %mul3A_8, %mul3A_10 : i32
      %mul3A_12 = arith.constant 20 : i32
      %mul3A_13 = arith.muli %add3A_11, %mul3A_12 : i32
      "tpu.region"() ({
        %run_scoped3A = tpu.sem_alloc : memref<!tpu.dma_semaphore, #tpu.memory_space<semaphore_mem>>
        %dma_start3A_50 = tpu.memref_slice %arg3[%mul3A_13] : memref<81920xi32, #tpu.memory_space<hbm>> -> memref<160xi32, #tpu.memory_space<hbm>>
        %dma_start3A_51 = tpu.memref_slice %arg3[%mul3A_13] : memref<81920xi32, #tpu.memory_space<hbm>> -> memref<160xi32, #tpu.memory_space<hbm>>
        tpu.enqueue_dma source(%dma_start3A_51 : memref<160xi32, #tpu.memory_space<hbm>>) target(%arg5 : memref<160xi32, #tpu.memory_space<vmem>>) target_semaphore(%run_scoped3A : memref<!tpu.dma_semaphore, #tpu.memory_space<semaphore_mem>>)
        %dma_wait3A_52 = tpu.memref_slice %arg3[%mul3A_13] : memref<81920xi32, #tpu.memory_space<hbm>> -> memref<160xi32, #tpu.memory_space<hbm>>
        %dma_wait3A_53 = tpu.memref_slice %arg3[%mul3A_13] : memref<81920xi32, #tpu.memory_space<hbm>> -> memref<160xi32, #tpu.memory_space<hbm>>
        tpu.wait_dma2 semaphore(%run_scoped3A : memref<!tpu.dma_semaphore, #tpu.memory_space<semaphore_mem>>) src(%dma_wait3A_53 : memref<160xi32, #tpu.memory_space<hbm>>) dst(%arg5 : memref<160xi32, #tpu.memory_space<vmem>>)
        tpu.yield
      }) : () -> ()
      %dma_start3A = arith.constant 0 : i32
      %dma_start3A_14 = arith.constant 0 : i32
      %dma_start3A_15 = tpu.memref_slice %arg6[%dma_start3A, %dma_start3A_14] : memref<160x128xf32, #tpu.memory_space<vmem>> -> memref<80x128xf32, #tpu.memory_space<vmem>>
      %dma_start3A_16 = arith.constant 0 : i32
      %dma_start3A_17 = tpu.memref_slice %arg5[%dma_start3A_16] : memref<160xi32, #tpu.memory_space<vmem>> -> memref<80xi32, #tpu.memory_space<vmem>>
      %dma_start3A_18 = arith.constant 0 : i32
      %dma_start3A_19 = arith.constant 0 : i32
      %dma_start3A_20 = tpu.memref_slice %arg2[%dma_start3A_18, %dma_start3A_19] : memref<4096x128xf32, #tpu.memory_space<hbm>> -> memref<4096x128xf32, #tpu.memory_space<hbm>>
      tpu.enqueue_indirect_dma source(%dma_start3A_20 : memref<4096x128xf32, #tpu.memory_space<hbm>>) target(%dma_start3A_15 : memref<80x128xf32, #tpu.memory_space<vmem>>) offsets(%dma_start3A_17 : memref<80xi32, #tpu.memory_space<vmem>>) semaphore(%arg9 : memref<!tpu.dma_semaphore, #tpu.memory_space<semaphore_mem>>)
      %dma_start3A_21 = arith.constant 80 : i32
      %dma_start3A_22 = arith.constant 0 : i32
      %dma_start3A_23 = tpu.memref_slice %arg6[%dma_start3A_21, %dma_start3A_22] : memref<160x128xf32, #tpu.memory_space<vmem>> -> memref<80x128xf32, #tpu.memory_space<vmem>>
      %dma_start3A_24 = arith.constant 80 : i32
      %dma_start3A_25 = tpu.memref_slice %arg5[%dma_start3A_24] : memref<160xi32, #tpu.memory_space<vmem>> -> memref<80xi32, #tpu.memory_space<vmem>>
      %dma_start3A_26 = arith.constant 0 : i32
      %dma_start3A_27 = arith.constant 0 : i32
      %dma_start3A_28 = tpu.memref_slice %arg2[%dma_start3A_26, %dma_start3A_27] : memref<4096x128xf32, #tpu.memory_space<hbm>> -> memref<4096x128xf32, #tpu.memory_space<hbm>>
      tpu.enqueue_indirect_dma source(%dma_start3A_28 : memref<4096x128xf32, #tpu.memory_space<hbm>>) target(%dma_start3A_23 : memref<80x128xf32, #tpu.memory_space<vmem>>) offsets(%dma_start3A_25 : memref<80xi32, #tpu.memory_space<vmem>>) semaphore(%arg10 : memref<!tpu.dma_semaphore, #tpu.memory_space<semaphore_mem>>)
      "tpu.region"() ({
        %run_scoped3A = tpu.sem_alloc : memref<!tpu.dma_semaphore, #tpu.memory_space<semaphore_mem>>
        %dma_start3A_50 = arith.constant 0 : i32
        %dma_start3A_51 = tpu.memref_slice %arg2[%add3A_11, %dma_start3A_50] : memref<4096x128xf32, #tpu.memory_space<hbm>> -> memref<8x128xf32, #tpu.memory_space<hbm>>
        %dma_start3A_52 = arith.constant 0 : i32
        %dma_start3A_53 = tpu.memref_slice %arg2[%add3A_11, %dma_start3A_52] : memref<4096x128xf32, #tpu.memory_space<hbm>> -> memref<8x128xf32, #tpu.memory_space<hbm>>
        tpu.enqueue_dma source(%dma_start3A_53 : memref<8x128xf32, #tpu.memory_space<hbm>>) target(%arg7 : memref<8x128xf32, #tpu.memory_space<vmem>>) target_semaphore(%run_scoped3A : memref<!tpu.dma_semaphore, #tpu.memory_space<semaphore_mem>>)
        %dma_wait3A_54 = arith.constant 0 : i32
        %dma_wait3A_55 = tpu.memref_slice %arg2[%add3A_11, %dma_wait3A_54] : memref<4096x128xf32, #tpu.memory_space<hbm>> -> memref<8x128xf32, #tpu.memory_space<hbm>>
        %dma_wait3A_56 = arith.constant 0 : i32
        %dma_wait3A_57 = tpu.memref_slice %arg2[%add3A_11, %dma_wait3A_56] : memref<4096x128xf32, #tpu.memory_space<hbm>> -> memref<8x128xf32, #tpu.memory_space<hbm>>
        tpu.wait_dma2 semaphore(%run_scoped3A : memref<!tpu.dma_semaphore, #tpu.memory_space<semaphore_mem>>) src(%dma_wait3A_57 : memref<8x128xf32, #tpu.memory_space<hbm>>) dst(%arg7 : memref<8x128xf32, #tpu.memory_space<vmem>>)
        tpu.yield
      }) : () -> ()
      %dma_wait3A = arith.constant 0 : i32
      %dma_wait3A_29 = arith.constant 0 : i32
      %dma_wait3A_30 = tpu.memref_slice %arg6[%dma_wait3A, %dma_wait3A_29] : memref<160x128xf32, #tpu.memory_space<vmem>> -> memref<80x128xf32, #tpu.memory_space<vmem>>
      %dma_wait3A_31 = arith.constant 0 : i32
      %dma_wait3A_32 = tpu.memref_slice %arg5[%dma_wait3A_31] : memref<160xi32, #tpu.memory_space<vmem>> -> memref<80xi32, #tpu.memory_space<vmem>>
      %dma_wait3A_33 = arith.constant 0 : i32
      %dma_wait3A_34 = arith.constant 0 : i32
      %dma_wait3A_35 = tpu.memref_slice %arg2[%dma_wait3A_33, %dma_wait3A_34] : memref<4096x128xf32, #tpu.memory_space<hbm>> -> memref<4096x128xf32, #tpu.memory_space<hbm>>
      tpu.wait_indirect_dma semaphore(%arg9 : memref<!tpu.dma_semaphore, #tpu.memory_space<semaphore_mem>>) src(%dma_wait3A_35 : memref<4096x128xf32, #tpu.memory_space<hbm>>) dst(%dma_wait3A_30 : memref<80x128xf32, #tpu.memory_space<vmem>>)
      %dma_wait3A_36 = arith.constant 80 : i32
      %dma_wait3A_37 = arith.constant 0 : i32
      %dma_wait3A_38 = tpu.memref_slice %arg6[%dma_wait3A_36, %dma_wait3A_37] : memref<160x128xf32, #tpu.memory_space<vmem>> -> memref<80x128xf32, #tpu.memory_space<vmem>>
      %dma_wait3A_39 = arith.constant 80 : i32
      %dma_wait3A_40 = tpu.memref_slice %arg5[%dma_wait3A_39] : memref<160xi32, #tpu.memory_space<vmem>> -> memref<80xi32, #tpu.memory_space<vmem>>
      %dma_wait3A_41 = arith.constant 0 : i32
      %dma_wait3A_42 = arith.constant 0 : i32
      %dma_wait3A_43 = tpu.memref_slice %arg2[%dma_wait3A_41, %dma_wait3A_42] : memref<4096x128xf32, #tpu.memory_space<hbm>> -> memref<4096x128xf32, #tpu.memory_space<hbm>>
      tpu.wait_indirect_dma semaphore(%arg10 : memref<!tpu.dma_semaphore, #tpu.memory_space<semaphore_mem>>) src(%dma_wait3A_43 : memref<4096x128xf32, #tpu.memory_space<hbm>>) dst(%dma_wait3A_38 : memref<80x128xf32, #tpu.memory_space<vmem>>)
      %scan3A_44 = arith.constant 0 : i32
      %scan3A_45 = arith.constant 0 : i32
      %scan3A_46 = arith.constant 8 : i32
      %scan3A_47 = arith.addi %scan3A_45, %scan3A_46 : i32
      %scan3A_48 = arith.constant 1 : i32
      scf.for %scan3A_50 = %scan3A_45 to %scan3A_47 step %scan3A_48  : i32 {
        %scan3A_51 = arith.constant 0 : i32
        %scan3A_52 = arith.constant 20 : i32
        %scan3A_53 = arith.addi %scan3A_51, %scan3A_52 : i32
        %scan3A_54 = arith.constant 1 : i32
        scf.for %scan3A_56 = %scan3A_51 to %scan3A_53 step %scan3A_54  : i32 {
          %mul3A_57 = arith.constant 20 : i32
          %mul3A_58 = arith.muli %scan3A_50, %mul3A_57 : i32
          %add3A_59 = arith.addi %mul3A_58, %scan3A_56 : i32
          %get3A = arith.index_cast %scan3A_50 : i32 to index
          %get3A_60 = arith.constant 0 : index
          %get3A_61 = tpu.vector_load %arg7[%get3A, %get3A_60] {strides = array<i32>} : memref<8x128xf32, #tpu.memory_space<vmem>>, vector<1x16xf32>,
          %get3A_62 = vector.shape_cast %get3A_61 : vector<1x16xf32> to vector<16xf32>
          %get3A_63 = arith.index_cast %add3A_59 : i32 to index
          %get3A_64 = arith.constant 0 : index
          %get3A_65 = tpu.vector_load %arg6[%get3A_63, %get3A_64] {strides = array<i32>} : memref<160x128xf32, #tpu.memory_space<vmem>>, vector<1x16xf32>,
          %get3A_66 = vector.shape_cast %get3A_65 : vector<1x16xf32> to vector<16xf32>
          %sub3A = arith.subf %get3A_66, %get3A_62 : vector<16xf32>
          %swap3A = arith.index_cast %add3A_59 : i32 to index
          %swap3A_67 = arith.constant 0 : index
          %swap3A_68 = tpu.vector_load %arg8[%swap3A, %swap3A_67] {strides = array<i32>} : memref<160x256xf32, #tpu.memory_space<vmem>>, vector<1x16xf32>,
          %swap3A_69 = vector.shape_cast %swap3A_68 : vector<1x16xf32> to vector<16xf32>
          %swap3A_70 = vector.shape_cast %sub3A : vector<16xf32> to vector<1x16xf32>
          tpu.vector_store %arg8[%swap3A, %swap3A_67], %swap3A_70 {strides = array<i32>} : memref<160x256xf32, #tpu.memory_space<vmem>>, vector<1x16xf32>,
          %swap3A_71 = arith.index_cast %add3A_59 : i32 to index
          %swap3A_72 = arith.constant 128 : index
          %swap3A_73 = tpu.vector_load %arg8[%swap3A_71, %swap3A_72] {strides = array<i32>} : memref<160x256xf32, #tpu.memory_space<vmem>>, vector<1x16xf32>,
          %swap3A_74 = vector.shape_cast %swap3A_73 : vector<1x16xf32> to vector<16xf32>
          %swap3A_75 = vector.shape_cast %get3A_62 : vector<16xf32> to vector<1x16xf32>
          tpu.vector_store %arg8[%swap3A_71, %swap3A_72], %swap3A_75 {strides = array<i32>} : memref<160x256xf32, #tpu.memory_space<vmem>>, vector<1x16xf32>,
          %get3A_76 = arith.index_cast %scan3A_50 : i32 to index
          %get3A_77 = arith.constant 16 : index
          %get3A_78 = tpu.vector_load %arg7[%get3A_76, %get3A_77] {strides = array<i32>} : memref<8x128xf32, #tpu.memory_space<vmem>>, vector<1x16xf32>,
          %get3A_79 = vector.shape_cast %get3A_78 : vector<1x16xf32> to vector<16xf32>
          %get3A_80 = arith.index_cast %add3A_59 : i32 to index
          %get3A_81 = arith.constant 16 : index
          %get3A_82 = tpu.vector_load %arg6[%get3A_80, %get3A_81] {strides = array<i32>} : memref<160x128xf32, #tpu.memory_space<vmem>>, vector<1x16xf32>,
          %get3A_83 = vector.shape_cast %get3A_82 : vector<1x16xf32> to vector<16xf32>
          %sub3A_84 = arith.subf %get3A_83, %get3A_79 : vector<16xf32>
          %swap3A_85 = arith.index_cast %add3A_59 : i32 to index
          %swap3A_86 = arith.constant 16 : index
          %swap3A_87 = tpu.vector_load %arg8[%swap3A_85, %swap3A_86] {strides = array<i32>} : memref<160x256xf32, #tpu.memory_space<vmem>>, vector<1x16xf32>,
          %swap3A_88 = vector.shape_cast %swap3A_87 : vector<1x16xf32> to vector<16xf32>
          %swap3A_89 = vector.shape_cast %sub3A_84 : vector<16xf32> to vector<1x16xf32>
          tpu.vector_store %arg8[%swap3A_85, %swap3A_86], %swap3A_89 {strides = array<i32>} : memref<160x256xf32, #tpu.memory_space<vmem>>, vector<1x16xf32>,
          %swap3A_90 = arith.index_cast %add3A_59 : i32 to index
          %swap3A_91 = arith.constant 144 : index
          %swap3A_92 = tpu.vector_load %arg8[%swap3A_90, %swap3A_91] {strides = array<i32>} : memref<160x256xf32, #tpu.memory_space<vmem>>, vector<1x16xf32>,
          %swap3A_93 = vector.shape_cast %swap3A_92 : vector<1x16xf32> to vector<16xf32>
          %swap3A_94 = vector.shape_cast %get3A_79 : vector<16xf32> to vector<1x16xf32>
          tpu.vector_store %arg8[%swap3A_90, %swap3A_91], %swap3A_94 {strides = array<i32>} : memref<160x256xf32, #tpu.memory_space<vmem>>, vector<1x16xf32>,
          %get3A_95 = arith.index_cast %scan3A_50 : i32 to index
          %get3A_96 = arith.constant 32 : index
          %get3A_97 = tpu.vector_load %arg7[%get3A_95, %get3A_96] {strides = array<i32>} : memref<8x128xf32, #tpu.memory_space<vmem>>, vector<1x16xf32>,
          %get3A_98 = vector.shape_cast %get3A_97 : vector<1x16xf32> to vector<16xf32>
          %get3A_99 = arith.index_cast %add3A_59 : i32 to index
          %get3A_100 = arith.constant 32 : index
          %get3A_101 = tpu.vector_load %arg6[%get3A_99, %get3A_100] {strides = array<i32>} : memref<160x128xf32, #tpu.memory_space<vmem>>, vector<1x16xf32>,
          %get3A_102 = vector.shape_cast %get3A_101 : vector<1x16xf32> to vector<16xf32>
          %sub3A_103 = arith.subf %get3A_102, %get3A_98 : vector<16xf32>
          %swap3A_104 = arith.index_cast %add3A_59 : i32 to index
          %swap3A_105 = arith.constant 32 : index
          %swap3A_106 = tpu.vector_load %arg8[%swap3A_104, %swap3A_105] {strides = array<i32>} : memref<160x256xf32, #tpu.memory_space<vmem>>, vector<1x16xf32>,
          %swap3A_107 = vector.shape_cast %swap3A_106 : vector<1x16xf32> to vector<16xf32>
          %swap3A_108 = vector.shape_cast %sub3A_103 : vector<16xf32> to vector<1x16xf32>
          tpu.vector_store %arg8[%swap3A_104, %swap3A_105], %swap3A_108 {strides = array<i32>} : memref<160x256xf32, #tpu.memory_space<vmem>>, vector<1x16xf32>,
          %swap3A_109 = arith.index_cast %add3A_59 : i32 to index
          %swap3A_110 = arith.constant 160 : index
          %swap3A_111 = tpu.vector_load %arg8[%swap3A_109, %swap3A_110] {strides = array<i32>} : memref<160x256xf32, #tpu.memory_space<vmem>>, vector<1x16xf32>,
          %swap3A_112 = vector.shape_cast %swap3A_111 : vector<1x16xf32> to vector<16xf32>
          %swap3A_113 = vector.shape_cast %get3A_98 : vector<16xf32> to vector<1x16xf32>
          tpu.vector_store %arg8[%swap3A_109, %swap3A_110], %swap3A_113 {strides = array<i32>} : memref<160x256xf32, #tpu.memory_space<vmem>>, vector<1x16xf32>,
          %get3A_114 = arith.index_cast %scan3A_50 : i32 to index
          %get3A_115 = arith.constant 48 : index
          %get3A_116 = tpu.vector_load %arg7[%get3A_114, %get3A_115] {strides = array<i32>} : memref<8x128xf32, #tpu.memory_space<vmem>>, vector<1x16xf32>,
          %get3A_117 = vector.shape_cast %get3A_116 : vector<1x16xf32> to vector<16xf32>
          %get3A_118 = arith.index_cast %add3A_59 : i32 to index
          %get3A_119 = arith.constant 48 : index
          %get3A_120 = tpu.vector_load %arg6[%get3A_118, %get3A_119] {strides = array<i32>} : memref<160x128xf32, #tpu.memory_space<vmem>>, vector<1x16xf32>,
          %get3A_121 = vector.shape_cast %get3A_120 : vector<1x16xf32> to vector<16xf32>
          %sub3A_122 = arith.subf %get3A_121, %get3A_117 : vector<16xf32>
          %swap3A_123 = arith.index_cast %add3A_59 : i32 to index
          %swap3A_124 = arith.constant 48 : index
          %swap3A_125 = tpu.vector_load %arg8[%swap3A_123, %swap3A_124] {strides = array<i32>} : memref<160x256xf32, #tpu.memory_space<vmem>>, vector<1x16xf32>,
          %swap3A_126 = vector.shape_cast %swap3A_125 : vector<1x16xf32> to vector<16xf32>
          %swap3A_127 = vector.shape_cast %sub3A_122 : vector<16xf32> to vector<1x16xf32>
          tpu.vector_store %arg8[%swap3A_123, %swap3A_124], %swap3A_127 {strides = array<i32>} : memref<160x256xf32, #tpu.memory_space<vmem>>, vector<1x16xf32>,
          %swap3A_128 = arith.index_cast %add3A_59 : i32 to index
          %swap3A_129 = arith.constant 176 : index
          %swap3A_130 = tpu.vector_load %arg8[%swap3A_128, %swap3A_129] {strides = array<i32>} : memref<160x256xf32, #tpu.memory_space<vmem>>, vector<1x16xf32>,
          %swap3A_131 = vector.shape_cast %swap3A_130 : vector<1x16xf32> to vector<16xf32>
          %swap3A_132 = vector.shape_cast %get3A_117 : vector<16xf32> to vector<1x16xf32>
          tpu.vector_store %arg8[%swap3A_128, %swap3A_129], %swap3A_132 {strides = array<i32>} : memref<160x256xf32, #tpu.memory_space<vmem>>, vector<1x16xf32>,
          %get3A_133 = arith.index_cast %scan3A_50 : i32 to index
          %get3A_134 = arith.constant 64 : index
          %get3A_135 = tpu.vector_load %arg7[%get3A_133, %get3A_134] {strides = array<i32>} : memref<8x128xf32, #tpu.memory_space<vmem>>, vector<1x16xf32>,
          %get3A_136 = vector.shape_cast %get3A_135 : vector<1x16xf32> to vector<16xf32>
          %get3A_137 = arith.index_cast %add3A_59 : i32 to index
          %get3A_138 = arith.constant 64 : index
          %get3A_139 = tpu.vector_load %arg6[%get3A_137, %get3A_138] {strides = array<i32>} : memref<160x128xf32, #tpu.memory_space<vmem>>, vector<1x16xf32>,
          %get3A_140 = vector.shape_cast %get3A_139 : vector<1x16xf32> to vector<16xf32>
          %sub3A_141 = arith.subf %get3A_140, %get3A_136 : vector<16xf32>
          %swap3A_142 = arith.index_cast %add3A_59 : i32 to index
          %swap3A_143 = arith.constant 64 : index
          %swap3A_144 = tpu.vector_load %arg8[%swap3A_142, %swap3A_143] {strides = array<i32>} : memref<160x256xf32, #tpu.memory_space<vmem>>, vector<1x16xf32>,
          %swap3A_145 = vector.shape_cast %swap3A_144 : vector<1x16xf32> to vector<16xf32>
          %swap3A_146 = vector.shape_cast %sub3A_141 : vector<16xf32> to vector<1x16xf32>
          tpu.vector_store %arg8[%swap3A_142, %swap3A_143], %swap3A_146 {strides = array<i32>} : memref<160x256xf32, #tpu.memory_space<vmem>>, vector<1x16xf32>,
          %swap3A_147 = arith.index_cast %add3A_59 : i32 to index
          %swap3A_148 = arith.constant 192 : index
          %swap3A_149 = tpu.vector_load %arg8[%swap3A_147, %swap3A_148] {strides = array<i32>} : memref<160x256xf32, #tpu.memory_space<vmem>>, vector<1x16xf32>,
          %swap3A_150 = vector.shape_cast %swap3A_149 : vector<1x16xf32> to vector<16xf32>
          %swap3A_151 = vector.shape_cast %get3A_136 : vector<16xf32> to vector<1x16xf32>
          tpu.vector_store %arg8[%swap3A_147, %swap3A_148], %swap3A_151 {strides = array<i32>} : memref<160x256xf32, #tpu.memory_space<vmem>>, vector<1x16xf32>,
          %get3A_152 = arith.index_cast %scan3A_50 : i32 to index
          %get3A_153 = arith.constant 80 : index
          %get3A_154 = tpu.vector_load %arg7[%get3A_152, %get3A_153] {strides = array<i32>} : memref<8x128xf32, #tpu.memory_space<vmem>>, vector<1x16xf32>,
          %get3A_155 = vector.shape_cast %get3A_154 : vector<1x16xf32> to vector<16xf32>
          %get3A_156 = arith.index_cast %add3A_59 : i32 to index
          %get3A_157 = arith.constant 80 : index
          %get3A_158 = tpu.vector_load %arg6[%get3A_156, %get3A_157] {strides = array<i32>} : memref<160x128xf32, #tpu.memory_space<vmem>>, vector<1x16xf32>,
          %get3A_159 = vector.shape_cast %get3A_158 : vector<1x16xf32> to vector<16xf32>
          %sub3A_160 = arith.subf %get3A_159, %get3A_155 : vector<16xf32>
          %swap3A_161 = arith.index_cast %add3A_59 : i32 to index
          %swap3A_162 = arith.constant 80 : index
          %swap3A_163 = tpu.vector_load %arg8[%swap3A_161, %swap3A_162] {strides = array<i32>} : memref<160x256xf32, #tpu.memory_space<vmem>>, vector<1x16xf32>,
          %swap3A_164 = vector.shape_cast %swap3A_163 : vector<1x16xf32> to vector<16xf32>
          %swap3A_165 = vector.shape_cast %sub3A_160 : vector<16xf32> to vector<1x16xf32>
          tpu.vector_store %arg8[%swap3A_161, %swap3A_162], %swap3A_165 {strides = array<i32>} : memref<160x256xf32, #tpu.memory_space<vmem>>, vector<1x16xf32>,
          %swap3A_166 = arith.index_cast %add3A_59 : i32 to index
          %swap3A_167 = arith.constant 208 : index
          %swap3A_168 = tpu.vector_load %arg8[%swap3A_166, %swap3A_167] {strides = array<i32>} : memref<160x256xf32, #tpu.memory_space<vmem>>, vector<1x16xf32>,
          %swap3A_169 = vector.shape_cast %swap3A_168 : vector<1x16xf32> to vector<16xf32>
          %swap3A_170 = vector.shape_cast %get3A_155 : vector<16xf32> to vector<1x16xf32>
          tpu.vector_store %arg8[%swap3A_166, %swap3A_167], %swap3A_170 {strides = array<i32>} : memref<160x256xf32, #tpu.memory_space<vmem>>, vector<1x16xf32>,
          %get3A_171 = arith.index_cast %scan3A_50 : i32 to index
          %get3A_172 = arith.constant 96 : index
          %get3A_173 = tpu.vector_load %arg7[%get3A_171, %get3A_172] {strides = array<i32>} : memref<8x128xf32, #tpu.memory_space<vmem>>, vector<1x16xf32>,
          %get3A_174 = vector.shape_cast %get3A_173 : vector<1x16xf32> to vector<16xf32>
          %get3A_175 = arith.index_cast %add3A_59 : i32 to index
          %get3A_176 = arith.constant 96 : index
          %get3A_177 = tpu.vector_load %arg6[%get3A_175, %get3A_176] {strides = array<i32>} : memref<160x128xf32, #tpu.memory_space<vmem>>, vector<1x16xf32>,
          %get3A_178 = vector.shape_cast %get3A_177 : vector<1x16xf32> to vector<16xf32>
          %sub3A_179 = arith.subf %get3A_178, %get3A_174 : vector<16xf32>
          %swap3A_180 = arith.index_cast %add3A_59 : i32 to index
          %swap3A_181 = arith.constant 96 : index
          %swap3A_182 = tpu.vector_load %arg8[%swap3A_180, %swap3A_181] {strides = array<i32>} : memref<160x256xf32, #tpu.memory_space<vmem>>, vector<1x16xf32>,
          %swap3A_183 = vector.shape_cast %swap3A_182 : vector<1x16xf32> to vector<16xf32>
          %swap3A_184 = vector.shape_cast %sub3A_179 : vector<16xf32> to vector<1x16xf32>
          tpu.vector_store %arg8[%swap3A_180, %swap3A_181], %swap3A_184 {strides = array<i32>} : memref<160x256xf32, #tpu.memory_space<vmem>>, vector<1x16xf32>,
          %swap3A_185 = arith.index_cast %add3A_59 : i32 to index
          %swap3A_186 = arith.constant 224 : index
          %swap3A_187 = tpu.vector_load %arg8[%swap3A_185, %swap3A_186] {strides = array<i32>} : memref<160x256xf32, #tpu.memory_space<vmem>>, vector<1x16xf32>,
          %swap3A_188 = vector.shape_cast %swap3A_187 : vector<1x16xf32> to vector<16xf32>
          %swap3A_189 = vector.shape_cast %get3A_174 : vector<16xf32> to vector<1x16xf32>
          tpu.vector_store %arg8[%swap3A_185, %swap3A_186], %swap3A_189 {strides = array<i32>} : memref<160x256xf32, #tpu.memory_space<vmem>>, vector<1x16xf32>,
          %get3A_190 = arith.index_cast %scan3A_50 : i32 to index
          %get3A_191 = arith.constant 112 : index
          %get3A_192 = tpu.vector_load %arg7[%get3A_190, %get3A_191] {strides = array<i32>} : memref<8x128xf32, #tpu.memory_space<vmem>>, vector<1x16xf32>,
          %get3A_193 = vector.shape_cast %get3A_192 : vector<1x16xf32> to vector<16xf32>
          %get3A_194 = arith.index_cast %add3A_59 : i32 to index
          %get3A_195 = arith.constant 112 : index
          %get3A_196 = tpu.vector_load %arg6[%get3A_194, %get3A_195] {strides = array<i32>} : memref<160x128xf32, #tpu.memory_space<vmem>>, vector<1x16xf32>,
          %get3A_197 = vector.shape_cast %get3A_196 : vector<1x16xf32> to vector<16xf32>
          %sub3A_198 = arith.subf %get3A_197, %get3A_193 : vector<16xf32>
          %swap3A_199 = arith.index_cast %add3A_59 : i32 to index
          %swap3A_200 = arith.constant 112 : index
          %swap3A_201 = tpu.vector_load %arg8[%swap3A_199, %swap3A_200] {strides = array<i32>} : memref<160x256xf32, #tpu.memory_space<vmem>>, vector<1x16xf32>,
          %swap3A_202 = vector.shape_cast %swap3A_201 : vector<1x16xf32> to vector<16xf32>
          %swap3A_203 = vector.shape_cast %sub3A_198 : vector<16xf32> to vector<1x16xf32>
          tpu.vector_store %arg8[%swap3A_199, %swap3A_200], %swap3A_203 {strides = array<i32>} : memref<160x256xf32, #tpu.memory_space<vmem>>, vector<1x16xf32>,
          %swap3A_204 = arith.index_cast %add3A_59 : i32 to index
          %swap3A_205 = arith.constant 240 : index
          %swap3A_206 = tpu.vector_load %arg8[%swap3A_204, %swap3A_205] {strides = array<i32>} : memref<160x256xf32, #tpu.memory_space<vmem>>, vector<1x16xf32>,
          %swap3A_207 = vector.shape_cast %swap3A_206 : vector<1x16xf32> to vector<16xf32>
          %swap3A_208 = vector.shape_cast %get3A_193 : vector<16xf32> to vector<1x16xf32>
          tpu.vector_store %arg8[%swap3A_204, %swap3A_205], %swap3A_208 {strides = array<i32>} : memref<160x256xf32, #tpu.memory_space<vmem>>, vector<1x16xf32>,
        }
        %scan3A_55 = arith.constant 20 : i32
      }
      %scan3A_49 = arith.constant 8 : i32
      "tpu.region"() ({
        %run_scoped3A = tpu.sem_alloc : memref<!tpu.dma_semaphore, #tpu.memory_space<semaphore_mem>>
        %dma_start3A_50 = arith.constant 0 : i32
        %dma_start3A_51 = tpu.memref_slice %arg4[%mul3A_13, %dma_start3A_50] : memref<81920x256xf32, #tpu.memory_space<hbm>> -> memref<160x256xf32, #tpu.memory_space<hbm>>
        %dma_start3A_52 = arith.constant 0 : i32
        %dma_start3A_53 = tpu.memref_slice %arg4[%mul3A_13, %dma_start3A_52] : memref<81920x256xf32, #tpu.memory_space<hbm>> -> memref<160x256xf32, #tpu.memory_space<hbm>>
        tpu.enqueue_dma source(%arg8 : memref<160x256xf32, #tpu.memory_space<vmem>>) target(%dma_start3A_53 : memref<160x256xf32, #tpu.memory_space<hbm>>) target_semaphore(%run_scoped3A : memref<!tpu.dma_semaphore, #tpu.memory_space<semaphore_mem>>)
        %dma_wait3A_54 = arith.constant 0 : i32
        %dma_wait3A_55 = tpu.memref_slice %arg4[%mul3A_13, %dma_wait3A_54] : memref<81920x256xf32, #tpu.memory_space<hbm>> -> memref<160x256xf32, #tpu.memory_space<hbm>>
        %dma_wait3A_56 = arith.constant 0 : i32
        %dma_wait3A_57 = tpu.memref_slice %arg4[%mul3A_13, %dma_wait3A_56] : memref<81920x256xf32, #tpu.memory_space<hbm>> -> memref<160x256xf32, #tpu.memory_space<hbm>>
        tpu.wait_dma2 semaphore(%run_scoped3A : memref<!tpu.dma_semaphore, #tpu.memory_space<semaphore_mem>>) src(%arg8 : memref<160x256xf32, #tpu.memory_space<vmem>>) dst(%dma_wait3A_57 : memref<160x256xf32, #tpu.memory_space<hbm>>)
        tpu.yield
      }) : () -> ()
    }
    %scan3A_5 = arith.constant 16 : i32
    return
  }
}

#map = affine_map<(d0, d1) -> (0, 0)>
#map1 = affine_map<(d0, d1) -> (0)>
module attributes {stable_mosaic.version = 14 : i64} {
  func.func @sck(%arg0: i32, %arg1: i32, %arg2: memref<4096x16xf32, #tpu.memory_space<hbm>>, %arg3: memref<81920xi32, #tpu.memory_space<hbm>>, %arg4: memref<81920x32xf32, #tpu.memory_space<hbm>>, %arg5: memref<160xi32, #tpu.memory_space<vmem>>, %arg6: memref<160x16xf32, #tpu.memory_space<vmem>>, %arg7: memref<8x16xf32, #tpu.memory_space<vmem>>, %arg8: memref<160x32xf32, #tpu.memory_space<vmem>>, %arg9: memref<!tpu.dma_semaphore, #tpu.memory_space<semaphore_mem>>, %arg10: memref<!tpu.dma_semaphore, #tpu.memory_space<semaphore_mem>>) attributes {dimension_semantics = [#tpu.dimension_semantics<core_parallel>, #tpu.dimension_semantics<subcore_parallel>], iteration_bounds = array<i64: 2, 16>, scalar_prefetch = 0 : i64, scratch_operands = 6 : i64, tpu.core_type = #tpu.core_type<sc_vector_subcore>, window_params = [{transform_indices = #map}, {transform_indices = #map1}, {transform_indices = #map}]} {
    %mul3A = arith.constant 2 : i32
    %mul3A_0 = arith.muli %arg1, %mul3A : i32
    %add3A = arith.addi %mul3A_0, %arg0 : i32
    %scan3A = arith.constant 0 : i32
    %scan3A_1 = arith.constant 0 : i32
    %scan3A_2 = arith.constant 16 : i32
    %scan3A_3 = arith.addi %scan3A_1, %scan3A_2 : i32
    %scan3A_4 = arith.constant 1 : i32
    scf.for %scan3A_6 = %scan3A_1 to %scan3A_3 step %scan3A_4  : i32 {
      %mul3A_7 = arith.constant 128 : i32
      %mul3A_8 = arith.muli %add3A, %mul3A_7 : i32
      %mul3A_9 = arith.constant 8 : i32
      %mul3A_10 = arith.muli %scan3A_6, %mul3A_9 : i32
      %add3A_11 = arith.addi %mul3A_8, %mul3A_10 : i32
      %mul3A_12 = arith.constant 20 : i32
      %mul3A_13 = arith.muli %add3A_11, %mul3A_12 : i32
      "tpu.region"() ({
        %run_scoped3A = tpu.sem_alloc : memref<!tpu.dma_semaphore, #tpu.memory_space<semaphore_mem>>
        %dma_start3A_50 = tpu.memref_slice %arg3[%mul3A_13] : memref<81920xi32, #tpu.memory_space<hbm>> -> memref<160xi32, #tpu.memory_space<hbm>>
        %dma_start3A_51 = tpu.memref_slice %arg3[%mul3A_13] : memref<81920xi32, #tpu.memory_space<hbm>> -> memref<160xi32, #tpu.memory_space<hbm>>
        tpu.enqueue_dma source(%dma_start3A_51 : memref<160xi32, #tpu.memory_space<hbm>>) target(%arg5 : memref<160xi32, #tpu.memory_space<vmem>>) target_semaphore(%run_scoped3A : memref<!tpu.dma_semaphore, #tpu.memory_space<semaphore_mem>>)
        %dma_wait3A_52 = tpu.memref_slice %arg3[%mul3A_13] : memref<81920xi32, #tpu.memory_space<hbm>> -> memref<160xi32, #tpu.memory_space<hbm>>
        %dma_wait3A_53 = tpu.memref_slice %arg3[%mul3A_13] : memref<81920xi32, #tpu.memory_space<hbm>> -> memref<160xi32, #tpu.memory_space<hbm>>
        tpu.wait_dma2 semaphore(%run_scoped3A : memref<!tpu.dma_semaphore, #tpu.memory_space<semaphore_mem>>) src(%dma_wait3A_53 : memref<160xi32, #tpu.memory_space<hbm>>) dst(%arg5 : memref<160xi32, #tpu.memory_space<vmem>>)
        tpu.yield
      }) : () -> ()
      %dma_start3A = arith.constant 0 : i32
      %dma_start3A_14 = arith.constant 0 : i32
      %dma_start3A_15 = tpu.memref_slice %arg6[%dma_start3A, %dma_start3A_14] : memref<160x16xf32, #tpu.memory_space<vmem>> -> memref<80x16xf32, #tpu.memory_space<vmem>>
      %dma_start3A_16 = arith.constant 0 : i32
      %dma_start3A_17 = tpu.memref_slice %arg5[%dma_start3A_16] : memref<160xi32, #tpu.memory_space<vmem>> -> memref<80xi32, #tpu.memory_space<vmem>>
      %dma_start3A_18 = arith.constant 0 : i32
      %dma_start3A_19 = arith.constant 0 : i32
      %dma_start3A_20 = tpu.memref_slice %arg2[%dma_start3A_18, %dma_start3A_19] : memref<4096x16xf32, #tpu.memory_space<hbm>> -> memref<4096x16xf32, #tpu.memory_space<hbm>>
      tpu.enqueue_indirect_dma source(%dma_start3A_20 : memref<4096x16xf32, #tpu.memory_space<hbm>>) target(%dma_start3A_15 : memref<80x16xf32, #tpu.memory_space<vmem>>) offsets(%dma_start3A_17 : memref<80xi32, #tpu.memory_space<vmem>>) semaphore(%arg9 : memref<!tpu.dma_semaphore, #tpu.memory_space<semaphore_mem>>)
      %dma_start3A_21 = arith.constant 80 : i32
      %dma_start3A_22 = arith.constant 0 : i32
      %dma_start3A_23 = tpu.memref_slice %arg6[%dma_start3A_21, %dma_start3A_22] : memref<160x16xf32, #tpu.memory_space<vmem>> -> memref<80x16xf32, #tpu.memory_space<vmem>>
      %dma_start3A_24 = arith.constant 80 : i32
      %dma_start3A_25 = tpu.memref_slice %arg5[%dma_start3A_24] : memref<160xi32, #tpu.memory_space<vmem>> -> memref<80xi32, #tpu.memory_space<vmem>>
      %dma_start3A_26 = arith.constant 0 : i32
      %dma_start3A_27 = arith.constant 0 : i32
      %dma_start3A_28 = tpu.memref_slice %arg2[%dma_start3A_26, %dma_start3A_27] : memref<4096x16xf32, #tpu.memory_space<hbm>> -> memref<4096x16xf32, #tpu.memory_space<hbm>>
      tpu.enqueue_indirect_dma source(%dma_start3A_28 : memref<4096x16xf32, #tpu.memory_space<hbm>>) target(%dma_start3A_23 : memref<80x16xf32, #tpu.memory_space<vmem>>) offsets(%dma_start3A_25 : memref<80xi32, #tpu.memory_space<vmem>>) semaphore(%arg10 : memref<!tpu.dma_semaphore, #tpu.memory_space<semaphore_mem>>)
      "tpu.region"() ({
        %run_scoped3A = tpu.sem_alloc : memref<!tpu.dma_semaphore, #tpu.memory_space<semaphore_mem>>
        %dma_start3A_50 = arith.constant 0 : i32
        %dma_start3A_51 = tpu.memref_slice %arg2[%add3A_11, %dma_start3A_50] : memref<4096x16xf32, #tpu.memory_space<hbm>> -> memref<8x16xf32, #tpu.memory_space<hbm>>
        %dma_start3A_52 = arith.constant 0 : i32
        %dma_start3A_53 = tpu.memref_slice %arg2[%add3A_11, %dma_start3A_52] : memref<4096x16xf32, #tpu.memory_space<hbm>> -> memref<8x16xf32, #tpu.memory_space<hbm>>
        tpu.enqueue_dma source(%dma_start3A_53 : memref<8x16xf32, #tpu.memory_space<hbm>>) target(%arg7 : memref<8x16xf32, #tpu.memory_space<vmem>>) target_semaphore(%run_scoped3A : memref<!tpu.dma_semaphore, #tpu.memory_space<semaphore_mem>>)
        %dma_wait3A_54 = arith.constant 0 : i32
        %dma_wait3A_55 = tpu.memref_slice %arg2[%add3A_11, %dma_wait3A_54] : memref<4096x16xf32, #tpu.memory_space<hbm>> -> memref<8x16xf32, #tpu.memory_space<hbm>>
        %dma_wait3A_56 = arith.constant 0 : i32
        %dma_wait3A_57 = tpu.memref_slice %arg2[%add3A_11, %dma_wait3A_56] : memref<4096x16xf32, #tpu.memory_space<hbm>> -> memref<8x16xf32, #tpu.memory_space<hbm>>
        tpu.wait_dma2 semaphore(%run_scoped3A : memref<!tpu.dma_semaphore, #tpu.memory_space<semaphore_mem>>) src(%dma_wait3A_57 : memref<8x16xf32, #tpu.memory_space<hbm>>) dst(%arg7 : memref<8x16xf32, #tpu.memory_space<vmem>>)
        tpu.yield
      }) : () -> ()
      %dma_wait3A = arith.constant 0 : i32
      %dma_wait3A_29 = arith.constant 0 : i32
      %dma_wait3A_30 = tpu.memref_slice %arg6[%dma_wait3A, %dma_wait3A_29] : memref<160x16xf32, #tpu.memory_space<vmem>> -> memref<80x16xf32, #tpu.memory_space<vmem>>
      %dma_wait3A_31 = arith.constant 0 : i32
      %dma_wait3A_32 = tpu.memref_slice %arg5[%dma_wait3A_31] : memref<160xi32, #tpu.memory_space<vmem>> -> memref<80xi32, #tpu.memory_space<vmem>>
      %dma_wait3A_33 = arith.constant 0 : i32
      %dma_wait3A_34 = arith.constant 0 : i32
      %dma_wait3A_35 = tpu.memref_slice %arg2[%dma_wait3A_33, %dma_wait3A_34] : memref<4096x16xf32, #tpu.memory_space<hbm>> -> memref<4096x16xf32, #tpu.memory_space<hbm>>
      tpu.wait_indirect_dma semaphore(%arg9 : memref<!tpu.dma_semaphore, #tpu.memory_space<semaphore_mem>>) src(%dma_wait3A_35 : memref<4096x16xf32, #tpu.memory_space<hbm>>) dst(%dma_wait3A_30 : memref<80x16xf32, #tpu.memory_space<vmem>>)
      %dma_wait3A_36 = arith.constant 80 : i32
      %dma_wait3A_37 = arith.constant 0 : i32
      %dma_wait3A_38 = tpu.memref_slice %arg6[%dma_wait3A_36, %dma_wait3A_37] : memref<160x16xf32, #tpu.memory_space<vmem>> -> memref<80x16xf32, #tpu.memory_space<vmem>>
      %dma_wait3A_39 = arith.constant 80 : i32
      %dma_wait3A_40 = tpu.memref_slice %arg5[%dma_wait3A_39] : memref<160xi32, #tpu.memory_space<vmem>> -> memref<80xi32, #tpu.memory_space<vmem>>
      %dma_wait3A_41 = arith.constant 0 : i32
      %dma_wait3A_42 = arith.constant 0 : i32
      %dma_wait3A_43 = tpu.memref_slice %arg2[%dma_wait3A_41, %dma_wait3A_42] : memref<4096x16xf32, #tpu.memory_space<hbm>> -> memref<4096x16xf32, #tpu.memory_space<hbm>>
      tpu.wait_indirect_dma semaphore(%arg10 : memref<!tpu.dma_semaphore, #tpu.memory_space<semaphore_mem>>) src(%dma_wait3A_43 : memref<4096x16xf32, #tpu.memory_space<hbm>>) dst(%dma_wait3A_38 : memref<80x16xf32, #tpu.memory_space<vmem>>)
      %scan3A_44 = arith.constant 0 : i32
      %scan3A_45 = arith.constant 0 : i32
      %scan3A_46 = arith.constant 8 : i32
      %scan3A_47 = arith.addi %scan3A_45, %scan3A_46 : i32
      %scan3A_48 = arith.constant 1 : i32
      scf.for %scan3A_50 = %scan3A_45 to %scan3A_47 step %scan3A_48  : i32 {
        %scan3A_51 = arith.constant 0 : i32
        %scan3A_52 = arith.constant 20 : i32
        %scan3A_53 = arith.addi %scan3A_51, %scan3A_52 : i32
        %scan3A_54 = arith.constant 1 : i32
        scf.for %scan3A_56 = %scan3A_51 to %scan3A_53 step %scan3A_54  : i32 {
          %mul3A_57 = arith.constant 20 : i32
          %mul3A_58 = arith.muli %scan3A_50, %mul3A_57 : i32
          %add3A_59 = arith.addi %mul3A_58, %scan3A_56 : i32
          %get3A = arith.index_cast %scan3A_50 : i32 to index
          %get3A_60 = arith.constant 0 : index
          %get3A_61 = tpu.vector_load %arg7[%get3A, %get3A_60] {strides = array<i32>} : memref<8x16xf32, #tpu.memory_space<vmem>>, vector<1x16xf32>,
          %get3A_62 = vector.shape_cast %get3A_61 : vector<1x16xf32> to vector<16xf32>
          %get3A_63 = arith.index_cast %add3A_59 : i32 to index
          %get3A_64 = arith.constant 0 : index
          %get3A_65 = tpu.vector_load %arg6[%get3A_63, %get3A_64] {strides = array<i32>} : memref<160x16xf32, #tpu.memory_space<vmem>>, vector<1x16xf32>,
          %get3A_66 = vector.shape_cast %get3A_65 : vector<1x16xf32> to vector<16xf32>
          %sub3A = arith.subf %get3A_66, %get3A_62 : vector<16xf32>
          %swap3A = arith.index_cast %add3A_59 : i32 to index
          %swap3A_67 = arith.constant 0 : index
          %swap3A_68 = tpu.vector_load %arg8[%swap3A, %swap3A_67] {strides = array<i32>} : memref<160x32xf32, #tpu.memory_space<vmem>>, vector<1x16xf32>,
          %swap3A_69 = vector.shape_cast %swap3A_68 : vector<1x16xf32> to vector<16xf32>
          %swap3A_70 = vector.shape_cast %sub3A : vector<16xf32> to vector<1x16xf32>
          tpu.vector_store %arg8[%swap3A, %swap3A_67], %swap3A_70 {strides = array<i32>} : memref<160x32xf32, #tpu.memory_space<vmem>>, vector<1x16xf32>,
          %swap3A_71 = arith.index_cast %add3A_59 : i32 to index
          %swap3A_72 = arith.constant 16 : index
          %swap3A_73 = tpu.vector_load %arg8[%swap3A_71, %swap3A_72] {strides = array<i32>} : memref<160x32xf32, #tpu.memory_space<vmem>>, vector<1x16xf32>,
          %swap3A_74 = vector.shape_cast %swap3A_73 : vector<1x16xf32> to vector<16xf32>
          %swap3A_75 = vector.shape_cast %get3A_62 : vector<16xf32> to vector<1x16xf32>
          tpu.vector_store %arg8[%swap3A_71, %swap3A_72], %swap3A_75 {strides = array<i32>} : memref<160x32xf32, #tpu.memory_space<vmem>>, vector<1x16xf32>,
        }
        %scan3A_55 = arith.constant 20 : i32
      }
      %scan3A_49 = arith.constant 8 : i32
      "tpu.region"() ({
        %run_scoped3A = tpu.sem_alloc : memref<!tpu.dma_semaphore, #tpu.memory_space<semaphore_mem>>
        %dma_start3A_50 = arith.constant 0 : i32
        %dma_start3A_51 = tpu.memref_slice %arg4[%mul3A_13, %dma_start3A_50] : memref<81920x32xf32, #tpu.memory_space<hbm>> -> memref<160x32xf32, #tpu.memory_space<hbm>>
        %dma_start3A_52 = arith.constant 0 : i32
        %dma_start3A_53 = tpu.memref_slice %arg4[%mul3A_13, %dma_start3A_52] : memref<81920x32xf32, #tpu.memory_space<hbm>> -> memref<160x32xf32, #tpu.memory_space<hbm>>
        tpu.enqueue_dma source(%arg8 : memref<160x32xf32, #tpu.memory_space<vmem>>) target(%dma_start3A_53 : memref<160x32xf32, #tpu.memory_space<hbm>>) target_semaphore(%run_scoped3A : memref<!tpu.dma_semaphore, #tpu.memory_space<semaphore_mem>>)
        %dma_wait3A_54 = arith.constant 0 : i32
        %dma_wait3A_55 = tpu.memref_slice %arg4[%mul3A_13, %dma_wait3A_54] : memref<81920x32xf32, #tpu.memory_space<hbm>> -> memref<160x32xf32, #tpu.memory_space<hbm>>
        %dma_wait3A_56 = arith.constant 0 : i32
        %dma_wait3A_57 = tpu.memref_slice %arg4[%mul3A_13, %dma_wait3A_56] : memref<81920x32xf32, #tpu.memory_space<hbm>> -> memref<160x32xf32, #tpu.memory_space<hbm>>
        tpu.wait_dma2 semaphore(%run_scoped3A : memref<!tpu.dma_semaphore, #tpu.memory_space<semaphore_mem>>) src(%arg8 : memref<160x32xf32, #tpu.memory_space<vmem>>) dst(%dma_wait3A_57 : memref<160x32xf32, #tpu.memory_space<hbm>>)
        tpu.yield
      }) : () -> ()
    }
    %scan3A_5 = arith.constant 16 : i32
    return
  }
}

#map = affine_map<(d0, d1) -> (0, 0)>
#map1 = affine_map<(d0, d1) -> (0)>
module attributes {stable_mosaic.version = 14 : i64} {
  func.func @sck(%arg0: i32, %arg1: i32, %arg2: memref<4096x64xf32, #tpu.memory_space<hbm>>, %arg3: memref<81920xi32, #tpu.memory_space<hbm>>, %arg4: memref<81920x128xf32, #tpu.memory_space<hbm>>, %arg5: memref<160xi32, #tpu.memory_space<vmem>>, %arg6: memref<160x64xf32, #tpu.memory_space<vmem>>, %arg7: memref<8x64xf32, #tpu.memory_space<vmem>>, %arg8: memref<160x128xf32, #tpu.memory_space<vmem>>, %arg9: memref<!tpu.dma_semaphore, #tpu.memory_space<semaphore_mem>>, %arg10: memref<!tpu.dma_semaphore, #tpu.memory_space<semaphore_mem>>) attributes {dimension_semantics = [#tpu.dimension_semantics<core_parallel>, #tpu.dimension_semantics<subcore_parallel>], iteration_bounds = array<i64: 2, 16>, scalar_prefetch = 0 : i64, scratch_operands = 6 : i64, tpu.core_type = #tpu.core_type<sc_vector_subcore>, window_params = [{transform_indices = #map}, {transform_indices = #map1}, {transform_indices = #map}]} {
    %mul3A = arith.constant 2 : i32
    %mul3A_0 = arith.muli %arg1, %mul3A : i32
    %add3A = arith.addi %mul3A_0, %arg0 : i32
    %scan3A = arith.constant 0 : i32
    %scan3A_1 = arith.constant 0 : i32
    %scan3A_2 = arith.constant 16 : i32
    %scan3A_3 = arith.addi %scan3A_1, %scan3A_2 : i32
    %scan3A_4 = arith.constant 1 : i32
    scf.for %scan3A_6 = %scan3A_1 to %scan3A_3 step %scan3A_4  : i32 {
      %mul3A_7 = arith.constant 128 : i32
      %mul3A_8 = arith.muli %add3A, %mul3A_7 : i32
      %mul3A_9 = arith.constant 8 : i32
      %mul3A_10 = arith.muli %scan3A_6, %mul3A_9 : i32
      %add3A_11 = arith.addi %mul3A_8, %mul3A_10 : i32
      %mul3A_12 = arith.constant 20 : i32
      %mul3A_13 = arith.muli %add3A_11, %mul3A_12 : i32
      "tpu.region"() ({
        %run_scoped3A = tpu.sem_alloc : memref<!tpu.dma_semaphore, #tpu.memory_space<semaphore_mem>>
        %dma_start3A_50 = tpu.memref_slice %arg3[%mul3A_13] : memref<81920xi32, #tpu.memory_space<hbm>> -> memref<160xi32, #tpu.memory_space<hbm>>
        %dma_start3A_51 = tpu.memref_slice %arg3[%mul3A_13] : memref<81920xi32, #tpu.memory_space<hbm>> -> memref<160xi32, #tpu.memory_space<hbm>>
        tpu.enqueue_dma source(%dma_start3A_51 : memref<160xi32, #tpu.memory_space<hbm>>) target(%arg5 : memref<160xi32, #tpu.memory_space<vmem>>) target_semaphore(%run_scoped3A : memref<!tpu.dma_semaphore, #tpu.memory_space<semaphore_mem>>)
        %dma_wait3A_52 = tpu.memref_slice %arg3[%mul3A_13] : memref<81920xi32, #tpu.memory_space<hbm>> -> memref<160xi32, #tpu.memory_space<hbm>>
        %dma_wait3A_53 = tpu.memref_slice %arg3[%mul3A_13] : memref<81920xi32, #tpu.memory_space<hbm>> -> memref<160xi32, #tpu.memory_space<hbm>>
        tpu.wait_dma2 semaphore(%run_scoped3A : memref<!tpu.dma_semaphore, #tpu.memory_space<semaphore_mem>>) src(%dma_wait3A_53 : memref<160xi32, #tpu.memory_space<hbm>>) dst(%arg5 : memref<160xi32, #tpu.memory_space<vmem>>)
        tpu.yield
      }) : () -> ()
      %dma_start3A = arith.constant 0 : i32
      %dma_start3A_14 = arith.constant 0 : i32
      %dma_start3A_15 = tpu.memref_slice %arg6[%dma_start3A, %dma_start3A_14] : memref<160x64xf32, #tpu.memory_space<vmem>> -> memref<80x64xf32, #tpu.memory_space<vmem>>
      %dma_start3A_16 = arith.constant 0 : i32
      %dma_start3A_17 = tpu.memref_slice %arg5[%dma_start3A_16] : memref<160xi32, #tpu.memory_space<vmem>> -> memref<80xi32, #tpu.memory_space<vmem>>
      %dma_start3A_18 = arith.constant 0 : i32
      %dma_start3A_19 = arith.constant 0 : i32
      %dma_start3A_20 = tpu.memref_slice %arg2[%dma_start3A_18, %dma_start3A_19] : memref<4096x64xf32, #tpu.memory_space<hbm>> -> memref<4096x64xf32, #tpu.memory_space<hbm>>
      tpu.enqueue_indirect_dma source(%dma_start3A_20 : memref<4096x64xf32, #tpu.memory_space<hbm>>) target(%dma_start3A_15 : memref<80x64xf32, #tpu.memory_space<vmem>>) offsets(%dma_start3A_17 : memref<80xi32, #tpu.memory_space<vmem>>) semaphore(%arg9 : memref<!tpu.dma_semaphore, #tpu.memory_space<semaphore_mem>>)
      %dma_start3A_21 = arith.constant 80 : i32
      %dma_start3A_22 = arith.constant 0 : i32
      %dma_start3A_23 = tpu.memref_slice %arg6[%dma_start3A_21, %dma_start3A_22] : memref<160x64xf32, #tpu.memory_space<vmem>> -> memref<80x64xf32, #tpu.memory_space<vmem>>
      %dma_start3A_24 = arith.constant 80 : i32
      %dma_start3A_25 = tpu.memref_slice %arg5[%dma_start3A_24] : memref<160xi32, #tpu.memory_space<vmem>> -> memref<80xi32, #tpu.memory_space<vmem>>
      %dma_start3A_26 = arith.constant 0 : i32
      %dma_start3A_27 = arith.constant 0 : i32
      %dma_start3A_28 = tpu.memref_slice %arg2[%dma_start3A_26, %dma_start3A_27] : memref<4096x64xf32, #tpu.memory_space<hbm>> -> memref<4096x64xf32, #tpu.memory_space<hbm>>
      tpu.enqueue_indirect_dma source(%dma_start3A_28 : memref<4096x64xf32, #tpu.memory_space<hbm>>) target(%dma_start3A_23 : memref<80x64xf32, #tpu.memory_space<vmem>>) offsets(%dma_start3A_25 : memref<80xi32, #tpu.memory_space<vmem>>) semaphore(%arg10 : memref<!tpu.dma_semaphore, #tpu.memory_space<semaphore_mem>>)
      "tpu.region"() ({
        %run_scoped3A = tpu.sem_alloc : memref<!tpu.dma_semaphore, #tpu.memory_space<semaphore_mem>>
        %dma_start3A_50 = arith.constant 0 : i32
        %dma_start3A_51 = tpu.memref_slice %arg2[%add3A_11, %dma_start3A_50] : memref<4096x64xf32, #tpu.memory_space<hbm>> -> memref<8x64xf32, #tpu.memory_space<hbm>>
        %dma_start3A_52 = arith.constant 0 : i32
        %dma_start3A_53 = tpu.memref_slice %arg2[%add3A_11, %dma_start3A_52] : memref<4096x64xf32, #tpu.memory_space<hbm>> -> memref<8x64xf32, #tpu.memory_space<hbm>>
        tpu.enqueue_dma source(%dma_start3A_53 : memref<8x64xf32, #tpu.memory_space<hbm>>) target(%arg7 : memref<8x64xf32, #tpu.memory_space<vmem>>) target_semaphore(%run_scoped3A : memref<!tpu.dma_semaphore, #tpu.memory_space<semaphore_mem>>)
        %dma_wait3A_54 = arith.constant 0 : i32
        %dma_wait3A_55 = tpu.memref_slice %arg2[%add3A_11, %dma_wait3A_54] : memref<4096x64xf32, #tpu.memory_space<hbm>> -> memref<8x64xf32, #tpu.memory_space<hbm>>
        %dma_wait3A_56 = arith.constant 0 : i32
        %dma_wait3A_57 = tpu.memref_slice %arg2[%add3A_11, %dma_wait3A_56] : memref<4096x64xf32, #tpu.memory_space<hbm>> -> memref<8x64xf32, #tpu.memory_space<hbm>>
        tpu.wait_dma2 semaphore(%run_scoped3A : memref<!tpu.dma_semaphore, #tpu.memory_space<semaphore_mem>>) src(%dma_wait3A_57 : memref<8x64xf32, #tpu.memory_space<hbm>>) dst(%arg7 : memref<8x64xf32, #tpu.memory_space<vmem>>)
        tpu.yield
      }) : () -> ()
      %dma_wait3A = arith.constant 0 : i32
      %dma_wait3A_29 = arith.constant 0 : i32
      %dma_wait3A_30 = tpu.memref_slice %arg6[%dma_wait3A, %dma_wait3A_29] : memref<160x64xf32, #tpu.memory_space<vmem>> -> memref<80x64xf32, #tpu.memory_space<vmem>>
      %dma_wait3A_31 = arith.constant 0 : i32
      %dma_wait3A_32 = tpu.memref_slice %arg5[%dma_wait3A_31] : memref<160xi32, #tpu.memory_space<vmem>> -> memref<80xi32, #tpu.memory_space<vmem>>
      %dma_wait3A_33 = arith.constant 0 : i32
      %dma_wait3A_34 = arith.constant 0 : i32
      %dma_wait3A_35 = tpu.memref_slice %arg2[%dma_wait3A_33, %dma_wait3A_34] : memref<4096x64xf32, #tpu.memory_space<hbm>> -> memref<4096x64xf32, #tpu.memory_space<hbm>>
      tpu.wait_indirect_dma semaphore(%arg9 : memref<!tpu.dma_semaphore, #tpu.memory_space<semaphore_mem>>) src(%dma_wait3A_35 : memref<4096x64xf32, #tpu.memory_space<hbm>>) dst(%dma_wait3A_30 : memref<80x64xf32, #tpu.memory_space<vmem>>)
      %dma_wait3A_36 = arith.constant 80 : i32
      %dma_wait3A_37 = arith.constant 0 : i32
      %dma_wait3A_38 = tpu.memref_slice %arg6[%dma_wait3A_36, %dma_wait3A_37] : memref<160x64xf32, #tpu.memory_space<vmem>> -> memref<80x64xf32, #tpu.memory_space<vmem>>
      %dma_wait3A_39 = arith.constant 80 : i32
      %dma_wait3A_40 = tpu.memref_slice %arg5[%dma_wait3A_39] : memref<160xi32, #tpu.memory_space<vmem>> -> memref<80xi32, #tpu.memory_space<vmem>>
      %dma_wait3A_41 = arith.constant 0 : i32
      %dma_wait3A_42 = arith.constant 0 : i32
      %dma_wait3A_43 = tpu.memref_slice %arg2[%dma_wait3A_41, %dma_wait3A_42] : memref<4096x64xf32, #tpu.memory_space<hbm>> -> memref<4096x64xf32, #tpu.memory_space<hbm>>
      tpu.wait_indirect_dma semaphore(%arg10 : memref<!tpu.dma_semaphore, #tpu.memory_space<semaphore_mem>>) src(%dma_wait3A_43 : memref<4096x64xf32, #tpu.memory_space<hbm>>) dst(%dma_wait3A_38 : memref<80x64xf32, #tpu.memory_space<vmem>>)
      %scan3A_44 = arith.constant 0 : i32
      %scan3A_45 = arith.constant 0 : i32
      %scan3A_46 = arith.constant 8 : i32
      %scan3A_47 = arith.addi %scan3A_45, %scan3A_46 : i32
      %scan3A_48 = arith.constant 1 : i32
      scf.for %scan3A_50 = %scan3A_45 to %scan3A_47 step %scan3A_48  : i32 {
        %scan3A_51 = arith.constant 0 : i32
        %scan3A_52 = arith.constant 20 : i32
        %scan3A_53 = arith.addi %scan3A_51, %scan3A_52 : i32
        %scan3A_54 = arith.constant 1 : i32
        scf.for %scan3A_56 = %scan3A_51 to %scan3A_53 step %scan3A_54  : i32 {
          %mul3A_57 = arith.constant 20 : i32
          %mul3A_58 = arith.muli %scan3A_50, %mul3A_57 : i32
          %add3A_59 = arith.addi %mul3A_58, %scan3A_56 : i32
          %get3A = arith.index_cast %scan3A_50 : i32 to index
          %get3A_60 = arith.constant 0 : index
          %get3A_61 = tpu.vector_load %arg7[%get3A, %get3A_60] {strides = array<i32>} : memref<8x64xf32, #tpu.memory_space<vmem>>, vector<1x16xf32>,
          %get3A_62 = vector.shape_cast %get3A_61 : vector<1x16xf32> to vector<16xf32>
          %get3A_63 = arith.index_cast %add3A_59 : i32 to index
          %get3A_64 = arith.constant 0 : index
          %get3A_65 = tpu.vector_load %arg6[%get3A_63, %get3A_64] {strides = array<i32>} : memref<160x64xf32, #tpu.memory_space<vmem>>, vector<1x16xf32>,
          %get3A_66 = vector.shape_cast %get3A_65 : vector<1x16xf32> to vector<16xf32>
          %sub3A = arith.subf %get3A_66, %get3A_62 : vector<16xf32>
          %swap3A = arith.index_cast %add3A_59 : i32 to index
          %swap3A_67 = arith.constant 0 : index
          %swap3A_68 = tpu.vector_load %arg8[%swap3A, %swap3A_67] {strides = array<i32>} : memref<160x128xf32, #tpu.memory_space<vmem>>, vector<1x16xf32>,
          %swap3A_69 = vector.shape_cast %swap3A_68 : vector<1x16xf32> to vector<16xf32>
          %swap3A_70 = vector.shape_cast %sub3A : vector<16xf32> to vector<1x16xf32>
          tpu.vector_store %arg8[%swap3A, %swap3A_67], %swap3A_70 {strides = array<i32>} : memref<160x128xf32, #tpu.memory_space<vmem>>, vector<1x16xf32>,
          %swap3A_71 = arith.index_cast %add3A_59 : i32 to index
          %swap3A_72 = arith.constant 64 : index
          %swap3A_73 = tpu.vector_load %arg8[%swap3A_71, %swap3A_72] {strides = array<i32>} : memref<160x128xf32, #tpu.memory_space<vmem>>, vector<1x16xf32>,
          %swap3A_74 = vector.shape_cast %swap3A_73 : vector<1x16xf32> to vector<16xf32>
          %swap3A_75 = vector.shape_cast %get3A_62 : vector<16xf32> to vector<1x16xf32>
          tpu.vector_store %arg8[%swap3A_71, %swap3A_72], %swap3A_75 {strides = array<i32>} : memref<160x128xf32, #tpu.memory_space<vmem>>, vector<1x16xf32>,
          %get3A_76 = arith.index_cast %scan3A_50 : i32 to index
          %get3A_77 = arith.constant 16 : index
          %get3A_78 = tpu.vector_load %arg7[%get3A_76, %get3A_77] {strides = array<i32>} : memref<8x64xf32, #tpu.memory_space<vmem>>, vector<1x16xf32>,
          %get3A_79 = vector.shape_cast %get3A_78 : vector<1x16xf32> to vector<16xf32>
          %get3A_80 = arith.index_cast %add3A_59 : i32 to index
          %get3A_81 = arith.constant 16 : index
          %get3A_82 = tpu.vector_load %arg6[%get3A_80, %get3A_81] {strides = array<i32>} : memref<160x64xf32, #tpu.memory_space<vmem>>, vector<1x16xf32>,
          %get3A_83 = vector.shape_cast %get3A_82 : vector<1x16xf32> to vector<16xf32>
          %sub3A_84 = arith.subf %get3A_83, %get3A_79 : vector<16xf32>
          %swap3A_85 = arith.index_cast %add3A_59 : i32 to index
          %swap3A_86 = arith.constant 16 : index
          %swap3A_87 = tpu.vector_load %arg8[%swap3A_85, %swap3A_86] {strides = array<i32>} : memref<160x128xf32, #tpu.memory_space<vmem>>, vector<1x16xf32>,
          %swap3A_88 = vector.shape_cast %swap3A_87 : vector<1x16xf32> to vector<16xf32>
          %swap3A_89 = vector.shape_cast %sub3A_84 : vector<16xf32> to vector<1x16xf32>
          tpu.vector_store %arg8[%swap3A_85, %swap3A_86], %swap3A_89 {strides = array<i32>} : memref<160x128xf32, #tpu.memory_space<vmem>>, vector<1x16xf32>,
          %swap3A_90 = arith.index_cast %add3A_59 : i32 to index
          %swap3A_91 = arith.constant 80 : index
          %swap3A_92 = tpu.vector_load %arg8[%swap3A_90, %swap3A_91] {strides = array<i32>} : memref<160x128xf32, #tpu.memory_space<vmem>>, vector<1x16xf32>,
          %swap3A_93 = vector.shape_cast %swap3A_92 : vector<1x16xf32> to vector<16xf32>
          %swap3A_94 = vector.shape_cast %get3A_79 : vector<16xf32> to vector<1x16xf32>
          tpu.vector_store %arg8[%swap3A_90, %swap3A_91], %swap3A_94 {strides = array<i32>} : memref<160x128xf32, #tpu.memory_space<vmem>>, vector<1x16xf32>,
          %get3A_95 = arith.index_cast %scan3A_50 : i32 to index
          %get3A_96 = arith.constant 32 : index
          %get3A_97 = tpu.vector_load %arg7[%get3A_95, %get3A_96] {strides = array<i32>} : memref<8x64xf32, #tpu.memory_space<vmem>>, vector<1x16xf32>,
          %get3A_98 = vector.shape_cast %get3A_97 : vector<1x16xf32> to vector<16xf32>
          %get3A_99 = arith.index_cast %add3A_59 : i32 to index
          %get3A_100 = arith.constant 32 : index
          %get3A_101 = tpu.vector_load %arg6[%get3A_99, %get3A_100] {strides = array<i32>} : memref<160x64xf32, #tpu.memory_space<vmem>>, vector<1x16xf32>,
          %get3A_102 = vector.shape_cast %get3A_101 : vector<1x16xf32> to vector<16xf32>
          %sub3A_103 = arith.subf %get3A_102, %get3A_98 : vector<16xf32>
          %swap3A_104 = arith.index_cast %add3A_59 : i32 to index
          %swap3A_105 = arith.constant 32 : index
          %swap3A_106 = tpu.vector_load %arg8[%swap3A_104, %swap3A_105] {strides = array<i32>} : memref<160x128xf32, #tpu.memory_space<vmem>>, vector<1x16xf32>,
          %swap3A_107 = vector.shape_cast %swap3A_106 : vector<1x16xf32> to vector<16xf32>
          %swap3A_108 = vector.shape_cast %sub3A_103 : vector<16xf32> to vector<1x16xf32>
          tpu.vector_store %arg8[%swap3A_104, %swap3A_105], %swap3A_108 {strides = array<i32>} : memref<160x128xf32, #tpu.memory_space<vmem>>, vector<1x16xf32>,
          %swap3A_109 = arith.index_cast %add3A_59 : i32 to index
          %swap3A_110 = arith.constant 96 : index
          %swap3A_111 = tpu.vector_load %arg8[%swap3A_109, %swap3A_110] {strides = array<i32>} : memref<160x128xf32, #tpu.memory_space<vmem>>, vector<1x16xf32>,
          %swap3A_112 = vector.shape_cast %swap3A_111 : vector<1x16xf32> to vector<16xf32>
          %swap3A_113 = vector.shape_cast %get3A_98 : vector<16xf32> to vector<1x16xf32>
          tpu.vector_store %arg8[%swap3A_109, %swap3A_110], %swap3A_113 {strides = array<i32>} : memref<160x128xf32, #tpu.memory_space<vmem>>, vector<1x16xf32>,
          %get3A_114 = arith.index_cast %scan3A_50 : i32 to index
          %get3A_115 = arith.constant 48 : index
          %get3A_116 = tpu.vector_load %arg7[%get3A_114, %get3A_115] {strides = array<i32>} : memref<8x64xf32, #tpu.memory_space<vmem>>, vector<1x16xf32>,
          %get3A_117 = vector.shape_cast %get3A_116 : vector<1x16xf32> to vector<16xf32>
          %get3A_118 = arith.index_cast %add3A_59 : i32 to index
          %get3A_119 = arith.constant 48 : index
          %get3A_120 = tpu.vector_load %arg6[%get3A_118, %get3A_119] {strides = array<i32>} : memref<160x64xf32, #tpu.memory_space<vmem>>, vector<1x16xf32>,
          %get3A_121 = vector.shape_cast %get3A_120 : vector<1x16xf32> to vector<16xf32>
          %sub3A_122 = arith.subf %get3A_121, %get3A_117 : vector<16xf32>
          %swap3A_123 = arith.index_cast %add3A_59 : i32 to index
          %swap3A_124 = arith.constant 48 : index
          %swap3A_125 = tpu.vector_load %arg8[%swap3A_123, %swap3A_124] {strides = array<i32>} : memref<160x128xf32, #tpu.memory_space<vmem>>, vector<1x16xf32>,
          %swap3A_126 = vector.shape_cast %swap3A_125 : vector<1x16xf32> to vector<16xf32>
          %swap3A_127 = vector.shape_cast %sub3A_122 : vector<16xf32> to vector<1x16xf32>
          tpu.vector_store %arg8[%swap3A_123, %swap3A_124], %swap3A_127 {strides = array<i32>} : memref<160x128xf32, #tpu.memory_space<vmem>>, vector<1x16xf32>,
          %swap3A_128 = arith.index_cast %add3A_59 : i32 to index
          %swap3A_129 = arith.constant 112 : index
          %swap3A_130 = tpu.vector_load %arg8[%swap3A_128, %swap3A_129] {strides = array<i32>} : memref<160x128xf32, #tpu.memory_space<vmem>>, vector<1x16xf32>,
          %swap3A_131 = vector.shape_cast %swap3A_130 : vector<1x16xf32> to vector<16xf32>
          %swap3A_132 = vector.shape_cast %get3A_117 : vector<16xf32> to vector<1x16xf32>
          tpu.vector_store %arg8[%swap3A_128, %swap3A_129], %swap3A_132 {strides = array<i32>} : memref<160x128xf32, #tpu.memory_space<vmem>>, vector<1x16xf32>,
        }
        %scan3A_55 = arith.constant 20 : i32
      }
      %scan3A_49 = arith.constant 8 : i32
      "tpu.region"() ({
        %run_scoped3A = tpu.sem_alloc : memref<!tpu.dma_semaphore, #tpu.memory_space<semaphore_mem>>
        %dma_start3A_50 = arith.constant 0 : i32
        %dma_start3A_51 = tpu.memref_slice %arg4[%mul3A_13, %dma_start3A_50] : memref<81920x128xf32, #tpu.memory_space<hbm>> -> memref<160x128xf32, #tpu.memory_space<hbm>>
        %dma_start3A_52 = arith.constant 0 : i32
        %dma_start3A_53 = tpu.memref_slice %arg4[%mul3A_13, %dma_start3A_52] : memref<81920x128xf32, #tpu.memory_space<hbm>> -> memref<160x128xf32, #tpu.memory_space<hbm>>
        tpu.enqueue_dma source(%arg8 : memref<160x128xf32, #tpu.memory_space<vmem>>) target(%dma_start3A_53 : memref<160x128xf32, #tpu.memory_space<hbm>>) target_semaphore(%run_scoped3A : memref<!tpu.dma_semaphore, #tpu.memory_space<semaphore_mem>>)
        %dma_wait3A_54 = arith.constant 0 : i32
        %dma_wait3A_55 = tpu.memref_slice %arg4[%mul3A_13, %dma_wait3A_54] : memref<81920x128xf32, #tpu.memory_space<hbm>> -> memref<160x128xf32, #tpu.memory_space<hbm>>
        %dma_wait3A_56 = arith.constant 0 : i32
        %dma_wait3A_57 = tpu.memref_slice %arg4[%mul3A_13, %dma_wait3A_56] : memref<81920x128xf32, #tpu.memory_space<hbm>> -> memref<160x128xf32, #tpu.memory_space<hbm>>
        tpu.wait_dma2 semaphore(%run_scoped3A : memref<!tpu.dma_semaphore, #tpu.memory_space<semaphore_mem>>) src(%arg8 : memref<160x128xf32, #tpu.memory_space<vmem>>) dst(%dma_wait3A_57 : memref<160x128xf32, #tpu.memory_space<hbm>>)
        tpu.yield
      }) : () -> ()
    }
    %scan3A_5 = arith.constant 16 : i32
    return
  }
}

module attributes {stable_mosaic.version = 14 : i64} {
  func.func @_pd_topk_body(%arg0: i32, %arg1: memref<1x8x1024xf32, #tpu.memory_space<vmem>>, %arg2: memref<1x1024x20xi32, #tpu.memory_space<vmem>>) attributes {dimension_semantics = [#tpu.dimension_semantics<arbitrary>], iteration_bounds = array<i64: 4>, scalar_prefetch = 0 : i64, scratch_operands = 0 : i64, tpu.core_type = #tpu.core_type<tc>, window_params = [{transform_indices = @transform_0, window_bounds = array<i64: 1, 8, 1024>}, {transform_indices = @transform_1, window_bounds = array<i64: 1, 1024, 20>}]} {
    %get3A = arith.constant 0 : index
    %get3A_0 = arith.constant 0 : index
    %get3A_1 = arith.constant 0 : index
    %get3A_2 = vector.load %arg1[%get3A, %get3A_0, %get3A_1] : memref<1x8x1024xf32, #tpu.memory_space<vmem>>, vector<1x8x1024xf32>
    %get3A_3 = vector.shape_cast %get3A_2 : vector<1x8x1024xf32> to vector<8x1024xf32>
    %dot_general3A = arith.constant dense<0.000000e+00> : vector<1024x1024xf32>
    %dot_general3A_4 = tpu.matmul %get3A_3, %get3A_3, %dot_general3A {dimension_numbers = #tpu.dot_dimension_numbers<[0], [0], [1], [1], [0, 1, 1, 1], [], []>, transpose_lhs_hint = false} : vector<8x1024xf32>, vector<8x1024xf32>, vector<1024x1024xf32> -> vector<1024x1024xf32>
    %mul3A = arith.mulf %get3A_3, %get3A_3 : vector<8x1024xf32>
    %reduce_sum3A = arith.constant dense<0.000000e+00> : vector<1024xf32>
    %reduce_sum3A_5 = vector.multi_reduction <add>, %mul3A, %reduce_sum3A [0] : vector<8x1024xf32> to vector<1024xf32>
    %mul3A_6 = arith.constant 2.000000e+00 : f32
    %mul3A_7 = vector.broadcast %mul3A_6 : f32 to vector<1024x1024xf32>
    %mul3A_8 = arith.mulf %mul3A_7, %dot_general3A_4 : vector<1024x1024xf32>
    %broadcast_in_dim3A = vector.shape_cast %reduce_sum3A_5 : vector<1024xf32> to vector<1x1024xf32>
    %sub3A = vector.broadcast %broadcast_in_dim3A : vector<1x1024xf32> to vector<1024x1024xf32>
    %sub3A_9 = arith.subf %mul3A_8, %sub3A : vector<1024x1024xf32>
    %broadcast_in_dim3A_10 = vector.shape_cast %reduce_sum3A_5 : vector<1024xf32> to vector<1024x1xf32>
    %sub3A_11 = vector.broadcast %broadcast_in_dim3A_10 : vector<1024x1xf32> to vector<1024x1024xf32>
    %sub3A_12 = arith.subf %sub3A_9, %sub3A_11 : vector<1024x1024xf32>
    %iota3A = tpu.iota {dimensions = array<i32: 1>} : vector<1024x1024xi32>
    %reduce_max3A = arith.constant dense<0xFF800000> : vector<1024xf32>
    %reduce_max3A_13 = vector.multi_reduction <maximumf>, %sub3A_12, %reduce_max3A [1] : vector<1024x1024xf32> to vector<1024xf32>
    %broadcast_in_dim3A_14 = vector.shape_cast %reduce_max3A_13 : vector<1024xf32> to vector<1024x1xf32>
    %eq3A = vector.broadcast %broadcast_in_dim3A_14 : vector<1024x1xf32> to vector<1024x1024xf32>
    %eq3A_15 = arith.cmpf oeq, %sub3A_12, %eq3A : vector<1024x1024xf32>
    %jit3A = arith.constant 1024 : i32
    %broadcast_in_dim3A_16 = vector.broadcast %jit3A : i32 to vector<1024x1024xi32>
    %select_n3A = arith.select %eq3A_15, %iota3A, %broadcast_in_dim3A_16 : vector<1024x1024xi1>, vector<1024x1024xi32>
    %reduce_min3A = arith.constant dense<2147483647> : vector<1024xi32>
    %reduce_min3A_17 = vector.multi_reduction <minsi>, %select_n3A, %reduce_min3A [1] : vector<1024x1024xi32> to vector<1024xi32>
    %broadcast_in_dim3A_18 = vector.shape_cast %reduce_min3A_17 : vector<1024xi32> to vector<1024x1xi32>
    %squeeze3A = vector.shape_cast %broadcast_in_dim3A_18 : vector<1024x1xi32> to vector<1024xi32>
    %mul3A_19 = arith.constant 1024 : i32
    %mul3A_20 = arith.muli %arg0, %mul3A_19 : i32
    %add3A = vector.broadcast %mul3A_20 : i32 to vector<1024xi32>
    %add3A_21 = arith.addi %squeeze3A, %add3A : vector<1024xi32>
    %swap3A = arith.constant 0 : index
    %swap3A_22 = arith.constant 0 : index
    %swap3A_23 = arith.constant 0 : index
    %swap3A_24 = vector.load %arg2[%swap3A, %swap3A_22, %swap3A_23] : memref<1x1024x20xi32, #tpu.memory_space<vmem>>, vector<1x1024x1xi32>
    %swap3A_25 = vector.shape_cast %swap3A_24 : vector<1x1024x1xi32> to vector<1024xi32>
    %swap3A_26 = vector.shape_cast %add3A_21 : vector<1024xi32> to vector<1x1024x1xi32>
    tpu.vector_store %arg2[%swap3A, %swap3A_22, %swap3A_23], %swap3A_26 {strides = array<i32>} : memref<1x1024x20xi32, #tpu.memory_space<vmem>>, vector<1x1024x1xi32>,
    %eq3A_27 = vector.broadcast %broadcast_in_dim3A_18 : vector<1024x1xi32> to vector<1024x1024xi32>
    %eq3A_28 = arith.cmpi eq, %iota3A, %eq3A_27 : vector<1024x1024xi32>
    %jit3A_29 = arith.constant 0xFF800000 : f32
    %broadcast_in_dim3A_30 = vector.broadcast %jit3A_29 : f32 to vector<1024x1024xf32>
    %select_n3A_31 = arith.select %eq3A_28, %broadcast_in_dim3A_30, %sub3A_12 : vector<1024x1024xi1>, vector<1024x1024xf32>
    %reduce_max3A_32 = arith.constant dense<0xFF800000> : vector<1024xf32>
    %reduce_max3A_33 = vector.multi_reduction <maximumf>, %select_n3A_31, %reduce_max3A_32 [1] : vector<1024x1024xf32> to vector<1024xf32>
    %broadcast_in_dim3A_34 = vector.shape_cast %reduce_max3A_33 : vector<1024xf32> to vector<1024x1xf32>
    %eq3A_35 = vector.broadcast %broadcast_in_dim3A_34 : vector<1024x1xf32> to vector<1024x1024xf32>
    %eq3A_36 = arith.cmpf oeq, %select_n3A_31, %eq3A_35 : vector<1024x1024xf32>
    %jit3A_37 = arith.constant 1024 : i32
    %broadcast_in_dim3A_38 = vector.broadcast %jit3A_37 : i32 to vector<1024x1024xi32>
    %select_n3A_39 = arith.select %eq3A_36, %iota3A, %broadcast_in_dim3A_38 : vector<1024x1024xi1>, vector<1024x1024xi32>
    %reduce_min3A_40 = arith.constant dense<2147483647> : vector<1024xi32>
    %reduce_min3A_41 = vector.multi_reduction <minsi>, %select_n3A_39, %reduce_min3A_40 [1] : vector<1024x1024xi32> to vector<1024xi32>
    %broadcast_in_dim3A_42 = vector.shape_cast %reduce_min3A_41 : vector<1024xi32> to vector<1024x1xi32>
    %squeeze3A_43 = vector.shape_cast %broadcast_in_dim3A_42 : vector<1024x1xi32> to vector<1024xi32>
    %mul3A_44 = arith.constant 1024 : i32
    %mul3A_45 = arith.muli %arg0, %mul3A_44 : i32
    %add3A_46 = vector.broadcast %mul3A_45 : i32 to vector<1024xi32>
    %add3A_47 = arith.addi %squeeze3A_43, %add3A_46 : vector<1024xi32>
    %swap3A_48 = arith.constant 0 : index
    %swap3A_49 = arith.constant 0 : index
    %swap3A_50 = arith.constant 1 : index
    %swap3A_51 = vector.load %arg2[%swap3A_48, %swap3A_49, %swap3A_50] : memref<1x1024x20xi32, #tpu.memory_space<vmem>>, vector<1x1024x1xi32>
    %swap3A_52 = vector.shape_cast %swap3A_51 : vector<1x1024x1xi32> to vector<1024xi32>
    %swap3A_53 = vector.shape_cast %add3A_47 : vector<1024xi32> to vector<1x1024x1xi32>
    tpu.vector_store %arg2[%swap3A_48, %swap3A_49, %swap3A_50], %swap3A_53 {strides = array<i32>} : memref<1x1024x20xi32, #tpu.memory_space<vmem>>, vector<1x1024x1xi32>,
    %eq3A_54 = vector.broadcast %broadcast_in_dim3A_42 : vector<1024x1xi32> to vector<1024x1024xi32>
    %eq3A_55 = arith.cmpi eq, %iota3A, %eq3A_54 : vector<1024x1024xi32>
    %jit3A_56 = arith.constant 0xFF800000 : f32
    %broadcast_in_dim3A_57 = vector.broadcast %jit3A_56 : f32 to vector<1024x1024xf32>
    %select_n3A_58 = arith.select %eq3A_55, %broadcast_in_dim3A_57, %select_n3A_31 : vector<1024x1024xi1>, vector<1024x1024xf32>
    %reduce_max3A_59 = arith.constant dense<0xFF800000> : vector<1024xf32>
    %reduce_max3A_60 = vector.multi_reduction <maximumf>, %select_n3A_58, %reduce_max3A_59 [1] : vector<1024x1024xf32> to vector<1024xf32>
    %broadcast_in_dim3A_61 = vector.shape_cast %reduce_max3A_60 : vector<1024xf32> to vector<1024x1xf32>
    %eq3A_62 = vector.broadcast %broadcast_in_dim3A_61 : vector<1024x1xf32> to vector<1024x1024xf32>
    %eq3A_63 = arith.cmpf oeq, %select_n3A_58, %eq3A_62 : vector<1024x1024xf32>
    %jit3A_64 = arith.constant 1024 : i32
    %broadcast_in_dim3A_65 = vector.broadcast %jit3A_64 : i32 to vector<1024x1024xi32>
    %select_n3A_66 = arith.select %eq3A_63, %iota3A, %broadcast_in_dim3A_65 : vector<1024x1024xi1>, vector<1024x1024xi32>
    %reduce_min3A_67 = arith.constant dense<2147483647> : vector<1024xi32>
    %reduce_min3A_68 = vector.multi_reduction <minsi>, %select_n3A_66, %reduce_min3A_67 [1] : vector<1024x1024xi32> to vector<1024xi32>
    %broadcast_in_dim3A_69 = vector.shape_cast %reduce_min3A_68 : vector<1024xi32> to vector<1024x1xi32>
    %squeeze3A_70 = vector.shape_cast %broadcast_in_dim3A_69 : vector<1024x1xi32> to vector<1024xi32>
    %mul3A_71 = arith.constant 1024 : i32
    %mul3A_72 = arith.muli %arg0, %mul3A_71 : i32
    %add3A_73 = vector.broadcast %mul3A_72 : i32 to vector<1024xi32>
    %add3A_74 = arith.addi %squeeze3A_70, %add3A_73 : vector<1024xi32>
    %swap3A_75 = arith.constant 0 : index
    %swap3A_76 = arith.constant 0 : index
    %swap3A_77 = arith.constant 2 : index
    %swap3A_78 = vector.load %arg2[%swap3A_75, %swap3A_76, %swap3A_77] : memref<1x1024x20xi32, #tpu.memory_space<vmem>>, vector<1x1024x1xi32>
    %swap3A_79 = vector.shape_cast %swap3A_78 : vector<1x1024x1xi32> to vector<1024xi32>
    %swap3A_80 = vector.shape_cast %add3A_74 : vector<1024xi32> to vector<1x1024x1xi32>
    tpu.vector_store %arg2[%swap3A_75, %swap3A_76, %swap3A_77], %swap3A_80 {strides = array<i32>} : memref<1x1024x20xi32, #tpu.memory_space<vmem>>, vector<1x1024x1xi32>,
    %eq3A_81 = vector.broadcast %broadcast_in_dim3A_69 : vector<1024x1xi32> to vector<1024x1024xi32>
    %eq3A_82 = arith.cmpi eq, %iota3A, %eq3A_81 : vector<1024x1024xi32>
    %jit3A_83 = arith.constant 0xFF800000 : f32
    %broadcast_in_dim3A_84 = vector.broadcast %jit3A_83 : f32 to vector<1024x1024xf32>
    %select_n3A_85 = arith.select %eq3A_82, %broadcast_in_dim3A_84, %select_n3A_58 : vector<1024x1024xi1>, vector<1024x1024xf32>
    %reduce_max3A_86 = arith.constant dense<0xFF800000> : vector<1024xf32>
    %reduce_max3A_87 = vector.multi_reduction <maximumf>, %select_n3A_85, %reduce_max3A_86 [1] : vector<1024x1024xf32> to vector<1024xf32>
    %broadcast_in_dim3A_88 = vector.shape_cast %reduce_max3A_87 : vector<1024xf32> to vector<1024x1xf32>
    %eq3A_89 = vector.broadcast %broadcast_in_dim3A_88 : vector<1024x1xf32> to vector<1024x1024xf32>
    %eq3A_90 = arith.cmpf oeq, %select_n3A_85, %eq3A_89 : vector<1024x1024xf32>
    %jit3A_91 = arith.constant 1024 : i32
    %broadcast_in_dim3A_92 = vector.broadcast %jit3A_91 : i32 to vector<1024x1024xi32>
    %select_n3A_93 = arith.select %eq3A_90, %iota3A, %broadcast_in_dim3A_92 : vector<1024x1024xi1>, vector<1024x1024xi32>
    %reduce_min3A_94 = arith.constant dense<2147483647> : vector<1024xi32>
    %reduce_min3A_95 = vector.multi_reduction <minsi>, %select_n3A_93, %reduce_min3A_94 [1] : vector<1024x1024xi32> to vector<1024xi32>
    %broadcast_in_dim3A_96 = vector.shape_cast %reduce_min3A_95 : vector<1024xi32> to vector<1024x1xi32>
    %squeeze3A_97 = vector.shape_cast %broadcast_in_dim3A_96 : vector<1024x1xi32> to vector<1024xi32>
    %mul3A_98 = arith.constant 1024 : i32
    %mul3A_99 = arith.muli %arg0, %mul3A_98 : i32
    %add3A_100 = vector.broadcast %mul3A_99 : i32 to vector<1024xi32>
    %add3A_101 = arith.addi %squeeze3A_97, %add3A_100 : vector<1024xi32>
    %swap3A_102 = arith.constant 0 : index
    %swap3A_103 = arith.constant 0 : index
    %swap3A_104 = arith.constant 3 : index
    %swap3A_105 = vector.load %arg2[%swap3A_102, %swap3A_103, %swap3A_104] : memref<1x1024x20xi32, #tpu.memory_space<vmem>>, vector<1x1024x1xi32>
    %swap3A_106 = vector.shape_cast %swap3A_105 : vector<1x1024x1xi32> to vector<1024xi32>
    %swap3A_107 = vector.shape_cast %add3A_101 : vector<1024xi32> to vector<1x1024x1xi32>
    tpu.vector_store %arg2[%swap3A_102, %swap3A_103, %swap3A_104], %swap3A_107 {strides = array<i32>} : memref<1x1024x20xi32, #tpu.memory_space<vmem>>, vector<1x1024x1xi32>,
    %eq3A_108 = vector.broadcast %broadcast_in_dim3A_96 : vector<1024x1xi32> to vector<1024x1024xi32>
    %eq3A_109 = arith.cmpi eq, %iota3A, %eq3A_108 : vector<1024x1024xi32>
    %jit3A_110 = arith.constant 0xFF800000 : f32
    %broadcast_in_dim3A_111 = vector.broadcast %jit3A_110 : f32 to vector<1024x1024xf32>
    %select_n3A_112 = arith.select %eq3A_109, %broadcast_in_dim3A_111, %select_n3A_85 : vector<1024x1024xi1>, vector<1024x1024xf32>
    %reduce_max3A_113 = arith.constant dense<0xFF800000> : vector<1024xf32>
    %reduce_max3A_114 = vector.multi_reduction <maximumf>, %select_n3A_112, %reduce_max3A_113 [1] : vector<1024x1024xf32> to vector<1024xf32>
    %broadcast_in_dim3A_115 = vector.shape_cast %reduce_max3A_114 : vector<1024xf32> to vector<1024x1xf32>
    %eq3A_116 = vector.broadcast %broadcast_in_dim3A_115 : vector<1024x1xf32> to vector<1024x1024xf32>
    %eq3A_117 = arith.cmpf oeq, %select_n3A_112, %eq3A_116 : vector<1024x1024xf32>
    %jit3A_118 = arith.constant 1024 : i32
    %broadcast_in_dim3A_119 = vector.broadcast %jit3A_118 : i32 to vector<1024x1024xi32>
    %select_n3A_120 = arith.select %eq3A_117, %iota3A, %broadcast_in_dim3A_119 : vector<1024x1024xi1>, vector<1024x1024xi32>
    %reduce_min3A_121 = arith.constant dense<2147483647> : vector<1024xi32>
    %reduce_min3A_122 = vector.multi_reduction <minsi>, %select_n3A_120, %reduce_min3A_121 [1] : vector<1024x1024xi32> to vector<1024xi32>
    %broadcast_in_dim3A_123 = vector.shape_cast %reduce_min3A_122 : vector<1024xi32> to vector<1024x1xi32>
    %squeeze3A_124 = vector.shape_cast %broadcast_in_dim3A_123 : vector<1024x1xi32> to vector<1024xi32>
    %mul3A_125 = arith.constant 1024 : i32
    %mul3A_126 = arith.muli %arg0, %mul3A_125 : i32
    %add3A_127 = vector.broadcast %mul3A_126 : i32 to vector<1024xi32>
    %add3A_128 = arith.addi %squeeze3A_124, %add3A_127 : vector<1024xi32>
    %swap3A_129 = arith.constant 0 : index
    %swap3A_130 = arith.constant 0 : index
    %swap3A_131 = arith.constant 4 : index
    %swap3A_132 = vector.load %arg2[%swap3A_129, %swap3A_130, %swap3A_131] : memref<1x1024x20xi32, #tpu.memory_space<vmem>>, vector<1x1024x1xi32>
    %swap3A_133 = vector.shape_cast %swap3A_132 : vector<1x1024x1xi32> to vector<1024xi32>
    %swap3A_134 = vector.shape_cast %add3A_128 : vector<1024xi32> to vector<1x1024x1xi32>
    tpu.vector_store %arg2[%swap3A_129, %swap3A_130, %swap3A_131], %swap3A_134 {strides = array<i32>} : memref<1x1024x20xi32, #tpu.memory_space<vmem>>, vector<1x1024x1xi32>,
    %eq3A_135 = vector.broadcast %broadcast_in_dim3A_123 : vector<1024x1xi32> to vector<1024x1024xi32>
    %eq3A_136 = arith.cmpi eq, %iota3A, %eq3A_135 : vector<1024x1024xi32>
    %jit3A_137 = arith.constant 0xFF800000 : f32
    %broadcast_in_dim3A_138 = vector.broadcast %jit3A_137 : f32 to vector<1024x1024xf32>
    %select_n3A_139 = arith.select %eq3A_136, %broadcast_in_dim3A_138, %select_n3A_112 : vector<1024x1024xi1>, vector<1024x1024xf32>
    %reduce_max3A_140 = arith.constant dense<0xFF800000> : vector<1024xf32>
    %reduce_max3A_141 = vector.multi_reduction <maximumf>, %select_n3A_139, %reduce_max3A_140 [1] : vector<1024x1024xf32> to vector<1024xf32>
    %broadcast_in_dim3A_142 = vector.shape_cast %reduce_max3A_141 : vector<1024xf32> to vector<1024x1xf32>
    %eq3A_143 = vector.broadcast %broadcast_in_dim3A_142 : vector<1024x1xf32> to vector<1024x1024xf32>
    %eq3A_144 = arith.cmpf oeq, %select_n3A_139, %eq3A_143 : vector<1024x1024xf32>
    %jit3A_145 = arith.constant 1024 : i32
    %broadcast_in_dim3A_146 = vector.broadcast %jit3A_145 : i32 to vector<1024x1024xi32>
    %select_n3A_147 = arith.select %eq3A_144, %iota3A, %broadcast_in_dim3A_146 : vector<1024x1024xi1>, vector<1024x1024xi32>
    %reduce_min3A_148 = arith.constant dense<2147483647> : vector<1024xi32>
    %reduce_min3A_149 = vector.multi_reduction <minsi>, %select_n3A_147, %reduce_min3A_148 [1] : vector<1024x1024xi32> to vector<1024xi32>
    %broadcast_in_dim3A_150 = vector.shape_cast %reduce_min3A_149 : vector<1024xi32> to vector<1024x1xi32>
    %squeeze3A_151 = vector.shape_cast %broadcast_in_dim3A_150 : vector<1024x1xi32> to vector<1024xi32>
    %mul3A_152 = arith.constant 1024 : i32
    %mul3A_153 = arith.muli %arg0, %mul3A_152 : i32
    %add3A_154 = vector.broadcast %mul3A_153 : i32 to vector<1024xi32>
    %add3A_155 = arith.addi %squeeze3A_151, %add3A_154 : vector<1024xi32>
    %swap3A_156 = arith.constant 0 : index
    %swap3A_157 = arith.constant 0 : index
    %swap3A_158 = arith.constant 5 : index
    %swap3A_159 = vector.load %arg2[%swap3A_156, %swap3A_157, %swap3A_158] : memref<1x1024x20xi32, #tpu.memory_space<vmem>>, vector<1x1024x1xi32>
    %swap3A_160 = vector.shape_cast %swap3A_159 : vector<1x1024x1xi32> to vector<1024xi32>
    %swap3A_161 = vector.shape_cast %add3A_155 : vector<1024xi32> to vector<1x1024x1xi32>
    tpu.vector_store %arg2[%swap3A_156, %swap3A_157, %swap3A_158], %swap3A_161 {strides = array<i32>} : memref<1x1024x20xi32, #tpu.memory_space<vmem>>, vector<1x1024x1xi32>,
    %eq3A_162 = vector.broadcast %broadcast_in_dim3A_150 : vector<1024x1xi32> to vector<1024x1024xi32>
    %eq3A_163 = arith.cmpi eq, %iota3A, %eq3A_162 : vector<1024x1024xi32>
    %jit3A_164 = arith.constant 0xFF800000 : f32
    %broadcast_in_dim3A_165 = vector.broadcast %jit3A_164 : f32 to vector<1024x1024xf32>
    %select_n3A_166 = arith.select %eq3A_163, %broadcast_in_dim3A_165, %select_n3A_139 : vector<1024x1024xi1>, vector<1024x1024xf32>
    %reduce_max3A_167 = arith.constant dense<0xFF800000> : vector<1024xf32>
    %reduce_max3A_168 = vector.multi_reduction <maximumf>, %select_n3A_166, %reduce_max3A_167 [1] : vector<1024x1024xf32> to vector<1024xf32>
    %broadcast_in_dim3A_169 = vector.shape_cast %reduce_max3A_168 : vector<1024xf32> to vector<1024x1xf32>
    %eq3A_170 = vector.broadcast %broadcast_in_dim3A_169 : vector<1024x1xf32> to vector<1024x1024xf32>
    %eq3A_171 = arith.cmpf oeq, %select_n3A_166, %eq3A_170 : vector<1024x1024xf32>
    %jit3A_172 = arith.constant 1024 : i32
    %broadcast_in_dim3A_173 = vector.broadcast %jit3A_172 : i32 to vector<1024x1024xi32>
    %select_n3A_174 = arith.select %eq3A_171, %iota3A, %broadcast_in_dim3A_173 : vector<1024x1024xi1>, vector<1024x1024xi32>
    %reduce_min3A_175 = arith.constant dense<2147483647> : vector<1024xi32>
    %reduce_min3A_176 = vector.multi_reduction <minsi>, %select_n3A_174, %reduce_min3A_175 [1] : vector<1024x1024xi32> to vector<1024xi32>
    %broadcast_in_dim3A_177 = vector.shape_cast %reduce_min3A_176 : vector<1024xi32> to vector<1024x1xi32>
    %squeeze3A_178 = vector.shape_cast %broadcast_in_dim3A_177 : vector<1024x1xi32> to vector<1024xi32>
    %mul3A_179 = arith.constant 1024 : i32
    %mul3A_180 = arith.muli %arg0, %mul3A_179 : i32
    %add3A_181 = vector.broadcast %mul3A_180 : i32 to vector<1024xi32>
    %add3A_182 = arith.addi %squeeze3A_178, %add3A_181 : vector<1024xi32>
    %swap3A_183 = arith.constant 0 : index
    %swap3A_184 = arith.constant 0 : index
    %swap3A_185 = arith.constant 6 : index
    %swap3A_186 = vector.load %arg2[%swap3A_183, %swap3A_184, %swap3A_185] : memref<1x1024x20xi32, #tpu.memory_space<vmem>>, vector<1x1024x1xi32>
    %swap3A_187 = vector.shape_cast %swap3A_186 : vector<1x1024x1xi32> to vector<1024xi32>
    %swap3A_188 = vector.shape_cast %add3A_182 : vector<1024xi32> to vector<1x1024x1xi32>
    tpu.vector_store %arg2[%swap3A_183, %swap3A_184, %swap3A_185], %swap3A_188 {strides = array<i32>} : memref<1x1024x20xi32, #tpu.memory_space<vmem>>, vector<1x1024x1xi32>,
    %eq3A_189 = vector.broadcast %broadcast_in_dim3A_177 : vector<1024x1xi32> to vector<1024x1024xi32>
    %eq3A_190 = arith.cmpi eq, %iota3A, %eq3A_189 : vector<1024x1024xi32>
    %jit3A_191 = arith.constant 0xFF800000 : f32
    %broadcast_in_dim3A_192 = vector.broadcast %jit3A_191 : f32 to vector<1024x1024xf32>
    %select_n3A_193 = arith.select %eq3A_190, %broadcast_in_dim3A_192, %select_n3A_166 : vector<1024x1024xi1>, vector<1024x1024xf32>
    %reduce_max3A_194 = arith.constant dense<0xFF800000> : vector<1024xf32>
    %reduce_max3A_195 = vector.multi_reduction <maximumf>, %select_n3A_193, %reduce_max3A_194 [1] : vector<1024x1024xf32> to vector<1024xf32>
    %broadcast_in_dim3A_196 = vector.shape_cast %reduce_max3A_195 : vector<1024xf32> to vector<1024x1xf32>
    %eq3A_197 = vector.broadcast %broadcast_in_dim3A_196 : vector<1024x1xf32> to vector<1024x1024xf32>
    %eq3A_198 = arith.cmpf oeq, %select_n3A_193, %eq3A_197 : vector<1024x1024xf32>
    %jit3A_199 = arith.constant 1024 : i32
    %broadcast_in_dim3A_200 = vector.broadcast %jit3A_199 : i32 to vector<1024x1024xi32>
    %select_n3A_201 = arith.select %eq3A_198, %iota3A, %broadcast_in_dim3A_200 : vector<1024x1024xi1>, vector<1024x1024xi32>
    %reduce_min3A_202 = arith.constant dense<2147483647> : vector<1024xi32>
    %reduce_min3A_203 = vector.multi_reduction <minsi>, %select_n3A_201, %reduce_min3A_202 [1] : vector<1024x1024xi32> to vector<1024xi32>
    %broadcast_in_dim3A_204 = vector.shape_cast %reduce_min3A_203 : vector<1024xi32> to vector<1024x1xi32>
    %squeeze3A_205 = vector.shape_cast %broadcast_in_dim3A_204 : vector<1024x1xi32> to vector<1024xi32>
    %mul3A_206 = arith.constant 1024 : i32
    %mul3A_207 = arith.muli %arg0, %mul3A_206 : i32
    %add3A_208 = vector.broadcast %mul3A_207 : i32 to vector<1024xi32>
    %add3A_209 = arith.addi %squeeze3A_205, %add3A_208 : vector<1024xi32>
    %swap3A_210 = arith.constant 0 : index
    %swap3A_211 = arith.constant 0 : index
    %swap3A_212 = arith.constant 7 : index
    %swap3A_213 = vector.load %arg2[%swap3A_210, %swap3A_211, %swap3A_212] : memref<1x1024x20xi32, #tpu.memory_space<vmem>>, vector<1x1024x1xi32>
    %swap3A_214 = vector.shape_cast %swap3A_213 : vector<1x1024x1xi32> to vector<1024xi32>
    %swap3A_215 = vector.shape_cast %add3A_209 : vector<1024xi32> to vector<1x1024x1xi32>
    tpu.vector_store %arg2[%swap3A_210, %swap3A_211, %swap3A_212], %swap3A_215 {strides = array<i32>} : memref<1x1024x20xi32, #tpu.memory_space<vmem>>, vector<1x1024x1xi32>,
    %eq3A_216 = vector.broadcast %broadcast_in_dim3A_204 : vector<1024x1xi32> to vector<1024x1024xi32>
    %eq3A_217 = arith.cmpi eq, %iota3A, %eq3A_216 : vector<1024x1024xi32>
    %jit3A_218 = arith.constant 0xFF800000 : f32
    %broadcast_in_dim3A_219 = vector.broadcast %jit3A_218 : f32 to vector<1024x1024xf32>
    %select_n3A_220 = arith.select %eq3A_217, %broadcast_in_dim3A_219, %select_n3A_193 : vector<1024x1024xi1>, vector<1024x1024xf32>
    %reduce_max3A_221 = arith.constant dense<0xFF800000> : vector<1024xf32>
    %reduce_max3A_222 = vector.multi_reduction <maximumf>, %select_n3A_220, %reduce_max3A_221 [1] : vector<1024x1024xf32> to vector<1024xf32>
    %broadcast_in_dim3A_223 = vector.shape_cast %reduce_max3A_222 : vector<1024xf32> to vector<1024x1xf32>
    %eq3A_224 = vector.broadcast %broadcast_in_dim3A_223 : vector<1024x1xf32> to vector<1024x1024xf32>
    %eq3A_225 = arith.cmpf oeq, %select_n3A_220, %eq3A_224 : vector<1024x1024xf32>
    %jit3A_226 = arith.constant 1024 : i32
    %broadcast_in_dim3A_227 = vector.broadcast %jit3A_226 : i32 to vector<1024x1024xi32>
    %select_n3A_228 = arith.select %eq3A_225, %iota3A, %broadcast_in_dim3A_227 : vector<1024x1024xi1>, vector<1024x1024xi32>
    %reduce_min3A_229 = arith.constant dense<2147483647> : vector<1024xi32>
    %reduce_min3A_230 = vector.multi_reduction <minsi>, %select_n3A_228, %reduce_min3A_229 [1] : vector<1024x1024xi32> to vector<1024xi32>
    %broadcast_in_dim3A_231 = vector.shape_cast %reduce_min3A_230 : vector<1024xi32> to vector<1024x1xi32>
    %squeeze3A_232 = vector.shape_cast %broadcast_in_dim3A_231 : vector<1024x1xi32> to vector<1024xi32>
    %mul3A_233 = arith.constant 1024 : i32
    %mul3A_234 = arith.muli %arg0, %mul3A_233 : i32
    %add3A_235 = vector.broadcast %mul3A_234 : i32 to vector<1024xi32>
    %add3A_236 = arith.addi %squeeze3A_232, %add3A_235 : vector<1024xi32>
    %swap3A_237 = arith.constant 0 : index
    %swap3A_238 = arith.constant 0 : index
    %swap3A_239 = arith.constant 8 : index
    %swap3A_240 = vector.load %arg2[%swap3A_237, %swap3A_238, %swap3A_239] : memref<1x1024x20xi32, #tpu.memory_space<vmem>>, vector<1x1024x1xi32>
    %swap3A_241 = vector.shape_cast %swap3A_240 : vector<1x1024x1xi32> to vector<1024xi32>
    %swap3A_242 = vector.shape_cast %add3A_236 : vector<1024xi32> to vector<1x1024x1xi32>
    tpu.vector_store %arg2[%swap3A_237, %swap3A_238, %swap3A_239], %swap3A_242 {strides = array<i32>} : memref<1x1024x20xi32, #tpu.memory_space<vmem>>, vector<1x1024x1xi32>,
    %eq3A_243 = vector.broadcast %broadcast_in_dim3A_231 : vector<1024x1xi32> to vector<1024x1024xi32>
    %eq3A_244 = arith.cmpi eq, %iota3A, %eq3A_243 : vector<1024x1024xi32>
    %jit3A_245 = arith.constant 0xFF800000 : f32
    %broadcast_in_dim3A_246 = vector.broadcast %jit3A_245 : f32 to vector<1024x1024xf32>
    %select_n3A_247 = arith.select %eq3A_244, %broadcast_in_dim3A_246, %select_n3A_220 : vector<1024x1024xi1>, vector<1024x1024xf32>
    %reduce_max3A_248 = arith.constant dense<0xFF800000> : vector<1024xf32>
    %reduce_max3A_249 = vector.multi_reduction <maximumf>, %select_n3A_247, %reduce_max3A_248 [1] : vector<1024x1024xf32> to vector<1024xf32>
    %broadcast_in_dim3A_250 = vector.shape_cast %reduce_max3A_249 : vector<1024xf32> to vector<1024x1xf32>
    %eq3A_251 = vector.broadcast %broadcast_in_dim3A_250 : vector<1024x1xf32> to vector<1024x1024xf32>
    %eq3A_252 = arith.cmpf oeq, %select_n3A_247, %eq3A_251 : vector<1024x1024xf32>
    %jit3A_253 = arith.constant 1024 : i32
    %broadcast_in_dim3A_254 = vector.broadcast %jit3A_253 : i32 to vector<1024x1024xi32>
    %select_n3A_255 = arith.select %eq3A_252, %iota3A, %broadcast_in_dim3A_254 : vector<1024x1024xi1>, vector<1024x1024xi32>
    %reduce_min3A_256 = arith.constant dense<2147483647> : vector<1024xi32>
    %reduce_min3A_257 = vector.multi_reduction <minsi>, %select_n3A_255, %reduce_min3A_256 [1] : vector<1024x1024xi32> to vector<1024xi32>
    %broadcast_in_dim3A_258 = vector.shape_cast %reduce_min3A_257 : vector<1024xi32> to vector<1024x1xi32>
    %squeeze3A_259 = vector.shape_cast %broadcast_in_dim3A_258 : vector<1024x1xi32> to vector<1024xi32>
    %mul3A_260 = arith.constant 1024 : i32
    %mul3A_261 = arith.muli %arg0, %mul3A_260 : i32
    %add3A_262 = vector.broadcast %mul3A_261 : i32 to vector<1024xi32>
    %add3A_263 = arith.addi %squeeze3A_259, %add3A_262 : vector<1024xi32>
    %swap3A_264 = arith.constant 0 : index
    %swap3A_265 = arith.constant 0 : index
    %swap3A_266 = arith.constant 9 : index
    %swap3A_267 = vector.load %arg2[%swap3A_264, %swap3A_265, %swap3A_266] : memref<1x1024x20xi32, #tpu.memory_space<vmem>>, vector<1x1024x1xi32>
    %swap3A_268 = vector.shape_cast %swap3A_267 : vector<1x1024x1xi32> to vector<1024xi32>
    %swap3A_269 = vector.shape_cast %add3A_263 : vector<1024xi32> to vector<1x1024x1xi32>
    tpu.vector_store %arg2[%swap3A_264, %swap3A_265, %swap3A_266], %swap3A_269 {strides = array<i32>} : memref<1x1024x20xi32, #tpu.memory_space<vmem>>, vector<1x1024x1xi32>,
    %eq3A_270 = vector.broadcast %broadcast_in_dim3A_258 : vector<1024x1xi32> to vector<1024x1024xi32>
    %eq3A_271 = arith.cmpi eq, %iota3A, %eq3A_270 : vector<1024x1024xi32>
    %jit3A_272 = arith.constant 0xFF800000 : f32
    %broadcast_in_dim3A_273 = vector.broadcast %jit3A_272 : f32 to vector<1024x1024xf32>
    %select_n3A_274 = arith.select %eq3A_271, %broadcast_in_dim3A_273, %select_n3A_247 : vector<1024x1024xi1>, vector<1024x1024xf32>
    %reduce_max3A_275 = arith.constant dense<0xFF800000> : vector<1024xf32>
    %reduce_max3A_276 = vector.multi_reduction <maximumf>, %select_n3A_274, %reduce_max3A_275 [1] : vector<1024x1024xf32> to vector<1024xf32>
    %broadcast_in_dim3A_277 = vector.shape_cast %reduce_max3A_276 : vector<1024xf32> to vector<1024x1xf32>
    %eq3A_278 = vector.broadcast %broadcast_in_dim3A_277 : vector<1024x1xf32> to vector<1024x1024xf32>
    %eq3A_279 = arith.cmpf oeq, %select_n3A_274, %eq3A_278 : vector<1024x1024xf32>
    %jit3A_280 = arith.constant 1024 : i32
    %broadcast_in_dim3A_281 = vector.broadcast %jit3A_280 : i32 to vector<1024x1024xi32>
    %select_n3A_282 = arith.select %eq3A_279, %iota3A, %broadcast_in_dim3A_281 : vector<1024x1024xi1>, vector<1024x1024xi32>
    %reduce_min3A_283 = arith.constant dense<2147483647> : vector<1024xi32>
    %reduce_min3A_284 = vector.multi_reduction <minsi>, %select_n3A_282, %reduce_min3A_283 [1] : vector<1024x1024xi32> to vector<1024xi32>
    %broadcast_in_dim3A_285 = vector.shape_cast %reduce_min3A_284 : vector<1024xi32> to vector<1024x1xi32>
    %squeeze3A_286 = vector.shape_cast %broadcast_in_dim3A_285 : vector<1024x1xi32> to vector<1024xi32>
    %mul3A_287 = arith.constant 1024 : i32
    %mul3A_288 = arith.muli %arg0, %mul3A_287 : i32
    %add3A_289 = vector.broadcast %mul3A_288 : i32 to vector<1024xi32>
    %add3A_290 = arith.addi %squeeze3A_286, %add3A_289 : vector<1024xi32>
    %swap3A_291 = arith.constant 0 : index
    %swap3A_292 = arith.constant 0 : index
    %swap3A_293 = arith.constant 10 : index
    %swap3A_294 = vector.load %arg2[%swap3A_291, %swap3A_292, %swap3A_293] : memref<1x1024x20xi32, #tpu.memory_space<vmem>>, vector<1x1024x1xi32>
    %swap3A_295 = vector.shape_cast %swap3A_294 : vector<1x1024x1xi32> to vector<1024xi32>
    %swap3A_296 = vector.shape_cast %add3A_290 : vector<1024xi32> to vector<1x1024x1xi32>
    tpu.vector_store %arg2[%swap3A_291, %swap3A_292, %swap3A_293], %swap3A_296 {strides = array<i32>} : memref<1x1024x20xi32, #tpu.memory_space<vmem>>, vector<1x1024x1xi32>,
    %eq3A_297 = vector.broadcast %broadcast_in_dim3A_285 : vector<1024x1xi32> to vector<1024x1024xi32>
    %eq3A_298 = arith.cmpi eq, %iota3A, %eq3A_297 : vector<1024x1024xi32>
    %jit3A_299 = arith.constant 0xFF800000 : f32
    %broadcast_in_dim3A_300 = vector.broadcast %jit3A_299 : f32 to vector<1024x1024xf32>
    %select_n3A_301 = arith.select %eq3A_298, %broadcast_in_dim3A_300, %select_n3A_274 : vector<1024x1024xi1>, vector<1024x1024xf32>
    %reduce_max3A_302 = arith.constant dense<0xFF800000> : vector<1024xf32>
    %reduce_max3A_303 = vector.multi_reduction <maximumf>, %select_n3A_301, %reduce_max3A_302 [1] : vector<1024x1024xf32> to vector<1024xf32>
    %broadcast_in_dim3A_304 = vector.shape_cast %reduce_max3A_303 : vector<1024xf32> to vector<1024x1xf32>
    %eq3A_305 = vector.broadcast %broadcast_in_dim3A_304 : vector<1024x1xf32> to vector<1024x1024xf32>
    %eq3A_306 = arith.cmpf oeq, %select_n3A_301, %eq3A_305 : vector<1024x1024xf32>
    %jit3A_307 = arith.constant 1024 : i32
    %broadcast_in_dim3A_308 = vector.broadcast %jit3A_307 : i32 to vector<1024x1024xi32>
    %select_n3A_309 = arith.select %eq3A_306, %iota3A, %broadcast_in_dim3A_308 : vector<1024x1024xi1>, vector<1024x1024xi32>
    %reduce_min3A_310 = arith.constant dense<2147483647> : vector<1024xi32>
    %reduce_min3A_311 = vector.multi_reduction <minsi>, %select_n3A_309, %reduce_min3A_310 [1] : vector<1024x1024xi32> to vector<1024xi32>
    %broadcast_in_dim3A_312 = vector.shape_cast %reduce_min3A_311 : vector<1024xi32> to vector<1024x1xi32>
    %squeeze3A_313 = vector.shape_cast %broadcast_in_dim3A_312 : vector<1024x1xi32> to vector<1024xi32>
    %mul3A_314 = arith.constant 1024 : i32
    %mul3A_315 = arith.muli %arg0, %mul3A_314 : i32
    %add3A_316 = vector.broadcast %mul3A_315 : i32 to vector<1024xi32>
    %add3A_317 = arith.addi %squeeze3A_313, %add3A_316 : vector<1024xi32>
    %swap3A_318 = arith.constant 0 : index
    %swap3A_319 = arith.constant 0 : index
    %swap3A_320 = arith.constant 11 : index
    %swap3A_321 = vector.load %arg2[%swap3A_318, %swap3A_319, %swap3A_320] : memref<1x1024x20xi32, #tpu.memory_space<vmem>>, vector<1x1024x1xi32>
    %swap3A_322 = vector.shape_cast %swap3A_321 : vector<1x1024x1xi32> to vector<1024xi32>
    %swap3A_323 = vector.shape_cast %add3A_317 : vector<1024xi32> to vector<1x1024x1xi32>
    tpu.vector_store %arg2[%swap3A_318, %swap3A_319, %swap3A_320], %swap3A_323 {strides = array<i32>} : memref<1x1024x20xi32, #tpu.memory_space<vmem>>, vector<1x1024x1xi32>,
    %eq3A_324 = vector.broadcast %broadcast_in_dim3A_312 : vector<1024x1xi32> to vector<1024x1024xi32>
    %eq3A_325 = arith.cmpi eq, %iota3A, %eq3A_324 : vector<1024x1024xi32>
    %jit3A_326 = arith.constant 0xFF800000 : f32
    %broadcast_in_dim3A_327 = vector.broadcast %jit3A_326 : f32 to vector<1024x1024xf32>
    %select_n3A_328 = arith.select %eq3A_325, %broadcast_in_dim3A_327, %select_n3A_301 : vector<1024x1024xi1>, vector<1024x1024xf32>
    %reduce_max3A_329 = arith.constant dense<0xFF800000> : vector<1024xf32>
    %reduce_max3A_330 = vector.multi_reduction <maximumf>, %select_n3A_328, %reduce_max3A_329 [1] : vector<1024x1024xf32> to vector<1024xf32>
    %broadcast_in_dim3A_331 = vector.shape_cast %reduce_max3A_330 : vector<1024xf32> to vector<1024x1xf32>
    %eq3A_332 = vector.broadcast %broadcast_in_dim3A_331 : vector<1024x1xf32> to vector<1024x1024xf32>
    %eq3A_333 = arith.cmpf oeq, %select_n3A_328, %eq3A_332 : vector<1024x1024xf32>
    %jit3A_334 = arith.constant 1024 : i32
    %broadcast_in_dim3A_335 = vector.broadcast %jit3A_334 : i32 to vector<1024x1024xi32>
    %select_n3A_336 = arith.select %eq3A_333, %iota3A, %broadcast_in_dim3A_335 : vector<1024x1024xi1>, vector<1024x1024xi32>
    %reduce_min3A_337 = arith.constant dense<2147483647> : vector<1024xi32>
    %reduce_min3A_338 = vector.multi_reduction <minsi>, %select_n3A_336, %reduce_min3A_337 [1] : vector<1024x1024xi32> to vector<1024xi32>
    %broadcast_in_dim3A_339 = vector.shape_cast %reduce_min3A_338 : vector<1024xi32> to vector<1024x1xi32>
    %squeeze3A_340 = vector.shape_cast %broadcast_in_dim3A_339 : vector<1024x1xi32> to vector<1024xi32>
    %mul3A_341 = arith.constant 1024 : i32
    %mul3A_342 = arith.muli %arg0, %mul3A_341 : i32
    %add3A_343 = vector.broadcast %mul3A_342 : i32 to vector<1024xi32>
    %add3A_344 = arith.addi %squeeze3A_340, %add3A_343 : vector<1024xi32>
    %swap3A_345 = arith.constant 0 : index
    %swap3A_346 = arith.constant 0 : index
    %swap3A_347 = arith.constant 12 : index
    %swap3A_348 = vector.load %arg2[%swap3A_345, %swap3A_346, %swap3A_347] : memref<1x1024x20xi32, #tpu.memory_space<vmem>>, vector<1x1024x1xi32>
    %swap3A_349 = vector.shape_cast %swap3A_348 : vector<1x1024x1xi32> to vector<1024xi32>
    %swap3A_350 = vector.shape_cast %add3A_344 : vector<1024xi32> to vector<1x1024x1xi32>
    tpu.vector_store %arg2[%swap3A_345, %swap3A_346, %swap3A_347], %swap3A_350 {strides = array<i32>} : memref<1x1024x20xi32, #tpu.memory_space<vmem>>, vector<1x1024x1xi32>,
    %eq3A_351 = vector.broadcast %broadcast_in_dim3A_339 : vector<1024x1xi32> to vector<1024x1024xi32>
    %eq3A_352 = arith.cmpi eq, %iota3A, %eq3A_351 : vector<1024x1024xi32>
    %jit3A_353 = arith.constant 0xFF800000 : f32
    %broadcast_in_dim3A_354 = vector.broadcast %jit3A_353 : f32 to vector<1024x1024xf32>
    %select_n3A_355 = arith.select %eq3A_352, %broadcast_in_dim3A_354, %select_n3A_328 : vector<1024x1024xi1>, vector<1024x1024xf32>
    %reduce_max3A_356 = arith.constant dense<0xFF800000> : vector<1024xf32>
    %reduce_max3A_357 = vector.multi_reduction <maximumf>, %select_n3A_355, %reduce_max3A_356 [1] : vector<1024x1024xf32> to vector<1024xf32>
    %broadcast_in_dim3A_358 = vector.shape_cast %reduce_max3A_357 : vector<1024xf32> to vector<1024x1xf32>
    %eq3A_359 = vector.broadcast %broadcast_in_dim3A_358 : vector<1024x1xf32> to vector<1024x1024xf32>
    %eq3A_360 = arith.cmpf oeq, %select_n3A_355, %eq3A_359 : vector<1024x1024xf32>
    %jit3A_361 = arith.constant 1024 : i32
    %broadcast_in_dim3A_362 = vector.broadcast %jit3A_361 : i32 to vector<1024x1024xi32>
    %select_n3A_363 = arith.select %eq3A_360, %iota3A, %broadcast_in_dim3A_362 : vector<1024x1024xi1>, vector<1024x1024xi32>
    %reduce_min3A_364 = arith.constant dense<2147483647> : vector<1024xi32>
    %reduce_min3A_365 = vector.multi_reduction <minsi>, %select_n3A_363, %reduce_min3A_364 [1] : vector<1024x1024xi32> to vector<1024xi32>
    %broadcast_in_dim3A_366 = vector.shape_cast %reduce_min3A_365 : vector<1024xi32> to vector<1024x1xi32>
    %squeeze3A_367 = vector.shape_cast %broadcast_in_dim3A_366 : vector<1024x1xi32> to vector<1024xi32>
    %mul3A_368 = arith.constant 1024 : i32
    %mul3A_369 = arith.muli %arg0, %mul3A_368 : i32
    %add3A_370 = vector.broadcast %mul3A_369 : i32 to vector<1024xi32>
    %add3A_371 = arith.addi %squeeze3A_367, %add3A_370 : vector<1024xi32>
    %swap3A_372 = arith.constant 0 : index
    %swap3A_373 = arith.constant 0 : index
    %swap3A_374 = arith.constant 13 : index
    %swap3A_375 = vector.load %arg2[%swap3A_372, %swap3A_373, %swap3A_374] : memref<1x1024x20xi32, #tpu.memory_space<vmem>>, vector<1x1024x1xi32>
    %swap3A_376 = vector.shape_cast %swap3A_375 : vector<1x1024x1xi32> to vector<1024xi32>
    %swap3A_377 = vector.shape_cast %add3A_371 : vector<1024xi32> to vector<1x1024x1xi32>
    tpu.vector_store %arg2[%swap3A_372, %swap3A_373, %swap3A_374], %swap3A_377 {strides = array<i32>} : memref<1x1024x20xi32, #tpu.memory_space<vmem>>, vector<1x1024x1xi32>,
    %eq3A_378 = vector.broadcast %broadcast_in_dim3A_366 : vector<1024x1xi32> to vector<1024x1024xi32>
    %eq3A_379 = arith.cmpi eq, %iota3A, %eq3A_378 : vector<1024x1024xi32>
    %jit3A_380 = arith.constant 0xFF800000 : f32
    %broadcast_in_dim3A_381 = vector.broadcast %jit3A_380 : f32 to vector<1024x1024xf32>
    %select_n3A_382 = arith.select %eq3A_379, %broadcast_in_dim3A_381, %select_n3A_355 : vector<1024x1024xi1>, vector<1024x1024xf32>
    %reduce_max3A_383 = arith.constant dense<0xFF800000> : vector<1024xf32>
    %reduce_max3A_384 = vector.multi_reduction <maximumf>, %select_n3A_382, %reduce_max3A_383 [1] : vector<1024x1024xf32> to vector<1024xf32>
    %broadcast_in_dim3A_385 = vector.shape_cast %reduce_max3A_384 : vector<1024xf32> to vector<1024x1xf32>
    %eq3A_386 = vector.broadcast %broadcast_in_dim3A_385 : vector<1024x1xf32> to vector<1024x1024xf32>
    %eq3A_387 = arith.cmpf oeq, %select_n3A_382, %eq3A_386 : vector<1024x1024xf32>
    %jit3A_388 = arith.constant 1024 : i32
    %broadcast_in_dim3A_389 = vector.broadcast %jit3A_388 : i32 to vector<1024x1024xi32>
    %select_n3A_390 = arith.select %eq3A_387, %iota3A, %broadcast_in_dim3A_389 : vector<1024x1024xi1>, vector<1024x1024xi32>
    %reduce_min3A_391 = arith.constant dense<2147483647> : vector<1024xi32>
    %reduce_min3A_392 = vector.multi_reduction <minsi>, %select_n3A_390, %reduce_min3A_391 [1] : vector<1024x1024xi32> to vector<1024xi32>
    %broadcast_in_dim3A_393 = vector.shape_cast %reduce_min3A_392 : vector<1024xi32> to vector<1024x1xi32>
    %squeeze3A_394 = vector.shape_cast %broadcast_in_dim3A_393 : vector<1024x1xi32> to vector<1024xi32>
    %mul3A_395 = arith.constant 1024 : i32
    %mul3A_396 = arith.muli %arg0, %mul3A_395 : i32
    %add3A_397 = vector.broadcast %mul3A_396 : i32 to vector<1024xi32>
    %add3A_398 = arith.addi %squeeze3A_394, %add3A_397 : vector<1024xi32>
    %swap3A_399 = arith.constant 0 : index
    %swap3A_400 = arith.constant 0 : index
    %swap3A_401 = arith.constant 14 : index
    %swap3A_402 = vector.load %arg2[%swap3A_399, %swap3A_400, %swap3A_401] : memref<1x1024x20xi32, #tpu.memory_space<vmem>>, vector<1x1024x1xi32>
    %swap3A_403 = vector.shape_cast %swap3A_402 : vector<1x1024x1xi32> to vector<1024xi32>
    %swap3A_404 = vector.shape_cast %add3A_398 : vector<1024xi32> to vector<1x1024x1xi32>
    tpu.vector_store %arg2[%swap3A_399, %swap3A_400, %swap3A_401], %swap3A_404 {strides = array<i32>} : memref<1x1024x20xi32, #tpu.memory_space<vmem>>, vector<1x1024x1xi32>,
    %eq3A_405 = vector.broadcast %broadcast_in_dim3A_393 : vector<1024x1xi32> to vector<1024x1024xi32>
    %eq3A_406 = arith.cmpi eq, %iota3A, %eq3A_405 : vector<1024x1024xi32>
    %jit3A_407 = arith.constant 0xFF800000 : f32
    %broadcast_in_dim3A_408 = vector.broadcast %jit3A_407 : f32 to vector<1024x1024xf32>
    %select_n3A_409 = arith.select %eq3A_406, %broadcast_in_dim3A_408, %select_n3A_382 : vector<1024x1024xi1>, vector<1024x1024xf32>
    %reduce_max3A_410 = arith.constant dense<0xFF800000> : vector<1024xf32>
    %reduce_max3A_411 = vector.multi_reduction <maximumf>, %select_n3A_409, %reduce_max3A_410 [1] : vector<1024x1024xf32> to vector<1024xf32>
    %broadcast_in_dim3A_412 = vector.shape_cast %reduce_max3A_411 : vector<1024xf32> to vector<1024x1xf32>
    %eq3A_413 = vector.broadcast %broadcast_in_dim3A_412 : vector<1024x1xf32> to vector<1024x1024xf32>
    %eq3A_414 = arith.cmpf oeq, %select_n3A_409, %eq3A_413 : vector<1024x1024xf32>
    %jit3A_415 = arith.constant 1024 : i32
    %broadcast_in_dim3A_416 = vector.broadcast %jit3A_415 : i32 to vector<1024x1024xi32>
    %select_n3A_417 = arith.select %eq3A_414, %iota3A, %broadcast_in_dim3A_416 : vector<1024x1024xi1>, vector<1024x1024xi32>
    %reduce_min3A_418 = arith.constant dense<2147483647> : vector<1024xi32>
    %reduce_min3A_419 = vector.multi_reduction <minsi>, %select_n3A_417, %reduce_min3A_418 [1] : vector<1024x1024xi32> to vector<1024xi32>
    %broadcast_in_dim3A_420 = vector.shape_cast %reduce_min3A_419 : vector<1024xi32> to vector<1024x1xi32>
    %squeeze3A_421 = vector.shape_cast %broadcast_in_dim3A_420 : vector<1024x1xi32> to vector<1024xi32>
    %mul3A_422 = arith.constant 1024 : i32
    %mul3A_423 = arith.muli %arg0, %mul3A_422 : i32
    %add3A_424 = vector.broadcast %mul3A_423 : i32 to vector<1024xi32>
    %add3A_425 = arith.addi %squeeze3A_421, %add3A_424 : vector<1024xi32>
    %swap3A_426 = arith.constant 0 : index
    %swap3A_427 = arith.constant 0 : index
    %swap3A_428 = arith.constant 15 : index
    %swap3A_429 = vector.load %arg2[%swap3A_426, %swap3A_427, %swap3A_428] : memref<1x1024x20xi32, #tpu.memory_space<vmem>>, vector<1x1024x1xi32>
    %swap3A_430 = vector.shape_cast %swap3A_429 : vector<1x1024x1xi32> to vector<1024xi32>
    %swap3A_431 = vector.shape_cast %add3A_425 : vector<1024xi32> to vector<1x1024x1xi32>
    tpu.vector_store %arg2[%swap3A_426, %swap3A_427, %swap3A_428], %swap3A_431 {strides = array<i32>} : memref<1x1024x20xi32, #tpu.memory_space<vmem>>, vector<1x1024x1xi32>,
    %eq3A_432 = vector.broadcast %broadcast_in_dim3A_420 : vector<1024x1xi32> to vector<1024x1024xi32>
    %eq3A_433 = arith.cmpi eq, %iota3A, %eq3A_432 : vector<1024x1024xi32>
    %jit3A_434 = arith.constant 0xFF800000 : f32
    %broadcast_in_dim3A_435 = vector.broadcast %jit3A_434 : f32 to vector<1024x1024xf32>
    %select_n3A_436 = arith.select %eq3A_433, %broadcast_in_dim3A_435, %select_n3A_409 : vector<1024x1024xi1>, vector<1024x1024xf32>
    %reduce_max3A_437 = arith.constant dense<0xFF800000> : vector<1024xf32>
    %reduce_max3A_438 = vector.multi_reduction <maximumf>, %select_n3A_436, %reduce_max3A_437 [1] : vector<1024x1024xf32> to vector<1024xf32>
    %broadcast_in_dim3A_439 = vector.shape_cast %reduce_max3A_438 : vector<1024xf32> to vector<1024x1xf32>
    %eq3A_440 = vector.broadcast %broadcast_in_dim3A_439 : vector<1024x1xf32> to vector<1024x1024xf32>
    %eq3A_441 = arith.cmpf oeq, %select_n3A_436, %eq3A_440 : vector<1024x1024xf32>
    %jit3A_442 = arith.constant 1024 : i32
    %broadcast_in_dim3A_443 = vector.broadcast %jit3A_442 : i32 to vector<1024x1024xi32>
    %select_n3A_444 = arith.select %eq3A_441, %iota3A, %broadcast_in_dim3A_443 : vector<1024x1024xi1>, vector<1024x1024xi32>
    %reduce_min3A_445 = arith.constant dense<2147483647> : vector<1024xi32>
    %reduce_min3A_446 = vector.multi_reduction <minsi>, %select_n3A_444, %reduce_min3A_445 [1] : vector<1024x1024xi32> to vector<1024xi32>
    %broadcast_in_dim3A_447 = vector.shape_cast %reduce_min3A_446 : vector<1024xi32> to vector<1024x1xi32>
    %squeeze3A_448 = vector.shape_cast %broadcast_in_dim3A_447 : vector<1024x1xi32> to vector<1024xi32>
    %mul3A_449 = arith.constant 1024 : i32
    %mul3A_450 = arith.muli %arg0, %mul3A_449 : i32
    %add3A_451 = vector.broadcast %mul3A_450 : i32 to vector<1024xi32>
    %add3A_452 = arith.addi %squeeze3A_448, %add3A_451 : vector<1024xi32>
    %swap3A_453 = arith.constant 0 : index
    %swap3A_454 = arith.constant 0 : index
    %swap3A_455 = arith.constant 16 : index
    %swap3A_456 = vector.load %arg2[%swap3A_453, %swap3A_454, %swap3A_455] : memref<1x1024x20xi32, #tpu.memory_space<vmem>>, vector<1x1024x1xi32>
    %swap3A_457 = vector.shape_cast %swap3A_456 : vector<1x1024x1xi32> to vector<1024xi32>
    %swap3A_458 = vector.shape_cast %add3A_452 : vector<1024xi32> to vector<1x1024x1xi32>
    tpu.vector_store %arg2[%swap3A_453, %swap3A_454, %swap3A_455], %swap3A_458 {strides = array<i32>} : memref<1x1024x20xi32, #tpu.memory_space<vmem>>, vector<1x1024x1xi32>,
    %eq3A_459 = vector.broadcast %broadcast_in_dim3A_447 : vector<1024x1xi32> to vector<1024x1024xi32>
    %eq3A_460 = arith.cmpi eq, %iota3A, %eq3A_459 : vector<1024x1024xi32>
    %jit3A_461 = arith.constant 0xFF800000 : f32
    %broadcast_in_dim3A_462 = vector.broadcast %jit3A_461 : f32 to vector<1024x1024xf32>
    %select_n3A_463 = arith.select %eq3A_460, %broadcast_in_dim3A_462, %select_n3A_436 : vector<1024x1024xi1>, vector<1024x1024xf32>
    %reduce_max3A_464 = arith.constant dense<0xFF800000> : vector<1024xf32>
    %reduce_max3A_465 = vector.multi_reduction <maximumf>, %select_n3A_463, %reduce_max3A_464 [1] : vector<1024x1024xf32> to vector<1024xf32>
    %broadcast_in_dim3A_466 = vector.shape_cast %reduce_max3A_465 : vector<1024xf32> to vector<1024x1xf32>
    %eq3A_467 = vector.broadcast %broadcast_in_dim3A_466 : vector<1024x1xf32> to vector<1024x1024xf32>
    %eq3A_468 = arith.cmpf oeq, %select_n3A_463, %eq3A_467 : vector<1024x1024xf32>
    %jit3A_469 = arith.constant 1024 : i32
    %broadcast_in_dim3A_470 = vector.broadcast %jit3A_469 : i32 to vector<1024x1024xi32>
    %select_n3A_471 = arith.select %eq3A_468, %iota3A, %broadcast_in_dim3A_470 : vector<1024x1024xi1>, vector<1024x1024xi32>
    %reduce_min3A_472 = arith.constant dense<2147483647> : vector<1024xi32>
    %reduce_min3A_473 = vector.multi_reduction <minsi>, %select_n3A_471, %reduce_min3A_472 [1] : vector<1024x1024xi32> to vector<1024xi32>
    %broadcast_in_dim3A_474 = vector.shape_cast %reduce_min3A_473 : vector<1024xi32> to vector<1024x1xi32>
    %squeeze3A_475 = vector.shape_cast %broadcast_in_dim3A_474 : vector<1024x1xi32> to vector<1024xi32>
    %mul3A_476 = arith.constant 1024 : i32
    %mul3A_477 = arith.muli %arg0, %mul3A_476 : i32
    %add3A_478 = vector.broadcast %mul3A_477 : i32 to vector<1024xi32>
    %add3A_479 = arith.addi %squeeze3A_475, %add3A_478 : vector<1024xi32>
    %swap3A_480 = arith.constant 0 : index
    %swap3A_481 = arith.constant 0 : index
    %swap3A_482 = arith.constant 17 : index
    %swap3A_483 = vector.load %arg2[%swap3A_480, %swap3A_481, %swap3A_482] : memref<1x1024x20xi32, #tpu.memory_space<vmem>>, vector<1x1024x1xi32>
    %swap3A_484 = vector.shape_cast %swap3A_483 : vector<1x1024x1xi32> to vector<1024xi32>
    %swap3A_485 = vector.shape_cast %add3A_479 : vector<1024xi32> to vector<1x1024x1xi32>
    tpu.vector_store %arg2[%swap3A_480, %swap3A_481, %swap3A_482], %swap3A_485 {strides = array<i32>} : memref<1x1024x20xi32, #tpu.memory_space<vmem>>, vector<1x1024x1xi32>,
    %eq3A_486 = vector.broadcast %broadcast_in_dim3A_474 : vector<1024x1xi32> to vector<1024x1024xi32>
    %eq3A_487 = arith.cmpi eq, %iota3A, %eq3A_486 : vector<1024x1024xi32>
    %jit3A_488 = arith.constant 0xFF800000 : f32
    %broadcast_in_dim3A_489 = vector.broadcast %jit3A_488 : f32 to vector<1024x1024xf32>
    %select_n3A_490 = arith.select %eq3A_487, %broadcast_in_dim3A_489, %select_n3A_463 : vector<1024x1024xi1>, vector<1024x1024xf32>
    %reduce_max3A_491 = arith.constant dense<0xFF800000> : vector<1024xf32>
    %reduce_max3A_492 = vector.multi_reduction <maximumf>, %select_n3A_490, %reduce_max3A_491 [1] : vector<1024x1024xf32> to vector<1024xf32>
    %broadcast_in_dim3A_493 = vector.shape_cast %reduce_max3A_492 : vector<1024xf32> to vector<1024x1xf32>
    %eq3A_494 = vector.broadcast %broadcast_in_dim3A_493 : vector<1024x1xf32> to vector<1024x1024xf32>
    %eq3A_495 = arith.cmpf oeq, %select_n3A_490, %eq3A_494 : vector<1024x1024xf32>
    %jit3A_496 = arith.constant 1024 : i32
    %broadcast_in_dim3A_497 = vector.broadcast %jit3A_496 : i32 to vector<1024x1024xi32>
    %select_n3A_498 = arith.select %eq3A_495, %iota3A, %broadcast_in_dim3A_497 : vector<1024x1024xi1>, vector<1024x1024xi32>
    %reduce_min3A_499 = arith.constant dense<2147483647> : vector<1024xi32>
    %reduce_min3A_500 = vector.multi_reduction <minsi>, %select_n3A_498, %reduce_min3A_499 [1] : vector<1024x1024xi32> to vector<1024xi32>
    %broadcast_in_dim3A_501 = vector.shape_cast %reduce_min3A_500 : vector<1024xi32> to vector<1024x1xi32>
    %squeeze3A_502 = vector.shape_cast %broadcast_in_dim3A_501 : vector<1024x1xi32> to vector<1024xi32>
    %mul3A_503 = arith.constant 1024 : i32
    %mul3A_504 = arith.muli %arg0, %mul3A_503 : i32
    %add3A_505 = vector.broadcast %mul3A_504 : i32 to vector<1024xi32>
    %add3A_506 = arith.addi %squeeze3A_502, %add3A_505 : vector<1024xi32>
    %swap3A_507 = arith.constant 0 : index
    %swap3A_508 = arith.constant 0 : index
    %swap3A_509 = arith.constant 18 : index
    %swap3A_510 = vector.load %arg2[%swap3A_507, %swap3A_508, %swap3A_509] : memref<1x1024x20xi32, #tpu.memory_space<vmem>>, vector<1x1024x1xi32>
    %swap3A_511 = vector.shape_cast %swap3A_510 : vector<1x1024x1xi32> to vector<1024xi32>
    %swap3A_512 = vector.shape_cast %add3A_506 : vector<1024xi32> to vector<1x1024x1xi32>
    tpu.vector_store %arg2[%swap3A_507, %swap3A_508, %swap3A_509], %swap3A_512 {strides = array<i32>} : memref<1x1024x20xi32, #tpu.memory_space<vmem>>, vector<1x1024x1xi32>,
    %eq3A_513 = vector.broadcast %broadcast_in_dim3A_501 : vector<1024x1xi32> to vector<1024x1024xi32>
    %eq3A_514 = arith.cmpi eq, %iota3A, %eq3A_513 : vector<1024x1024xi32>
    %jit3A_515 = arith.constant 0xFF800000 : f32
    %broadcast_in_dim3A_516 = vector.broadcast %jit3A_515 : f32 to vector<1024x1024xf32>
    %select_n3A_517 = arith.select %eq3A_514, %broadcast_in_dim3A_516, %select_n3A_490 : vector<1024x1024xi1>, vector<1024x1024xf32>
    %reduce_max3A_518 = arith.constant dense<0xFF800000> : vector<1024xf32>
    %reduce_max3A_519 = vector.multi_reduction <maximumf>, %select_n3A_517, %reduce_max3A_518 [1] : vector<1024x1024xf32> to vector<1024xf32>
    %broadcast_in_dim3A_520 = vector.shape_cast %reduce_max3A_519 : vector<1024xf32> to vector<1024x1xf32>
    %eq3A_521 = vector.broadcast %broadcast_in_dim3A_520 : vector<1024x1xf32> to vector<1024x1024xf32>
    %eq3A_522 = arith.cmpf oeq, %select_n3A_517, %eq3A_521 : vector<1024x1024xf32>
    %jit3A_523 = arith.constant 1024 : i32
    %broadcast_in_dim3A_524 = vector.broadcast %jit3A_523 : i32 to vector<1024x1024xi32>
    %select_n3A_525 = arith.select %eq3A_522, %iota3A, %broadcast_in_dim3A_524 : vector<1024x1024xi1>, vector<1024x1024xi32>
    %reduce_min3A_526 = arith.constant dense<2147483647> : vector<1024xi32>
    %reduce_min3A_527 = vector.multi_reduction <minsi>, %select_n3A_525, %reduce_min3A_526 [1] : vector<1024x1024xi32> to vector<1024xi32>
    %broadcast_in_dim3A_528 = vector.shape_cast %reduce_min3A_527 : vector<1024xi32> to vector<1024x1xi32>
    %squeeze3A_529 = vector.shape_cast %broadcast_in_dim3A_528 : vector<1024x1xi32> to vector<1024xi32>
    %mul3A_530 = arith.constant 1024 : i32
    %mul3A_531 = arith.muli %arg0, %mul3A_530 : i32
    %add3A_532 = vector.broadcast %mul3A_531 : i32 to vector<1024xi32>
    %add3A_533 = arith.addi %squeeze3A_529, %add3A_532 : vector<1024xi32>
    %swap3A_534 = arith.constant 0 : index
    %swap3A_535 = arith.constant 0 : index
    %swap3A_536 = arith.constant 19 : index
    %swap3A_537 = vector.load %arg2[%swap3A_534, %swap3A_535, %swap3A_536] : memref<1x1024x20xi32, #tpu.memory_space<vmem>>, vector<1x1024x1xi32>
    %swap3A_538 = vector.shape_cast %swap3A_537 : vector<1x1024x1xi32> to vector<1024xi32>
    %swap3A_539 = vector.shape_cast %add3A_533 : vector<1024xi32> to vector<1x1024x1xi32>
    tpu.vector_store %arg2[%swap3A_534, %swap3A_535, %swap3A_536], %swap3A_539 {strides = array<i32>} : memref<1x1024x20xi32, #tpu.memory_space<vmem>>, vector<1x1024x1xi32>,
    return
  }
  func.func @transform_0(%arg0: i32) -> (i32, i32, i32) {
    %c0_i32 = arith.constant 0 : i32
    %c0_i32_0 = arith.constant 0 : i32
    %c0_i32_1 = arith.constant 0 : i32
    return %arg0, %c0_i32, %c0_i32_0 : i32, i32, i32
  }
  func.func @transform_1(%arg0: i32) -> (i32, i32, i32) {
    %c0_i32 = arith.constant 0 : i32
    %c0_i32_0 = arith.constant 0 : i32
    %c0_i32_1 = arith.constant 0 : i32
    return %arg0, %c0_i32, %c0_i32_0 : i32, i32, i32
  }
}

module attributes {stable_mosaic.version = 14 : i64} {
  func.func @_conv_faithful_body(%arg0: i32, %arg1: i32, %arg2: memref<1x512x20x32xf32, #tpu.memory_space<vmem>>, %arg3: memref<64x32xf32, #tpu.memory_space<vmem>>, %arg4: memref<1x512x20x64xf32, #tpu.memory_space<vmem>>, %arg5: memref<1x512x64xf32, #tpu.memory_space<vmem>>) attributes {dimension_semantics = [#tpu.dimension_semantics<arbitrary>, #tpu.dimension_semantics<arbitrary>], iteration_bounds = array<i64: 4, 2>, scalar_prefetch = 0 : i64, scratch_operands = 0 : i64, tpu.core_type = #tpu.core_type<tc>, window_params = [{transform_indices = @transform_0, window_bounds = array<i64: 1, 512, 20, 32>}, {pipeline_mode = #tpu.pipeline_mode<synchronous>, transform_indices = @transform_1, window_bounds = array<i64: 64, 32>}, {transform_indices = @transform_2, window_bounds = array<i64: 1, 512, 20, 64>}, {transform_indices = @transform_3, window_bounds = array<i64: 1, 512, 64>}]} {
    %get3A = arith.constant 0 : index
    %get3A_0 = arith.constant 0 : index
    %get3A_1 = arith.constant 0 : index
    %get3A_2 = arith.constant 0 : index
    %get3A_3 = vector.load %arg2[%get3A, %get3A_0, %get3A_1, %get3A_2] : memref<1x512x20x32xf32, #tpu.memory_space<vmem>>, vector<1x512x20x32xf32>
    %get3A_4 = vector.shape_cast %get3A_3 : vector<1x512x20x32xf32> to vector<512x20x32xf32>
    %reshape3A = vector.shape_cast %get3A_4 : vector<512x20x32xf32> to vector<10240x32xf32>
    %get3A_5 = arith.constant 0 : index
    %get3A_6 = arith.constant 0 : index
    %get3A_7 = vector.load %arg3[%get3A_5, %get3A_6] : memref<64x32xf32, #tpu.memory_space<vmem>>, vector<64x32xf32>
    %dot_general3A = arith.constant dense<0.000000e+00> : vector<10240x64xf32>
    %dot_general3A_8 = tpu.matmul %reshape3A, %get3A_7, %dot_general3A {dimension_numbers = #tpu.dot_dimension_numbers<[1], [1], [0], [0], [0, 0, 1, 0], [], []>, transpose_lhs_hint = false} : vector<10240x32xf32>, vector<64x32xf32>, vector<10240x64xf32> -> vector<10240x64xf32>
    %reshape3A_9 = vector.shape_cast %dot_general3A_8 : vector<10240x64xf32> to vector<512x20x64xf32>
    %swap3A = arith.constant 0 : index
    %swap3A_10 = arith.constant 0 : index
    %swap3A_11 = arith.constant 0 : index
    %swap3A_12 = arith.constant 0 : index
    %swap3A_13 = vector.load %arg4[%swap3A, %swap3A_10, %swap3A_11, %swap3A_12] : memref<1x512x20x64xf32, #tpu.memory_space<vmem>>, vector<1x512x20x64xf32>
    %swap3A_14 = vector.shape_cast %swap3A_13 : vector<1x512x20x64xf32> to vector<512x20x64xf32>
    %swap3A_15 = vector.shape_cast %reshape3A_9 : vector<512x20x64xf32> to vector<1x512x20x64xf32>
    tpu.vector_store %arg4[%swap3A, %swap3A_10, %swap3A_11, %swap3A_12], %swap3A_15 {strides = array<i32>} : memref<1x512x20x64xf32, #tpu.memory_space<vmem>>, vector<1x512x20x64xf32>,
    %slice3A = vector.extract_strided_slice %reshape3A_9 {offsets = [0, 0, 0], sizes = [512, 1, 64], strides = [1, 1, 1]} : vector<512x20x64xf32> to vector<512x1x64xf32>
    %squeeze3A = vector.shape_cast %slice3A : vector<512x1x64xf32> to vector<512x64xf32>
    %slice3A_16 = vector.extract_strided_slice %reshape3A_9 {offsets = [0, 1, 0], sizes = [512, 1, 64], strides = [1, 1, 1]} : vector<512x20x64xf32> to vector<512x1x64xf32>
    %squeeze3A_17 = vector.shape_cast %slice3A_16 : vector<512x1x64xf32> to vector<512x64xf32>
    %max3A = arith.maximumf %squeeze3A, %squeeze3A_17 : vector<512x64xf32>
    %slice3A_18 = vector.extract_strided_slice %reshape3A_9 {offsets = [0, 2, 0], sizes = [512, 1, 64], strides = [1, 1, 1]} : vector<512x20x64xf32> to vector<512x1x64xf32>
    %squeeze3A_19 = vector.shape_cast %slice3A_18 : vector<512x1x64xf32> to vector<512x64xf32>
    %max3A_20 = arith.maximumf %max3A, %squeeze3A_19 : vector<512x64xf32>
    %slice3A_21 = vector.extract_strided_slice %reshape3A_9 {offsets = [0, 3, 0], sizes = [512, 1, 64], strides = [1, 1, 1]} : vector<512x20x64xf32> to vector<512x1x64xf32>
    %squeeze3A_22 = vector.shape_cast %slice3A_21 : vector<512x1x64xf32> to vector<512x64xf32>
    %max3A_23 = arith.maximumf %max3A_20, %squeeze3A_22 : vector<512x64xf32>
    %slice3A_24 = vector.extract_strided_slice %reshape3A_9 {offsets = [0, 4, 0], sizes = [512, 1, 64], strides = [1, 1, 1]} : vector<512x20x64xf32> to vector<512x1x64xf32>
    %squeeze3A_25 = vector.shape_cast %slice3A_24 : vector<512x1x64xf32> to vector<512x64xf32>
    %max3A_26 = arith.maximumf %max3A_23, %squeeze3A_25 : vector<512x64xf32>
    %slice3A_27 = vector.extract_strided_slice %reshape3A_9 {offsets = [0, 5, 0], sizes = [512, 1, 64], strides = [1, 1, 1]} : vector<512x20x64xf32> to vector<512x1x64xf32>
    %squeeze3A_28 = vector.shape_cast %slice3A_27 : vector<512x1x64xf32> to vector<512x64xf32>
    %max3A_29 = arith.maximumf %max3A_26, %squeeze3A_28 : vector<512x64xf32>
    %slice3A_30 = vector.extract_strided_slice %reshape3A_9 {offsets = [0, 6, 0], sizes = [512, 1, 64], strides = [1, 1, 1]} : vector<512x20x64xf32> to vector<512x1x64xf32>
    %squeeze3A_31 = vector.shape_cast %slice3A_30 : vector<512x1x64xf32> to vector<512x64xf32>
    %max3A_32 = arith.maximumf %max3A_29, %squeeze3A_31 : vector<512x64xf32>
    %slice3A_33 = vector.extract_strided_slice %reshape3A_9 {offsets = [0, 7, 0], sizes = [512, 1, 64], strides = [1, 1, 1]} : vector<512x20x64xf32> to vector<512x1x64xf32>
    %squeeze3A_34 = vector.shape_cast %slice3A_33 : vector<512x1x64xf32> to vector<512x64xf32>
    %max3A_35 = arith.maximumf %max3A_32, %squeeze3A_34 : vector<512x64xf32>
    %slice3A_36 = vector.extract_strided_slice %reshape3A_9 {offsets = [0, 8, 0], sizes = [512, 1, 64], strides = [1, 1, 1]} : vector<512x20x64xf32> to vector<512x1x64xf32>
    %squeeze3A_37 = vector.shape_cast %slice3A_36 : vector<512x1x64xf32> to vector<512x64xf32>
    %max3A_38 = arith.maximumf %max3A_35, %squeeze3A_37 : vector<512x64xf32>
    %slice3A_39 = vector.extract_strided_slice %reshape3A_9 {offsets = [0, 9, 0], sizes = [512, 1, 64], strides = [1, 1, 1]} : vector<512x20x64xf32> to vector<512x1x64xf32>
    %squeeze3A_40 = vector.shape_cast %slice3A_39 : vector<512x1x64xf32> to vector<512x64xf32>
    %max3A_41 = arith.maximumf %max3A_38, %squeeze3A_40 : vector<512x64xf32>
    %slice3A_42 = vector.extract_strided_slice %reshape3A_9 {offsets = [0, 10, 0], sizes = [512, 1, 64], strides = [1, 1, 1]} : vector<512x20x64xf32> to vector<512x1x64xf32>
    %squeeze3A_43 = vector.shape_cast %slice3A_42 : vector<512x1x64xf32> to vector<512x64xf32>
    %max3A_44 = arith.maximumf %max3A_41, %squeeze3A_43 : vector<512x64xf32>
    %slice3A_45 = vector.extract_strided_slice %reshape3A_9 {offsets = [0, 11, 0], sizes = [512, 1, 64], strides = [1, 1, 1]} : vector<512x20x64xf32> to vector<512x1x64xf32>
    %squeeze3A_46 = vector.shape_cast %slice3A_45 : vector<512x1x64xf32> to vector<512x64xf32>
    %max3A_47 = arith.maximumf %max3A_44, %squeeze3A_46 : vector<512x64xf32>
    %slice3A_48 = vector.extract_strided_slice %reshape3A_9 {offsets = [0, 12, 0], sizes = [512, 1, 64], strides = [1, 1, 1]} : vector<512x20x64xf32> to vector<512x1x64xf32>
    %squeeze3A_49 = vector.shape_cast %slice3A_48 : vector<512x1x64xf32> to vector<512x64xf32>
    %max3A_50 = arith.maximumf %max3A_47, %squeeze3A_49 : vector<512x64xf32>
    %slice3A_51 = vector.extract_strided_slice %reshape3A_9 {offsets = [0, 13, 0], sizes = [512, 1, 64], strides = [1, 1, 1]} : vector<512x20x64xf32> to vector<512x1x64xf32>
    %squeeze3A_52 = vector.shape_cast %slice3A_51 : vector<512x1x64xf32> to vector<512x64xf32>
    %max3A_53 = arith.maximumf %max3A_50, %squeeze3A_52 : vector<512x64xf32>
    %slice3A_54 = vector.extract_strided_slice %reshape3A_9 {offsets = [0, 14, 0], sizes = [512, 1, 64], strides = [1, 1, 1]} : vector<512x20x64xf32> to vector<512x1x64xf32>
    %squeeze3A_55 = vector.shape_cast %slice3A_54 : vector<512x1x64xf32> to vector<512x64xf32>
    %max3A_56 = arith.maximumf %max3A_53, %squeeze3A_55 : vector<512x64xf32>
    %slice3A_57 = vector.extract_strided_slice %reshape3A_9 {offsets = [0, 15, 0], sizes = [512, 1, 64], strides = [1, 1, 1]} : vector<512x20x64xf32> to vector<512x1x64xf32>
    %squeeze3A_58 = vector.shape_cast %slice3A_57 : vector<512x1x64xf32> to vector<512x64xf32>
    %max3A_59 = arith.maximumf %max3A_56, %squeeze3A_58 : vector<512x64xf32>
    %slice3A_60 = vector.extract_strided_slice %reshape3A_9 {offsets = [0, 16, 0], sizes = [512, 1, 64], strides = [1, 1, 1]} : vector<512x20x64xf32> to vector<512x1x64xf32>
    %squeeze3A_61 = vector.shape_cast %slice3A_60 : vector<512x1x64xf32> to vector<512x64xf32>
    %max3A_62 = arith.maximumf %max3A_59, %squeeze3A_61 : vector<512x64xf32>
    %slice3A_63 = vector.extract_strided_slice %reshape3A_9 {offsets = [0, 17, 0], sizes = [512, 1, 64], strides = [1, 1, 1]} : vector<512x20x64xf32> to vector<512x1x64xf32>
    %squeeze3A_64 = vector.shape_cast %slice3A_63 : vector<512x1x64xf32> to vector<512x64xf32>
    %max3A_65 = arith.maximumf %max3A_62, %squeeze3A_64 : vector<512x64xf32>
    %slice3A_66 = vector.extract_strided_slice %reshape3A_9 {offsets = [0, 18, 0], sizes = [512, 1, 64], strides = [1, 1, 1]} : vector<512x20x64xf32> to vector<512x1x64xf32>
    %squeeze3A_67 = vector.shape_cast %slice3A_66 : vector<512x1x64xf32> to vector<512x64xf32>
    %max3A_68 = arith.maximumf %max3A_65, %squeeze3A_67 : vector<512x64xf32>
    %slice3A_69 = vector.extract_strided_slice %reshape3A_9 {offsets = [0, 19, 0], sizes = [512, 1, 64], strides = [1, 1, 1]} : vector<512x20x64xf32> to vector<512x1x64xf32>
    %squeeze3A_70 = vector.shape_cast %slice3A_69 : vector<512x1x64xf32> to vector<512x64xf32>
    %max3A_71 = arith.maximumf %max3A_68, %squeeze3A_70 : vector<512x64xf32>
    %swap3A_72 = arith.constant 0 : index
    %swap3A_73 = arith.constant 0 : index
    %swap3A_74 = arith.constant 0 : index
    %swap3A_75 = vector.load %arg5[%swap3A_72, %swap3A_73, %swap3A_74] : memref<1x512x64xf32, #tpu.memory_space<vmem>>, vector<1x512x64xf32>
    %swap3A_76 = vector.shape_cast %swap3A_75 : vector<1x512x64xf32> to vector<512x64xf32>
    %swap3A_77 = vector.shape_cast %max3A_71 : vector<512x64xf32> to vector<1x512x64xf32>
    tpu.vector_store %arg5[%swap3A_72, %swap3A_73, %swap3A_74], %swap3A_77 {strides = array<i32>} : memref<1x512x64xf32, #tpu.memory_space<vmem>>, vector<1x512x64xf32>,
    return
  }
  func.func @transform_0(%arg0: i32, %arg1: i32) -> (i32, i32, i32, i32) {
    %c0_i32 = arith.constant 0 : i32
    %c0_i32_0 = arith.constant 0 : i32
    %c0_i32_1 = arith.constant 0 : i32
    return %arg0, %arg1, %c0_i32, %c0_i32_0 : i32, i32, i32, i32
  }
  func.func @transform_1(%arg0: i32, %arg1: i32) -> (i32, i32) {
    %c0_i32 = arith.constant 0 : i32
    %c0_i32_0 = arith.constant 0 : i32
    %c0_i32_1 = arith.constant 0 : i32
    return %c0_i32, %c0_i32_0 : i32, i32
  }
  func.func @transform_2(%arg0: i32, %arg1: i32) -> (i32, i32, i32, i32) {
    %c0_i32 = arith.constant 0 : i32
    %c0_i32_0 = arith.constant 0 : i32
    %c0_i32_1 = arith.constant 0 : i32
    return %arg0, %arg1, %c0_i32, %c0_i32_0 : i32, i32, i32, i32
  }
  func.func @transform_3(%arg0: i32, %arg1: i32) -> (i32, i32, i32) {
    %c0_i32 = arith.constant 0 : i32
    %c0_i32_0 = arith.constant 0 : i32
    return %arg0, %arg1, %c0_i32 : i32, i32, i32
  }
}

module attributes {stable_mosaic.version = 14 : i64} {
  func.func @_finalize_mv_body(%arg0: i32, %arg1: memref<1x1024x64xf32, #tpu.memory_space<vmem>>, %arg2: memref<1x1x64xf32, #tpu.memory_space<vmem>>, %arg3: memref<1x1x64xf32, #tpu.memory_space<vmem>>, %arg4: memref<1x1024x64xf32, #tpu.memory_space<vmem>>) attributes {dimension_semantics = [#tpu.dimension_semantics<arbitrary>], iteration_bounds = array<i64: 4>, scalar_prefetch = 0 : i64, scratch_operands = 0 : i64, tpu.core_type = #tpu.core_type<tc>, window_params = [{transform_indices = @transform_0, window_bounds = array<i64: 1, 1024, 64>}, {transform_indices = @transform_1, window_bounds = array<i64: 1, 1, 64>}, {transform_indices = @transform_2, window_bounds = array<i64: 1, 1, 64>}, {transform_indices = @transform_3, window_bounds = array<i64: 1, 1024, 64>}]} {
    %get3A = arith.constant 0 : index
    %get3A_0 = arith.constant 0 : index
    %get3A_1 = arith.constant 0 : index
    %get3A_2 = vector.load %arg3[%get3A, %get3A_0, %get3A_1] : memref<1x1x64xf32, #tpu.memory_space<vmem>>, vector<1x1x64xf32>
    %get3A_3 = vector.shape_cast %get3A_2 : vector<1x1x64xf32> to vector<1x64xf32>
    %add3A = arith.constant 9.99999974E-6 : f32
    %add3A_4 = vector.broadcast %add3A : f32 to vector<1x64xf32>
    %add3A_5 = arith.addf %get3A_3, %add3A_4 : vector<1x64xf32>
    %sqrt3A = math.sqrt %add3A_5 : vector<1x64xf32>
    %get3A_6 = arith.constant 0 : index
    %get3A_7 = arith.constant 0 : index
    %get3A_8 = arith.constant 0 : index
    %get3A_9 = vector.load %arg1[%get3A_6, %get3A_7, %get3A_8] : memref<1x1024x64xf32, #tpu.memory_space<vmem>>, vector<1x1024x64xf32>
    %get3A_10 = vector.shape_cast %get3A_9 : vector<1x1024x64xf32> to vector<1024x64xf32>
    %get3A_11 = arith.constant 0 : index
    %get3A_12 = arith.constant 0 : index
    %get3A_13 = arith.constant 0 : index
    %get3A_14 = vector.load %arg2[%get3A_11, %get3A_12, %get3A_13] : memref<1x1x64xf32, #tpu.memory_space<vmem>>, vector<1x1x64xf32>
    %get3A_15 = vector.shape_cast %get3A_14 : vector<1x1x64xf32> to vector<1x64xf32>
    %sub3A = vector.broadcast %get3A_15 : vector<1x64xf32> to vector<1024x64xf32>
    %sub3A_16 = arith.subf %get3A_10, %sub3A : vector<1024x64xf32>
    %div3A = vector.broadcast %sqrt3A : vector<1x64xf32> to vector<1024x64xf32>
    %div3A_17 = arith.divf %sub3A_16, %div3A : vector<1024x64xf32>
    %ge3A = arith.constant 0.000000e+00 : f32
    %ge3A_18 = vector.broadcast %ge3A : f32 to vector<1024x64xf32>
    %ge3A_19 = arith.cmpf oge, %div3A_17, %ge3A_18 : vector<1024x64xf32>
    %mul3A = arith.constant 2.000000e-01 : f32
    %mul3A_20 = vector.broadcast %mul3A : f32 to vector<1024x64xf32>
    %mul3A_21 = arith.mulf %mul3A_20, %div3A_17 : vector<1024x64xf32>
    %select_n3A = arith.select %ge3A_19, %div3A_17, %mul3A_21 : vector<1024x64xi1>, vector<1024x64xf32>
    %swap3A = arith.constant 0 : index
    %swap3A_22 = arith.constant 0 : index
    %swap3A_23 = arith.constant 0 : index
    %swap3A_24 = vector.load %arg4[%swap3A, %swap3A_22, %swap3A_23] : memref<1x1024x64xf32, #tpu.memory_space<vmem>>, vector<1x1024x64xf32>
    %swap3A_25 = vector.shape_cast %swap3A_24 : vector<1x1024x64xf32> to vector<1024x64xf32>
    %swap3A_26 = vector.shape_cast %select_n3A : vector<1024x64xf32> to vector<1x1024x64xf32>
    tpu.vector_store %arg4[%swap3A, %swap3A_22, %swap3A_23], %swap3A_26 {strides = array<i32>} : memref<1x1024x64xf32, #tpu.memory_space<vmem>>, vector<1x1024x64xf32>,
    return
  }
  func.func @transform_0(%arg0: i32) -> (i32, i32, i32) {
    %c0_i32 = arith.constant 0 : i32
    %c0_i32_0 = arith.constant 0 : i32
    %c0_i32_1 = arith.constant 0 : i32
    return %arg0, %c0_i32, %c0_i32_0 : i32, i32, i32
  }
  func.func @transform_1(%arg0: i32) -> (i32, i32, i32) {
    %c0_i32 = arith.constant 0 : i32
    %c0_i32_0 = arith.constant 0 : i32
    %c0_i32_1 = arith.constant 0 : i32
    return %arg0, %c0_i32, %c0_i32_0 : i32, i32, i32
  }
  func.func @transform_2(%arg0: i32) -> (i32, i32, i32) {
    %c0_i32 = arith.constant 0 : i32
    %c0_i32_0 = arith.constant 0 : i32
    %c0_i32_1 = arith.constant 0 : i32
    return %arg0, %c0_i32, %c0_i32_0 : i32, i32, i32
  }
  func.func @transform_3(%arg0: i32) -> (i32, i32, i32) {
    %c0_i32 = arith.constant 0 : i32
    %c0_i32_0 = arith.constant 0 : i32
    %c0_i32_1 = arith.constant 0 : i32
    return %arg0, %c0_i32, %c0_i32_0 : i32, i32, i32
  }
}

module attributes {stable_mosaic.version = 14 : i64} {
  func.func @_pd_topk_body(%arg0: i32, %arg1: memref<1x64x1024xf32, #tpu.memory_space<vmem>>, %arg2: memref<1x1024x20xi32, #tpu.memory_space<vmem>>) attributes {dimension_semantics = [#tpu.dimension_semantics<arbitrary>], iteration_bounds = array<i64: 4>, scalar_prefetch = 0 : i64, scratch_operands = 0 : i64, tpu.core_type = #tpu.core_type<tc>, window_params = [{transform_indices = @transform_0, window_bounds = array<i64: 1, 64, 1024>}, {transform_indices = @transform_1, window_bounds = array<i64: 1, 1024, 20>}]} {
    %get3A = arith.constant 0 : index
    %get3A_0 = arith.constant 0 : index
    %get3A_1 = arith.constant 0 : index
    %get3A_2 = vector.load %arg1[%get3A, %get3A_0, %get3A_1] : memref<1x64x1024xf32, #tpu.memory_space<vmem>>, vector<1x64x1024xf32>
    %get3A_3 = vector.shape_cast %get3A_2 : vector<1x64x1024xf32> to vector<64x1024xf32>
    %dot_general3A = arith.constant dense<0.000000e+00> : vector<1024x1024xf32>
    %dot_general3A_4 = tpu.matmul %get3A_3, %get3A_3, %dot_general3A {dimension_numbers = #tpu.dot_dimension_numbers<[0], [0], [1], [1], [0, 1, 1, 1], [], []>, transpose_lhs_hint = false} : vector<64x1024xf32>, vector<64x1024xf32>, vector<1024x1024xf32> -> vector<1024x1024xf32>
    %mul3A = arith.mulf %get3A_3, %get3A_3 : vector<64x1024xf32>
    %reduce_sum3A = arith.constant dense<0.000000e+00> : vector<1024xf32>
    %reduce_sum3A_5 = vector.multi_reduction <add>, %mul3A, %reduce_sum3A [0] : vector<64x1024xf32> to vector<1024xf32>
    %mul3A_6 = arith.constant 2.000000e+00 : f32
    %mul3A_7 = vector.broadcast %mul3A_6 : f32 to vector<1024x1024xf32>
    %mul3A_8 = arith.mulf %mul3A_7, %dot_general3A_4 : vector<1024x1024xf32>
    %broadcast_in_dim3A = vector.shape_cast %reduce_sum3A_5 : vector<1024xf32> to vector<1x1024xf32>
    %sub3A = vector.broadcast %broadcast_in_dim3A : vector<1x1024xf32> to vector<1024x1024xf32>
    %sub3A_9 = arith.subf %mul3A_8, %sub3A : vector<1024x1024xf32>
    %broadcast_in_dim3A_10 = vector.shape_cast %reduce_sum3A_5 : vector<1024xf32> to vector<1024x1xf32>
    %sub3A_11 = vector.broadcast %broadcast_in_dim3A_10 : vector<1024x1xf32> to vector<1024x1024xf32>
    %sub3A_12 = arith.subf %sub3A_9, %sub3A_11 : vector<1024x1024xf32>
    %iota3A = tpu.iota {dimensions = array<i32: 1>} : vector<1024x1024xi32>
    %reduce_max3A = arith.constant dense<0xFF800000> : vector<1024xf32>
    %reduce_max3A_13 = vector.multi_reduction <maximumf>, %sub3A_12, %reduce_max3A [1] : vector<1024x1024xf32> to vector<1024xf32>
    %broadcast_in_dim3A_14 = vector.shape_cast %reduce_max3A_13 : vector<1024xf32> to vector<1024x1xf32>
    %eq3A = vector.broadcast %broadcast_in_dim3A_14 : vector<1024x1xf32> to vector<1024x1024xf32>
    %eq3A_15 = arith.cmpf oeq, %sub3A_12, %eq3A : vector<1024x1024xf32>
    %jit3A = arith.constant 1024 : i32
    %broadcast_in_dim3A_16 = vector.broadcast %jit3A : i32 to vector<1024x1024xi32>
    %select_n3A = arith.select %eq3A_15, %iota3A, %broadcast_in_dim3A_16 : vector<1024x1024xi1>, vector<1024x1024xi32>
    %reduce_min3A = arith.constant dense<2147483647> : vector<1024xi32>
    %reduce_min3A_17 = vector.multi_reduction <minsi>, %select_n3A, %reduce_min3A [1] : vector<1024x1024xi32> to vector<1024xi32>
    %broadcast_in_dim3A_18 = vector.shape_cast %reduce_min3A_17 : vector<1024xi32> to vector<1024x1xi32>
    %squeeze3A = vector.shape_cast %broadcast_in_dim3A_18 : vector<1024x1xi32> to vector<1024xi32>
    %mul3A_19 = arith.constant 1024 : i32
    %mul3A_20 = arith.muli %arg0, %mul3A_19 : i32
    %add3A = vector.broadcast %mul3A_20 : i32 to vector<1024xi32>
    %add3A_21 = arith.addi %squeeze3A, %add3A : vector<1024xi32>
    %swap3A = arith.constant 0 : index
    %swap3A_22 = arith.constant 0 : index
    %swap3A_23 = arith.constant 0 : index
    %swap3A_24 = vector.load %arg2[%swap3A, %swap3A_22, %swap3A_23] : memref<1x1024x20xi32, #tpu.memory_space<vmem>>, vector<1x1024x1xi32>
    %swap3A_25 = vector.shape_cast %swap3A_24 : vector<1x1024x1xi32> to vector<1024xi32>
    %swap3A_26 = vector.shape_cast %add3A_21 : vector<1024xi32> to vector<1x1024x1xi32>
    tpu.vector_store %arg2[%swap3A, %swap3A_22, %swap3A_23], %swap3A_26 {strides = array<i32>} : memref<1x1024x20xi32, #tpu.memory_space<vmem>>, vector<1x1024x1xi32>,
    %eq3A_27 = vector.broadcast %broadcast_in_dim3A_18 : vector<1024x1xi32> to vector<1024x1024xi32>
    %eq3A_28 = arith.cmpi eq, %iota3A, %eq3A_27 : vector<1024x1024xi32>
    %jit3A_29 = arith.constant 0xFF800000 : f32
    %broadcast_in_dim3A_30 = vector.broadcast %jit3A_29 : f32 to vector<1024x1024xf32>
    %select_n3A_31 = arith.select %eq3A_28, %broadcast_in_dim3A_30, %sub3A_12 : vector<1024x1024xi1>, vector<1024x1024xf32>
    %reduce_max3A_32 = arith.constant dense<0xFF800000> : vector<1024xf32>
    %reduce_max3A_33 = vector.multi_reduction <maximumf>, %select_n3A_31, %reduce_max3A_32 [1] : vector<1024x1024xf32> to vector<1024xf32>
    %broadcast_in_dim3A_34 = vector.shape_cast %reduce_max3A_33 : vector<1024xf32> to vector<1024x1xf32>
    %eq3A_35 = vector.broadcast %broadcast_in_dim3A_34 : vector<1024x1xf32> to vector<1024x1024xf32>
    %eq3A_36 = arith.cmpf oeq, %select_n3A_31, %eq3A_35 : vector<1024x1024xf32>
    %jit3A_37 = arith.constant 1024 : i32
    %broadcast_in_dim3A_38 = vector.broadcast %jit3A_37 : i32 to vector<1024x1024xi32>
    %select_n3A_39 = arith.select %eq3A_36, %iota3A, %broadcast_in_dim3A_38 : vector<1024x1024xi1>, vector<1024x1024xi32>
    %reduce_min3A_40 = arith.constant dense<2147483647> : vector<1024xi32>
    %reduce_min3A_41 = vector.multi_reduction <minsi>, %select_n3A_39, %reduce_min3A_40 [1] : vector<1024x1024xi32> to vector<1024xi32>
    %broadcast_in_dim3A_42 = vector.shape_cast %reduce_min3A_41 : vector<1024xi32> to vector<1024x1xi32>
    %squeeze3A_43 = vector.shape_cast %broadcast_in_dim3A_42 : vector<1024x1xi32> to vector<1024xi32>
    %mul3A_44 = arith.constant 1024 : i32
    %mul3A_45 = arith.muli %arg0, %mul3A_44 : i32
    %add3A_46 = vector.broadcast %mul3A_45 : i32 to vector<1024xi32>
    %add3A_47 = arith.addi %squeeze3A_43, %add3A_46 : vector<1024xi32>
    %swap3A_48 = arith.constant 0 : index
    %swap3A_49 = arith.constant 0 : index
    %swap3A_50 = arith.constant 1 : index
    %swap3A_51 = vector.load %arg2[%swap3A_48, %swap3A_49, %swap3A_50] : memref<1x1024x20xi32, #tpu.memory_space<vmem>>, vector<1x1024x1xi32>
    %swap3A_52 = vector.shape_cast %swap3A_51 : vector<1x1024x1xi32> to vector<1024xi32>
    %swap3A_53 = vector.shape_cast %add3A_47 : vector<1024xi32> to vector<1x1024x1xi32>
    tpu.vector_store %arg2[%swap3A_48, %swap3A_49, %swap3A_50], %swap3A_53 {strides = array<i32>} : memref<1x1024x20xi32, #tpu.memory_space<vmem>>, vector<1x1024x1xi32>,
    %eq3A_54 = vector.broadcast %broadcast_in_dim3A_42 : vector<1024x1xi32> to vector<1024x1024xi32>
    %eq3A_55 = arith.cmpi eq, %iota3A, %eq3A_54 : vector<1024x1024xi32>
    %jit3A_56 = arith.constant 0xFF800000 : f32
    %broadcast_in_dim3A_57 = vector.broadcast %jit3A_56 : f32 to vector<1024x1024xf32>
    %select_n3A_58 = arith.select %eq3A_55, %broadcast_in_dim3A_57, %select_n3A_31 : vector<1024x1024xi1>, vector<1024x1024xf32>
    %reduce_max3A_59 = arith.constant dense<0xFF800000> : vector<1024xf32>
    %reduce_max3A_60 = vector.multi_reduction <maximumf>, %select_n3A_58, %reduce_max3A_59 [1] : vector<1024x1024xf32> to vector<1024xf32>
    %broadcast_in_dim3A_61 = vector.shape_cast %reduce_max3A_60 : vector<1024xf32> to vector<1024x1xf32>
    %eq3A_62 = vector.broadcast %broadcast_in_dim3A_61 : vector<1024x1xf32> to vector<1024x1024xf32>
    %eq3A_63 = arith.cmpf oeq, %select_n3A_58, %eq3A_62 : vector<1024x1024xf32>
    %jit3A_64 = arith.constant 1024 : i32
    %broadcast_in_dim3A_65 = vector.broadcast %jit3A_64 : i32 to vector<1024x1024xi32>
    %select_n3A_66 = arith.select %eq3A_63, %iota3A, %broadcast_in_dim3A_65 : vector<1024x1024xi1>, vector<1024x1024xi32>
    %reduce_min3A_67 = arith.constant dense<2147483647> : vector<1024xi32>
    %reduce_min3A_68 = vector.multi_reduction <minsi>, %select_n3A_66, %reduce_min3A_67 [1] : vector<1024x1024xi32> to vector<1024xi32>
    %broadcast_in_dim3A_69 = vector.shape_cast %reduce_min3A_68 : vector<1024xi32> to vector<1024x1xi32>
    %squeeze3A_70 = vector.shape_cast %broadcast_in_dim3A_69 : vector<1024x1xi32> to vector<1024xi32>
    %mul3A_71 = arith.constant 1024 : i32
    %mul3A_72 = arith.muli %arg0, %mul3A_71 : i32
    %add3A_73 = vector.broadcast %mul3A_72 : i32 to vector<1024xi32>
    %add3A_74 = arith.addi %squeeze3A_70, %add3A_73 : vector<1024xi32>
    %swap3A_75 = arith.constant 0 : index
    %swap3A_76 = arith.constant 0 : index
    %swap3A_77 = arith.constant 2 : index
    %swap3A_78 = vector.load %arg2[%swap3A_75, %swap3A_76, %swap3A_77] : memref<1x1024x20xi32, #tpu.memory_space<vmem>>, vector<1x1024x1xi32>
    %swap3A_79 = vector.shape_cast %swap3A_78 : vector<1x1024x1xi32> to vector<1024xi32>
    %swap3A_80 = vector.shape_cast %add3A_74 : vector<1024xi32> to vector<1x1024x1xi32>
    tpu.vector_store %arg2[%swap3A_75, %swap3A_76, %swap3A_77], %swap3A_80 {strides = array<i32>} : memref<1x1024x20xi32, #tpu.memory_space<vmem>>, vector<1x1024x1xi32>,
    %eq3A_81 = vector.broadcast %broadcast_in_dim3A_69 : vector<1024x1xi32> to vector<1024x1024xi32>
    %eq3A_82 = arith.cmpi eq, %iota3A, %eq3A_81 : vector<1024x1024xi32>
    %jit3A_83 = arith.constant 0xFF800000 : f32
    %broadcast_in_dim3A_84 = vector.broadcast %jit3A_83 : f32 to vector<1024x1024xf32>
    %select_n3A_85 = arith.select %eq3A_82, %broadcast_in_dim3A_84, %select_n3A_58 : vector<1024x1024xi1>, vector<1024x1024xf32>
    %reduce_max3A_86 = arith.constant dense<0xFF800000> : vector<1024xf32>
    %reduce_max3A_87 = vector.multi_reduction <maximumf>, %select_n3A_85, %reduce_max3A_86 [1] : vector<1024x1024xf32> to vector<1024xf32>
    %broadcast_in_dim3A_88 = vector.shape_cast %reduce_max3A_87 : vector<1024xf32> to vector<1024x1xf32>
    %eq3A_89 = vector.broadcast %broadcast_in_dim3A_88 : vector<1024x1xf32> to vector<1024x1024xf32>
    %eq3A_90 = arith.cmpf oeq, %select_n3A_85, %eq3A_89 : vector<1024x1024xf32>
    %jit3A_91 = arith.constant 1024 : i32
    %broadcast_in_dim3A_92 = vector.broadcast %jit3A_91 : i32 to vector<1024x1024xi32>
    %select_n3A_93 = arith.select %eq3A_90, %iota3A, %broadcast_in_dim3A_92 : vector<1024x1024xi1>, vector<1024x1024xi32>
    %reduce_min3A_94 = arith.constant dense<2147483647> : vector<1024xi32>
    %reduce_min3A_95 = vector.multi_reduction <minsi>, %select_n3A_93, %reduce_min3A_94 [1] : vector<1024x1024xi32> to vector<1024xi32>
    %broadcast_in_dim3A_96 = vector.shape_cast %reduce_min3A_95 : vector<1024xi32> to vector<1024x1xi32>
    %squeeze3A_97 = vector.shape_cast %broadcast_in_dim3A_96 : vector<1024x1xi32> to vector<1024xi32>
    %mul3A_98 = arith.constant 1024 : i32
    %mul3A_99 = arith.muli %arg0, %mul3A_98 : i32
    %add3A_100 = vector.broadcast %mul3A_99 : i32 to vector<1024xi32>
    %add3A_101 = arith.addi %squeeze3A_97, %add3A_100 : vector<1024xi32>
    %swap3A_102 = arith.constant 0 : index
    %swap3A_103 = arith.constant 0 : index
    %swap3A_104 = arith.constant 3 : index
    %swap3A_105 = vector.load %arg2[%swap3A_102, %swap3A_103, %swap3A_104] : memref<1x1024x20xi32, #tpu.memory_space<vmem>>, vector<1x1024x1xi32>
    %swap3A_106 = vector.shape_cast %swap3A_105 : vector<1x1024x1xi32> to vector<1024xi32>
    %swap3A_107 = vector.shape_cast %add3A_101 : vector<1024xi32> to vector<1x1024x1xi32>
    tpu.vector_store %arg2[%swap3A_102, %swap3A_103, %swap3A_104], %swap3A_107 {strides = array<i32>} : memref<1x1024x20xi32, #tpu.memory_space<vmem>>, vector<1x1024x1xi32>,
    %eq3A_108 = vector.broadcast %broadcast_in_dim3A_96 : vector<1024x1xi32> to vector<1024x1024xi32>
    %eq3A_109 = arith.cmpi eq, %iota3A, %eq3A_108 : vector<1024x1024xi32>
    %jit3A_110 = arith.constant 0xFF800000 : f32
    %broadcast_in_dim3A_111 = vector.broadcast %jit3A_110 : f32 to vector<1024x1024xf32>
    %select_n3A_112 = arith.select %eq3A_109, %broadcast_in_dim3A_111, %select_n3A_85 : vector<1024x1024xi1>, vector<1024x1024xf32>
    %reduce_max3A_113 = arith.constant dense<0xFF800000> : vector<1024xf32>
    %reduce_max3A_114 = vector.multi_reduction <maximumf>, %select_n3A_112, %reduce_max3A_113 [1] : vector<1024x1024xf32> to vector<1024xf32>
    %broadcast_in_dim3A_115 = vector.shape_cast %reduce_max3A_114 : vector<1024xf32> to vector<1024x1xf32>
    %eq3A_116 = vector.broadcast %broadcast_in_dim3A_115 : vector<1024x1xf32> to vector<1024x1024xf32>
    %eq3A_117 = arith.cmpf oeq, %select_n3A_112, %eq3A_116 : vector<1024x1024xf32>
    %jit3A_118 = arith.constant 1024 : i32
    %broadcast_in_dim3A_119 = vector.broadcast %jit3A_118 : i32 to vector<1024x1024xi32>
    %select_n3A_120 = arith.select %eq3A_117, %iota3A, %broadcast_in_dim3A_119 : vector<1024x1024xi1>, vector<1024x1024xi32>
    %reduce_min3A_121 = arith.constant dense<2147483647> : vector<1024xi32>
    %reduce_min3A_122 = vector.multi_reduction <minsi>, %select_n3A_120, %reduce_min3A_121 [1] : vector<1024x1024xi32> to vector<1024xi32>
    %broadcast_in_dim3A_123 = vector.shape_cast %reduce_min3A_122 : vector<1024xi32> to vector<1024x1xi32>
    %squeeze3A_124 = vector.shape_cast %broadcast_in_dim3A_123 : vector<1024x1xi32> to vector<1024xi32>
    %mul3A_125 = arith.constant 1024 : i32
    %mul3A_126 = arith.muli %arg0, %mul3A_125 : i32
    %add3A_127 = vector.broadcast %mul3A_126 : i32 to vector<1024xi32>
    %add3A_128 = arith.addi %squeeze3A_124, %add3A_127 : vector<1024xi32>
    %swap3A_129 = arith.constant 0 : index
    %swap3A_130 = arith.constant 0 : index
    %swap3A_131 = arith.constant 4 : index
    %swap3A_132 = vector.load %arg2[%swap3A_129, %swap3A_130, %swap3A_131] : memref<1x1024x20xi32, #tpu.memory_space<vmem>>, vector<1x1024x1xi32>
    %swap3A_133 = vector.shape_cast %swap3A_132 : vector<1x1024x1xi32> to vector<1024xi32>
    %swap3A_134 = vector.shape_cast %add3A_128 : vector<1024xi32> to vector<1x1024x1xi32>
    tpu.vector_store %arg2[%swap3A_129, %swap3A_130, %swap3A_131], %swap3A_134 {strides = array<i32>} : memref<1x1024x20xi32, #tpu.memory_space<vmem>>, vector<1x1024x1xi32>,
    %eq3A_135 = vector.broadcast %broadcast_in_dim3A_123 : vector<1024x1xi32> to vector<1024x1024xi32>
    %eq3A_136 = arith.cmpi eq, %iota3A, %eq3A_135 : vector<1024x1024xi32>
    %jit3A_137 = arith.constant 0xFF800000 : f32
    %broadcast_in_dim3A_138 = vector.broadcast %jit3A_137 : f32 to vector<1024x1024xf32>
    %select_n3A_139 = arith.select %eq3A_136, %broadcast_in_dim3A_138, %select_n3A_112 : vector<1024x1024xi1>, vector<1024x1024xf32>
    %reduce_max3A_140 = arith.constant dense<0xFF800000> : vector<1024xf32>
    %reduce_max3A_141 = vector.multi_reduction <maximumf>, %select_n3A_139, %reduce_max3A_140 [1] : vector<1024x1024xf32> to vector<1024xf32>
    %broadcast_in_dim3A_142 = vector.shape_cast %reduce_max3A_141 : vector<1024xf32> to vector<1024x1xf32>
    %eq3A_143 = vector.broadcast %broadcast_in_dim3A_142 : vector<1024x1xf32> to vector<1024x1024xf32>
    %eq3A_144 = arith.cmpf oeq, %select_n3A_139, %eq3A_143 : vector<1024x1024xf32>
    %jit3A_145 = arith.constant 1024 : i32
    %broadcast_in_dim3A_146 = vector.broadcast %jit3A_145 : i32 to vector<1024x1024xi32>
    %select_n3A_147 = arith.select %eq3A_144, %iota3A, %broadcast_in_dim3A_146 : vector<1024x1024xi1>, vector<1024x1024xi32>
    %reduce_min3A_148 = arith.constant dense<2147483647> : vector<1024xi32>
    %reduce_min3A_149 = vector.multi_reduction <minsi>, %select_n3A_147, %reduce_min3A_148 [1] : vector<1024x1024xi32> to vector<1024xi32>
    %broadcast_in_dim3A_150 = vector.shape_cast %reduce_min3A_149 : vector<1024xi32> to vector<1024x1xi32>
    %squeeze3A_151 = vector.shape_cast %broadcast_in_dim3A_150 : vector<1024x1xi32> to vector<1024xi32>
    %mul3A_152 = arith.constant 1024 : i32
    %mul3A_153 = arith.muli %arg0, %mul3A_152 : i32
    %add3A_154 = vector.broadcast %mul3A_153 : i32 to vector<1024xi32>
    %add3A_155 = arith.addi %squeeze3A_151, %add3A_154 : vector<1024xi32>
    %swap3A_156 = arith.constant 0 : index
    %swap3A_157 = arith.constant 0 : index
    %swap3A_158 = arith.constant 5 : index
    %swap3A_159 = vector.load %arg2[%swap3A_156, %swap3A_157, %swap3A_158] : memref<1x1024x20xi32, #tpu.memory_space<vmem>>, vector<1x1024x1xi32>
    %swap3A_160 = vector.shape_cast %swap3A_159 : vector<1x1024x1xi32> to vector<1024xi32>
    %swap3A_161 = vector.shape_cast %add3A_155 : vector<1024xi32> to vector<1x1024x1xi32>
    tpu.vector_store %arg2[%swap3A_156, %swap3A_157, %swap3A_158], %swap3A_161 {strides = array<i32>} : memref<1x1024x20xi32, #tpu.memory_space<vmem>>, vector<1x1024x1xi32>,
    %eq3A_162 = vector.broadcast %broadcast_in_dim3A_150 : vector<1024x1xi32> to vector<1024x1024xi32>
    %eq3A_163 = arith.cmpi eq, %iota3A, %eq3A_162 : vector<1024x1024xi32>
    %jit3A_164 = arith.constant 0xFF800000 : f32
    %broadcast_in_dim3A_165 = vector.broadcast %jit3A_164 : f32 to vector<1024x1024xf32>
    %select_n3A_166 = arith.select %eq3A_163, %broadcast_in_dim3A_165, %select_n3A_139 : vector<1024x1024xi1>, vector<1024x1024xf32>
    %reduce_max3A_167 = arith.constant dense<0xFF800000> : vector<1024xf32>
    %reduce_max3A_168 = vector.multi_reduction <maximumf>, %select_n3A_166, %reduce_max3A_167 [1] : vector<1024x1024xf32> to vector<1024xf32>
    %broadcast_in_dim3A_169 = vector.shape_cast %reduce_max3A_168 : vector<1024xf32> to vector<1024x1xf32>
    %eq3A_170 = vector.broadcast %broadcast_in_dim3A_169 : vector<1024x1xf32> to vector<1024x1024xf32>
    %eq3A_171 = arith.cmpf oeq, %select_n3A_166, %eq3A_170 : vector<1024x1024xf32>
    %jit3A_172 = arith.constant 1024 : i32
    %broadcast_in_dim3A_173 = vector.broadcast %jit3A_172 : i32 to vector<1024x1024xi32>
    %select_n3A_174 = arith.select %eq3A_171, %iota3A, %broadcast_in_dim3A_173 : vector<1024x1024xi1>, vector<1024x1024xi32>
    %reduce_min3A_175 = arith.constant dense<2147483647> : vector<1024xi32>
    %reduce_min3A_176 = vector.multi_reduction <minsi>, %select_n3A_174, %reduce_min3A_175 [1] : vector<1024x1024xi32> to vector<1024xi32>
    %broadcast_in_dim3A_177 = vector.shape_cast %reduce_min3A_176 : vector<1024xi32> to vector<1024x1xi32>
    %squeeze3A_178 = vector.shape_cast %broadcast_in_dim3A_177 : vector<1024x1xi32> to vector<1024xi32>
    %mul3A_179 = arith.constant 1024 : i32
    %mul3A_180 = arith.muli %arg0, %mul3A_179 : i32
    %add3A_181 = vector.broadcast %mul3A_180 : i32 to vector<1024xi32>
    %add3A_182 = arith.addi %squeeze3A_178, %add3A_181 : vector<1024xi32>
    %swap3A_183 = arith.constant 0 : index
    %swap3A_184 = arith.constant 0 : index
    %swap3A_185 = arith.constant 6 : index
    %swap3A_186 = vector.load %arg2[%swap3A_183, %swap3A_184, %swap3A_185] : memref<1x1024x20xi32, #tpu.memory_space<vmem>>, vector<1x1024x1xi32>
    %swap3A_187 = vector.shape_cast %swap3A_186 : vector<1x1024x1xi32> to vector<1024xi32>
    %swap3A_188 = vector.shape_cast %add3A_182 : vector<1024xi32> to vector<1x1024x1xi32>
    tpu.vector_store %arg2[%swap3A_183, %swap3A_184, %swap3A_185], %swap3A_188 {strides = array<i32>} : memref<1x1024x20xi32, #tpu.memory_space<vmem>>, vector<1x1024x1xi32>,
    %eq3A_189 = vector.broadcast %broadcast_in_dim3A_177 : vector<1024x1xi32> to vector<1024x1024xi32>
    %eq3A_190 = arith.cmpi eq, %iota3A, %eq3A_189 : vector<1024x1024xi32>
    %jit3A_191 = arith.constant 0xFF800000 : f32
    %broadcast_in_dim3A_192 = vector.broadcast %jit3A_191 : f32 to vector<1024x1024xf32>
    %select_n3A_193 = arith.select %eq3A_190, %broadcast_in_dim3A_192, %select_n3A_166 : vector<1024x1024xi1>, vector<1024x1024xf32>
    %reduce_max3A_194 = arith.constant dense<0xFF800000> : vector<1024xf32>
    %reduce_max3A_195 = vector.multi_reduction <maximumf>, %select_n3A_193, %reduce_max3A_194 [1] : vector<1024x1024xf32> to vector<1024xf32>
    %broadcast_in_dim3A_196 = vector.shape_cast %reduce_max3A_195 : vector<1024xf32> to vector<1024x1xf32>
    %eq3A_197 = vector.broadcast %broadcast_in_dim3A_196 : vector<1024x1xf32> to vector<1024x1024xf32>
    %eq3A_198 = arith.cmpf oeq, %select_n3A_193, %eq3A_197 : vector<1024x1024xf32>
    %jit3A_199 = arith.constant 1024 : i32
    %broadcast_in_dim3A_200 = vector.broadcast %jit3A_199 : i32 to vector<1024x1024xi32>
    %select_n3A_201 = arith.select %eq3A_198, %iota3A, %broadcast_in_dim3A_200 : vector<1024x1024xi1>, vector<1024x1024xi32>
    %reduce_min3A_202 = arith.constant dense<2147483647> : vector<1024xi32>
    %reduce_min3A_203 = vector.multi_reduction <minsi>, %select_n3A_201, %reduce_min3A_202 [1] : vector<1024x1024xi32> to vector<1024xi32>
    %broadcast_in_dim3A_204 = vector.shape_cast %reduce_min3A_203 : vector<1024xi32> to vector<1024x1xi32>
    %squeeze3A_205 = vector.shape_cast %broadcast_in_dim3A_204 : vector<1024x1xi32> to vector<1024xi32>
    %mul3A_206 = arith.constant 1024 : i32
    %mul3A_207 = arith.muli %arg0, %mul3A_206 : i32
    %add3A_208 = vector.broadcast %mul3A_207 : i32 to vector<1024xi32>
    %add3A_209 = arith.addi %squeeze3A_205, %add3A_208 : vector<1024xi32>
    %swap3A_210 = arith.constant 0 : index
    %swap3A_211 = arith.constant 0 : index
    %swap3A_212 = arith.constant 7 : index
    %swap3A_213 = vector.load %arg2[%swap3A_210, %swap3A_211, %swap3A_212] : memref<1x1024x20xi32, #tpu.memory_space<vmem>>, vector<1x1024x1xi32>
    %swap3A_214 = vector.shape_cast %swap3A_213 : vector<1x1024x1xi32> to vector<1024xi32>
    %swap3A_215 = vector.shape_cast %add3A_209 : vector<1024xi32> to vector<1x1024x1xi32>
    tpu.vector_store %arg2[%swap3A_210, %swap3A_211, %swap3A_212], %swap3A_215 {strides = array<i32>} : memref<1x1024x20xi32, #tpu.memory_space<vmem>>, vector<1x1024x1xi32>,
    %eq3A_216 = vector.broadcast %broadcast_in_dim3A_204 : vector<1024x1xi32> to vector<1024x1024xi32>
    %eq3A_217 = arith.cmpi eq, %iota3A, %eq3A_216 : vector<1024x1024xi32>
    %jit3A_218 = arith.constant 0xFF800000 : f32
    %broadcast_in_dim3A_219 = vector.broadcast %jit3A_218 : f32 to vector<1024x1024xf32>
    %select_n3A_220 = arith.select %eq3A_217, %broadcast_in_dim3A_219, %select_n3A_193 : vector<1024x1024xi1>, vector<1024x1024xf32>
    %reduce_max3A_221 = arith.constant dense<0xFF800000> : vector<1024xf32>
    %reduce_max3A_222 = vector.multi_reduction <maximumf>, %select_n3A_220, %reduce_max3A_221 [1] : vector<1024x1024xf32> to vector<1024xf32>
    %broadcast_in_dim3A_223 = vector.shape_cast %reduce_max3A_222 : vector<1024xf32> to vector<1024x1xf32>
    %eq3A_224 = vector.broadcast %broadcast_in_dim3A_223 : vector<1024x1xf32> to vector<1024x1024xf32>
    %eq3A_225 = arith.cmpf oeq, %select_n3A_220, %eq3A_224 : vector<1024x1024xf32>
    %jit3A_226 = arith.constant 1024 : i32
    %broadcast_in_dim3A_227 = vector.broadcast %jit3A_226 : i32 to vector<1024x1024xi32>
    %select_n3A_228 = arith.select %eq3A_225, %iota3A, %broadcast_in_dim3A_227 : vector<1024x1024xi1>, vector<1024x1024xi32>
    %reduce_min3A_229 = arith.constant dense<2147483647> : vector<1024xi32>
    %reduce_min3A_230 = vector.multi_reduction <minsi>, %select_n3A_228, %reduce_min3A_229 [1] : vector<1024x1024xi32> to vector<1024xi32>
    %broadcast_in_dim3A_231 = vector.shape_cast %reduce_min3A_230 : vector<1024xi32> to vector<1024x1xi32>
    %squeeze3A_232 = vector.shape_cast %broadcast_in_dim3A_231 : vector<1024x1xi32> to vector<1024xi32>
    %mul3A_233 = arith.constant 1024 : i32
    %mul3A_234 = arith.muli %arg0, %mul3A_233 : i32
    %add3A_235 = vector.broadcast %mul3A_234 : i32 to vector<1024xi32>
    %add3A_236 = arith.addi %squeeze3A_232, %add3A_235 : vector<1024xi32>
    %swap3A_237 = arith.constant 0 : index
    %swap3A_238 = arith.constant 0 : index
    %swap3A_239 = arith.constant 8 : index
    %swap3A_240 = vector.load %arg2[%swap3A_237, %swap3A_238, %swap3A_239] : memref<1x1024x20xi32, #tpu.memory_space<vmem>>, vector<1x1024x1xi32>
    %swap3A_241 = vector.shape_cast %swap3A_240 : vector<1x1024x1xi32> to vector<1024xi32>
    %swap3A_242 = vector.shape_cast %add3A_236 : vector<1024xi32> to vector<1x1024x1xi32>
    tpu.vector_store %arg2[%swap3A_237, %swap3A_238, %swap3A_239], %swap3A_242 {strides = array<i32>} : memref<1x1024x20xi32, #tpu.memory_space<vmem>>, vector<1x1024x1xi32>,
    %eq3A_243 = vector.broadcast %broadcast_in_dim3A_231 : vector<1024x1xi32> to vector<1024x1024xi32>
    %eq3A_244 = arith.cmpi eq, %iota3A, %eq3A_243 : vector<1024x1024xi32>
    %jit3A_245 = arith.constant 0xFF800000 : f32
    %broadcast_in_dim3A_246 = vector.broadcast %jit3A_245 : f32 to vector<1024x1024xf32>
    %select_n3A_247 = arith.select %eq3A_244, %broadcast_in_dim3A_246, %select_n3A_220 : vector<1024x1024xi1>, vector<1024x1024xf32>
    %reduce_max3A_248 = arith.constant dense<0xFF800000> : vector<1024xf32>
    %reduce_max3A_249 = vector.multi_reduction <maximumf>, %select_n3A_247, %reduce_max3A_248 [1] : vector<1024x1024xf32> to vector<1024xf32>
    %broadcast_in_dim3A_250 = vector.shape_cast %reduce_max3A_249 : vector<1024xf32> to vector<1024x1xf32>
    %eq3A_251 = vector.broadcast %broadcast_in_dim3A_250 : vector<1024x1xf32> to vector<1024x1024xf32>
    %eq3A_252 = arith.cmpf oeq, %select_n3A_247, %eq3A_251 : vector<1024x1024xf32>
    %jit3A_253 = arith.constant 1024 : i32
    %broadcast_in_dim3A_254 = vector.broadcast %jit3A_253 : i32 to vector<1024x1024xi32>
    %select_n3A_255 = arith.select %eq3A_252, %iota3A, %broadcast_in_dim3A_254 : vector<1024x1024xi1>, vector<1024x1024xi32>
    %reduce_min3A_256 = arith.constant dense<2147483647> : vector<1024xi32>
    %reduce_min3A_257 = vector.multi_reduction <minsi>, %select_n3A_255, %reduce_min3A_256 [1] : vector<1024x1024xi32> to vector<1024xi32>
    %broadcast_in_dim3A_258 = vector.shape_cast %reduce_min3A_257 : vector<1024xi32> to vector<1024x1xi32>
    %squeeze3A_259 = vector.shape_cast %broadcast_in_dim3A_258 : vector<1024x1xi32> to vector<1024xi32>
    %mul3A_260 = arith.constant 1024 : i32
    %mul3A_261 = arith.muli %arg0, %mul3A_260 : i32
    %add3A_262 = vector.broadcast %mul3A_261 : i32 to vector<1024xi32>
    %add3A_263 = arith.addi %squeeze3A_259, %add3A_262 : vector<1024xi32>
    %swap3A_264 = arith.constant 0 : index
    %swap3A_265 = arith.constant 0 : index
    %swap3A_266 = arith.constant 9 : index
    %swap3A_267 = vector.load %arg2[%swap3A_264, %swap3A_265, %swap3A_266] : memref<1x1024x20xi32, #tpu.memory_space<vmem>>, vector<1x1024x1xi32>
    %swap3A_268 = vector.shape_cast %swap3A_267 : vector<1x1024x1xi32> to vector<1024xi32>
    %swap3A_269 = vector.shape_cast %add3A_263 : vector<1024xi32> to vector<1x1024x1xi32>
    tpu.vector_store %arg2[%swap3A_264, %swap3A_265, %swap3A_266], %swap3A_269 {strides = array<i32>} : memref<1x1024x20xi32, #tpu.memory_space<vmem>>, vector<1x1024x1xi32>,
    %eq3A_270 = vector.broadcast %broadcast_in_dim3A_258 : vector<1024x1xi32> to vector<1024x1024xi32>
    %eq3A_271 = arith.cmpi eq, %iota3A, %eq3A_270 : vector<1024x1024xi32>
    %jit3A_272 = arith.constant 0xFF800000 : f32
    %broadcast_in_dim3A_273 = vector.broadcast %jit3A_272 : f32 to vector<1024x1024xf32>
    %select_n3A_274 = arith.select %eq3A_271, %broadcast_in_dim3A_273, %select_n3A_247 : vector<1024x1024xi1>, vector<1024x1024xf32>
    %reduce_max3A_275 = arith.constant dense<0xFF800000> : vector<1024xf32>
    %reduce_max3A_276 = vector.multi_reduction <maximumf>, %select_n3A_274, %reduce_max3A_275 [1] : vector<1024x1024xf32> to vector<1024xf32>
    %broadcast_in_dim3A_277 = vector.shape_cast %reduce_max3A_276 : vector<1024xf32> to vector<1024x1xf32>
    %eq3A_278 = vector.broadcast %broadcast_in_dim3A_277 : vector<1024x1xf32> to vector<1024x1024xf32>
    %eq3A_279 = arith.cmpf oeq, %select_n3A_274, %eq3A_278 : vector<1024x1024xf32>
    %jit3A_280 = arith.constant 1024 : i32
    %broadcast_in_dim3A_281 = vector.broadcast %jit3A_280 : i32 to vector<1024x1024xi32>
    %select_n3A_282 = arith.select %eq3A_279, %iota3A, %broadcast_in_dim3A_281 : vector<1024x1024xi1>, vector<1024x1024xi32>
    %reduce_min3A_283 = arith.constant dense<2147483647> : vector<1024xi32>
    %reduce_min3A_284 = vector.multi_reduction <minsi>, %select_n3A_282, %reduce_min3A_283 [1] : vector<1024x1024xi32> to vector<1024xi32>
    %broadcast_in_dim3A_285 = vector.shape_cast %reduce_min3A_284 : vector<1024xi32> to vector<1024x1xi32>
    %squeeze3A_286 = vector.shape_cast %broadcast_in_dim3A_285 : vector<1024x1xi32> to vector<1024xi32>
    %mul3A_287 = arith.constant 1024 : i32
    %mul3A_288 = arith.muli %arg0, %mul3A_287 : i32
    %add3A_289 = vector.broadcast %mul3A_288 : i32 to vector<1024xi32>
    %add3A_290 = arith.addi %squeeze3A_286, %add3A_289 : vector<1024xi32>
    %swap3A_291 = arith.constant 0 : index
    %swap3A_292 = arith.constant 0 : index
    %swap3A_293 = arith.constant 10 : index
    %swap3A_294 = vector.load %arg2[%swap3A_291, %swap3A_292, %swap3A_293] : memref<1x1024x20xi32, #tpu.memory_space<vmem>>, vector<1x1024x1xi32>
    %swap3A_295 = vector.shape_cast %swap3A_294 : vector<1x1024x1xi32> to vector<1024xi32>
    %swap3A_296 = vector.shape_cast %add3A_290 : vector<1024xi32> to vector<1x1024x1xi32>
    tpu.vector_store %arg2[%swap3A_291, %swap3A_292, %swap3A_293], %swap3A_296 {strides = array<i32>} : memref<1x1024x20xi32, #tpu.memory_space<vmem>>, vector<1x1024x1xi32>,
    %eq3A_297 = vector.broadcast %broadcast_in_dim3A_285 : vector<1024x1xi32> to vector<1024x1024xi32>
    %eq3A_298 = arith.cmpi eq, %iota3A, %eq3A_297 : vector<1024x1024xi32>
    %jit3A_299 = arith.constant 0xFF800000 : f32
    %broadcast_in_dim3A_300 = vector.broadcast %jit3A_299 : f32 to vector<1024x1024xf32>
    %select_n3A_301 = arith.select %eq3A_298, %broadcast_in_dim3A_300, %select_n3A_274 : vector<1024x1024xi1>, vector<1024x1024xf32>
    %reduce_max3A_302 = arith.constant dense<0xFF800000> : vector<1024xf32>
    %reduce_max3A_303 = vector.multi_reduction <maximumf>, %select_n3A_301, %reduce_max3A_302 [1] : vector<1024x1024xf32> to vector<1024xf32>
    %broadcast_in_dim3A_304 = vector.shape_cast %reduce_max3A_303 : vector<1024xf32> to vector<1024x1xf32>
    %eq3A_305 = vector.broadcast %broadcast_in_dim3A_304 : vector<1024x1xf32> to vector<1024x1024xf32>
    %eq3A_306 = arith.cmpf oeq, %select_n3A_301, %eq3A_305 : vector<1024x1024xf32>
    %jit3A_307 = arith.constant 1024 : i32
    %broadcast_in_dim3A_308 = vector.broadcast %jit3A_307 : i32 to vector<1024x1024xi32>
    %select_n3A_309 = arith.select %eq3A_306, %iota3A, %broadcast_in_dim3A_308 : vector<1024x1024xi1>, vector<1024x1024xi32>
    %reduce_min3A_310 = arith.constant dense<2147483647> : vector<1024xi32>
    %reduce_min3A_311 = vector.multi_reduction <minsi>, %select_n3A_309, %reduce_min3A_310 [1] : vector<1024x1024xi32> to vector<1024xi32>
    %broadcast_in_dim3A_312 = vector.shape_cast %reduce_min3A_311 : vector<1024xi32> to vector<1024x1xi32>
    %squeeze3A_313 = vector.shape_cast %broadcast_in_dim3A_312 : vector<1024x1xi32> to vector<1024xi32>
    %mul3A_314 = arith.constant 1024 : i32
    %mul3A_315 = arith.muli %arg0, %mul3A_314 : i32
    %add3A_316 = vector.broadcast %mul3A_315 : i32 to vector<1024xi32>
    %add3A_317 = arith.addi %squeeze3A_313, %add3A_316 : vector<1024xi32>
    %swap3A_318 = arith.constant 0 : index
    %swap3A_319 = arith.constant 0 : index
    %swap3A_320 = arith.constant 11 : index
    %swap3A_321 = vector.load %arg2[%swap3A_318, %swap3A_319, %swap3A_320] : memref<1x1024x20xi32, #tpu.memory_space<vmem>>, vector<1x1024x1xi32>
    %swap3A_322 = vector.shape_cast %swap3A_321 : vector<1x1024x1xi32> to vector<1024xi32>
    %swap3A_323 = vector.shape_cast %add3A_317 : vector<1024xi32> to vector<1x1024x1xi32>
    tpu.vector_store %arg2[%swap3A_318, %swap3A_319, %swap3A_320], %swap3A_323 {strides = array<i32>} : memref<1x1024x20xi32, #tpu.memory_space<vmem>>, vector<1x1024x1xi32>,
    %eq3A_324 = vector.broadcast %broadcast_in_dim3A_312 : vector<1024x1xi32> to vector<1024x1024xi32>
    %eq3A_325 = arith.cmpi eq, %iota3A, %eq3A_324 : vector<1024x1024xi32>
    %jit3A_326 = arith.constant 0xFF800000 : f32
    %broadcast_in_dim3A_327 = vector.broadcast %jit3A_326 : f32 to vector<1024x1024xf32>
    %select_n3A_328 = arith.select %eq3A_325, %broadcast_in_dim3A_327, %select_n3A_301 : vector<1024x1024xi1>, vector<1024x1024xf32>
    %reduce_max3A_329 = arith.constant dense<0xFF800000> : vector<1024xf32>
    %reduce_max3A_330 = vector.multi_reduction <maximumf>, %select_n3A_328, %reduce_max3A_329 [1] : vector<1024x1024xf32> to vector<1024xf32>
    %broadcast_in_dim3A_331 = vector.shape_cast %reduce_max3A_330 : vector<1024xf32> to vector<1024x1xf32>
    %eq3A_332 = vector.broadcast %broadcast_in_dim3A_331 : vector<1024x1xf32> to vector<1024x1024xf32>
    %eq3A_333 = arith.cmpf oeq, %select_n3A_328, %eq3A_332 : vector<1024x1024xf32>
    %jit3A_334 = arith.constant 1024 : i32
    %broadcast_in_dim3A_335 = vector.broadcast %jit3A_334 : i32 to vector<1024x1024xi32>
    %select_n3A_336 = arith.select %eq3A_333, %iota3A, %broadcast_in_dim3A_335 : vector<1024x1024xi1>, vector<1024x1024xi32>
    %reduce_min3A_337 = arith.constant dense<2147483647> : vector<1024xi32>
    %reduce_min3A_338 = vector.multi_reduction <minsi>, %select_n3A_336, %reduce_min3A_337 [1] : vector<1024x1024xi32> to vector<1024xi32>
    %broadcast_in_dim3A_339 = vector.shape_cast %reduce_min3A_338 : vector<1024xi32> to vector<1024x1xi32>
    %squeeze3A_340 = vector.shape_cast %broadcast_in_dim3A_339 : vector<1024x1xi32> to vector<1024xi32>
    %mul3A_341 = arith.constant 1024 : i32
    %mul3A_342 = arith.muli %arg0, %mul3A_341 : i32
    %add3A_343 = vector.broadcast %mul3A_342 : i32 to vector<1024xi32>
    %add3A_344 = arith.addi %squeeze3A_340, %add3A_343 : vector<1024xi32>
    %swap3A_345 = arith.constant 0 : index
    %swap3A_346 = arith.constant 0 : index
    %swap3A_347 = arith.constant 12 : index
    %swap3A_348 = vector.load %arg2[%swap3A_345, %swap3A_346, %swap3A_347] : memref<1x1024x20xi32, #tpu.memory_space<vmem>>, vector<1x1024x1xi32>
    %swap3A_349 = vector.shape_cast %swap3A_348 : vector<1x1024x1xi32> to vector<1024xi32>
    %swap3A_350 = vector.shape_cast %add3A_344 : vector<1024xi32> to vector<1x1024x1xi32>
    tpu.vector_store %arg2[%swap3A_345, %swap3A_346, %swap3A_347], %swap3A_350 {strides = array<i32>} : memref<1x1024x20xi32, #tpu.memory_space<vmem>>, vector<1x1024x1xi32>,
    %eq3A_351 = vector.broadcast %broadcast_in_dim3A_339 : vector<1024x1xi32> to vector<1024x1024xi32>
    %eq3A_352 = arith.cmpi eq, %iota3A, %eq3A_351 : vector<1024x1024xi32>
    %jit3A_353 = arith.constant 0xFF800000 : f32
    %broadcast_in_dim3A_354 = vector.broadcast %jit3A_353 : f32 to vector<1024x1024xf32>
    %select_n3A_355 = arith.select %eq3A_352, %broadcast_in_dim3A_354, %select_n3A_328 : vector<1024x1024xi1>, vector<1024x1024xf32>
    %reduce_max3A_356 = arith.constant dense<0xFF800000> : vector<1024xf32>
    %reduce_max3A_357 = vector.multi_reduction <maximumf>, %select_n3A_355, %reduce_max3A_356 [1] : vector<1024x1024xf32> to vector<1024xf32>
    %broadcast_in_dim3A_358 = vector.shape_cast %reduce_max3A_357 : vector<1024xf32> to vector<1024x1xf32>
    %eq3A_359 = vector.broadcast %broadcast_in_dim3A_358 : vector<1024x1xf32> to vector<1024x1024xf32>
    %eq3A_360 = arith.cmpf oeq, %select_n3A_355, %eq3A_359 : vector<1024x1024xf32>
    %jit3A_361 = arith.constant 1024 : i32
    %broadcast_in_dim3A_362 = vector.broadcast %jit3A_361 : i32 to vector<1024x1024xi32>
    %select_n3A_363 = arith.select %eq3A_360, %iota3A, %broadcast_in_dim3A_362 : vector<1024x1024xi1>, vector<1024x1024xi32>
    %reduce_min3A_364 = arith.constant dense<2147483647> : vector<1024xi32>
    %reduce_min3A_365 = vector.multi_reduction <minsi>, %select_n3A_363, %reduce_min3A_364 [1] : vector<1024x1024xi32> to vector<1024xi32>
    %broadcast_in_dim3A_366 = vector.shape_cast %reduce_min3A_365 : vector<1024xi32> to vector<1024x1xi32>
    %squeeze3A_367 = vector.shape_cast %broadcast_in_dim3A_366 : vector<1024x1xi32> to vector<1024xi32>
    %mul3A_368 = arith.constant 1024 : i32
    %mul3A_369 = arith.muli %arg0, %mul3A_368 : i32
    %add3A_370 = vector.broadcast %mul3A_369 : i32 to vector<1024xi32>
    %add3A_371 = arith.addi %squeeze3A_367, %add3A_370 : vector<1024xi32>
    %swap3A_372 = arith.constant 0 : index
    %swap3A_373 = arith.constant 0 : index
    %swap3A_374 = arith.constant 13 : index
    %swap3A_375 = vector.load %arg2[%swap3A_372, %swap3A_373, %swap3A_374] : memref<1x1024x20xi32, #tpu.memory_space<vmem>>, vector<1x1024x1xi32>
    %swap3A_376 = vector.shape_cast %swap3A_375 : vector<1x1024x1xi32> to vector<1024xi32>
    %swap3A_377 = vector.shape_cast %add3A_371 : vector<1024xi32> to vector<1x1024x1xi32>
    tpu.vector_store %arg2[%swap3A_372, %swap3A_373, %swap3A_374], %swap3A_377 {strides = array<i32>} : memref<1x1024x20xi32, #tpu.memory_space<vmem>>, vector<1x1024x1xi32>,
    %eq3A_378 = vector.broadcast %broadcast_in_dim3A_366 : vector<1024x1xi32> to vector<1024x1024xi32>
    %eq3A_379 = arith.cmpi eq, %iota3A, %eq3A_378 : vector<1024x1024xi32>
    %jit3A_380 = arith.constant 0xFF800000 : f32
    %broadcast_in_dim3A_381 = vector.broadcast %jit3A_380 : f32 to vector<1024x1024xf32>
    %select_n3A_382 = arith.select %eq3A_379, %broadcast_in_dim3A_381, %select_n3A_355 : vector<1024x1024xi1>, vector<1024x1024xf32>
    %reduce_max3A_383 = arith.constant dense<0xFF800000> : vector<1024xf32>
    %reduce_max3A_384 = vector.multi_reduction <maximumf>, %select_n3A_382, %reduce_max3A_383 [1] : vector<1024x1024xf32> to vector<1024xf32>
    %broadcast_in_dim3A_385 = vector.shape_cast %reduce_max3A_384 : vector<1024xf32> to vector<1024x1xf32>
    %eq3A_386 = vector.broadcast %broadcast_in_dim3A_385 : vector<1024x1xf32> to vector<1024x1024xf32>
    %eq3A_387 = arith.cmpf oeq, %select_n3A_382, %eq3A_386 : vector<1024x1024xf32>
    %jit3A_388 = arith.constant 1024 : i32
    %broadcast_in_dim3A_389 = vector.broadcast %jit3A_388 : i32 to vector<1024x1024xi32>
    %select_n3A_390 = arith.select %eq3A_387, %iota3A, %broadcast_in_dim3A_389 : vector<1024x1024xi1>, vector<1024x1024xi32>
    %reduce_min3A_391 = arith.constant dense<2147483647> : vector<1024xi32>
    %reduce_min3A_392 = vector.multi_reduction <minsi>, %select_n3A_390, %reduce_min3A_391 [1] : vector<1024x1024xi32> to vector<1024xi32>
    %broadcast_in_dim3A_393 = vector.shape_cast %reduce_min3A_392 : vector<1024xi32> to vector<1024x1xi32>
    %squeeze3A_394 = vector.shape_cast %broadcast_in_dim3A_393 : vector<1024x1xi32> to vector<1024xi32>
    %mul3A_395 = arith.constant 1024 : i32
    %mul3A_396 = arith.muli %arg0, %mul3A_395 : i32
    %add3A_397 = vector.broadcast %mul3A_396 : i32 to vector<1024xi32>
    %add3A_398 = arith.addi %squeeze3A_394, %add3A_397 : vector<1024xi32>
    %swap3A_399 = arith.constant 0 : index
    %swap3A_400 = arith.constant 0 : index
    %swap3A_401 = arith.constant 14 : index
    %swap3A_402 = vector.load %arg2[%swap3A_399, %swap3A_400, %swap3A_401] : memref<1x1024x20xi32, #tpu.memory_space<vmem>>, vector<1x1024x1xi32>
    %swap3A_403 = vector.shape_cast %swap3A_402 : vector<1x1024x1xi32> to vector<1024xi32>
    %swap3A_404 = vector.shape_cast %add3A_398 : vector<1024xi32> to vector<1x1024x1xi32>
    tpu.vector_store %arg2[%swap3A_399, %swap3A_400, %swap3A_401], %swap3A_404 {strides = array<i32>} : memref<1x1024x20xi32, #tpu.memory_space<vmem>>, vector<1x1024x1xi32>,
    %eq3A_405 = vector.broadcast %broadcast_in_dim3A_393 : vector<1024x1xi32> to vector<1024x1024xi32>
    %eq3A_406 = arith.cmpi eq, %iota3A, %eq3A_405 : vector<1024x1024xi32>
    %jit3A_407 = arith.constant 0xFF800000 : f32
    %broadcast_in_dim3A_408 = vector.broadcast %jit3A_407 : f32 to vector<1024x1024xf32>
    %select_n3A_409 = arith.select %eq3A_406, %broadcast_in_dim3A_408, %select_n3A_382 : vector<1024x1024xi1>, vector<1024x1024xf32>
    %reduce_max3A_410 = arith.constant dense<0xFF800000> : vector<1024xf32>
    %reduce_max3A_411 = vector.multi_reduction <maximumf>, %select_n3A_409, %reduce_max3A_410 [1] : vector<1024x1024xf32> to vector<1024xf32>
    %broadcast_in_dim3A_412 = vector.shape_cast %reduce_max3A_411 : vector<1024xf32> to vector<1024x1xf32>
    %eq3A_413 = vector.broadcast %broadcast_in_dim3A_412 : vector<1024x1xf32> to vector<1024x1024xf32>
    %eq3A_414 = arith.cmpf oeq, %select_n3A_409, %eq3A_413 : vector<1024x1024xf32>
    %jit3A_415 = arith.constant 1024 : i32
    %broadcast_in_dim3A_416 = vector.broadcast %jit3A_415 : i32 to vector<1024x1024xi32>
    %select_n3A_417 = arith.select %eq3A_414, %iota3A, %broadcast_in_dim3A_416 : vector<1024x1024xi1>, vector<1024x1024xi32>
    %reduce_min3A_418 = arith.constant dense<2147483647> : vector<1024xi32>
    %reduce_min3A_419 = vector.multi_reduction <minsi>, %select_n3A_417, %reduce_min3A_418 [1] : vector<1024x1024xi32> to vector<1024xi32>
    %broadcast_in_dim3A_420 = vector.shape_cast %reduce_min3A_419 : vector<1024xi32> to vector<1024x1xi32>
    %squeeze3A_421 = vector.shape_cast %broadcast_in_dim3A_420 : vector<1024x1xi32> to vector<1024xi32>
    %mul3A_422 = arith.constant 1024 : i32
    %mul3A_423 = arith.muli %arg0, %mul3A_422 : i32
    %add3A_424 = vector.broadcast %mul3A_423 : i32 to vector<1024xi32>
    %add3A_425 = arith.addi %squeeze3A_421, %add3A_424 : vector<1024xi32>
    %swap3A_426 = arith.constant 0 : index
    %swap3A_427 = arith.constant 0 : index
    %swap3A_428 = arith.constant 15 : index
    %swap3A_429 = vector.load %arg2[%swap3A_426, %swap3A_427, %swap3A_428] : memref<1x1024x20xi32, #tpu.memory_space<vmem>>, vector<1x1024x1xi32>
    %swap3A_430 = vector.shape_cast %swap3A_429 : vector<1x1024x1xi32> to vector<1024xi32>
    %swap3A_431 = vector.shape_cast %add3A_425 : vector<1024xi32> to vector<1x1024x1xi32>
    tpu.vector_store %arg2[%swap3A_426, %swap3A_427, %swap3A_428], %swap3A_431 {strides = array<i32>} : memref<1x1024x20xi32, #tpu.memory_space<vmem>>, vector<1x1024x1xi32>,
    %eq3A_432 = vector.broadcast %broadcast_in_dim3A_420 : vector<1024x1xi32> to vector<1024x1024xi32>
    %eq3A_433 = arith.cmpi eq, %iota3A, %eq3A_432 : vector<1024x1024xi32>
    %jit3A_434 = arith.constant 0xFF800000 : f32
    %broadcast_in_dim3A_435 = vector.broadcast %jit3A_434 : f32 to vector<1024x1024xf32>
    %select_n3A_436 = arith.select %eq3A_433, %broadcast_in_dim3A_435, %select_n3A_409 : vector<1024x1024xi1>, vector<1024x1024xf32>
    %reduce_max3A_437 = arith.constant dense<0xFF800000> : vector<1024xf32>
    %reduce_max3A_438 = vector.multi_reduction <maximumf>, %select_n3A_436, %reduce_max3A_437 [1] : vector<1024x1024xf32> to vector<1024xf32>
    %broadcast_in_dim3A_439 = vector.shape_cast %reduce_max3A_438 : vector<1024xf32> to vector<1024x1xf32>
    %eq3A_440 = vector.broadcast %broadcast_in_dim3A_439 : vector<1024x1xf32> to vector<1024x1024xf32>
    %eq3A_441 = arith.cmpf oeq, %select_n3A_436, %eq3A_440 : vector<1024x1024xf32>
    %jit3A_442 = arith.constant 1024 : i32
    %broadcast_in_dim3A_443 = vector.broadcast %jit3A_442 : i32 to vector<1024x1024xi32>
    %select_n3A_444 = arith.select %eq3A_441, %iota3A, %broadcast_in_dim3A_443 : vector<1024x1024xi1>, vector<1024x1024xi32>
    %reduce_min3A_445 = arith.constant dense<2147483647> : vector<1024xi32>
    %reduce_min3A_446 = vector.multi_reduction <minsi>, %select_n3A_444, %reduce_min3A_445 [1] : vector<1024x1024xi32> to vector<1024xi32>
    %broadcast_in_dim3A_447 = vector.shape_cast %reduce_min3A_446 : vector<1024xi32> to vector<1024x1xi32>
    %squeeze3A_448 = vector.shape_cast %broadcast_in_dim3A_447 : vector<1024x1xi32> to vector<1024xi32>
    %mul3A_449 = arith.constant 1024 : i32
    %mul3A_450 = arith.muli %arg0, %mul3A_449 : i32
    %add3A_451 = vector.broadcast %mul3A_450 : i32 to vector<1024xi32>
    %add3A_452 = arith.addi %squeeze3A_448, %add3A_451 : vector<1024xi32>
    %swap3A_453 = arith.constant 0 : index
    %swap3A_454 = arith.constant 0 : index
    %swap3A_455 = arith.constant 16 : index
    %swap3A_456 = vector.load %arg2[%swap3A_453, %swap3A_454, %swap3A_455] : memref<1x1024x20xi32, #tpu.memory_space<vmem>>, vector<1x1024x1xi32>
    %swap3A_457 = vector.shape_cast %swap3A_456 : vector<1x1024x1xi32> to vector<1024xi32>
    %swap3A_458 = vector.shape_cast %add3A_452 : vector<1024xi32> to vector<1x1024x1xi32>
    tpu.vector_store %arg2[%swap3A_453, %swap3A_454, %swap3A_455], %swap3A_458 {strides = array<i32>} : memref<1x1024x20xi32, #tpu.memory_space<vmem>>, vector<1x1024x1xi32>,
    %eq3A_459 = vector.broadcast %broadcast_in_dim3A_447 : vector<1024x1xi32> to vector<1024x1024xi32>
    %eq3A_460 = arith.cmpi eq, %iota3A, %eq3A_459 : vector<1024x1024xi32>
    %jit3A_461 = arith.constant 0xFF800000 : f32
    %broadcast_in_dim3A_462 = vector.broadcast %jit3A_461 : f32 to vector<1024x1024xf32>
    %select_n3A_463 = arith.select %eq3A_460, %broadcast_in_dim3A_462, %select_n3A_436 : vector<1024x1024xi1>, vector<1024x1024xf32>
    %reduce_max3A_464 = arith.constant dense<0xFF800000> : vector<1024xf32>
    %reduce_max3A_465 = vector.multi_reduction <maximumf>, %select_n3A_463, %reduce_max3A_464 [1] : vector<1024x1024xf32> to vector<1024xf32>
    %broadcast_in_dim3A_466 = vector.shape_cast %reduce_max3A_465 : vector<1024xf32> to vector<1024x1xf32>
    %eq3A_467 = vector.broadcast %broadcast_in_dim3A_466 : vector<1024x1xf32> to vector<1024x1024xf32>
    %eq3A_468 = arith.cmpf oeq, %select_n3A_463, %eq3A_467 : vector<1024x1024xf32>
    %jit3A_469 = arith.constant 1024 : i32
    %broadcast_in_dim3A_470 = vector.broadcast %jit3A_469 : i32 to vector<1024x1024xi32>
    %select_n3A_471 = arith.select %eq3A_468, %iota3A, %broadcast_in_dim3A_470 : vector<1024x1024xi1>, vector<1024x1024xi32>
    %reduce_min3A_472 = arith.constant dense<2147483647> : vector<1024xi32>
    %reduce_min3A_473 = vector.multi_reduction <minsi>, %select_n3A_471, %reduce_min3A_472 [1] : vector<1024x1024xi32> to vector<1024xi32>
    %broadcast_in_dim3A_474 = vector.shape_cast %reduce_min3A_473 : vector<1024xi32> to vector<1024x1xi32>
    %squeeze3A_475 = vector.shape_cast %broadcast_in_dim3A_474 : vector<1024x1xi32> to vector<1024xi32>
    %mul3A_476 = arith.constant 1024 : i32
    %mul3A_477 = arith.muli %arg0, %mul3A_476 : i32
    %add3A_478 = vector.broadcast %mul3A_477 : i32 to vector<1024xi32>
    %add3A_479 = arith.addi %squeeze3A_475, %add3A_478 : vector<1024xi32>
    %swap3A_480 = arith.constant 0 : index
    %swap3A_481 = arith.constant 0 : index
    %swap3A_482 = arith.constant 17 : index
    %swap3A_483 = vector.load %arg2[%swap3A_480, %swap3A_481, %swap3A_482] : memref<1x1024x20xi32, #tpu.memory_space<vmem>>, vector<1x1024x1xi32>
    %swap3A_484 = vector.shape_cast %swap3A_483 : vector<1x1024x1xi32> to vector<1024xi32>
    %swap3A_485 = vector.shape_cast %add3A_479 : vector<1024xi32> to vector<1x1024x1xi32>
    tpu.vector_store %arg2[%swap3A_480, %swap3A_481, %swap3A_482], %swap3A_485 {strides = array<i32>} : memref<1x1024x20xi32, #tpu.memory_space<vmem>>, vector<1x1024x1xi32>,
    %eq3A_486 = vector.broadcast %broadcast_in_dim3A_474 : vector<1024x1xi32> to vector<1024x1024xi32>
    %eq3A_487 = arith.cmpi eq, %iota3A, %eq3A_486 : vector<1024x1024xi32>
    %jit3A_488 = arith.constant 0xFF800000 : f32
    %broadcast_in_dim3A_489 = vector.broadcast %jit3A_488 : f32 to vector<1024x1024xf32>
    %select_n3A_490 = arith.select %eq3A_487, %broadcast_in_dim3A_489, %select_n3A_463 : vector<1024x1024xi1>, vector<1024x1024xf32>
    %reduce_max3A_491 = arith.constant dense<0xFF800000> : vector<1024xf32>
    %reduce_max3A_492 = vector.multi_reduction <maximumf>, %select_n3A_490, %reduce_max3A_491 [1] : vector<1024x1024xf32> to vector<1024xf32>
    %broadcast_in_dim3A_493 = vector.shape_cast %reduce_max3A_492 : vector<1024xf32> to vector<1024x1xf32>
    %eq3A_494 = vector.broadcast %broadcast_in_dim3A_493 : vector<1024x1xf32> to vector<1024x1024xf32>
    %eq3A_495 = arith.cmpf oeq, %select_n3A_490, %eq3A_494 : vector<1024x1024xf32>
    %jit3A_496 = arith.constant 1024 : i32
    %broadcast_in_dim3A_497 = vector.broadcast %jit3A_496 : i32 to vector<1024x1024xi32>
    %select_n3A_498 = arith.select %eq3A_495, %iota3A, %broadcast_in_dim3A_497 : vector<1024x1024xi1>, vector<1024x1024xi32>
    %reduce_min3A_499 = arith.constant dense<2147483647> : vector<1024xi32>
    %reduce_min3A_500 = vector.multi_reduction <minsi>, %select_n3A_498, %reduce_min3A_499 [1] : vector<1024x1024xi32> to vector<1024xi32>
    %broadcast_in_dim3A_501 = vector.shape_cast %reduce_min3A_500 : vector<1024xi32> to vector<1024x1xi32>
    %squeeze3A_502 = vector.shape_cast %broadcast_in_dim3A_501 : vector<1024x1xi32> to vector<1024xi32>
    %mul3A_503 = arith.constant 1024 : i32
    %mul3A_504 = arith.muli %arg0, %mul3A_503 : i32
    %add3A_505 = vector.broadcast %mul3A_504 : i32 to vector<1024xi32>
    %add3A_506 = arith.addi %squeeze3A_502, %add3A_505 : vector<1024xi32>
    %swap3A_507 = arith.constant 0 : index
    %swap3A_508 = arith.constant 0 : index
    %swap3A_509 = arith.constant 18 : index
    %swap3A_510 = vector.load %arg2[%swap3A_507, %swap3A_508, %swap3A_509] : memref<1x1024x20xi32, #tpu.memory_space<vmem>>, vector<1x1024x1xi32>
    %swap3A_511 = vector.shape_cast %swap3A_510 : vector<1x1024x1xi32> to vector<1024xi32>
    %swap3A_512 = vector.shape_cast %add3A_506 : vector<1024xi32> to vector<1x1024x1xi32>
    tpu.vector_store %arg2[%swap3A_507, %swap3A_508, %swap3A_509], %swap3A_512 {strides = array<i32>} : memref<1x1024x20xi32, #tpu.memory_space<vmem>>, vector<1x1024x1xi32>,
    %eq3A_513 = vector.broadcast %broadcast_in_dim3A_501 : vector<1024x1xi32> to vector<1024x1024xi32>
    %eq3A_514 = arith.cmpi eq, %iota3A, %eq3A_513 : vector<1024x1024xi32>
    %jit3A_515 = arith.constant 0xFF800000 : f32
    %broadcast_in_dim3A_516 = vector.broadcast %jit3A_515 : f32 to vector<1024x1024xf32>
    %select_n3A_517 = arith.select %eq3A_514, %broadcast_in_dim3A_516, %select_n3A_490 : vector<1024x1024xi1>, vector<1024x1024xf32>
    %reduce_max3A_518 = arith.constant dense<0xFF800000> : vector<1024xf32>
    %reduce_max3A_519 = vector.multi_reduction <maximumf>, %select_n3A_517, %reduce_max3A_518 [1] : vector<1024x1024xf32> to vector<1024xf32>
    %broadcast_in_dim3A_520 = vector.shape_cast %reduce_max3A_519 : vector<1024xf32> to vector<1024x1xf32>
    %eq3A_521 = vector.broadcast %broadcast_in_dim3A_520 : vector<1024x1xf32> to vector<1024x1024xf32>
    %eq3A_522 = arith.cmpf oeq, %select_n3A_517, %eq3A_521 : vector<1024x1024xf32>
    %jit3A_523 = arith.constant 1024 : i32
    %broadcast_in_dim3A_524 = vector.broadcast %jit3A_523 : i32 to vector<1024x1024xi32>
    %select_n3A_525 = arith.select %eq3A_522, %iota3A, %broadcast_in_dim3A_524 : vector<1024x1024xi1>, vector<1024x1024xi32>
    %reduce_min3A_526 = arith.constant dense<2147483647> : vector<1024xi32>
    %reduce_min3A_527 = vector.multi_reduction <minsi>, %select_n3A_525, %reduce_min3A_526 [1] : vector<1024x1024xi32> to vector<1024xi32>
    %broadcast_in_dim3A_528 = vector.shape_cast %reduce_min3A_527 : vector<1024xi32> to vector<1024x1xi32>
    %squeeze3A_529 = vector.shape_cast %broadcast_in_dim3A_528 : vector<1024x1xi32> to vector<1024xi32>
    %mul3A_530 = arith.constant 1024 : i32
    %mul3A_531 = arith.muli %arg0, %mul3A_530 : i32
    %add3A_532 = vector.broadcast %mul3A_531 : i32 to vector<1024xi32>
    %add3A_533 = arith.addi %squeeze3A_529, %add3A_532 : vector<1024xi32>
    %swap3A_534 = arith.constant 0 : index
    %swap3A_535 = arith.constant 0 : index
    %swap3A_536 = arith.constant 19 : index
    %swap3A_537 = vector.load %arg2[%swap3A_534, %swap3A_535, %swap3A_536] : memref<1x1024x20xi32, #tpu.memory_space<vmem>>, vector<1x1024x1xi32>
    %swap3A_538 = vector.shape_cast %swap3A_537 : vector<1x1024x1xi32> to vector<1024xi32>
    %swap3A_539 = vector.shape_cast %add3A_533 : vector<1024xi32> to vector<1x1024x1xi32>
    tpu.vector_store %arg2[%swap3A_534, %swap3A_535, %swap3A_536], %swap3A_539 {strides = array<i32>} : memref<1x1024x20xi32, #tpu.memory_space<vmem>>, vector<1x1024x1xi32>,
    return
  }
  func.func @transform_0(%arg0: i32) -> (i32, i32, i32) {
    %c0_i32 = arith.constant 0 : i32
    %c0_i32_0 = arith.constant 0 : i32
    %c0_i32_1 = arith.constant 0 : i32
    return %arg0, %c0_i32, %c0_i32_0 : i32, i32, i32
  }
  func.func @transform_1(%arg0: i32) -> (i32, i32, i32) {
    %c0_i32 = arith.constant 0 : i32
    %c0_i32_0 = arith.constant 0 : i32
    %c0_i32_1 = arith.constant 0 : i32
    return %arg0, %c0_i32, %c0_i32_0 : i32, i32, i32
  }
}

module attributes {stable_mosaic.version = 14 : i64} {
  func.func @_conv_faithful_body(%arg0: i32, %arg1: i32, %arg2: memref<1x512x20x128xf32, #tpu.memory_space<vmem>>, %arg3: memref<64x128xf32, #tpu.memory_space<vmem>>, %arg4: memref<1x512x20x64xf32, #tpu.memory_space<vmem>>, %arg5: memref<1x512x64xf32, #tpu.memory_space<vmem>>) attributes {dimension_semantics = [#tpu.dimension_semantics<arbitrary>, #tpu.dimension_semantics<arbitrary>], iteration_bounds = array<i64: 4, 2>, scalar_prefetch = 0 : i64, scratch_operands = 0 : i64, tpu.core_type = #tpu.core_type<tc>, window_params = [{transform_indices = @transform_0, window_bounds = array<i64: 1, 512, 20, 128>}, {pipeline_mode = #tpu.pipeline_mode<synchronous>, transform_indices = @transform_1, window_bounds = array<i64: 64, 128>}, {transform_indices = @transform_2, window_bounds = array<i64: 1, 512, 20, 64>}, {transform_indices = @transform_3, window_bounds = array<i64: 1, 512, 64>}]} {
    %get3A = arith.constant 0 : index
    %get3A_0 = arith.constant 0 : index
    %get3A_1 = arith.constant 0 : index
    %get3A_2 = arith.constant 0 : index
    %get3A_3 = vector.load %arg2[%get3A, %get3A_0, %get3A_1, %get3A_2] : memref<1x512x20x128xf32, #tpu.memory_space<vmem>>, vector<1x512x20x128xf32>
    %get3A_4 = vector.shape_cast %get3A_3 : vector<1x512x20x128xf32> to vector<512x20x128xf32>
    %reshape3A = vector.shape_cast %get3A_4 : vector<512x20x128xf32> to vector<10240x128xf32>
    %get3A_5 = arith.constant 0 : index
    %get3A_6 = arith.constant 0 : index
    %get3A_7 = vector.load %arg3[%get3A_5, %get3A_6] : memref<64x128xf32, #tpu.memory_space<vmem>>, vector<64x128xf32>
    %dot_general3A = arith.constant dense<0.000000e+00> : vector<10240x64xf32>
    %dot_general3A_8 = tpu.matmul %reshape3A, %get3A_7, %dot_general3A {dimension_numbers = #tpu.dot_dimension_numbers<[1], [1], [0], [0], [0, 0, 1, 0], [], []>, transpose_lhs_hint = false} : vector<10240x128xf32>, vector<64x128xf32>, vector<10240x64xf32> -> vector<10240x64xf32>
    %reshape3A_9 = vector.shape_cast %dot_general3A_8 : vector<10240x64xf32> to vector<512x20x64xf32>
    %swap3A = arith.constant 0 : index
    %swap3A_10 = arith.constant 0 : index
    %swap3A_11 = arith.constant 0 : index
    %swap3A_12 = arith.constant 0 : index
    %swap3A_13 = vector.load %arg4[%swap3A, %swap3A_10, %swap3A_11, %swap3A_12] : memref<1x512x20x64xf32, #tpu.memory_space<vmem>>, vector<1x512x20x64xf32>
    %swap3A_14 = vector.shape_cast %swap3A_13 : vector<1x512x20x64xf32> to vector<512x20x64xf32>
    %swap3A_15 = vector.shape_cast %reshape3A_9 : vector<512x20x64xf32> to vector<1x512x20x64xf32>
    tpu.vector_store %arg4[%swap3A, %swap3A_10, %swap3A_11, %swap3A_12], %swap3A_15 {strides = array<i32>} : memref<1x512x20x64xf32, #tpu.memory_space<vmem>>, vector<1x512x20x64xf32>,
    %slice3A = vector.extract_strided_slice %reshape3A_9 {offsets = [0, 0, 0], sizes = [512, 1, 64], strides = [1, 1, 1]} : vector<512x20x64xf32> to vector<512x1x64xf32>
    %squeeze3A = vector.shape_cast %slice3A : vector<512x1x64xf32> to vector<512x64xf32>
    %slice3A_16 = vector.extract_strided_slice %reshape3A_9 {offsets = [0, 1, 0], sizes = [512, 1, 64], strides = [1, 1, 1]} : vector<512x20x64xf32> to vector<512x1x64xf32>
    %squeeze3A_17 = vector.shape_cast %slice3A_16 : vector<512x1x64xf32> to vector<512x64xf32>
    %max3A = arith.maximumf %squeeze3A, %squeeze3A_17 : vector<512x64xf32>
    %slice3A_18 = vector.extract_strided_slice %reshape3A_9 {offsets = [0, 2, 0], sizes = [512, 1, 64], strides = [1, 1, 1]} : vector<512x20x64xf32> to vector<512x1x64xf32>
    %squeeze3A_19 = vector.shape_cast %slice3A_18 : vector<512x1x64xf32> to vector<512x64xf32>
    %max3A_20 = arith.maximumf %max3A, %squeeze3A_19 : vector<512x64xf32>
    %slice3A_21 = vector.extract_strided_slice %reshape3A_9 {offsets = [0, 3, 0], sizes = [512, 1, 64], strides = [1, 1, 1]} : vector<512x20x64xf32> to vector<512x1x64xf32>
    %squeeze3A_22 = vector.shape_cast %slice3A_21 : vector<512x1x64xf32> to vector<512x64xf32>
    %max3A_23 = arith.maximumf %max3A_20, %squeeze3A_22 : vector<512x64xf32>
    %slice3A_24 = vector.extract_strided_slice %reshape3A_9 {offsets = [0, 4, 0], sizes = [512, 1, 64], strides = [1, 1, 1]} : vector<512x20x64xf32> to vector<512x1x64xf32>
    %squeeze3A_25 = vector.shape_cast %slice3A_24 : vector<512x1x64xf32> to vector<512x64xf32>
    %max3A_26 = arith.maximumf %max3A_23, %squeeze3A_25 : vector<512x64xf32>
    %slice3A_27 = vector.extract_strided_slice %reshape3A_9 {offsets = [0, 5, 0], sizes = [512, 1, 64], strides = [1, 1, 1]} : vector<512x20x64xf32> to vector<512x1x64xf32>
    %squeeze3A_28 = vector.shape_cast %slice3A_27 : vector<512x1x64xf32> to vector<512x64xf32>
    %max3A_29 = arith.maximumf %max3A_26, %squeeze3A_28 : vector<512x64xf32>
    %slice3A_30 = vector.extract_strided_slice %reshape3A_9 {offsets = [0, 6, 0], sizes = [512, 1, 64], strides = [1, 1, 1]} : vector<512x20x64xf32> to vector<512x1x64xf32>
    %squeeze3A_31 = vector.shape_cast %slice3A_30 : vector<512x1x64xf32> to vector<512x64xf32>
    %max3A_32 = arith.maximumf %max3A_29, %squeeze3A_31 : vector<512x64xf32>
    %slice3A_33 = vector.extract_strided_slice %reshape3A_9 {offsets = [0, 7, 0], sizes = [512, 1, 64], strides = [1, 1, 1]} : vector<512x20x64xf32> to vector<512x1x64xf32>
    %squeeze3A_34 = vector.shape_cast %slice3A_33 : vector<512x1x64xf32> to vector<512x64xf32>
    %max3A_35 = arith.maximumf %max3A_32, %squeeze3A_34 : vector<512x64xf32>
    %slice3A_36 = vector.extract_strided_slice %reshape3A_9 {offsets = [0, 8, 0], sizes = [512, 1, 64], strides = [1, 1, 1]} : vector<512x20x64xf32> to vector<512x1x64xf32>
    %squeeze3A_37 = vector.shape_cast %slice3A_36 : vector<512x1x64xf32> to vector<512x64xf32>
    %max3A_38 = arith.maximumf %max3A_35, %squeeze3A_37 : vector<512x64xf32>
    %slice3A_39 = vector.extract_strided_slice %reshape3A_9 {offsets = [0, 9, 0], sizes = [512, 1, 64], strides = [1, 1, 1]} : vector<512x20x64xf32> to vector<512x1x64xf32>
    %squeeze3A_40 = vector.shape_cast %slice3A_39 : vector<512x1x64xf32> to vector<512x64xf32>
    %max3A_41 = arith.maximumf %max3A_38, %squeeze3A_40 : vector<512x64xf32>
    %slice3A_42 = vector.extract_strided_slice %reshape3A_9 {offsets = [0, 10, 0], sizes = [512, 1, 64], strides = [1, 1, 1]} : vector<512x20x64xf32> to vector<512x1x64xf32>
    %squeeze3A_43 = vector.shape_cast %slice3A_42 : vector<512x1x64xf32> to vector<512x64xf32>
    %max3A_44 = arith.maximumf %max3A_41, %squeeze3A_43 : vector<512x64xf32>
    %slice3A_45 = vector.extract_strided_slice %reshape3A_9 {offsets = [0, 11, 0], sizes = [512, 1, 64], strides = [1, 1, 1]} : vector<512x20x64xf32> to vector<512x1x64xf32>
    %squeeze3A_46 = vector.shape_cast %slice3A_45 : vector<512x1x64xf32> to vector<512x64xf32>
    %max3A_47 = arith.maximumf %max3A_44, %squeeze3A_46 : vector<512x64xf32>
    %slice3A_48 = vector.extract_strided_slice %reshape3A_9 {offsets = [0, 12, 0], sizes = [512, 1, 64], strides = [1, 1, 1]} : vector<512x20x64xf32> to vector<512x1x64xf32>
    %squeeze3A_49 = vector.shape_cast %slice3A_48 : vector<512x1x64xf32> to vector<512x64xf32>
    %max3A_50 = arith.maximumf %max3A_47, %squeeze3A_49 : vector<512x64xf32>
    %slice3A_51 = vector.extract_strided_slice %reshape3A_9 {offsets = [0, 13, 0], sizes = [512, 1, 64], strides = [1, 1, 1]} : vector<512x20x64xf32> to vector<512x1x64xf32>
    %squeeze3A_52 = vector.shape_cast %slice3A_51 : vector<512x1x64xf32> to vector<512x64xf32>
    %max3A_53 = arith.maximumf %max3A_50, %squeeze3A_52 : vector<512x64xf32>
    %slice3A_54 = vector.extract_strided_slice %reshape3A_9 {offsets = [0, 14, 0], sizes = [512, 1, 64], strides = [1, 1, 1]} : vector<512x20x64xf32> to vector<512x1x64xf32>
    %squeeze3A_55 = vector.shape_cast %slice3A_54 : vector<512x1x64xf32> to vector<512x64xf32>
    %max3A_56 = arith.maximumf %max3A_53, %squeeze3A_55 : vector<512x64xf32>
    %slice3A_57 = vector.extract_strided_slice %reshape3A_9 {offsets = [0, 15, 0], sizes = [512, 1, 64], strides = [1, 1, 1]} : vector<512x20x64xf32> to vector<512x1x64xf32>
    %squeeze3A_58 = vector.shape_cast %slice3A_57 : vector<512x1x64xf32> to vector<512x64xf32>
    %max3A_59 = arith.maximumf %max3A_56, %squeeze3A_58 : vector<512x64xf32>
    %slice3A_60 = vector.extract_strided_slice %reshape3A_9 {offsets = [0, 16, 0], sizes = [512, 1, 64], strides = [1, 1, 1]} : vector<512x20x64xf32> to vector<512x1x64xf32>
    %squeeze3A_61 = vector.shape_cast %slice3A_60 : vector<512x1x64xf32> to vector<512x64xf32>
    %max3A_62 = arith.maximumf %max3A_59, %squeeze3A_61 : vector<512x64xf32>
    %slice3A_63 = vector.extract_strided_slice %reshape3A_9 {offsets = [0, 17, 0], sizes = [512, 1, 64], strides = [1, 1, 1]} : vector<512x20x64xf32> to vector<512x1x64xf32>
    %squeeze3A_64 = vector.shape_cast %slice3A_63 : vector<512x1x64xf32> to vector<512x64xf32>
    %max3A_65 = arith.maximumf %max3A_62, %squeeze3A_64 : vector<512x64xf32>
    %slice3A_66 = vector.extract_strided_slice %reshape3A_9 {offsets = [0, 18, 0], sizes = [512, 1, 64], strides = [1, 1, 1]} : vector<512x20x64xf32> to vector<512x1x64xf32>
    %squeeze3A_67 = vector.shape_cast %slice3A_66 : vector<512x1x64xf32> to vector<512x64xf32>
    %max3A_68 = arith.maximumf %max3A_65, %squeeze3A_67 : vector<512x64xf32>
    %slice3A_69 = vector.extract_strided_slice %reshape3A_9 {offsets = [0, 19, 0], sizes = [512, 1, 64], strides = [1, 1, 1]} : vector<512x20x64xf32> to vector<512x1x64xf32>
    %squeeze3A_70 = vector.shape_cast %slice3A_69 : vector<512x1x64xf32> to vector<512x64xf32>
    %max3A_71 = arith.maximumf %max3A_68, %squeeze3A_70 : vector<512x64xf32>
    %swap3A_72 = arith.constant 0 : index
    %swap3A_73 = arith.constant 0 : index
    %swap3A_74 = arith.constant 0 : index
    %swap3A_75 = vector.load %arg5[%swap3A_72, %swap3A_73, %swap3A_74] : memref<1x512x64xf32, #tpu.memory_space<vmem>>, vector<1x512x64xf32>
    %swap3A_76 = vector.shape_cast %swap3A_75 : vector<1x512x64xf32> to vector<512x64xf32>
    %swap3A_77 = vector.shape_cast %max3A_71 : vector<512x64xf32> to vector<1x512x64xf32>
    tpu.vector_store %arg5[%swap3A_72, %swap3A_73, %swap3A_74], %swap3A_77 {strides = array<i32>} : memref<1x512x64xf32, #tpu.memory_space<vmem>>, vector<1x512x64xf32>,
    return
  }
  func.func @transform_0(%arg0: i32, %arg1: i32) -> (i32, i32, i32, i32) {
    %c0_i32 = arith.constant 0 : i32
    %c0_i32_0 = arith.constant 0 : i32
    %c0_i32_1 = arith.constant 0 : i32
    return %arg0, %arg1, %c0_i32, %c0_i32_0 : i32, i32, i32, i32
  }
  func.func @transform_1(%arg0: i32, %arg1: i32) -> (i32, i32) {
    %c0_i32 = arith.constant 0 : i32
    %c0_i32_0 = arith.constant 0 : i32
    %c0_i32_1 = arith.constant 0 : i32
    return %c0_i32, %c0_i32_0 : i32, i32
  }
  func.func @transform_2(%arg0: i32, %arg1: i32) -> (i32, i32, i32, i32) {
    %c0_i32 = arith.constant 0 : i32
    %c0_i32_0 = arith.constant 0 : i32
    %c0_i32_1 = arith.constant 0 : i32
    return %arg0, %arg1, %c0_i32, %c0_i32_0 : i32, i32, i32, i32
  }
  func.func @transform_3(%arg0: i32, %arg1: i32) -> (i32, i32, i32) {
    %c0_i32 = arith.constant 0 : i32
    %c0_i32_0 = arith.constant 0 : i32
    return %arg0, %arg1, %c0_i32 : i32, i32, i32
  }
}

module attributes {stable_mosaic.version = 14 : i64} {
  func.func @_conv_faithful_body(%arg0: i32, %arg1: i32, %arg2: memref<1x512x20x128xf32, #tpu.memory_space<vmem>>, %arg3: memref<128x128xf32, #tpu.memory_space<vmem>>, %arg4: memref<1x512x20x128xf32, #tpu.memory_space<vmem>>, %arg5: memref<1x512x128xf32, #tpu.memory_space<vmem>>) attributes {dimension_semantics = [#tpu.dimension_semantics<arbitrary>, #tpu.dimension_semantics<arbitrary>], iteration_bounds = array<i64: 4, 2>, scalar_prefetch = 0 : i64, scratch_operands = 0 : i64, tpu.core_type = #tpu.core_type<tc>, window_params = [{transform_indices = @transform_0, window_bounds = array<i64: 1, 512, 20, 128>}, {pipeline_mode = #tpu.pipeline_mode<synchronous>, transform_indices = @transform_1, window_bounds = array<i64: 128, 128>}, {transform_indices = @transform_2, window_bounds = array<i64: 1, 512, 20, 128>}, {transform_indices = @transform_3, window_bounds = array<i64: 1, 512, 128>}]} {
    %get3A = arith.constant 0 : index
    %get3A_0 = arith.constant 0 : index
    %get3A_1 = arith.constant 0 : index
    %get3A_2 = arith.constant 0 : index
    %get3A_3 = vector.load %arg2[%get3A, %get3A_0, %get3A_1, %get3A_2] : memref<1x512x20x128xf32, #tpu.memory_space<vmem>>, vector<1x512x20x128xf32>
    %get3A_4 = vector.shape_cast %get3A_3 : vector<1x512x20x128xf32> to vector<512x20x128xf32>
    %reshape3A = vector.shape_cast %get3A_4 : vector<512x20x128xf32> to vector<10240x128xf32>
    %get3A_5 = arith.constant 0 : index
    %get3A_6 = arith.constant 0 : index
    %get3A_7 = vector.load %arg3[%get3A_5, %get3A_6] : memref<128x128xf32, #tpu.memory_space<vmem>>, vector<128x128xf32>
    %dot_general3A = arith.constant dense<0.000000e+00> : vector<10240x128xf32>
    %dot_general3A_8 = tpu.matmul %reshape3A, %get3A_7, %dot_general3A {dimension_numbers = #tpu.dot_dimension_numbers<[1], [1], [0], [0], [0, 0, 1, 0], [], []>, transpose_lhs_hint = false} : vector<10240x128xf32>, vector<128x128xf32>, vector<10240x128xf32> -> vector<10240x128xf32>
    %reshape3A_9 = vector.shape_cast %dot_general3A_8 : vector<10240x128xf32> to vector<512x20x128xf32>
    %swap3A = arith.constant 0 : index
    %swap3A_10 = arith.constant 0 : index
    %swap3A_11 = arith.constant 0 : index
    %swap3A_12 = arith.constant 0 : index
    %swap3A_13 = vector.load %arg4[%swap3A, %swap3A_10, %swap3A_11, %swap3A_12] : memref<1x512x20x128xf32, #tpu.memory_space<vmem>>, vector<1x512x20x128xf32>
    %swap3A_14 = vector.shape_cast %swap3A_13 : vector<1x512x20x128xf32> to vector<512x20x128xf32>
    %swap3A_15 = vector.shape_cast %reshape3A_9 : vector<512x20x128xf32> to vector<1x512x20x128xf32>
    tpu.vector_store %arg4[%swap3A, %swap3A_10, %swap3A_11, %swap3A_12], %swap3A_15 {strides = array<i32>} : memref<1x512x20x128xf32, #tpu.memory_space<vmem>>, vector<1x512x20x128xf32>,
    %slice3A = vector.extract_strided_slice %reshape3A_9 {offsets = [0, 0, 0], sizes = [512, 1, 128], strides = [1, 1, 1]} : vector<512x20x128xf32> to vector<512x1x128xf32>
    %squeeze3A = vector.shape_cast %slice3A : vector<512x1x128xf32> to vector<512x128xf32>
    %slice3A_16 = vector.extract_strided_slice %reshape3A_9 {offsets = [0, 1, 0], sizes = [512, 1, 128], strides = [1, 1, 1]} : vector<512x20x128xf32> to vector<512x1x128xf32>
    %squeeze3A_17 = vector.shape_cast %slice3A_16 : vector<512x1x128xf32> to vector<512x128xf32>
    %max3A = arith.maximumf %squeeze3A, %squeeze3A_17 : vector<512x128xf32>
    %slice3A_18 = vector.extract_strided_slice %reshape3A_9 {offsets = [0, 2, 0], sizes = [512, 1, 128], strides = [1, 1, 1]} : vector<512x20x128xf32> to vector<512x1x128xf32>
    %squeeze3A_19 = vector.shape_cast %slice3A_18 : vector<512x1x128xf32> to vector<512x128xf32>
    %max3A_20 = arith.maximumf %max3A, %squeeze3A_19 : vector<512x128xf32>
    %slice3A_21 = vector.extract_strided_slice %reshape3A_9 {offsets = [0, 3, 0], sizes = [512, 1, 128], strides = [1, 1, 1]} : vector<512x20x128xf32> to vector<512x1x128xf32>
    %squeeze3A_22 = vector.shape_cast %slice3A_21 : vector<512x1x128xf32> to vector<512x128xf32>
    %max3A_23 = arith.maximumf %max3A_20, %squeeze3A_22 : vector<512x128xf32>
    %slice3A_24 = vector.extract_strided_slice %reshape3A_9 {offsets = [0, 4, 0], sizes = [512, 1, 128], strides = [1, 1, 1]} : vector<512x20x128xf32> to vector<512x1x128xf32>
    %squeeze3A_25 = vector.shape_cast %slice3A_24 : vector<512x1x128xf32> to vector<512x128xf32>
    %max3A_26 = arith.maximumf %max3A_23, %squeeze3A_25 : vector<512x128xf32>
    %slice3A_27 = vector.extract_strided_slice %reshape3A_9 {offsets = [0, 5, 0], sizes = [512, 1, 128], strides = [1, 1, 1]} : vector<512x20x128xf32> to vector<512x1x128xf32>
    %squeeze3A_28 = vector.shape_cast %slice3A_27 : vector<512x1x128xf32> to vector<512x128xf32>
    %max3A_29 = arith.maximumf %max3A_26, %squeeze3A_28 : vector<512x128xf32>
    %slice3A_30 = vector.extract_strided_slice %reshape3A_9 {offsets = [0, 6, 0], sizes = [512, 1, 128], strides = [1, 1, 1]} : vector<512x20x128xf32> to vector<512x1x128xf32>
    %squeeze3A_31 = vector.shape_cast %slice3A_30 : vector<512x1x128xf32> to vector<512x128xf32>
    %max3A_32 = arith.maximumf %max3A_29, %squeeze3A_31 : vector<512x128xf32>
    %slice3A_33 = vector.extract_strided_slice %reshape3A_9 {offsets = [0, 7, 0], sizes = [512, 1, 128], strides = [1, 1, 1]} : vector<512x20x128xf32> to vector<512x1x128xf32>
    %squeeze3A_34 = vector.shape_cast %slice3A_33 : vector<512x1x128xf32> to vector<512x128xf32>
    %max3A_35 = arith.maximumf %max3A_32, %squeeze3A_34 : vector<512x128xf32>
    %slice3A_36 = vector.extract_strided_slice %reshape3A_9 {offsets = [0, 8, 0], sizes = [512, 1, 128], strides = [1, 1, 1]} : vector<512x20x128xf32> to vector<512x1x128xf32>
    %squeeze3A_37 = vector.shape_cast %slice3A_36 : vector<512x1x128xf32> to vector<512x128xf32>
    %max3A_38 = arith.maximumf %max3A_35, %squeeze3A_37 : vector<512x128xf32>
    %slice3A_39 = vector.extract_strided_slice %reshape3A_9 {offsets = [0, 9, 0], sizes = [512, 1, 128], strides = [1, 1, 1]} : vector<512x20x128xf32> to vector<512x1x128xf32>
    %squeeze3A_40 = vector.shape_cast %slice3A_39 : vector<512x1x128xf32> to vector<512x128xf32>
    %max3A_41 = arith.maximumf %max3A_38, %squeeze3A_40 : vector<512x128xf32>
    %slice3A_42 = vector.extract_strided_slice %reshape3A_9 {offsets = [0, 10, 0], sizes = [512, 1, 128], strides = [1, 1, 1]} : vector<512x20x128xf32> to vector<512x1x128xf32>
    %squeeze3A_43 = vector.shape_cast %slice3A_42 : vector<512x1x128xf32> to vector<512x128xf32>
    %max3A_44 = arith.maximumf %max3A_41, %squeeze3A_43 : vector<512x128xf32>
    %slice3A_45 = vector.extract_strided_slice %reshape3A_9 {offsets = [0, 11, 0], sizes = [512, 1, 128], strides = [1, 1, 1]} : vector<512x20x128xf32> to vector<512x1x128xf32>
    %squeeze3A_46 = vector.shape_cast %slice3A_45 : vector<512x1x128xf32> to vector<512x128xf32>
    %max3A_47 = arith.maximumf %max3A_44, %squeeze3A_46 : vector<512x128xf32>
    %slice3A_48 = vector.extract_strided_slice %reshape3A_9 {offsets = [0, 12, 0], sizes = [512, 1, 128], strides = [1, 1, 1]} : vector<512x20x128xf32> to vector<512x1x128xf32>
    %squeeze3A_49 = vector.shape_cast %slice3A_48 : vector<512x1x128xf32> to vector<512x128xf32>
    %max3A_50 = arith.maximumf %max3A_47, %squeeze3A_49 : vector<512x128xf32>
    %slice3A_51 = vector.extract_strided_slice %reshape3A_9 {offsets = [0, 13, 0], sizes = [512, 1, 128], strides = [1, 1, 1]} : vector<512x20x128xf32> to vector<512x1x128xf32>
    %squeeze3A_52 = vector.shape_cast %slice3A_51 : vector<512x1x128xf32> to vector<512x128xf32>
    %max3A_53 = arith.maximumf %max3A_50, %squeeze3A_52 : vector<512x128xf32>
    %slice3A_54 = vector.extract_strided_slice %reshape3A_9 {offsets = [0, 14, 0], sizes = [512, 1, 128], strides = [1, 1, 1]} : vector<512x20x128xf32> to vector<512x1x128xf32>
    %squeeze3A_55 = vector.shape_cast %slice3A_54 : vector<512x1x128xf32> to vector<512x128xf32>
    %max3A_56 = arith.maximumf %max3A_53, %squeeze3A_55 : vector<512x128xf32>
    %slice3A_57 = vector.extract_strided_slice %reshape3A_9 {offsets = [0, 15, 0], sizes = [512, 1, 128], strides = [1, 1, 1]} : vector<512x20x128xf32> to vector<512x1x128xf32>
    %squeeze3A_58 = vector.shape_cast %slice3A_57 : vector<512x1x128xf32> to vector<512x128xf32>
    %max3A_59 = arith.maximumf %max3A_56, %squeeze3A_58 : vector<512x128xf32>
    %slice3A_60 = vector.extract_strided_slice %reshape3A_9 {offsets = [0, 16, 0], sizes = [512, 1, 128], strides = [1, 1, 1]} : vector<512x20x128xf32> to vector<512x1x128xf32>
    %squeeze3A_61 = vector.shape_cast %slice3A_60 : vector<512x1x128xf32> to vector<512x128xf32>
    %max3A_62 = arith.maximumf %max3A_59, %squeeze3A_61 : vector<512x128xf32>
    %slice3A_63 = vector.extract_strided_slice %reshape3A_9 {offsets = [0, 17, 0], sizes = [512, 1, 128], strides = [1, 1, 1]} : vector<512x20x128xf32> to vector<512x1x128xf32>
    %squeeze3A_64 = vector.shape_cast %slice3A_63 : vector<512x1x128xf32> to vector<512x128xf32>
    %max3A_65 = arith.maximumf %max3A_62, %squeeze3A_64 : vector<512x128xf32>
    %slice3A_66 = vector.extract_strided_slice %reshape3A_9 {offsets = [0, 18, 0], sizes = [512, 1, 128], strides = [1, 1, 1]} : vector<512x20x128xf32> to vector<512x1x128xf32>
    %squeeze3A_67 = vector.shape_cast %slice3A_66 : vector<512x1x128xf32> to vector<512x128xf32>
    %max3A_68 = arith.maximumf %max3A_65, %squeeze3A_67 : vector<512x128xf32>
    %slice3A_69 = vector.extract_strided_slice %reshape3A_9 {offsets = [0, 19, 0], sizes = [512, 1, 128], strides = [1, 1, 1]} : vector<512x20x128xf32> to vector<512x1x128xf32>
    %squeeze3A_70 = vector.shape_cast %slice3A_69 : vector<512x1x128xf32> to vector<512x128xf32>
    %max3A_71 = arith.maximumf %max3A_68, %squeeze3A_70 : vector<512x128xf32>
    %swap3A_72 = arith.constant 0 : index
    %swap3A_73 = arith.constant 0 : index
    %swap3A_74 = arith.constant 0 : index
    %swap3A_75 = vector.load %arg5[%swap3A_72, %swap3A_73, %swap3A_74] : memref<1x512x128xf32, #tpu.memory_space<vmem>>, vector<1x512x128xf32>
    %swap3A_76 = vector.shape_cast %swap3A_75 : vector<1x512x128xf32> to vector<512x128xf32>
    %swap3A_77 = vector.shape_cast %max3A_71 : vector<512x128xf32> to vector<1x512x128xf32>
    tpu.vector_store %arg5[%swap3A_72, %swap3A_73, %swap3A_74], %swap3A_77 {strides = array<i32>} : memref<1x512x128xf32, #tpu.memory_space<vmem>>, vector<1x512x128xf32>,
    return
  }
  func.func @transform_0(%arg0: i32, %arg1: i32) -> (i32, i32, i32, i32) {
    %c0_i32 = arith.constant 0 : i32
    %c0_i32_0 = arith.constant 0 : i32
    %c0_i32_1 = arith.constant 0 : i32
    return %arg0, %arg1, %c0_i32, %c0_i32_0 : i32, i32, i32, i32
  }
  func.func @transform_1(%arg0: i32, %arg1: i32) -> (i32, i32) {
    %c0_i32 = arith.constant 0 : i32
    %c0_i32_0 = arith.constant 0 : i32
    %c0_i32_1 = arith.constant 0 : i32
    return %c0_i32, %c0_i32_0 : i32, i32
  }
  func.func @transform_2(%arg0: i32, %arg1: i32) -> (i32, i32, i32, i32) {
    %c0_i32 = arith.constant 0 : i32
    %c0_i32_0 = arith.constant 0 : i32
    %c0_i32_1 = arith.constant 0 : i32
    return %arg0, %arg1, %c0_i32, %c0_i32_0 : i32, i32, i32, i32
  }
  func.func @transform_3(%arg0: i32, %arg1: i32) -> (i32, i32, i32) {
    %c0_i32 = arith.constant 0 : i32
    %c0_i32_0 = arith.constant 0 : i32
    return %arg0, %arg1, %c0_i32 : i32, i32, i32
  }
}

module attributes {stable_mosaic.version = 14 : i64} {
  func.func @_finalize_mv_body(%arg0: i32, %arg1: memref<1x1024x128xf32, #tpu.memory_space<vmem>>, %arg2: memref<1x1x128xf32, #tpu.memory_space<vmem>>, %arg3: memref<1x1x128xf32, #tpu.memory_space<vmem>>, %arg4: memref<1x1024x128xf32, #tpu.memory_space<vmem>>) attributes {dimension_semantics = [#tpu.dimension_semantics<arbitrary>], iteration_bounds = array<i64: 4>, scalar_prefetch = 0 : i64, scratch_operands = 0 : i64, tpu.core_type = #tpu.core_type<tc>, window_params = [{transform_indices = @transform_0, window_bounds = array<i64: 1, 1024, 128>}, {transform_indices = @transform_1, window_bounds = array<i64: 1, 1, 128>}, {transform_indices = @transform_2, window_bounds = array<i64: 1, 1, 128>}, {transform_indices = @transform_3, window_bounds = array<i64: 1, 1024, 128>}]} {
    %get3A = arith.constant 0 : index
    %get3A_0 = arith.constant 0 : index
    %get3A_1 = arith.constant 0 : index
    %get3A_2 = vector.load %arg3[%get3A, %get3A_0, %get3A_1] : memref<1x1x128xf32, #tpu.memory_space<vmem>>, vector<1x1x128xf32>
    %get3A_3 = vector.shape_cast %get3A_2 : vector<1x1x128xf32> to vector<1x128xf32>
    %add3A = arith.constant 9.99999974E-6 : f32
    %add3A_4 = vector.broadcast %add3A : f32 to vector<1x128xf32>
    %add3A_5 = arith.addf %get3A_3, %add3A_4 : vector<1x128xf32>
    %sqrt3A = math.sqrt %add3A_5 : vector<1x128xf32>
    %get3A_6 = arith.constant 0 : index
    %get3A_7 = arith.constant 0 : index
    %get3A_8 = arith.constant 0 : index
    %get3A_9 = vector.load %arg1[%get3A_6, %get3A_7, %get3A_8] : memref<1x1024x128xf32, #tpu.memory_space<vmem>>, vector<1x1024x128xf32>
    %get3A_10 = vector.shape_cast %get3A_9 : vector<1x1024x128xf32> to vector<1024x128xf32>
    %get3A_11 = arith.constant 0 : index
    %get3A_12 = arith.constant 0 : index
    %get3A_13 = arith.constant 0 : index
    %get3A_14 = vector.load %arg2[%get3A_11, %get3A_12, %get3A_13] : memref<1x1x128xf32, #tpu.memory_space<vmem>>, vector<1x1x128xf32>
    %get3A_15 = vector.shape_cast %get3A_14 : vector<1x1x128xf32> to vector<1x128xf32>
    %sub3A = vector.broadcast %get3A_15 : vector<1x128xf32> to vector<1024x128xf32>
    %sub3A_16 = arith.subf %get3A_10, %sub3A : vector<1024x128xf32>
    %div3A = vector.broadcast %sqrt3A : vector<1x128xf32> to vector<1024x128xf32>
    %div3A_17 = arith.divf %sub3A_16, %div3A : vector<1024x128xf32>
    %ge3A = arith.constant 0.000000e+00 : f32
    %ge3A_18 = vector.broadcast %ge3A : f32 to vector<1024x128xf32>
    %ge3A_19 = arith.cmpf oge, %div3A_17, %ge3A_18 : vector<1024x128xf32>
    %mul3A = arith.constant 2.000000e-01 : f32
    %mul3A_20 = vector.broadcast %mul3A : f32 to vector<1024x128xf32>
    %mul3A_21 = arith.mulf %mul3A_20, %div3A_17 : vector<1024x128xf32>
    %select_n3A = arith.select %ge3A_19, %div3A_17, %mul3A_21 : vector<1024x128xi1>, vector<1024x128xf32>
    %swap3A = arith.constant 0 : index
    %swap3A_22 = arith.constant 0 : index
    %swap3A_23 = arith.constant 0 : index
    %swap3A_24 = vector.load %arg4[%swap3A, %swap3A_22, %swap3A_23] : memref<1x1024x128xf32, #tpu.memory_space<vmem>>, vector<1x1024x128xf32>
    %swap3A_25 = vector.shape_cast %swap3A_24 : vector<1x1024x128xf32> to vector<1024x128xf32>
    %swap3A_26 = vector.shape_cast %select_n3A : vector<1024x128xf32> to vector<1x1024x128xf32>
    tpu.vector_store %arg4[%swap3A, %swap3A_22, %swap3A_23], %swap3A_26 {strides = array<i32>} : memref<1x1024x128xf32, #tpu.memory_space<vmem>>, vector<1x1024x128xf32>,
    return
  }
  func.func @transform_0(%arg0: i32) -> (i32, i32, i32) {
    %c0_i32 = arith.constant 0 : i32
    %c0_i32_0 = arith.constant 0 : i32
    %c0_i32_1 = arith.constant 0 : i32
    return %arg0, %c0_i32, %c0_i32_0 : i32, i32, i32
  }
  func.func @transform_1(%arg0: i32) -> (i32, i32, i32) {
    %c0_i32 = arith.constant 0 : i32
    %c0_i32_0 = arith.constant 0 : i32
    %c0_i32_1 = arith.constant 0 : i32
    return %arg0, %c0_i32, %c0_i32_0 : i32, i32, i32
  }
  func.func @transform_2(%arg0: i32) -> (i32, i32, i32) {
    %c0_i32 = arith.constant 0 : i32
    %c0_i32_0 = arith.constant 0 : i32
    %c0_i32_1 = arith.constant 0 : i32
    return %arg0, %c0_i32, %c0_i32_0 : i32, i32, i32
  }
  func.func @transform_3(%arg0: i32) -> (i32, i32, i32) {
    %c0_i32 = arith.constant 0 : i32
    %c0_i32_0 = arith.constant 0 : i32
    %c0_i32_1 = arith.constant 0 : i32
    return %arg0, %c0_i32, %c0_i32_0 : i32, i32, i32
  }
}

module attributes {stable_mosaic.version = 14 : i64} {
  func.func @_pd_topk_body(%arg0: i32, %arg1: memref<1x128x1024xf32, #tpu.memory_space<vmem>>, %arg2: memref<1x1024x20xi32, #tpu.memory_space<vmem>>) attributes {dimension_semantics = [#tpu.dimension_semantics<arbitrary>], iteration_bounds = array<i64: 4>, scalar_prefetch = 0 : i64, scratch_operands = 0 : i64, tpu.core_type = #tpu.core_type<tc>, window_params = [{transform_indices = @transform_0, window_bounds = array<i64: 1, 128, 1024>}, {transform_indices = @transform_1, window_bounds = array<i64: 1, 1024, 20>}]} {
    %get3A = arith.constant 0 : index
    %get3A_0 = arith.constant 0 : index
    %get3A_1 = arith.constant 0 : index
    %get3A_2 = vector.load %arg1[%get3A, %get3A_0, %get3A_1] : memref<1x128x1024xf32, #tpu.memory_space<vmem>>, vector<1x128x1024xf32>
    %get3A_3 = vector.shape_cast %get3A_2 : vector<1x128x1024xf32> to vector<128x1024xf32>
    %dot_general3A = arith.constant dense<0.000000e+00> : vector<1024x1024xf32>
    %dot_general3A_4 = tpu.matmul %get3A_3, %get3A_3, %dot_general3A {dimension_numbers = #tpu.dot_dimension_numbers<[0], [0], [1], [1], [0, 1, 1, 1], [], []>, transpose_lhs_hint = false} : vector<128x1024xf32>, vector<128x1024xf32>, vector<1024x1024xf32> -> vector<1024x1024xf32>
    %mul3A = arith.mulf %get3A_3, %get3A_3 : vector<128x1024xf32>
    %reduce_sum3A = arith.constant dense<0.000000e+00> : vector<1024xf32>
    %reduce_sum3A_5 = vector.multi_reduction <add>, %mul3A, %reduce_sum3A [0] : vector<128x1024xf32> to vector<1024xf32>
    %mul3A_6 = arith.constant 2.000000e+00 : f32
    %mul3A_7 = vector.broadcast %mul3A_6 : f32 to vector<1024x1024xf32>
    %mul3A_8 = arith.mulf %mul3A_7, %dot_general3A_4 : vector<1024x1024xf32>
    %broadcast_in_dim3A = vector.shape_cast %reduce_sum3A_5 : vector<1024xf32> to vector<1x1024xf32>
    %sub3A = vector.broadcast %broadcast_in_dim3A : vector<1x1024xf32> to vector<1024x1024xf32>
    %sub3A_9 = arith.subf %mul3A_8, %sub3A : vector<1024x1024xf32>
    %broadcast_in_dim3A_10 = vector.shape_cast %reduce_sum3A_5 : vector<1024xf32> to vector<1024x1xf32>
    %sub3A_11 = vector.broadcast %broadcast_in_dim3A_10 : vector<1024x1xf32> to vector<1024x1024xf32>
    %sub3A_12 = arith.subf %sub3A_9, %sub3A_11 : vector<1024x1024xf32>
    %iota3A = tpu.iota {dimensions = array<i32: 1>} : vector<1024x1024xi32>
    %reduce_max3A = arith.constant dense<0xFF800000> : vector<1024xf32>
    %reduce_max3A_13 = vector.multi_reduction <maximumf>, %sub3A_12, %reduce_max3A [1] : vector<1024x1024xf32> to vector<1024xf32>
    %broadcast_in_dim3A_14 = vector.shape_cast %reduce_max3A_13 : vector<1024xf32> to vector<1024x1xf32>
    %eq3A = vector.broadcast %broadcast_in_dim3A_14 : vector<1024x1xf32> to vector<1024x1024xf32>
    %eq3A_15 = arith.cmpf oeq, %sub3A_12, %eq3A : vector<1024x1024xf32>
    %jit3A = arith.constant 1024 : i32
    %broadcast_in_dim3A_16 = vector.broadcast %jit3A : i32 to vector<1024x1024xi32>
    %select_n3A = arith.select %eq3A_15, %iota3A, %broadcast_in_dim3A_16 : vector<1024x1024xi1>, vector<1024x1024xi32>
    %reduce_min3A = arith.constant dense<2147483647> : vector<1024xi32>
    %reduce_min3A_17 = vector.multi_reduction <minsi>, %select_n3A, %reduce_min3A [1] : vector<1024x1024xi32> to vector<1024xi32>
    %broadcast_in_dim3A_18 = vector.shape_cast %reduce_min3A_17 : vector<1024xi32> to vector<1024x1xi32>
    %squeeze3A = vector.shape_cast %broadcast_in_dim3A_18 : vector<1024x1xi32> to vector<1024xi32>
    %mul3A_19 = arith.constant 1024 : i32
    %mul3A_20 = arith.muli %arg0, %mul3A_19 : i32
    %add3A = vector.broadcast %mul3A_20 : i32 to vector<1024xi32>
    %add3A_21 = arith.addi %squeeze3A, %add3A : vector<1024xi32>
    %swap3A = arith.constant 0 : index
    %swap3A_22 = arith.constant 0 : index
    %swap3A_23 = arith.constant 0 : index
    %swap3A_24 = vector.load %arg2[%swap3A, %swap3A_22, %swap3A_23] : memref<1x1024x20xi32, #tpu.memory_space<vmem>>, vector<1x1024x1xi32>
    %swap3A_25 = vector.shape_cast %swap3A_24 : vector<1x1024x1xi32> to vector<1024xi32>
    %swap3A_26 = vector.shape_cast %add3A_21 : vector<1024xi32> to vector<1x1024x1xi32>
    tpu.vector_store %arg2[%swap3A, %swap3A_22, %swap3A_23], %swap3A_26 {strides = array<i32>} : memref<1x1024x20xi32, #tpu.memory_space<vmem>>, vector<1x1024x1xi32>,
    %eq3A_27 = vector.broadcast %broadcast_in_dim3A_18 : vector<1024x1xi32> to vector<1024x1024xi32>
    %eq3A_28 = arith.cmpi eq, %iota3A, %eq3A_27 : vector<1024x1024xi32>
    %jit3A_29 = arith.constant 0xFF800000 : f32
    %broadcast_in_dim3A_30 = vector.broadcast %jit3A_29 : f32 to vector<1024x1024xf32>
    %select_n3A_31 = arith.select %eq3A_28, %broadcast_in_dim3A_30, %sub3A_12 : vector<1024x1024xi1>, vector<1024x1024xf32>
    %reduce_max3A_32 = arith.constant dense<0xFF800000> : vector<1024xf32>
    %reduce_max3A_33 = vector.multi_reduction <maximumf>, %select_n3A_31, %reduce_max3A_32 [1] : vector<1024x1024xf32> to vector<1024xf32>
    %broadcast_in_dim3A_34 = vector.shape_cast %reduce_max3A_33 : vector<1024xf32> to vector<1024x1xf32>
    %eq3A_35 = vector.broadcast %broadcast_in_dim3A_34 : vector<1024x1xf32> to vector<1024x1024xf32>
    %eq3A_36 = arith.cmpf oeq, %select_n3A_31, %eq3A_35 : vector<1024x1024xf32>
    %jit3A_37 = arith.constant 1024 : i32
    %broadcast_in_dim3A_38 = vector.broadcast %jit3A_37 : i32 to vector<1024x1024xi32>
    %select_n3A_39 = arith.select %eq3A_36, %iota3A, %broadcast_in_dim3A_38 : vector<1024x1024xi1>, vector<1024x1024xi32>
    %reduce_min3A_40 = arith.constant dense<2147483647> : vector<1024xi32>
    %reduce_min3A_41 = vector.multi_reduction <minsi>, %select_n3A_39, %reduce_min3A_40 [1] : vector<1024x1024xi32> to vector<1024xi32>
    %broadcast_in_dim3A_42 = vector.shape_cast %reduce_min3A_41 : vector<1024xi32> to vector<1024x1xi32>
    %squeeze3A_43 = vector.shape_cast %broadcast_in_dim3A_42 : vector<1024x1xi32> to vector<1024xi32>
    %mul3A_44 = arith.constant 1024 : i32
    %mul3A_45 = arith.muli %arg0, %mul3A_44 : i32
    %add3A_46 = vector.broadcast %mul3A_45 : i32 to vector<1024xi32>
    %add3A_47 = arith.addi %squeeze3A_43, %add3A_46 : vector<1024xi32>
    %swap3A_48 = arith.constant 0 : index
    %swap3A_49 = arith.constant 0 : index
    %swap3A_50 = arith.constant 1 : index
    %swap3A_51 = vector.load %arg2[%swap3A_48, %swap3A_49, %swap3A_50] : memref<1x1024x20xi32, #tpu.memory_space<vmem>>, vector<1x1024x1xi32>
    %swap3A_52 = vector.shape_cast %swap3A_51 : vector<1x1024x1xi32> to vector<1024xi32>
    %swap3A_53 = vector.shape_cast %add3A_47 : vector<1024xi32> to vector<1x1024x1xi32>
    tpu.vector_store %arg2[%swap3A_48, %swap3A_49, %swap3A_50], %swap3A_53 {strides = array<i32>} : memref<1x1024x20xi32, #tpu.memory_space<vmem>>, vector<1x1024x1xi32>,
    %eq3A_54 = vector.broadcast %broadcast_in_dim3A_42 : vector<1024x1xi32> to vector<1024x1024xi32>
    %eq3A_55 = arith.cmpi eq, %iota3A, %eq3A_54 : vector<1024x1024xi32>
    %jit3A_56 = arith.constant 0xFF800000 : f32
    %broadcast_in_dim3A_57 = vector.broadcast %jit3A_56 : f32 to vector<1024x1024xf32>
    %select_n3A_58 = arith.select %eq3A_55, %broadcast_in_dim3A_57, %select_n3A_31 : vector<1024x1024xi1>, vector<1024x1024xf32>
    %reduce_max3A_59 = arith.constant dense<0xFF800000> : vector<1024xf32>
    %reduce_max3A_60 = vector.multi_reduction <maximumf>, %select_n3A_58, %reduce_max3A_59 [1] : vector<1024x1024xf32> to vector<1024xf32>
    %broadcast_in_dim3A_61 = vector.shape_cast %reduce_max3A_60 : vector<1024xf32> to vector<1024x1xf32>
    %eq3A_62 = vector.broadcast %broadcast_in_dim3A_61 : vector<1024x1xf32> to vector<1024x1024xf32>
    %eq3A_63 = arith.cmpf oeq, %select_n3A_58, %eq3A_62 : vector<1024x1024xf32>
    %jit3A_64 = arith.constant 1024 : i32
    %broadcast_in_dim3A_65 = vector.broadcast %jit3A_64 : i32 to vector<1024x1024xi32>
    %select_n3A_66 = arith.select %eq3A_63, %iota3A, %broadcast_in_dim3A_65 : vector<1024x1024xi1>, vector<1024x1024xi32>
    %reduce_min3A_67 = arith.constant dense<2147483647> : vector<1024xi32>
    %reduce_min3A_68 = vector.multi_reduction <minsi>, %select_n3A_66, %reduce_min3A_67 [1] : vector<1024x1024xi32> to vector<1024xi32>
    %broadcast_in_dim3A_69 = vector.shape_cast %reduce_min3A_68 : vector<1024xi32> to vector<1024x1xi32>
    %squeeze3A_70 = vector.shape_cast %broadcast_in_dim3A_69 : vector<1024x1xi32> to vector<1024xi32>
    %mul3A_71 = arith.constant 1024 : i32
    %mul3A_72 = arith.muli %arg0, %mul3A_71 : i32
    %add3A_73 = vector.broadcast %mul3A_72 : i32 to vector<1024xi32>
    %add3A_74 = arith.addi %squeeze3A_70, %add3A_73 : vector<1024xi32>
    %swap3A_75 = arith.constant 0 : index
    %swap3A_76 = arith.constant 0 : index
    %swap3A_77 = arith.constant 2 : index
    %swap3A_78 = vector.load %arg2[%swap3A_75, %swap3A_76, %swap3A_77] : memref<1x1024x20xi32, #tpu.memory_space<vmem>>, vector<1x1024x1xi32>
    %swap3A_79 = vector.shape_cast %swap3A_78 : vector<1x1024x1xi32> to vector<1024xi32>
    %swap3A_80 = vector.shape_cast %add3A_74 : vector<1024xi32> to vector<1x1024x1xi32>
    tpu.vector_store %arg2[%swap3A_75, %swap3A_76, %swap3A_77], %swap3A_80 {strides = array<i32>} : memref<1x1024x20xi32, #tpu.memory_space<vmem>>, vector<1x1024x1xi32>,
    %eq3A_81 = vector.broadcast %broadcast_in_dim3A_69 : vector<1024x1xi32> to vector<1024x1024xi32>
    %eq3A_82 = arith.cmpi eq, %iota3A, %eq3A_81 : vector<1024x1024xi32>
    %jit3A_83 = arith.constant 0xFF800000 : f32
    %broadcast_in_dim3A_84 = vector.broadcast %jit3A_83 : f32 to vector<1024x1024xf32>
    %select_n3A_85 = arith.select %eq3A_82, %broadcast_in_dim3A_84, %select_n3A_58 : vector<1024x1024xi1>, vector<1024x1024xf32>
    %reduce_max3A_86 = arith.constant dense<0xFF800000> : vector<1024xf32>
    %reduce_max3A_87 = vector.multi_reduction <maximumf>, %select_n3A_85, %reduce_max3A_86 [1] : vector<1024x1024xf32> to vector<1024xf32>
    %broadcast_in_dim3A_88 = vector.shape_cast %reduce_max3A_87 : vector<1024xf32> to vector<1024x1xf32>
    %eq3A_89 = vector.broadcast %broadcast_in_dim3A_88 : vector<1024x1xf32> to vector<1024x1024xf32>
    %eq3A_90 = arith.cmpf oeq, %select_n3A_85, %eq3A_89 : vector<1024x1024xf32>
    %jit3A_91 = arith.constant 1024 : i32
    %broadcast_in_dim3A_92 = vector.broadcast %jit3A_91 : i32 to vector<1024x1024xi32>
    %select_n3A_93 = arith.select %eq3A_90, %iota3A, %broadcast_in_dim3A_92 : vector<1024x1024xi1>, vector<1024x1024xi32>
    %reduce_min3A_94 = arith.constant dense<2147483647> : vector<1024xi32>
    %reduce_min3A_95 = vector.multi_reduction <minsi>, %select_n3A_93, %reduce_min3A_94 [1] : vector<1024x1024xi32> to vector<1024xi32>
    %broadcast_in_dim3A_96 = vector.shape_cast %reduce_min3A_95 : vector<1024xi32> to vector<1024x1xi32>
    %squeeze3A_97 = vector.shape_cast %broadcast_in_dim3A_96 : vector<1024x1xi32> to vector<1024xi32>
    %mul3A_98 = arith.constant 1024 : i32
    %mul3A_99 = arith.muli %arg0, %mul3A_98 : i32
    %add3A_100 = vector.broadcast %mul3A_99 : i32 to vector<1024xi32>
    %add3A_101 = arith.addi %squeeze3A_97, %add3A_100 : vector<1024xi32>
    %swap3A_102 = arith.constant 0 : index
    %swap3A_103 = arith.constant 0 : index
    %swap3A_104 = arith.constant 3 : index
    %swap3A_105 = vector.load %arg2[%swap3A_102, %swap3A_103, %swap3A_104] : memref<1x1024x20xi32, #tpu.memory_space<vmem>>, vector<1x1024x1xi32>
    %swap3A_106 = vector.shape_cast %swap3A_105 : vector<1x1024x1xi32> to vector<1024xi32>
    %swap3A_107 = vector.shape_cast %add3A_101 : vector<1024xi32> to vector<1x1024x1xi32>
    tpu.vector_store %arg2[%swap3A_102, %swap3A_103, %swap3A_104], %swap3A_107 {strides = array<i32>} : memref<1x1024x20xi32, #tpu.memory_space<vmem>>, vector<1x1024x1xi32>,
    %eq3A_108 = vector.broadcast %broadcast_in_dim3A_96 : vector<1024x1xi32> to vector<1024x1024xi32>
    %eq3A_109 = arith.cmpi eq, %iota3A, %eq3A_108 : vector<1024x1024xi32>
    %jit3A_110 = arith.constant 0xFF800000 : f32
    %broadcast_in_dim3A_111 = vector.broadcast %jit3A_110 : f32 to vector<1024x1024xf32>
    %select_n3A_112 = arith.select %eq3A_109, %broadcast_in_dim3A_111, %select_n3A_85 : vector<1024x1024xi1>, vector<1024x1024xf32>
    %reduce_max3A_113 = arith.constant dense<0xFF800000> : vector<1024xf32>
    %reduce_max3A_114 = vector.multi_reduction <maximumf>, %select_n3A_112, %reduce_max3A_113 [1] : vector<1024x1024xf32> to vector<1024xf32>
    %broadcast_in_dim3A_115 = vector.shape_cast %reduce_max3A_114 : vector<1024xf32> to vector<1024x1xf32>
    %eq3A_116 = vector.broadcast %broadcast_in_dim3A_115 : vector<1024x1xf32> to vector<1024x1024xf32>
    %eq3A_117 = arith.cmpf oeq, %select_n3A_112, %eq3A_116 : vector<1024x1024xf32>
    %jit3A_118 = arith.constant 1024 : i32
    %broadcast_in_dim3A_119 = vector.broadcast %jit3A_118 : i32 to vector<1024x1024xi32>
    %select_n3A_120 = arith.select %eq3A_117, %iota3A, %broadcast_in_dim3A_119 : vector<1024x1024xi1>, vector<1024x1024xi32>
    %reduce_min3A_121 = arith.constant dense<2147483647> : vector<1024xi32>
    %reduce_min3A_122 = vector.multi_reduction <minsi>, %select_n3A_120, %reduce_min3A_121 [1] : vector<1024x1024xi32> to vector<1024xi32>
    %broadcast_in_dim3A_123 = vector.shape_cast %reduce_min3A_122 : vector<1024xi32> to vector<1024x1xi32>
    %squeeze3A_124 = vector.shape_cast %broadcast_in_dim3A_123 : vector<1024x1xi32> to vector<1024xi32>
    %mul3A_125 = arith.constant 1024 : i32
    %mul3A_126 = arith.muli %arg0, %mul3A_125 : i32
    %add3A_127 = vector.broadcast %mul3A_126 : i32 to vector<1024xi32>
    %add3A_128 = arith.addi %squeeze3A_124, %add3A_127 : vector<1024xi32>
    %swap3A_129 = arith.constant 0 : index
    %swap3A_130 = arith.constant 0 : index
    %swap3A_131 = arith.constant 4 : index
    %swap3A_132 = vector.load %arg2[%swap3A_129, %swap3A_130, %swap3A_131] : memref<1x1024x20xi32, #tpu.memory_space<vmem>>, vector<1x1024x1xi32>
    %swap3A_133 = vector.shape_cast %swap3A_132 : vector<1x1024x1xi32> to vector<1024xi32>
    %swap3A_134 = vector.shape_cast %add3A_128 : vector<1024xi32> to vector<1x1024x1xi32>
    tpu.vector_store %arg2[%swap3A_129, %swap3A_130, %swap3A_131], %swap3A_134 {strides = array<i32>} : memref<1x1024x20xi32, #tpu.memory_space<vmem>>, vector<1x1024x1xi32>,
    %eq3A_135 = vector.broadcast %broadcast_in_dim3A_123 : vector<1024x1xi32> to vector<1024x1024xi32>
    %eq3A_136 = arith.cmpi eq, %iota3A, %eq3A_135 : vector<1024x1024xi32>
    %jit3A_137 = arith.constant 0xFF800000 : f32
    %broadcast_in_dim3A_138 = vector.broadcast %jit3A_137 : f32 to vector<1024x1024xf32>
    %select_n3A_139 = arith.select %eq3A_136, %broadcast_in_dim3A_138, %select_n3A_112 : vector<1024x1024xi1>, vector<1024x1024xf32>
    %reduce_max3A_140 = arith.constant dense<0xFF800000> : vector<1024xf32>
    %reduce_max3A_141 = vector.multi_reduction <maximumf>, %select_n3A_139, %reduce_max3A_140 [1] : vector<1024x1024xf32> to vector<1024xf32>
    %broadcast_in_dim3A_142 = vector.shape_cast %reduce_max3A_141 : vector<1024xf32> to vector<1024x1xf32>
    %eq3A_143 = vector.broadcast %broadcast_in_dim3A_142 : vector<1024x1xf32> to vector<1024x1024xf32>
    %eq3A_144 = arith.cmpf oeq, %select_n3A_139, %eq3A_143 : vector<1024x1024xf32>
    %jit3A_145 = arith.constant 1024 : i32
    %broadcast_in_dim3A_146 = vector.broadcast %jit3A_145 : i32 to vector<1024x1024xi32>
    %select_n3A_147 = arith.select %eq3A_144, %iota3A, %broadcast_in_dim3A_146 : vector<1024x1024xi1>, vector<1024x1024xi32>
    %reduce_min3A_148 = arith.constant dense<2147483647> : vector<1024xi32>
    %reduce_min3A_149 = vector.multi_reduction <minsi>, %select_n3A_147, %reduce_min3A_148 [1] : vector<1024x1024xi32> to vector<1024xi32>
    %broadcast_in_dim3A_150 = vector.shape_cast %reduce_min3A_149 : vector<1024xi32> to vector<1024x1xi32>
    %squeeze3A_151 = vector.shape_cast %broadcast_in_dim3A_150 : vector<1024x1xi32> to vector<1024xi32>
    %mul3A_152 = arith.constant 1024 : i32
    %mul3A_153 = arith.muli %arg0, %mul3A_152 : i32
    %add3A_154 = vector.broadcast %mul3A_153 : i32 to vector<1024xi32>
    %add3A_155 = arith.addi %squeeze3A_151, %add3A_154 : vector<1024xi32>
    %swap3A_156 = arith.constant 0 : index
    %swap3A_157 = arith.constant 0 : index
    %swap3A_158 = arith.constant 5 : index
    %swap3A_159 = vector.load %arg2[%swap3A_156, %swap3A_157, %swap3A_158] : memref<1x1024x20xi32, #tpu.memory_space<vmem>>, vector<1x1024x1xi32>
    %swap3A_160 = vector.shape_cast %swap3A_159 : vector<1x1024x1xi32> to vector<1024xi32>
    %swap3A_161 = vector.shape_cast %add3A_155 : vector<1024xi32> to vector<1x1024x1xi32>
    tpu.vector_store %arg2[%swap3A_156, %swap3A_157, %swap3A_158], %swap3A_161 {strides = array<i32>} : memref<1x1024x20xi32, #tpu.memory_space<vmem>>, vector<1x1024x1xi32>,
    %eq3A_162 = vector.broadcast %broadcast_in_dim3A_150 : vector<1024x1xi32> to vector<1024x1024xi32>
    %eq3A_163 = arith.cmpi eq, %iota3A, %eq3A_162 : vector<1024x1024xi32>
    %jit3A_164 = arith.constant 0xFF800000 : f32
    %broadcast_in_dim3A_165 = vector.broadcast %jit3A_164 : f32 to vector<1024x1024xf32>
    %select_n3A_166 = arith.select %eq3A_163, %broadcast_in_dim3A_165, %select_n3A_139 : vector<1024x1024xi1>, vector<1024x1024xf32>
    %reduce_max3A_167 = arith.constant dense<0xFF800000> : vector<1024xf32>
    %reduce_max3A_168 = vector.multi_reduction <maximumf>, %select_n3A_166, %reduce_max3A_167 [1] : vector<1024x1024xf32> to vector<1024xf32>
    %broadcast_in_dim3A_169 = vector.shape_cast %reduce_max3A_168 : vector<1024xf32> to vector<1024x1xf32>
    %eq3A_170 = vector.broadcast %broadcast_in_dim3A_169 : vector<1024x1xf32> to vector<1024x1024xf32>
    %eq3A_171 = arith.cmpf oeq, %select_n3A_166, %eq3A_170 : vector<1024x1024xf32>
    %jit3A_172 = arith.constant 1024 : i32
    %broadcast_in_dim3A_173 = vector.broadcast %jit3A_172 : i32 to vector<1024x1024xi32>
    %select_n3A_174 = arith.select %eq3A_171, %iota3A, %broadcast_in_dim3A_173 : vector<1024x1024xi1>, vector<1024x1024xi32>
    %reduce_min3A_175 = arith.constant dense<2147483647> : vector<1024xi32>
    %reduce_min3A_176 = vector.multi_reduction <minsi>, %select_n3A_174, %reduce_min3A_175 [1] : vector<1024x1024xi32> to vector<1024xi32>
    %broadcast_in_dim3A_177 = vector.shape_cast %reduce_min3A_176 : vector<1024xi32> to vector<1024x1xi32>
    %squeeze3A_178 = vector.shape_cast %broadcast_in_dim3A_177 : vector<1024x1xi32> to vector<1024xi32>
    %mul3A_179 = arith.constant 1024 : i32
    %mul3A_180 = arith.muli %arg0, %mul3A_179 : i32
    %add3A_181 = vector.broadcast %mul3A_180 : i32 to vector<1024xi32>
    %add3A_182 = arith.addi %squeeze3A_178, %add3A_181 : vector<1024xi32>
    %swap3A_183 = arith.constant 0 : index
    %swap3A_184 = arith.constant 0 : index
    %swap3A_185 = arith.constant 6 : index
    %swap3A_186 = vector.load %arg2[%swap3A_183, %swap3A_184, %swap3A_185] : memref<1x1024x20xi32, #tpu.memory_space<vmem>>, vector<1x1024x1xi32>
    %swap3A_187 = vector.shape_cast %swap3A_186 : vector<1x1024x1xi32> to vector<1024xi32>
    %swap3A_188 = vector.shape_cast %add3A_182 : vector<1024xi32> to vector<1x1024x1xi32>
    tpu.vector_store %arg2[%swap3A_183, %swap3A_184, %swap3A_185], %swap3A_188 {strides = array<i32>} : memref<1x1024x20xi32, #tpu.memory_space<vmem>>, vector<1x1024x1xi32>,
    %eq3A_189 = vector.broadcast %broadcast_in_dim3A_177 : vector<1024x1xi32> to vector<1024x1024xi32>
    %eq3A_190 = arith.cmpi eq, %iota3A, %eq3A_189 : vector<1024x1024xi32>
    %jit3A_191 = arith.constant 0xFF800000 : f32
    %broadcast_in_dim3A_192 = vector.broadcast %jit3A_191 : f32 to vector<1024x1024xf32>
    %select_n3A_193 = arith.select %eq3A_190, %broadcast_in_dim3A_192, %select_n3A_166 : vector<1024x1024xi1>, vector<1024x1024xf32>
    %reduce_max3A_194 = arith.constant dense<0xFF800000> : vector<1024xf32>
    %reduce_max3A_195 = vector.multi_reduction <maximumf>, %select_n3A_193, %reduce_max3A_194 [1] : vector<1024x1024xf32> to vector<1024xf32>
    %broadcast_in_dim3A_196 = vector.shape_cast %reduce_max3A_195 : vector<1024xf32> to vector<1024x1xf32>
    %eq3A_197 = vector.broadcast %broadcast_in_dim3A_196 : vector<1024x1xf32> to vector<1024x1024xf32>
    %eq3A_198 = arith.cmpf oeq, %select_n3A_193, %eq3A_197 : vector<1024x1024xf32>
    %jit3A_199 = arith.constant 1024 : i32
    %broadcast_in_dim3A_200 = vector.broadcast %jit3A_199 : i32 to vector<1024x1024xi32>
    %select_n3A_201 = arith.select %eq3A_198, %iota3A, %broadcast_in_dim3A_200 : vector<1024x1024xi1>, vector<1024x1024xi32>
    %reduce_min3A_202 = arith.constant dense<2147483647> : vector<1024xi32>
    %reduce_min3A_203 = vector.multi_reduction <minsi>, %select_n3A_201, %reduce_min3A_202 [1] : vector<1024x1024xi32> to vector<1024xi32>
    %broadcast_in_dim3A_204 = vector.shape_cast %reduce_min3A_203 : vector<1024xi32> to vector<1024x1xi32>
    %squeeze3A_205 = vector.shape_cast %broadcast_in_dim3A_204 : vector<1024x1xi32> to vector<1024xi32>
    %mul3A_206 = arith.constant 1024 : i32
    %mul3A_207 = arith.muli %arg0, %mul3A_206 : i32
    %add3A_208 = vector.broadcast %mul3A_207 : i32 to vector<1024xi32>
    %add3A_209 = arith.addi %squeeze3A_205, %add3A_208 : vector<1024xi32>
    %swap3A_210 = arith.constant 0 : index
    %swap3A_211 = arith.constant 0 : index
    %swap3A_212 = arith.constant 7 : index
    %swap3A_213 = vector.load %arg2[%swap3A_210, %swap3A_211, %swap3A_212] : memref<1x1024x20xi32, #tpu.memory_space<vmem>>, vector<1x1024x1xi32>
    %swap3A_214 = vector.shape_cast %swap3A_213 : vector<1x1024x1xi32> to vector<1024xi32>
    %swap3A_215 = vector.shape_cast %add3A_209 : vector<1024xi32> to vector<1x1024x1xi32>
    tpu.vector_store %arg2[%swap3A_210, %swap3A_211, %swap3A_212], %swap3A_215 {strides = array<i32>} : memref<1x1024x20xi32, #tpu.memory_space<vmem>>, vector<1x1024x1xi32>,
    %eq3A_216 = vector.broadcast %broadcast_in_dim3A_204 : vector<1024x1xi32> to vector<1024x1024xi32>
    %eq3A_217 = arith.cmpi eq, %iota3A, %eq3A_216 : vector<1024x1024xi32>
    %jit3A_218 = arith.constant 0xFF800000 : f32
    %broadcast_in_dim3A_219 = vector.broadcast %jit3A_218 : f32 to vector<1024x1024xf32>
    %select_n3A_220 = arith.select %eq3A_217, %broadcast_in_dim3A_219, %select_n3A_193 : vector<1024x1024xi1>, vector<1024x1024xf32>
    %reduce_max3A_221 = arith.constant dense<0xFF800000> : vector<1024xf32>
    %reduce_max3A_222 = vector.multi_reduction <maximumf>, %select_n3A_220, %reduce_max3A_221 [1] : vector<1024x1024xf32> to vector<1024xf32>
    %broadcast_in_dim3A_223 = vector.shape_cast %reduce_max3A_222 : vector<1024xf32> to vector<1024x1xf32>
    %eq3A_224 = vector.broadcast %broadcast_in_dim3A_223 : vector<1024x1xf32> to vector<1024x1024xf32>
    %eq3A_225 = arith.cmpf oeq, %select_n3A_220, %eq3A_224 : vector<1024x1024xf32>
    %jit3A_226 = arith.constant 1024 : i32
    %broadcast_in_dim3A_227 = vector.broadcast %jit3A_226 : i32 to vector<1024x1024xi32>
    %select_n3A_228 = arith.select %eq3A_225, %iota3A, %broadcast_in_dim3A_227 : vector<1024x1024xi1>, vector<1024x1024xi32>
    %reduce_min3A_229 = arith.constant dense<2147483647> : vector<1024xi32>
    %reduce_min3A_230 = vector.multi_reduction <minsi>, %select_n3A_228, %reduce_min3A_229 [1] : vector<1024x1024xi32> to vector<1024xi32>
    %broadcast_in_dim3A_231 = vector.shape_cast %reduce_min3A_230 : vector<1024xi32> to vector<1024x1xi32>
    %squeeze3A_232 = vector.shape_cast %broadcast_in_dim3A_231 : vector<1024x1xi32> to vector<1024xi32>
    %mul3A_233 = arith.constant 1024 : i32
    %mul3A_234 = arith.muli %arg0, %mul3A_233 : i32
    %add3A_235 = vector.broadcast %mul3A_234 : i32 to vector<1024xi32>
    %add3A_236 = arith.addi %squeeze3A_232, %add3A_235 : vector<1024xi32>
    %swap3A_237 = arith.constant 0 : index
    %swap3A_238 = arith.constant 0 : index
    %swap3A_239 = arith.constant 8 : index
    %swap3A_240 = vector.load %arg2[%swap3A_237, %swap3A_238, %swap3A_239] : memref<1x1024x20xi32, #tpu.memory_space<vmem>>, vector<1x1024x1xi32>
    %swap3A_241 = vector.shape_cast %swap3A_240 : vector<1x1024x1xi32> to vector<1024xi32>
    %swap3A_242 = vector.shape_cast %add3A_236 : vector<1024xi32> to vector<1x1024x1xi32>
    tpu.vector_store %arg2[%swap3A_237, %swap3A_238, %swap3A_239], %swap3A_242 {strides = array<i32>} : memref<1x1024x20xi32, #tpu.memory_space<vmem>>, vector<1x1024x1xi32>,
    %eq3A_243 = vector.broadcast %broadcast_in_dim3A_231 : vector<1024x1xi32> to vector<1024x1024xi32>
    %eq3A_244 = arith.cmpi eq, %iota3A, %eq3A_243 : vector<1024x1024xi32>
    %jit3A_245 = arith.constant 0xFF800000 : f32
    %broadcast_in_dim3A_246 = vector.broadcast %jit3A_245 : f32 to vector<1024x1024xf32>
    %select_n3A_247 = arith.select %eq3A_244, %broadcast_in_dim3A_246, %select_n3A_220 : vector<1024x1024xi1>, vector<1024x1024xf32>
    %reduce_max3A_248 = arith.constant dense<0xFF800000> : vector<1024xf32>
    %reduce_max3A_249 = vector.multi_reduction <maximumf>, %select_n3A_247, %reduce_max3A_248 [1] : vector<1024x1024xf32> to vector<1024xf32>
    %broadcast_in_dim3A_250 = vector.shape_cast %reduce_max3A_249 : vector<1024xf32> to vector<1024x1xf32>
    %eq3A_251 = vector.broadcast %broadcast_in_dim3A_250 : vector<1024x1xf32> to vector<1024x1024xf32>
    %eq3A_252 = arith.cmpf oeq, %select_n3A_247, %eq3A_251 : vector<1024x1024xf32>
    %jit3A_253 = arith.constant 1024 : i32
    %broadcast_in_dim3A_254 = vector.broadcast %jit3A_253 : i32 to vector<1024x1024xi32>
    %select_n3A_255 = arith.select %eq3A_252, %iota3A, %broadcast_in_dim3A_254 : vector<1024x1024xi1>, vector<1024x1024xi32>
    %reduce_min3A_256 = arith.constant dense<2147483647> : vector<1024xi32>
    %reduce_min3A_257 = vector.multi_reduction <minsi>, %select_n3A_255, %reduce_min3A_256 [1] : vector<1024x1024xi32> to vector<1024xi32>
    %broadcast_in_dim3A_258 = vector.shape_cast %reduce_min3A_257 : vector<1024xi32> to vector<1024x1xi32>
    %squeeze3A_259 = vector.shape_cast %broadcast_in_dim3A_258 : vector<1024x1xi32> to vector<1024xi32>
    %mul3A_260 = arith.constant 1024 : i32
    %mul3A_261 = arith.muli %arg0, %mul3A_260 : i32
    %add3A_262 = vector.broadcast %mul3A_261 : i32 to vector<1024xi32>
    %add3A_263 = arith.addi %squeeze3A_259, %add3A_262 : vector<1024xi32>
    %swap3A_264 = arith.constant 0 : index
    %swap3A_265 = arith.constant 0 : index
    %swap3A_266 = arith.constant 9 : index
    %swap3A_267 = vector.load %arg2[%swap3A_264, %swap3A_265, %swap3A_266] : memref<1x1024x20xi32, #tpu.memory_space<vmem>>, vector<1x1024x1xi32>
    %swap3A_268 = vector.shape_cast %swap3A_267 : vector<1x1024x1xi32> to vector<1024xi32>
    %swap3A_269 = vector.shape_cast %add3A_263 : vector<1024xi32> to vector<1x1024x1xi32>
    tpu.vector_store %arg2[%swap3A_264, %swap3A_265, %swap3A_266], %swap3A_269 {strides = array<i32>} : memref<1x1024x20xi32, #tpu.memory_space<vmem>>, vector<1x1024x1xi32>,
    %eq3A_270 = vector.broadcast %broadcast_in_dim3A_258 : vector<1024x1xi32> to vector<1024x1024xi32>
    %eq3A_271 = arith.cmpi eq, %iota3A, %eq3A_270 : vector<1024x1024xi32>
    %jit3A_272 = arith.constant 0xFF800000 : f32
    %broadcast_in_dim3A_273 = vector.broadcast %jit3A_272 : f32 to vector<1024x1024xf32>
    %select_n3A_274 = arith.select %eq3A_271, %broadcast_in_dim3A_273, %select_n3A_247 : vector<1024x1024xi1>, vector<1024x1024xf32>
    %reduce_max3A_275 = arith.constant dense<0xFF800000> : vector<1024xf32>
    %reduce_max3A_276 = vector.multi_reduction <maximumf>, %select_n3A_274, %reduce_max3A_275 [1] : vector<1024x1024xf32> to vector<1024xf32>
    %broadcast_in_dim3A_277 = vector.shape_cast %reduce_max3A_276 : vector<1024xf32> to vector<1024x1xf32>
    %eq3A_278 = vector.broadcast %broadcast_in_dim3A_277 : vector<1024x1xf32> to vector<1024x1024xf32>
    %eq3A_279 = arith.cmpf oeq, %select_n3A_274, %eq3A_278 : vector<1024x1024xf32>
    %jit3A_280 = arith.constant 1024 : i32
    %broadcast_in_dim3A_281 = vector.broadcast %jit3A_280 : i32 to vector<1024x1024xi32>
    %select_n3A_282 = arith.select %eq3A_279, %iota3A, %broadcast_in_dim3A_281 : vector<1024x1024xi1>, vector<1024x1024xi32>
    %reduce_min3A_283 = arith.constant dense<2147483647> : vector<1024xi32>
    %reduce_min3A_284 = vector.multi_reduction <minsi>, %select_n3A_282, %reduce_min3A_283 [1] : vector<1024x1024xi32> to vector<1024xi32>
    %broadcast_in_dim3A_285 = vector.shape_cast %reduce_min3A_284 : vector<1024xi32> to vector<1024x1xi32>
    %squeeze3A_286 = vector.shape_cast %broadcast_in_dim3A_285 : vector<1024x1xi32> to vector<1024xi32>
    %mul3A_287 = arith.constant 1024 : i32
    %mul3A_288 = arith.muli %arg0, %mul3A_287 : i32
    %add3A_289 = vector.broadcast %mul3A_288 : i32 to vector<1024xi32>
    %add3A_290 = arith.addi %squeeze3A_286, %add3A_289 : vector<1024xi32>
    %swap3A_291 = arith.constant 0 : index
    %swap3A_292 = arith.constant 0 : index
    %swap3A_293 = arith.constant 10 : index
    %swap3A_294 = vector.load %arg2[%swap3A_291, %swap3A_292, %swap3A_293] : memref<1x1024x20xi32, #tpu.memory_space<vmem>>, vector<1x1024x1xi32>
    %swap3A_295 = vector.shape_cast %swap3A_294 : vector<1x1024x1xi32> to vector<1024xi32>
    %swap3A_296 = vector.shape_cast %add3A_290 : vector<1024xi32> to vector<1x1024x1xi32>
    tpu.vector_store %arg2[%swap3A_291, %swap3A_292, %swap3A_293], %swap3A_296 {strides = array<i32>} : memref<1x1024x20xi32, #tpu.memory_space<vmem>>, vector<1x1024x1xi32>,
    %eq3A_297 = vector.broadcast %broadcast_in_dim3A_285 : vector<1024x1xi32> to vector<1024x1024xi32>
    %eq3A_298 = arith.cmpi eq, %iota3A, %eq3A_297 : vector<1024x1024xi32>
    %jit3A_299 = arith.constant 0xFF800000 : f32
    %broadcast_in_dim3A_300 = vector.broadcast %jit3A_299 : f32 to vector<1024x1024xf32>
    %select_n3A_301 = arith.select %eq3A_298, %broadcast_in_dim3A_300, %select_n3A_274 : vector<1024x1024xi1>, vector<1024x1024xf32>
    %reduce_max3A_302 = arith.constant dense<0xFF800000> : vector<1024xf32>
    %reduce_max3A_303 = vector.multi_reduction <maximumf>, %select_n3A_301, %reduce_max3A_302 [1] : vector<1024x1024xf32> to vector<1024xf32>
    %broadcast_in_dim3A_304 = vector.shape_cast %reduce_max3A_303 : vector<1024xf32> to vector<1024x1xf32>
    %eq3A_305 = vector.broadcast %broadcast_in_dim3A_304 : vector<1024x1xf32> to vector<1024x1024xf32>
    %eq3A_306 = arith.cmpf oeq, %select_n3A_301, %eq3A_305 : vector<1024x1024xf32>
    %jit3A_307 = arith.constant 1024 : i32
    %broadcast_in_dim3A_308 = vector.broadcast %jit3A_307 : i32 to vector<1024x1024xi32>
    %select_n3A_309 = arith.select %eq3A_306, %iota3A, %broadcast_in_dim3A_308 : vector<1024x1024xi1>, vector<1024x1024xi32>
    %reduce_min3A_310 = arith.constant dense<2147483647> : vector<1024xi32>
    %reduce_min3A_311 = vector.multi_reduction <minsi>, %select_n3A_309, %reduce_min3A_310 [1] : vector<1024x1024xi32> to vector<1024xi32>
    %broadcast_in_dim3A_312 = vector.shape_cast %reduce_min3A_311 : vector<1024xi32> to vector<1024x1xi32>
    %squeeze3A_313 = vector.shape_cast %broadcast_in_dim3A_312 : vector<1024x1xi32> to vector<1024xi32>
    %mul3A_314 = arith.constant 1024 : i32
    %mul3A_315 = arith.muli %arg0, %mul3A_314 : i32
    %add3A_316 = vector.broadcast %mul3A_315 : i32 to vector<1024xi32>
    %add3A_317 = arith.addi %squeeze3A_313, %add3A_316 : vector<1024xi32>
    %swap3A_318 = arith.constant 0 : index
    %swap3A_319 = arith.constant 0 : index
    %swap3A_320 = arith.constant 11 : index
    %swap3A_321 = vector.load %arg2[%swap3A_318, %swap3A_319, %swap3A_320] : memref<1x1024x20xi32, #tpu.memory_space<vmem>>, vector<1x1024x1xi32>
    %swap3A_322 = vector.shape_cast %swap3A_321 : vector<1x1024x1xi32> to vector<1024xi32>
    %swap3A_323 = vector.shape_cast %add3A_317 : vector<1024xi32> to vector<1x1024x1xi32>
    tpu.vector_store %arg2[%swap3A_318, %swap3A_319, %swap3A_320], %swap3A_323 {strides = array<i32>} : memref<1x1024x20xi32, #tpu.memory_space<vmem>>, vector<1x1024x1xi32>,
    %eq3A_324 = vector.broadcast %broadcast_in_dim3A_312 : vector<1024x1xi32> to vector<1024x1024xi32>
    %eq3A_325 = arith.cmpi eq, %iota3A, %eq3A_324 : vector<1024x1024xi32>
    %jit3A_326 = arith.constant 0xFF800000 : f32
    %broadcast_in_dim3A_327 = vector.broadcast %jit3A_326 : f32 to vector<1024x1024xf32>
    %select_n3A_328 = arith.select %eq3A_325, %broadcast_in_dim3A_327, %select_n3A_301 : vector<1024x1024xi1>, vector<1024x1024xf32>
    %reduce_max3A_329 = arith.constant dense<0xFF800000> : vector<1024xf32>
    %reduce_max3A_330 = vector.multi_reduction <maximumf>, %select_n3A_328, %reduce_max3A_329 [1] : vector<1024x1024xf32> to vector<1024xf32>
    %broadcast_in_dim3A_331 = vector.shape_cast %reduce_max3A_330 : vector<1024xf32> to vector<1024x1xf32>
    %eq3A_332 = vector.broadcast %broadcast_in_dim3A_331 : vector<1024x1xf32> to vector<1024x1024xf32>
    %eq3A_333 = arith.cmpf oeq, %select_n3A_328, %eq3A_332 : vector<1024x1024xf32>
    %jit3A_334 = arith.constant 1024 : i32
    %broadcast_in_dim3A_335 = vector.broadcast %jit3A_334 : i32 to vector<1024x1024xi32>
    %select_n3A_336 = arith.select %eq3A_333, %iota3A, %broadcast_in_dim3A_335 : vector<1024x1024xi1>, vector<1024x1024xi32>
    %reduce_min3A_337 = arith.constant dense<2147483647> : vector<1024xi32>
    %reduce_min3A_338 = vector.multi_reduction <minsi>, %select_n3A_336, %reduce_min3A_337 [1] : vector<1024x1024xi32> to vector<1024xi32>
    %broadcast_in_dim3A_339 = vector.shape_cast %reduce_min3A_338 : vector<1024xi32> to vector<1024x1xi32>
    %squeeze3A_340 = vector.shape_cast %broadcast_in_dim3A_339 : vector<1024x1xi32> to vector<1024xi32>
    %mul3A_341 = arith.constant 1024 : i32
    %mul3A_342 = arith.muli %arg0, %mul3A_341 : i32
    %add3A_343 = vector.broadcast %mul3A_342 : i32 to vector<1024xi32>
    %add3A_344 = arith.addi %squeeze3A_340, %add3A_343 : vector<1024xi32>
    %swap3A_345 = arith.constant 0 : index
    %swap3A_346 = arith.constant 0 : index
    %swap3A_347 = arith.constant 12 : index
    %swap3A_348 = vector.load %arg2[%swap3A_345, %swap3A_346, %swap3A_347] : memref<1x1024x20xi32, #tpu.memory_space<vmem>>, vector<1x1024x1xi32>
    %swap3A_349 = vector.shape_cast %swap3A_348 : vector<1x1024x1xi32> to vector<1024xi32>
    %swap3A_350 = vector.shape_cast %add3A_344 : vector<1024xi32> to vector<1x1024x1xi32>
    tpu.vector_store %arg2[%swap3A_345, %swap3A_346, %swap3A_347], %swap3A_350 {strides = array<i32>} : memref<1x1024x20xi32, #tpu.memory_space<vmem>>, vector<1x1024x1xi32>,
    %eq3A_351 = vector.broadcast %broadcast_in_dim3A_339 : vector<1024x1xi32> to vector<1024x1024xi32>
    %eq3A_352 = arith.cmpi eq, %iota3A, %eq3A_351 : vector<1024x1024xi32>
    %jit3A_353 = arith.constant 0xFF800000 : f32
    %broadcast_in_dim3A_354 = vector.broadcast %jit3A_353 : f32 to vector<1024x1024xf32>
    %select_n3A_355 = arith.select %eq3A_352, %broadcast_in_dim3A_354, %select_n3A_328 : vector<1024x1024xi1>, vector<1024x1024xf32>
    %reduce_max3A_356 = arith.constant dense<0xFF800000> : vector<1024xf32>
    %reduce_max3A_357 = vector.multi_reduction <maximumf>, %select_n3A_355, %reduce_max3A_356 [1] : vector<1024x1024xf32> to vector<1024xf32>
    %broadcast_in_dim3A_358 = vector.shape_cast %reduce_max3A_357 : vector<1024xf32> to vector<1024x1xf32>
    %eq3A_359 = vector.broadcast %broadcast_in_dim3A_358 : vector<1024x1xf32> to vector<1024x1024xf32>
    %eq3A_360 = arith.cmpf oeq, %select_n3A_355, %eq3A_359 : vector<1024x1024xf32>
    %jit3A_361 = arith.constant 1024 : i32
    %broadcast_in_dim3A_362 = vector.broadcast %jit3A_361 : i32 to vector<1024x1024xi32>
    %select_n3A_363 = arith.select %eq3A_360, %iota3A, %broadcast_in_dim3A_362 : vector<1024x1024xi1>, vector<1024x1024xi32>
    %reduce_min3A_364 = arith.constant dense<2147483647> : vector<1024xi32>
    %reduce_min3A_365 = vector.multi_reduction <minsi>, %select_n3A_363, %reduce_min3A_364 [1] : vector<1024x1024xi32> to vector<1024xi32>
    %broadcast_in_dim3A_366 = vector.shape_cast %reduce_min3A_365 : vector<1024xi32> to vector<1024x1xi32>
    %squeeze3A_367 = vector.shape_cast %broadcast_in_dim3A_366 : vector<1024x1xi32> to vector<1024xi32>
    %mul3A_368 = arith.constant 1024 : i32
    %mul3A_369 = arith.muli %arg0, %mul3A_368 : i32
    %add3A_370 = vector.broadcast %mul3A_369 : i32 to vector<1024xi32>
    %add3A_371 = arith.addi %squeeze3A_367, %add3A_370 : vector<1024xi32>
    %swap3A_372 = arith.constant 0 : index
    %swap3A_373 = arith.constant 0 : index
    %swap3A_374 = arith.constant 13 : index
    %swap3A_375 = vector.load %arg2[%swap3A_372, %swap3A_373, %swap3A_374] : memref<1x1024x20xi32, #tpu.memory_space<vmem>>, vector<1x1024x1xi32>
    %swap3A_376 = vector.shape_cast %swap3A_375 : vector<1x1024x1xi32> to vector<1024xi32>
    %swap3A_377 = vector.shape_cast %add3A_371 : vector<1024xi32> to vector<1x1024x1xi32>
    tpu.vector_store %arg2[%swap3A_372, %swap3A_373, %swap3A_374], %swap3A_377 {strides = array<i32>} : memref<1x1024x20xi32, #tpu.memory_space<vmem>>, vector<1x1024x1xi32>,
    %eq3A_378 = vector.broadcast %broadcast_in_dim3A_366 : vector<1024x1xi32> to vector<1024x1024xi32>
    %eq3A_379 = arith.cmpi eq, %iota3A, %eq3A_378 : vector<1024x1024xi32>
    %jit3A_380 = arith.constant 0xFF800000 : f32
    %broadcast_in_dim3A_381 = vector.broadcast %jit3A_380 : f32 to vector<1024x1024xf32>
    %select_n3A_382 = arith.select %eq3A_379, %broadcast_in_dim3A_381, %select_n3A_355 : vector<1024x1024xi1>, vector<1024x1024xf32>
    %reduce_max3A_383 = arith.constant dense<0xFF800000> : vector<1024xf32>
    %reduce_max3A_384 = vector.multi_reduction <maximumf>, %select_n3A_382, %reduce_max3A_383 [1] : vector<1024x1024xf32> to vector<1024xf32>
    %broadcast_in_dim3A_385 = vector.shape_cast %reduce_max3A_384 : vector<1024xf32> to vector<1024x1xf32>
    %eq3A_386 = vector.broadcast %broadcast_in_dim3A_385 : vector<1024x1xf32> to vector<1024x1024xf32>
    %eq3A_387 = arith.cmpf oeq, %select_n3A_382, %eq3A_386 : vector<1024x1024xf32>
    %jit3A_388 = arith.constant 1024 : i32
    %broadcast_in_dim3A_389 = vector.broadcast %jit3A_388 : i32 to vector<1024x1024xi32>
    %select_n3A_390 = arith.select %eq3A_387, %iota3A, %broadcast_in_dim3A_389 : vector<1024x1024xi1>, vector<1024x1024xi32>
    %reduce_min3A_391 = arith.constant dense<2147483647> : vector<1024xi32>
    %reduce_min3A_392 = vector.multi_reduction <minsi>, %select_n3A_390, %reduce_min3A_391 [1] : vector<1024x1024xi32> to vector<1024xi32>
    %broadcast_in_dim3A_393 = vector.shape_cast %reduce_min3A_392 : vector<1024xi32> to vector<1024x1xi32>
    %squeeze3A_394 = vector.shape_cast %broadcast_in_dim3A_393 : vector<1024x1xi32> to vector<1024xi32>
    %mul3A_395 = arith.constant 1024 : i32
    %mul3A_396 = arith.muli %arg0, %mul3A_395 : i32
    %add3A_397 = vector.broadcast %mul3A_396 : i32 to vector<1024xi32>
    %add3A_398 = arith.addi %squeeze3A_394, %add3A_397 : vector<1024xi32>
    %swap3A_399 = arith.constant 0 : index
    %swap3A_400 = arith.constant 0 : index
    %swap3A_401 = arith.constant 14 : index
    %swap3A_402 = vector.load %arg2[%swap3A_399, %swap3A_400, %swap3A_401] : memref<1x1024x20xi32, #tpu.memory_space<vmem>>, vector<1x1024x1xi32>
    %swap3A_403 = vector.shape_cast %swap3A_402 : vector<1x1024x1xi32> to vector<1024xi32>
    %swap3A_404 = vector.shape_cast %add3A_398 : vector<1024xi32> to vector<1x1024x1xi32>
    tpu.vector_store %arg2[%swap3A_399, %swap3A_400, %swap3A_401], %swap3A_404 {strides = array<i32>} : memref<1x1024x20xi32, #tpu.memory_space<vmem>>, vector<1x1024x1xi32>,
    %eq3A_405 = vector.broadcast %broadcast_in_dim3A_393 : vector<1024x1xi32> to vector<1024x1024xi32>
    %eq3A_406 = arith.cmpi eq, %iota3A, %eq3A_405 : vector<1024x1024xi32>
    %jit3A_407 = arith.constant 0xFF800000 : f32
    %broadcast_in_dim3A_408 = vector.broadcast %jit3A_407 : f32 to vector<1024x1024xf32>
    %select_n3A_409 = arith.select %eq3A_406, %broadcast_in_dim3A_408, %select_n3A_382 : vector<1024x1024xi1>, vector<1024x1024xf32>
    %reduce_max3A_410 = arith.constant dense<0xFF800000> : vector<1024xf32>
    %reduce_max3A_411 = vector.multi_reduction <maximumf>, %select_n3A_409, %reduce_max3A_410 [1] : vector<1024x1024xf32> to vector<1024xf32>
    %broadcast_in_dim3A_412 = vector.shape_cast %reduce_max3A_411 : vector<1024xf32> to vector<1024x1xf32>
    %eq3A_413 = vector.broadcast %broadcast_in_dim3A_412 : vector<1024x1xf32> to vector<1024x1024xf32>
    %eq3A_414 = arith.cmpf oeq, %select_n3A_409, %eq3A_413 : vector<1024x1024xf32>
    %jit3A_415 = arith.constant 1024 : i32
    %broadcast_in_dim3A_416 = vector.broadcast %jit3A_415 : i32 to vector<1024x1024xi32>
    %select_n3A_417 = arith.select %eq3A_414, %iota3A, %broadcast_in_dim3A_416 : vector<1024x1024xi1>, vector<1024x1024xi32>
    %reduce_min3A_418 = arith.constant dense<2147483647> : vector<1024xi32>
    %reduce_min3A_419 = vector.multi_reduction <minsi>, %select_n3A_417, %reduce_min3A_418 [1] : vector<1024x1024xi32> to vector<1024xi32>
    %broadcast_in_dim3A_420 = vector.shape_cast %reduce_min3A_419 : vector<1024xi32> to vector<1024x1xi32>
    %squeeze3A_421 = vector.shape_cast %broadcast_in_dim3A_420 : vector<1024x1xi32> to vector<1024xi32>
    %mul3A_422 = arith.constant 1024 : i32
    %mul3A_423 = arith.muli %arg0, %mul3A_422 : i32
    %add3A_424 = vector.broadcast %mul3A_423 : i32 to vector<1024xi32>
    %add3A_425 = arith.addi %squeeze3A_421, %add3A_424 : vector<1024xi32>
    %swap3A_426 = arith.constant 0 : index
    %swap3A_427 = arith.constant 0 : index
    %swap3A_428 = arith.constant 15 : index
    %swap3A_429 = vector.load %arg2[%swap3A_426, %swap3A_427, %swap3A_428] : memref<1x1024x20xi32, #tpu.memory_space<vmem>>, vector<1x1024x1xi32>
    %swap3A_430 = vector.shape_cast %swap3A_429 : vector<1x1024x1xi32> to vector<1024xi32>
    %swap3A_431 = vector.shape_cast %add3A_425 : vector<1024xi32> to vector<1x1024x1xi32>
    tpu.vector_store %arg2[%swap3A_426, %swap3A_427, %swap3A_428], %swap3A_431 {strides = array<i32>} : memref<1x1024x20xi32, #tpu.memory_space<vmem>>, vector<1x1024x1xi32>,
    %eq3A_432 = vector.broadcast %broadcast_in_dim3A_420 : vector<1024x1xi32> to vector<1024x1024xi32>
    %eq3A_433 = arith.cmpi eq, %iota3A, %eq3A_432 : vector<1024x1024xi32>
    %jit3A_434 = arith.constant 0xFF800000 : f32
    %broadcast_in_dim3A_435 = vector.broadcast %jit3A_434 : f32 to vector<1024x1024xf32>
    %select_n3A_436 = arith.select %eq3A_433, %broadcast_in_dim3A_435, %select_n3A_409 : vector<1024x1024xi1>, vector<1024x1024xf32>
    %reduce_max3A_437 = arith.constant dense<0xFF800000> : vector<1024xf32>
    %reduce_max3A_438 = vector.multi_reduction <maximumf>, %select_n3A_436, %reduce_max3A_437 [1] : vector<1024x1024xf32> to vector<1024xf32>
    %broadcast_in_dim3A_439 = vector.shape_cast %reduce_max3A_438 : vector<1024xf32> to vector<1024x1xf32>
    %eq3A_440 = vector.broadcast %broadcast_in_dim3A_439 : vector<1024x1xf32> to vector<1024x1024xf32>
    %eq3A_441 = arith.cmpf oeq, %select_n3A_436, %eq3A_440 : vector<1024x1024xf32>
    %jit3A_442 = arith.constant 1024 : i32
    %broadcast_in_dim3A_443 = vector.broadcast %jit3A_442 : i32 to vector<1024x1024xi32>
    %select_n3A_444 = arith.select %eq3A_441, %iota3A, %broadcast_in_dim3A_443 : vector<1024x1024xi1>, vector<1024x1024xi32>
    %reduce_min3A_445 = arith.constant dense<2147483647> : vector<1024xi32>
    %reduce_min3A_446 = vector.multi_reduction <minsi>, %select_n3A_444, %reduce_min3A_445 [1] : vector<1024x1024xi32> to vector<1024xi32>
    %broadcast_in_dim3A_447 = vector.shape_cast %reduce_min3A_446 : vector<1024xi32> to vector<1024x1xi32>
    %squeeze3A_448 = vector.shape_cast %broadcast_in_dim3A_447 : vector<1024x1xi32> to vector<1024xi32>
    %mul3A_449 = arith.constant 1024 : i32
    %mul3A_450 = arith.muli %arg0, %mul3A_449 : i32
    %add3A_451 = vector.broadcast %mul3A_450 : i32 to vector<1024xi32>
    %add3A_452 = arith.addi %squeeze3A_448, %add3A_451 : vector<1024xi32>
    %swap3A_453 = arith.constant 0 : index
    %swap3A_454 = arith.constant 0 : index
    %swap3A_455 = arith.constant 16 : index
    %swap3A_456 = vector.load %arg2[%swap3A_453, %swap3A_454, %swap3A_455] : memref<1x1024x20xi32, #tpu.memory_space<vmem>>, vector<1x1024x1xi32>
    %swap3A_457 = vector.shape_cast %swap3A_456 : vector<1x1024x1xi32> to vector<1024xi32>
    %swap3A_458 = vector.shape_cast %add3A_452 : vector<1024xi32> to vector<1x1024x1xi32>
    tpu.vector_store %arg2[%swap3A_453, %swap3A_454, %swap3A_455], %swap3A_458 {strides = array<i32>} : memref<1x1024x20xi32, #tpu.memory_space<vmem>>, vector<1x1024x1xi32>,
    %eq3A_459 = vector.broadcast %broadcast_in_dim3A_447 : vector<1024x1xi32> to vector<1024x1024xi32>
    %eq3A_460 = arith.cmpi eq, %iota3A, %eq3A_459 : vector<1024x1024xi32>
    %jit3A_461 = arith.constant 0xFF800000 : f32
    %broadcast_in_dim3A_462 = vector.broadcast %jit3A_461 : f32 to vector<1024x1024xf32>
    %select_n3A_463 = arith.select %eq3A_460, %broadcast_in_dim3A_462, %select_n3A_436 : vector<1024x1024xi1>, vector<1024x1024xf32>
    %reduce_max3A_464 = arith.constant dense<0xFF800000> : vector<1024xf32>
    %reduce_max3A_465 = vector.multi_reduction <maximumf>, %select_n3A_463, %reduce_max3A_464 [1] : vector<1024x1024xf32> to vector<1024xf32>
    %broadcast_in_dim3A_466 = vector.shape_cast %reduce_max3A_465 : vector<1024xf32> to vector<1024x1xf32>
    %eq3A_467 = vector.broadcast %broadcast_in_dim3A_466 : vector<1024x1xf32> to vector<1024x1024xf32>
    %eq3A_468 = arith.cmpf oeq, %select_n3A_463, %eq3A_467 : vector<1024x1024xf32>
    %jit3A_469 = arith.constant 1024 : i32
    %broadcast_in_dim3A_470 = vector.broadcast %jit3A_469 : i32 to vector<1024x1024xi32>
    %select_n3A_471 = arith.select %eq3A_468, %iota3A, %broadcast_in_dim3A_470 : vector<1024x1024xi1>, vector<1024x1024xi32>
    %reduce_min3A_472 = arith.constant dense<2147483647> : vector<1024xi32>
    %reduce_min3A_473 = vector.multi_reduction <minsi>, %select_n3A_471, %reduce_min3A_472 [1] : vector<1024x1024xi32> to vector<1024xi32>
    %broadcast_in_dim3A_474 = vector.shape_cast %reduce_min3A_473 : vector<1024xi32> to vector<1024x1xi32>
    %squeeze3A_475 = vector.shape_cast %broadcast_in_dim3A_474 : vector<1024x1xi32> to vector<1024xi32>
    %mul3A_476 = arith.constant 1024 : i32
    %mul3A_477 = arith.muli %arg0, %mul3A_476 : i32
    %add3A_478 = vector.broadcast %mul3A_477 : i32 to vector<1024xi32>
    %add3A_479 = arith.addi %squeeze3A_475, %add3A_478 : vector<1024xi32>
    %swap3A_480 = arith.constant 0 : index
    %swap3A_481 = arith.constant 0 : index
    %swap3A_482 = arith.constant 17 : index
    %swap3A_483 = vector.load %arg2[%swap3A_480, %swap3A_481, %swap3A_482] : memref<1x1024x20xi32, #tpu.memory_space<vmem>>, vector<1x1024x1xi32>
    %swap3A_484 = vector.shape_cast %swap3A_483 : vector<1x1024x1xi32> to vector<1024xi32>
    %swap3A_485 = vector.shape_cast %add3A_479 : vector<1024xi32> to vector<1x1024x1xi32>
    tpu.vector_store %arg2[%swap3A_480, %swap3A_481, %swap3A_482], %swap3A_485 {strides = array<i32>} : memref<1x1024x20xi32, #tpu.memory_space<vmem>>, vector<1x1024x1xi32>,
    %eq3A_486 = vector.broadcast %broadcast_in_dim3A_474 : vector<1024x1xi32> to vector<1024x1024xi32>
    %eq3A_487 = arith.cmpi eq, %iota3A, %eq3A_486 : vector<1024x1024xi32>
    %jit3A_488 = arith.constant 0xFF800000 : f32
    %broadcast_in_dim3A_489 = vector.broadcast %jit3A_488 : f32 to vector<1024x1024xf32>
    %select_n3A_490 = arith.select %eq3A_487, %broadcast_in_dim3A_489, %select_n3A_463 : vector<1024x1024xi1>, vector<1024x1024xf32>
    %reduce_max3A_491 = arith.constant dense<0xFF800000> : vector<1024xf32>
    %reduce_max3A_492 = vector.multi_reduction <maximumf>, %select_n3A_490, %reduce_max3A_491 [1] : vector<1024x1024xf32> to vector<1024xf32>
    %broadcast_in_dim3A_493 = vector.shape_cast %reduce_max3A_492 : vector<1024xf32> to vector<1024x1xf32>
    %eq3A_494 = vector.broadcast %broadcast_in_dim3A_493 : vector<1024x1xf32> to vector<1024x1024xf32>
    %eq3A_495 = arith.cmpf oeq, %select_n3A_490, %eq3A_494 : vector<1024x1024xf32>
    %jit3A_496 = arith.constant 1024 : i32
    %broadcast_in_dim3A_497 = vector.broadcast %jit3A_496 : i32 to vector<1024x1024xi32>
    %select_n3A_498 = arith.select %eq3A_495, %iota3A, %broadcast_in_dim3A_497 : vector<1024x1024xi1>, vector<1024x1024xi32>
    %reduce_min3A_499 = arith.constant dense<2147483647> : vector<1024xi32>
    %reduce_min3A_500 = vector.multi_reduction <minsi>, %select_n3A_498, %reduce_min3A_499 [1] : vector<1024x1024xi32> to vector<1024xi32>
    %broadcast_in_dim3A_501 = vector.shape_cast %reduce_min3A_500 : vector<1024xi32> to vector<1024x1xi32>
    %squeeze3A_502 = vector.shape_cast %broadcast_in_dim3A_501 : vector<1024x1xi32> to vector<1024xi32>
    %mul3A_503 = arith.constant 1024 : i32
    %mul3A_504 = arith.muli %arg0, %mul3A_503 : i32
    %add3A_505 = vector.broadcast %mul3A_504 : i32 to vector<1024xi32>
    %add3A_506 = arith.addi %squeeze3A_502, %add3A_505 : vector<1024xi32>
    %swap3A_507 = arith.constant 0 : index
    %swap3A_508 = arith.constant 0 : index
    %swap3A_509 = arith.constant 18 : index
    %swap3A_510 = vector.load %arg2[%swap3A_507, %swap3A_508, %swap3A_509] : memref<1x1024x20xi32, #tpu.memory_space<vmem>>, vector<1x1024x1xi32>
    %swap3A_511 = vector.shape_cast %swap3A_510 : vector<1x1024x1xi32> to vector<1024xi32>
    %swap3A_512 = vector.shape_cast %add3A_506 : vector<1024xi32> to vector<1x1024x1xi32>
    tpu.vector_store %arg2[%swap3A_507, %swap3A_508, %swap3A_509], %swap3A_512 {strides = array<i32>} : memref<1x1024x20xi32, #tpu.memory_space<vmem>>, vector<1x1024x1xi32>,
    %eq3A_513 = vector.broadcast %broadcast_in_dim3A_501 : vector<1024x1xi32> to vector<1024x1024xi32>
    %eq3A_514 = arith.cmpi eq, %iota3A, %eq3A_513 : vector<1024x1024xi32>
    %jit3A_515 = arith.constant 0xFF800000 : f32
    %broadcast_in_dim3A_516 = vector.broadcast %jit3A_515 : f32 to vector<1024x1024xf32>
    %select_n3A_517 = arith.select %eq3A_514, %broadcast_in_dim3A_516, %select_n3A_490 : vector<1024x1024xi1>, vector<1024x1024xf32>
    %reduce_max3A_518 = arith.constant dense<0xFF800000> : vector<1024xf32>
    %reduce_max3A_519 = vector.multi_reduction <maximumf>, %select_n3A_517, %reduce_max3A_518 [1] : vector<1024x1024xf32> to vector<1024xf32>
    %broadcast_in_dim3A_520 = vector.shape_cast %reduce_max3A_519 : vector<1024xf32> to vector<1024x1xf32>
    %eq3A_521 = vector.broadcast %broadcast_in_dim3A_520 : vector<1024x1xf32> to vector<1024x1024xf32>
    %eq3A_522 = arith.cmpf oeq, %select_n3A_517, %eq3A_521 : vector<1024x1024xf32>
    %jit3A_523 = arith.constant 1024 : i32
    %broadcast_in_dim3A_524 = vector.broadcast %jit3A_523 : i32 to vector<1024x1024xi32>
    %select_n3A_525 = arith.select %eq3A_522, %iota3A, %broadcast_in_dim3A_524 : vector<1024x1024xi1>, vector<1024x1024xi32>
    %reduce_min3A_526 = arith.constant dense<2147483647> : vector<1024xi32>
    %reduce_min3A_527 = vector.multi_reduction <minsi>, %select_n3A_525, %reduce_min3A_526 [1] : vector<1024x1024xi32> to vector<1024xi32>
    %broadcast_in_dim3A_528 = vector.shape_cast %reduce_min3A_527 : vector<1024xi32> to vector<1024x1xi32>
    %squeeze3A_529 = vector.shape_cast %broadcast_in_dim3A_528 : vector<1024x1xi32> to vector<1024xi32>
    %mul3A_530 = arith.constant 1024 : i32
    %mul3A_531 = arith.muli %arg0, %mul3A_530 : i32
    %add3A_532 = vector.broadcast %mul3A_531 : i32 to vector<1024xi32>
    %add3A_533 = arith.addi %squeeze3A_529, %add3A_532 : vector<1024xi32>
    %swap3A_534 = arith.constant 0 : index
    %swap3A_535 = arith.constant 0 : index
    %swap3A_536 = arith.constant 19 : index
    %swap3A_537 = vector.load %arg2[%swap3A_534, %swap3A_535, %swap3A_536] : memref<1x1024x20xi32, #tpu.memory_space<vmem>>, vector<1x1024x1xi32>
    %swap3A_538 = vector.shape_cast %swap3A_537 : vector<1x1024x1xi32> to vector<1024xi32>
    %swap3A_539 = vector.shape_cast %add3A_533 : vector<1024xi32> to vector<1x1024x1xi32>
    tpu.vector_store %arg2[%swap3A_534, %swap3A_535, %swap3A_536], %swap3A_539 {strides = array<i32>} : memref<1x1024x20xi32, #tpu.memory_space<vmem>>, vector<1x1024x1xi32>,
    return
  }
  func.func @transform_0(%arg0: i32) -> (i32, i32, i32) {
    %c0_i32 = arith.constant 0 : i32
    %c0_i32_0 = arith.constant 0 : i32
    %c0_i32_1 = arith.constant 0 : i32
    return %arg0, %c0_i32, %c0_i32_0 : i32, i32, i32
  }
  func.func @transform_1(%arg0: i32) -> (i32, i32, i32) {
    %c0_i32 = arith.constant 0 : i32
    %c0_i32_0 = arith.constant 0 : i32
    %c0_i32_1 = arith.constant 0 : i32
    return %arg0, %c0_i32, %c0_i32_0 : i32, i32, i32
  }
}

module attributes {stable_mosaic.version = 14 : i64} {
  func.func @_conv_fast_body(%arg0: i32, %arg1: i32, %arg2: memref<1x512x20x256xf32, #tpu.memory_space<vmem>>, %arg3: memref<256x256xf32, #tpu.memory_space<vmem>>, %arg4: memref<1x512x256xf32, #tpu.memory_space<vmem>>, %arg5: memref<1x1x256xf32, #tpu.memory_space<vmem>>, %arg6: memref<1x1x256xf32, #tpu.memory_space<vmem>>) attributes {dimension_semantics = [#tpu.dimension_semantics<arbitrary>, #tpu.dimension_semantics<arbitrary>], iteration_bounds = array<i64: 4, 2>, scalar_prefetch = 0 : i64, scratch_operands = 0 : i64, tpu.core_type = #tpu.core_type<tc>, window_params = [{transform_indices = @transform_0, window_bounds = array<i64: 1, 512, 20, 256>}, {pipeline_mode = #tpu.pipeline_mode<synchronous>, transform_indices = @transform_1, window_bounds = array<i64: 256, 256>}, {transform_indices = @transform_2, window_bounds = array<i64: 1, 512, 256>}, {transform_indices = @transform_3, window_bounds = array<i64: 1, 1, 256>}, {transform_indices = @transform_4, window_bounds = array<i64: 1, 1, 256>}]} {
    %get3A = arith.constant 0 : index
    %get3A_0 = arith.constant 0 : index
    %get3A_1 = arith.constant 0 : index
    %get3A_2 = arith.constant 0 : index
    %get3A_3 = vector.load %arg2[%get3A, %get3A_0, %get3A_1, %get3A_2] : memref<1x512x20x256xf32, #tpu.memory_space<vmem>>, vector<1x512x20x256xf32>
    %get3A_4 = vector.shape_cast %get3A_3 : vector<1x512x20x256xf32> to vector<512x20x256xf32>
    %reshape3A = vector.shape_cast %get3A_4 : vector<512x20x256xf32> to vector<10240x256xf32>
    %get3A_5 = arith.constant 0 : index
    %get3A_6 = arith.constant 0 : index
    %get3A_7 = vector.load %arg3[%get3A_5, %get3A_6] : memref<256x256xf32, #tpu.memory_space<vmem>>, vector<256x256xf32>
    %dot_general3A = arith.constant dense<0.000000e+00> : vector<10240x256xf32>
    %dot_general3A_8 = tpu.matmul %reshape3A, %get3A_7, %dot_general3A {dimension_numbers = #tpu.dot_dimension_numbers<[1], [1], [0], [0], [0, 0, 1, 0], [], []>, transpose_lhs_hint = false} : vector<10240x256xf32>, vector<256x256xf32>, vector<10240x256xf32> -> vector<10240x256xf32>
    %reshape3A_9 = vector.shape_cast %dot_general3A_8 : vector<10240x256xf32> to vector<512x20x256xf32>
    %slice3A = vector.extract_strided_slice %reshape3A_9 {offsets = [0, 0, 0], sizes = [512, 1, 256], strides = [1, 1, 1]} : vector<512x20x256xf32> to vector<512x1x256xf32>
    %squeeze3A = vector.shape_cast %slice3A : vector<512x1x256xf32> to vector<512x256xf32>
    %slice3A_10 = vector.extract_strided_slice %reshape3A_9 {offsets = [0, 1, 0], sizes = [512, 1, 256], strides = [1, 1, 1]} : vector<512x20x256xf32> to vector<512x1x256xf32>
    %squeeze3A_11 = vector.shape_cast %slice3A_10 : vector<512x1x256xf32> to vector<512x256xf32>
    %max3A = arith.maximumf %squeeze3A, %squeeze3A_11 : vector<512x256xf32>
    %slice3A_12 = vector.extract_strided_slice %reshape3A_9 {offsets = [0, 2, 0], sizes = [512, 1, 256], strides = [1, 1, 1]} : vector<512x20x256xf32> to vector<512x1x256xf32>
    %squeeze3A_13 = vector.shape_cast %slice3A_12 : vector<512x1x256xf32> to vector<512x256xf32>
    %max3A_14 = arith.maximumf %max3A, %squeeze3A_13 : vector<512x256xf32>
    %slice3A_15 = vector.extract_strided_slice %reshape3A_9 {offsets = [0, 3, 0], sizes = [512, 1, 256], strides = [1, 1, 1]} : vector<512x20x256xf32> to vector<512x1x256xf32>
    %squeeze3A_16 = vector.shape_cast %slice3A_15 : vector<512x1x256xf32> to vector<512x256xf32>
    %max3A_17 = arith.maximumf %max3A_14, %squeeze3A_16 : vector<512x256xf32>
    %slice3A_18 = vector.extract_strided_slice %reshape3A_9 {offsets = [0, 4, 0], sizes = [512, 1, 256], strides = [1, 1, 1]} : vector<512x20x256xf32> to vector<512x1x256xf32>
    %squeeze3A_19 = vector.shape_cast %slice3A_18 : vector<512x1x256xf32> to vector<512x256xf32>
    %max3A_20 = arith.maximumf %max3A_17, %squeeze3A_19 : vector<512x256xf32>
    %slice3A_21 = vector.extract_strided_slice %reshape3A_9 {offsets = [0, 5, 0], sizes = [512, 1, 256], strides = [1, 1, 1]} : vector<512x20x256xf32> to vector<512x1x256xf32>
    %squeeze3A_22 = vector.shape_cast %slice3A_21 : vector<512x1x256xf32> to vector<512x256xf32>
    %max3A_23 = arith.maximumf %max3A_20, %squeeze3A_22 : vector<512x256xf32>
    %slice3A_24 = vector.extract_strided_slice %reshape3A_9 {offsets = [0, 6, 0], sizes = [512, 1, 256], strides = [1, 1, 1]} : vector<512x20x256xf32> to vector<512x1x256xf32>
    %squeeze3A_25 = vector.shape_cast %slice3A_24 : vector<512x1x256xf32> to vector<512x256xf32>
    %max3A_26 = arith.maximumf %max3A_23, %squeeze3A_25 : vector<512x256xf32>
    %slice3A_27 = vector.extract_strided_slice %reshape3A_9 {offsets = [0, 7, 0], sizes = [512, 1, 256], strides = [1, 1, 1]} : vector<512x20x256xf32> to vector<512x1x256xf32>
    %squeeze3A_28 = vector.shape_cast %slice3A_27 : vector<512x1x256xf32> to vector<512x256xf32>
    %max3A_29 = arith.maximumf %max3A_26, %squeeze3A_28 : vector<512x256xf32>
    %slice3A_30 = vector.extract_strided_slice %reshape3A_9 {offsets = [0, 8, 0], sizes = [512, 1, 256], strides = [1, 1, 1]} : vector<512x20x256xf32> to vector<512x1x256xf32>
    %squeeze3A_31 = vector.shape_cast %slice3A_30 : vector<512x1x256xf32> to vector<512x256xf32>
    %max3A_32 = arith.maximumf %max3A_29, %squeeze3A_31 : vector<512x256xf32>
    %slice3A_33 = vector.extract_strided_slice %reshape3A_9 {offsets = [0, 9, 0], sizes = [512, 1, 256], strides = [1, 1, 1]} : vector<512x20x256xf32> to vector<512x1x256xf32>
    %squeeze3A_34 = vector.shape_cast %slice3A_33 : vector<512x1x256xf32> to vector<512x256xf32>
    %max3A_35 = arith.maximumf %max3A_32, %squeeze3A_34 : vector<512x256xf32>
    %slice3A_36 = vector.extract_strided_slice %reshape3A_9 {offsets = [0, 10, 0], sizes = [512, 1, 256], strides = [1, 1, 1]} : vector<512x20x256xf32> to vector<512x1x256xf32>
    %squeeze3A_37 = vector.shape_cast %slice3A_36 : vector<512x1x256xf32> to vector<512x256xf32>
    %max3A_38 = arith.maximumf %max3A_35, %squeeze3A_37 : vector<512x256xf32>
    %slice3A_39 = vector.extract_strided_slice %reshape3A_9 {offsets = [0, 11, 0], sizes = [512, 1, 256], strides = [1, 1, 1]} : vector<512x20x256xf32> to vector<512x1x256xf32>
    %squeeze3A_40 = vector.shape_cast %slice3A_39 : vector<512x1x256xf32> to vector<512x256xf32>
    %max3A_41 = arith.maximumf %max3A_38, %squeeze3A_40 : vector<512x256xf32>
    %slice3A_42 = vector.extract_strided_slice %reshape3A_9 {offsets = [0, 12, 0], sizes = [512, 1, 256], strides = [1, 1, 1]} : vector<512x20x256xf32> to vector<512x1x256xf32>
    %squeeze3A_43 = vector.shape_cast %slice3A_42 : vector<512x1x256xf32> to vector<512x256xf32>
    %max3A_44 = arith.maximumf %max3A_41, %squeeze3A_43 : vector<512x256xf32>
    %slice3A_45 = vector.extract_strided_slice %reshape3A_9 {offsets = [0, 13, 0], sizes = [512, 1, 256], strides = [1, 1, 1]} : vector<512x20x256xf32> to vector<512x1x256xf32>
    %squeeze3A_46 = vector.shape_cast %slice3A_45 : vector<512x1x256xf32> to vector<512x256xf32>
    %max3A_47 = arith.maximumf %max3A_44, %squeeze3A_46 : vector<512x256xf32>
    %slice3A_48 = vector.extract_strided_slice %reshape3A_9 {offsets = [0, 14, 0], sizes = [512, 1, 256], strides = [1, 1, 1]} : vector<512x20x256xf32> to vector<512x1x256xf32>
    %squeeze3A_49 = vector.shape_cast %slice3A_48 : vector<512x1x256xf32> to vector<512x256xf32>
    %max3A_50 = arith.maximumf %max3A_47, %squeeze3A_49 : vector<512x256xf32>
    %slice3A_51 = vector.extract_strided_slice %reshape3A_9 {offsets = [0, 15, 0], sizes = [512, 1, 256], strides = [1, 1, 1]} : vector<512x20x256xf32> to vector<512x1x256xf32>
    %squeeze3A_52 = vector.shape_cast %slice3A_51 : vector<512x1x256xf32> to vector<512x256xf32>
    %max3A_53 = arith.maximumf %max3A_50, %squeeze3A_52 : vector<512x256xf32>
    %slice3A_54 = vector.extract_strided_slice %reshape3A_9 {offsets = [0, 16, 0], sizes = [512, 1, 256], strides = [1, 1, 1]} : vector<512x20x256xf32> to vector<512x1x256xf32>
    %squeeze3A_55 = vector.shape_cast %slice3A_54 : vector<512x1x256xf32> to vector<512x256xf32>
    %max3A_56 = arith.maximumf %max3A_53, %squeeze3A_55 : vector<512x256xf32>
    %slice3A_57 = vector.extract_strided_slice %reshape3A_9 {offsets = [0, 17, 0], sizes = [512, 1, 256], strides = [1, 1, 1]} : vector<512x20x256xf32> to vector<512x1x256xf32>
    %squeeze3A_58 = vector.shape_cast %slice3A_57 : vector<512x1x256xf32> to vector<512x256xf32>
    %max3A_59 = arith.maximumf %max3A_56, %squeeze3A_58 : vector<512x256xf32>
    %slice3A_60 = vector.extract_strided_slice %reshape3A_9 {offsets = [0, 18, 0], sizes = [512, 1, 256], strides = [1, 1, 1]} : vector<512x20x256xf32> to vector<512x1x256xf32>
    %squeeze3A_61 = vector.shape_cast %slice3A_60 : vector<512x1x256xf32> to vector<512x256xf32>
    %max3A_62 = arith.maximumf %max3A_59, %squeeze3A_61 : vector<512x256xf32>
    %slice3A_63 = vector.extract_strided_slice %reshape3A_9 {offsets = [0, 19, 0], sizes = [512, 1, 256], strides = [1, 1, 1]} : vector<512x20x256xf32> to vector<512x1x256xf32>
    %squeeze3A_64 = vector.shape_cast %slice3A_63 : vector<512x1x256xf32> to vector<512x256xf32>
    %max3A_65 = arith.maximumf %max3A_62, %squeeze3A_64 : vector<512x256xf32>
    %swap3A = arith.constant 0 : index
    %swap3A_66 = arith.constant 0 : index
    %swap3A_67 = arith.constant 0 : index
    %swap3A_68 = vector.load %arg4[%swap3A, %swap3A_66, %swap3A_67] : memref<1x512x256xf32, #tpu.memory_space<vmem>>, vector<1x512x256xf32>
    %swap3A_69 = vector.shape_cast %swap3A_68 : vector<1x512x256xf32> to vector<512x256xf32>
    %swap3A_70 = vector.shape_cast %max3A_65 : vector<512x256xf32> to vector<1x512x256xf32>
    tpu.vector_store %arg4[%swap3A, %swap3A_66, %swap3A_67], %swap3A_70 {strides = array<i32>} : memref<1x512x256xf32, #tpu.memory_space<vmem>>, vector<1x512x256xf32>,
    %reduce_sum3A = arith.constant dense<0.000000e+00> : vector<256xf32>
    %reduce_sum3A_71 = vector.multi_reduction <add>, %dot_general3A_8, %reduce_sum3A [0] : vector<10240x256xf32> to vector<256xf32>
    %broadcast_in_dim3A = vector.shape_cast %reduce_sum3A_71 : vector<256xf32> to vector<1x256xf32>
    %mul3A = arith.mulf %dot_general3A_8, %dot_general3A_8 : vector<10240x256xf32>
    %reduce_sum3A_72 = arith.constant dense<0.000000e+00> : vector<256xf32>
    %reduce_sum3A_73 = vector.multi_reduction <add>, %mul3A, %reduce_sum3A_72 [0] : vector<10240x256xf32> to vector<256xf32>
    %broadcast_in_dim3A_74 = vector.shape_cast %reduce_sum3A_73 : vector<256xf32> to vector<1x256xf32>
    %eq3A = arith.constant 0 : i32
    %eq3A_75 = arith.cmpi eq, %arg1, %eq3A : i32
    %convert_element_type3A = arith.extui %eq3A_75 : i1 to i32
    %cond3A = arith.constant 0 : i32
    %cond3A_76 = arith.cmpi ne, %convert_element_type3A, %cond3A : i32
    scf.if %cond3A_76 {
      %swap3A_81 = arith.constant 0 : index
      %swap3A_82 = arith.constant 0 : index
      %swap3A_83 = arith.constant 0 : index
      %swap3A_84 = vector.load %arg5[%swap3A_81, %swap3A_82, %swap3A_83] : memref<1x1x256xf32, #tpu.memory_space<vmem>>, vector<1x1x256xf32>
      %swap3A_85 = vector.shape_cast %swap3A_84 : vector<1x1x256xf32> to vector<1x256xf32>
      %swap3A_86 = vector.shape_cast %broadcast_in_dim3A : vector<1x256xf32> to vector<1x1x256xf32>
      tpu.vector_store %arg5[%swap3A_81, %swap3A_82, %swap3A_83], %swap3A_86 {strides = array<i32>} : memref<1x1x256xf32, #tpu.memory_space<vmem>>, vector<1x1x256xf32>,
      %swap3A_87 = arith.constant 0 : index
      %swap3A_88 = arith.constant 0 : index
      %swap3A_89 = arith.constant 0 : index
      %swap3A_90 = vector.load %arg6[%swap3A_87, %swap3A_88, %swap3A_89] : memref<1x1x256xf32, #tpu.memory_space<vmem>>, vector<1x1x256xf32>
      %swap3A_91 = vector.shape_cast %swap3A_90 : vector<1x1x256xf32> to vector<1x256xf32>
      %swap3A_92 = vector.shape_cast %broadcast_in_dim3A_74 : vector<1x256xf32> to vector<1x1x256xf32>
      tpu.vector_store %arg6[%swap3A_87, %swap3A_88, %swap3A_89], %swap3A_92 {strides = array<i32>} : memref<1x1x256xf32, #tpu.memory_space<vmem>>, vector<1x1x256xf32>,
    } else {
    }
    %gt3A = arith.constant 0 : i32
    %gt3A_77 = arith.cmpi sgt, %arg1, %gt3A : i32
    %convert_element_type3A_78 = arith.extui %gt3A_77 : i1 to i32
    %cond3A_79 = arith.constant 0 : i32
    %cond3A_80 = arith.cmpi ne, %convert_element_type3A_78, %cond3A_79 : i32
    scf.if %cond3A_80 {
      %get3A_81 = arith.constant 0 : index
      %get3A_82 = arith.constant 0 : index
      %get3A_83 = arith.constant 0 : index
      %get3A_84 = vector.load %arg5[%get3A_81, %get3A_82, %get3A_83] : memref<1x1x256xf32, #tpu.memory_space<vmem>>, vector<1x1x256xf32>
      %get3A_85 = vector.shape_cast %get3A_84 : vector<1x1x256xf32> to vector<1x256xf32>
      %add3A = arith.addf %get3A_85, %broadcast_in_dim3A : vector<1x256xf32>
      %swap3A_86 = arith.constant 0 : index
      %swap3A_87 = arith.constant 0 : index
      %swap3A_88 = arith.constant 0 : index
      %swap3A_89 = vector.load %arg5[%swap3A_86, %swap3A_87, %swap3A_88] : memref<1x1x256xf32, #tpu.memory_space<vmem>>, vector<1x1x256xf32>
      %swap3A_90 = vector.shape_cast %swap3A_89 : vector<1x1x256xf32> to vector<1x256xf32>
      %swap3A_91 = vector.shape_cast %add3A : vector<1x256xf32> to vector<1x1x256xf32>
      tpu.vector_store %arg5[%swap3A_86, %swap3A_87, %swap3A_88], %swap3A_91 {strides = array<i32>} : memref<1x1x256xf32, #tpu.memory_space<vmem>>, vector<1x1x256xf32>,
      %get3A_92 = arith.constant 0 : index
      %get3A_93 = arith.constant 0 : index
      %get3A_94 = arith.constant 0 : index
      %get3A_95 = vector.load %arg6[%get3A_92, %get3A_93, %get3A_94] : memref<1x1x256xf32, #tpu.memory_space<vmem>>, vector<1x1x256xf32>
      %get3A_96 = vector.shape_cast %get3A_95 : vector<1x1x256xf32> to vector<1x256xf32>
      %add3A_97 = arith.addf %get3A_96, %broadcast_in_dim3A_74 : vector<1x256xf32>
      %swap3A_98 = arith.constant 0 : index
      %swap3A_99 = arith.constant 0 : index
      %swap3A_100 = arith.constant 0 : index
      %swap3A_101 = vector.load %arg6[%swap3A_98, %swap3A_99, %swap3A_100] : memref<1x1x256xf32, #tpu.memory_space<vmem>>, vector<1x1x256xf32>
      %swap3A_102 = vector.shape_cast %swap3A_101 : vector<1x1x256xf32> to vector<1x256xf32>
      %swap3A_103 = vector.shape_cast %add3A_97 : vector<1x256xf32> to vector<1x1x256xf32>
      tpu.vector_store %arg6[%swap3A_98, %swap3A_99, %swap3A_100], %swap3A_103 {strides = array<i32>} : memref<1x1x256xf32, #tpu.memory_space<vmem>>, vector<1x1x256xf32>,
    } else {
    }
    return
  }
  func.func @transform_0(%arg0: i32, %arg1: i32) -> (i32, i32, i32, i32) {
    %c0_i32 = arith.constant 0 : i32
    %c0_i32_0 = arith.constant 0 : i32
    %c0_i32_1 = arith.constant 0 : i32
    return %arg0, %arg1, %c0_i32, %c0_i32_0 : i32, i32, i32, i32
  }
  func.func @transform_1(%arg0: i32, %arg1: i32) -> (i32, i32) {
    %c0_i32 = arith.constant 0 : i32
    %c0_i32_0 = arith.constant 0 : i32
    %c0_i32_1 = arith.constant 0 : i32
    return %c0_i32, %c0_i32_0 : i32, i32
  }
  func.func @transform_2(%arg0: i32, %arg1: i32) -> (i32, i32, i32) {
    %c0_i32 = arith.constant 0 : i32
    %c0_i32_0 = arith.constant 0 : i32
    return %arg0, %arg1, %c0_i32 : i32, i32, i32
  }
  func.func @transform_3(%arg0: i32, %arg1: i32) -> (i32, i32, i32) {
    %c0_i32 = arith.constant 0 : i32
    %c0_i32_0 = arith.constant 0 : i32
    %c0_i32_1 = arith.constant 0 : i32
    return %arg0, %c0_i32, %c0_i32_0 : i32, i32, i32
  }
  func.func @transform_4(%arg0: i32, %arg1: i32) -> (i32, i32, i32) {
    %c0_i32 = arith.constant 0 : i32
    %c0_i32_0 = arith.constant 0 : i32
    %c0_i32_1 = arith.constant 0 : i32
    return %arg0, %c0_i32, %c0_i32_0 : i32, i32, i32
  }
}

module attributes {stable_mosaic.version = 14 : i64} {
  func.func @_finalize_fast_body(%arg0: i32, %arg1: memref<1x1024x256xf32, #tpu.memory_space<vmem>>, %arg2: memref<1x1x256xf32, #tpu.memory_space<vmem>>, %arg3: memref<1x1x256xf32, #tpu.memory_space<vmem>>, %arg4: memref<1x1024x256xf32, #tpu.memory_space<vmem>>) attributes {dimension_semantics = [#tpu.dimension_semantics<arbitrary>], iteration_bounds = array<i64: 4>, scalar_prefetch = 0 : i64, scratch_operands = 0 : i64, tpu.core_type = #tpu.core_type<tc>, window_params = [{transform_indices = @transform_0, window_bounds = array<i64: 1, 1024, 256>}, {transform_indices = @transform_1, window_bounds = array<i64: 1, 1, 256>}, {transform_indices = @transform_2, window_bounds = array<i64: 1, 1, 256>}, {transform_indices = @transform_3, window_bounds = array<i64: 1, 1024, 256>}]} {
    %get3A = arith.constant 0 : index
    %get3A_0 = arith.constant 0 : index
    %get3A_1 = arith.constant 0 : index
    %get3A_2 = vector.load %arg2[%get3A, %get3A_0, %get3A_1] : memref<1x1x256xf32, #tpu.memory_space<vmem>>, vector<1x1x256xf32>
    %get3A_3 = vector.shape_cast %get3A_2 : vector<1x1x256xf32> to vector<1x256xf32>
    %div3A = arith.constant 2.048000e+04 : f32
    %div3A_4 = vector.broadcast %div3A : f32 to vector<1x256xf32>
    %div3A_5 = arith.divf %get3A_3, %div3A_4 : vector<1x256xf32>
    %get3A_6 = arith.constant 0 : index
    %get3A_7 = arith.constant 0 : index
    %get3A_8 = arith.constant 0 : index
    %get3A_9 = vector.load %arg3[%get3A_6, %get3A_7, %get3A_8] : memref<1x1x256xf32, #tpu.memory_space<vmem>>, vector<1x1x256xf32>
    %get3A_10 = vector.shape_cast %get3A_9 : vector<1x1x256xf32> to vector<1x256xf32>
    %div3A_11 = arith.constant 2.048000e+04 : f32
    %div3A_12 = vector.broadcast %div3A_11 : f32 to vector<1x256xf32>
    %div3A_13 = arith.divf %get3A_10, %div3A_12 : vector<1x256xf32>
    %mul3A = arith.mulf %div3A_5, %div3A_5 : vector<1x256xf32>
    %sub3A = arith.subf %div3A_13, %mul3A : vector<1x256xf32>
    %add3A = arith.constant 9.99999974E-6 : f32
    %add3A_14 = vector.broadcast %add3A : f32 to vector<1x256xf32>
    %add3A_15 = arith.addf %sub3A, %add3A_14 : vector<1x256xf32>
    %sqrt3A = math.sqrt %add3A_15 : vector<1x256xf32>
    %get3A_16 = arith.constant 0 : index
    %get3A_17 = arith.constant 0 : index
    %get3A_18 = arith.constant 0 : index
    %get3A_19 = vector.load %arg1[%get3A_16, %get3A_17, %get3A_18] : memref<1x1024x256xf32, #tpu.memory_space<vmem>>, vector<1x1024x256xf32>
    %get3A_20 = vector.shape_cast %get3A_19 : vector<1x1024x256xf32> to vector<1024x256xf32>
    %sub3A_21 = vector.broadcast %div3A_5 : vector<1x256xf32> to vector<1024x256xf32>
    %sub3A_22 = arith.subf %get3A_20, %sub3A_21 : vector<1024x256xf32>
    %div3A_23 = vector.broadcast %sqrt3A : vector<1x256xf32> to vector<1024x256xf32>
    %div3A_24 = arith.divf %sub3A_22, %div3A_23 : vector<1024x256xf32>
    %ge3A = arith.constant 0.000000e+00 : f32
    %ge3A_25 = vector.broadcast %ge3A : f32 to vector<1024x256xf32>
    %ge3A_26 = arith.cmpf oge, %div3A_24, %ge3A_25 : vector<1024x256xf32>
    %mul3A_27 = arith.constant 2.000000e-01 : f32
    %mul3A_28 = vector.broadcast %mul3A_27 : f32 to vector<1024x256xf32>
    %mul3A_29 = arith.mulf %mul3A_28, %div3A_24 : vector<1024x256xf32>
    %select_n3A = arith.select %ge3A_26, %div3A_24, %mul3A_29 : vector<1024x256xi1>, vector<1024x256xf32>
    %swap3A = arith.constant 0 : index
    %swap3A_30 = arith.constant 0 : index
    %swap3A_31 = arith.constant 0 : index
    %swap3A_32 = vector.load %arg4[%swap3A, %swap3A_30, %swap3A_31] : memref<1x1024x256xf32, #tpu.memory_space<vmem>>, vector<1x1024x256xf32>
    %swap3A_33 = vector.shape_cast %swap3A_32 : vector<1x1024x256xf32> to vector<1024x256xf32>
    %swap3A_34 = vector.shape_cast %select_n3A : vector<1024x256xf32> to vector<1x1024x256xf32>
    tpu.vector_store %arg4[%swap3A, %swap3A_30, %swap3A_31], %swap3A_34 {strides = array<i32>} : memref<1x1024x256xf32, #tpu.memory_space<vmem>>, vector<1x1024x256xf32>,
    return
  }
  func.func @transform_0(%arg0: i32) -> (i32, i32, i32) {
    %c0_i32 = arith.constant 0 : i32
    %c0_i32_0 = arith.constant 0 : i32
    %c0_i32_1 = arith.constant 0 : i32
    return %arg0, %c0_i32, %c0_i32_0 : i32, i32, i32
  }
  func.func @transform_1(%arg0: i32) -> (i32, i32, i32) {
    %c0_i32 = arith.constant 0 : i32
    %c0_i32_0 = arith.constant 0 : i32
    %c0_i32_1 = arith.constant 0 : i32
    return %arg0, %c0_i32, %c0_i32_0 : i32, i32, i32
  }
  func.func @transform_2(%arg0: i32) -> (i32, i32, i32) {
    %c0_i32 = arith.constant 0 : i32
    %c0_i32_0 = arith.constant 0 : i32
    %c0_i32_1 = arith.constant 0 : i32
    return %arg0, %c0_i32, %c0_i32_0 : i32, i32, i32
  }
  func.func @transform_3(%arg0: i32) -> (i32, i32, i32) {
    %c0_i32 = arith.constant 0 : i32
    %c0_i32_0 = arith.constant 0 : i32
    %c0_i32_1 = arith.constant 0 : i32
    return %arg0, %c0_i32, %c0_i32_0 : i32, i32, i32
  }
}

module attributes {stable_mosaic.version = 14 : i64} {
  func.func @_final_body(%arg0: i32, %arg1: memref<1x1024x64xf32, #tpu.memory_space<vmem>>, %arg2: memref<1x1024x64xf32, #tpu.memory_space<vmem>>, %arg3: memref<1x1024x128xf32, #tpu.memory_space<vmem>>, %arg4: memref<1x1024x256xf32, #tpu.memory_space<vmem>>, %arg5: memref<512x512xf32, #tpu.memory_space<vmem>>, %arg6: memref<1x512x1024xf32, #tpu.memory_space<vmem>>) attributes {dimension_semantics = [#tpu.dimension_semantics<arbitrary>], iteration_bounds = array<i64: 4>, scalar_prefetch = 0 : i64, scratch_operands = 0 : i64, tpu.core_type = #tpu.core_type<tc>, window_params = [{transform_indices = @transform_0, window_bounds = array<i64: 1, 1024, 64>}, {transform_indices = @transform_1, window_bounds = array<i64: 1, 1024, 64>}, {transform_indices = @transform_2, window_bounds = array<i64: 1, 1024, 128>}, {transform_indices = @transform_3, window_bounds = array<i64: 1, 1024, 256>}, {pipeline_mode = #tpu.pipeline_mode<synchronous>, transform_indices = @transform_4, window_bounds = array<i64: 512, 512>}, {transform_indices = @transform_5, window_bounds = array<i64: 1, 512, 1024>}]} {
    %get3A = arith.constant 0 : index
    %get3A_0 = arith.constant 0 : index
    %get3A_1 = arith.constant 0 : index
    %get3A_2 = vector.load %arg1[%get3A, %get3A_0, %get3A_1] : memref<1x1024x64xf32, #tpu.memory_space<vmem>>, vector<1x1024x64xf32>
    %get3A_3 = vector.shape_cast %get3A_2 : vector<1x1024x64xf32> to vector<1024x64xf32>
    %get3A_4 = arith.constant 0 : index
    %get3A_5 = arith.constant 0 : index
    %get3A_6 = arith.constant 0 : index
    %get3A_7 = vector.load %arg2[%get3A_4, %get3A_5, %get3A_6] : memref<1x1024x64xf32, #tpu.memory_space<vmem>>, vector<1x1024x64xf32>
    %get3A_8 = vector.shape_cast %get3A_7 : vector<1x1024x64xf32> to vector<1024x64xf32>
    %get3A_9 = arith.constant 0 : index
    %get3A_10 = arith.constant 0 : index
    %get3A_11 = arith.constant 0 : index
    %get3A_12 = vector.load %arg3[%get3A_9, %get3A_10, %get3A_11] : memref<1x1024x128xf32, #tpu.memory_space<vmem>>, vector<1x1024x128xf32>
    %get3A_13 = vector.shape_cast %get3A_12 : vector<1x1024x128xf32> to vector<1024x128xf32>
    %get3A_14 = arith.constant 0 : index
    %get3A_15 = arith.constant 0 : index
    %get3A_16 = arith.constant 0 : index
    %get3A_17 = vector.load %arg4[%get3A_14, %get3A_15, %get3A_16] : memref<1x1024x256xf32, #tpu.memory_space<vmem>>, vector<1x1024x256xf32>
    %get3A_18 = vector.shape_cast %get3A_17 : vector<1x1024x256xf32> to vector<1024x256xf32>
    %concatenate3A = tpu.concatenate %get3A_3, %get3A_8, %get3A_13, %get3A_18 in 1 : vector<1024x64xf32>, vector<1024x64xf32>, vector<1024x128xf32>, vector<1024x256xf32> -> vector<1024x512xf32>
    %get3A_19 = arith.constant 0 : index
    %get3A_20 = arith.constant 0 : index
    %get3A_21 = vector.load %arg5[%get3A_19, %get3A_20] : memref<512x512xf32, #tpu.memory_space<vmem>>, vector<512x512xf32>
    %dot_general3A = arith.constant dense<0.000000e+00> : vector<512x1024xf32>
    %dot_general3A_22 = tpu.matmul %get3A_21, %concatenate3A, %dot_general3A {dimension_numbers = #tpu.dot_dimension_numbers<[1], [1], [0], [0], [0, 0, 1, 0], [], []>, transpose_lhs_hint = false} : vector<512x512xf32>, vector<1024x512xf32>, vector<512x1024xf32> -> vector<512x1024xf32>
    %reduce_sum3A = arith.constant dense<0.000000e+00> : vector<512xf32>
    %reduce_sum3A_23 = vector.multi_reduction <add>, %dot_general3A_22, %reduce_sum3A [1] : vector<512x1024xf32> to vector<512xf32>
    %broadcast_in_dim3A = vector.shape_cast %reduce_sum3A_23 : vector<512xf32> to vector<512x1xf32>
    %div3A = arith.constant 1.024000e+03 : f32
    %div3A_24 = vector.broadcast %div3A : f32 to vector<512x1xf32>
    %div3A_25 = arith.divf %broadcast_in_dim3A, %div3A_24 : vector<512x1xf32>
    %mul3A = arith.mulf %dot_general3A_22, %dot_general3A_22 : vector<512x1024xf32>
    %reduce_sum3A_26 = arith.constant dense<0.000000e+00> : vector<512xf32>
    %reduce_sum3A_27 = vector.multi_reduction <add>, %mul3A, %reduce_sum3A_26 [1] : vector<512x1024xf32> to vector<512xf32>
    %broadcast_in_dim3A_28 = vector.shape_cast %reduce_sum3A_27 : vector<512xf32> to vector<512x1xf32>
    %div3A_29 = arith.constant 1.024000e+03 : f32
    %div3A_30 = vector.broadcast %div3A_29 : f32 to vector<512x1xf32>
    %div3A_31 = arith.divf %broadcast_in_dim3A_28, %div3A_30 : vector<512x1xf32>
    %mul3A_32 = arith.mulf %div3A_25, %div3A_25 : vector<512x1xf32>
    %sub3A = arith.subf %div3A_31, %mul3A_32 : vector<512x1xf32>
    %sub3A_33 = vector.broadcast %div3A_25 : vector<512x1xf32> to vector<512x1024xf32>
    %sub3A_34 = arith.subf %dot_general3A_22, %sub3A_33 : vector<512x1024xf32>
    %add3A = arith.constant 9.99999974E-6 : f32
    %add3A_35 = vector.broadcast %add3A : f32 to vector<512x1xf32>
    %add3A_36 = arith.addf %sub3A, %add3A_35 : vector<512x1xf32>
    %sqrt3A = math.sqrt %add3A_36 : vector<512x1xf32>
    %div3A_37 = vector.broadcast %sqrt3A : vector<512x1xf32> to vector<512x1024xf32>
    %div3A_38 = arith.divf %sub3A_34, %div3A_37 : vector<512x1024xf32>
    %ge3A = arith.constant 0.000000e+00 : f32
    %ge3A_39 = vector.broadcast %ge3A : f32 to vector<512x1024xf32>
    %ge3A_40 = arith.cmpf oge, %div3A_38, %ge3A_39 : vector<512x1024xf32>
    %mul3A_41 = arith.constant 2.000000e-01 : f32
    %mul3A_42 = vector.broadcast %mul3A_41 : f32 to vector<512x1024xf32>
    %mul3A_43 = arith.mulf %mul3A_42, %div3A_38 : vector<512x1024xf32>
    %select_n3A = arith.select %ge3A_40, %div3A_38, %mul3A_43 : vector<512x1024xi1>, vector<512x1024xf32>
    %swap3A = arith.constant 0 : index
    %swap3A_44 = arith.constant 0 : index
    %swap3A_45 = arith.constant 0 : index
    %swap3A_46 = vector.load %arg6[%swap3A, %swap3A_44, %swap3A_45] : memref<1x512x1024xf32, #tpu.memory_space<vmem>>, vector<1x512x1024xf32>
    %swap3A_47 = vector.shape_cast %swap3A_46 : vector<1x512x1024xf32> to vector<512x1024xf32>
    %swap3A_48 = vector.shape_cast %select_n3A : vector<512x1024xf32> to vector<1x512x1024xf32>
    tpu.vector_store %arg6[%swap3A, %swap3A_44, %swap3A_45], %swap3A_48 {strides = array<i32>} : memref<1x512x1024xf32, #tpu.memory_space<vmem>>, vector<1x512x1024xf32>,
    return
  }
  func.func @transform_0(%arg0: i32) -> (i32, i32, i32) {
    %c0_i32 = arith.constant 0 : i32
    %c0_i32_0 = arith.constant 0 : i32
    %c0_i32_1 = arith.constant 0 : i32
    return %arg0, %c0_i32, %c0_i32_0 : i32, i32, i32
  }
  func.func @transform_1(%arg0: i32) -> (i32, i32, i32) {
    %c0_i32 = arith.constant 0 : i32
    %c0_i32_0 = arith.constant 0 : i32
    %c0_i32_1 = arith.constant 0 : i32
    return %arg0, %c0_i32, %c0_i32_0 : i32, i32, i32
  }
  func.func @transform_2(%arg0: i32) -> (i32, i32, i32) {
    %c0_i32 = arith.constant 0 : i32
    %c0_i32_0 = arith.constant 0 : i32
    %c0_i32_1 = arith.constant 0 : i32
    return %arg0, %c0_i32, %c0_i32_0 : i32, i32, i32
  }
  func.func @transform_3(%arg0: i32) -> (i32, i32, i32) {
    %c0_i32 = arith.constant 0 : i32
    %c0_i32_0 = arith.constant 0 : i32
    %c0_i32_1 = arith.constant 0 : i32
    return %arg0, %c0_i32, %c0_i32_0 : i32, i32, i32
  }
  func.func @transform_4(%arg0: i32) -> (i32, i32) {
    %c0_i32 = arith.constant 0 : i32
    %c0_i32_0 = arith.constant 0 : i32
    %c0_i32_1 = arith.constant 0 : i32
    return %c0_i32, %c0_i32_0 : i32, i32
  }
  func.func @transform_5(%arg0: i32) -> (i32, i32, i32) {
    %c0_i32 = arith.constant 0 : i32
    %c0_i32_0 = arith.constant 0 : i32
    %c0_i32_1 = arith.constant 0 : i32
    return %arg0, %c0_i32, %c0_i32_0 : i32, i32, i32
  }
}

</mosaic_0001>

<sc_bundles>
// kernel: kernel.19.cloned.1.call-start
scs
__scs_entry_jumppad:
0x0: {  	(pc) =	sbr.rel $0x88, $3  }
0x1: {  	(tag) =	ssettag $0x0;
	lr =	simm.s32 $0x1  }
0x2: {  	[smem:$0x3F9B] =	sst lr;
	_ =	strace $0xD0000000  }
0x3: {  	_ = 	snop  }
0x4: {  	_ = 	snop  }
0x5: {  	_ = 	snop  }
0x6: {  	_ = 	snop  }
0x7: {  	_ = 	snop  }
__scs_overlays_trampoline_lowered:
0x8: {  	[smem:$0x3FAA] =	sst s0  }
0x9: {  	[smem:$0x3FAB] =	sst s1  }
0xa: {  	[smem:$0x3FAC] =	sst s2  }
0xb: {  	[smem:$0x3FAD] =	sst s3  }
0xc: {  	[smem:$0x3FAE] =	sst s4  }
0xd: {  	[smem:$0x3FAF] =	sst s5  }
0xe: {  	[smem:$0x3FB0] =	sst s6  }
0xf: {  	[smem:$0x3FB1] =	sst s7  }
0x10: {  	[smem:$0x3FB2] =	sst s8  }
0x11: {  	[smem:$0x3FB3] =	sst s9;
	s0 =	simm.s32 @!p0 $0x0  }
0x12: {  	s1 =	sld [smem:$0x3F99];
	s0 =	simm.s32 @p0 $0x1  }
0x13: {  	[smem:$0x3FB4] =	sst s0;
	s0 =	simm.s32 @!p1 $0x0  }
0x14: {  	s2 =	sld [smem:$0x3F98];
	s0 =	simm.s32 @p1 $0x1  }
0x15: {  	[smem:$0x3FB5] =	sst s0;
	s0 =	simm.s32 @!p2 $0x0  }
0x16: {  	s3 =	sld [smem:$0x3FDB];
	s0 =	simm.s32 @p2 $0x1  }
0x17: {  	s4 =	simm.s32 $0x1BF5;
	[smem:$0x3FB7] =	sst s0  }
0x18: {  	s0 =	sld [smem:$0x3F9A];
	_ =	swait.ge [sflag:s4], $0x0  }
0x19: {  	s7 =	sld [smem:$0x3F9B]  }
0x1a: {  	s8 =	sadd.s32 $0xFFFFE003, lr  }
0x1b: {  	s9 =	sadd.s32 $0xFFFFFEF7, lr;
	s5 =	simm.s32 $0xFFFFFFFF;
	p2 =	slt.u32 s8, $0xFFFFF086  }
0x1c: {  	p1 =	slt.u32 s9, $0xF7A;
	s5 =	simm.s32 @!p2 $0x0  }
0x1d: {  	s5 =	simm.s32 @p1 $0x1;
	p0 =	seq.s32 s7, s2  }
0x1e: {  	s7 =	smul.u32 @!p0 $0xF7A, s2;
	p2 =	seq.s32 @!p0 s5, $0x0  }
0x1f: {  	s9 =	smul.u32 $0xF7A, s1;
	s8 =	simm.s32 @!p0 $0x1BF5;
	p2 =	por !p2, p0  }
0x20: {  	[sflag:s8] =	ssyncset.s32 @!p0 $0xFFFFF086;
	s6 =	sadd.s32 @!p0 s3, s7;
	s7 =	simm.s32 @!p0 $0x108  }
0x21: {  	s3 =	sadd.s32 s3, s9;
	s6 =	sadd.s32 @!p0 $0x88, s6;
	s7 =	simm.s32 @p2 $0x1082  }
0x22: {  	[simem:s7], [sflag:s8] =	dma.local @!p0 [hbm:s6], $0xF7A  }
0x23: {  	s9 =	sor.u32 $0xD0000000, s2;
	s6 =	simm.s32 $0x108;
	_ =	swait.ge @!p0 [sflag:s8], $0x0  }
0x24: {  	s3 =	sadd.s32 $0x88, s3;
	s6 =	simm.s32 @!p1 $0x1082;
	[sflag:s4] =	ssyncset.s32 $0xFFFFF086  }
0x25: {  	[simem:s6], [sflag:s4] =	dma.local [hbm:s3], $0xF7A  }
0x26: {  	[smem:$0x3F9B] =	sst s1;
	(tag) =	ssettag s2;
	_ =	strace s9  }
0x27: {  	s1 =	sld [smem:$0x3FAB]  }
0x28: {  	s2 =	sld [smem:$0x3FAC]  }
0x29: {  	s4 =	sld [smem:$0x3FAE]  }
0x2a: {  	p0 =	seq.s32 s5, $0x0;
	s5 =	sld [smem:$0x3FAF]  }
0x2b: {  	s6 =	sld [smem:$0x3FB0]  }
0x2c: {  	s7 =	sld [smem:$0x3FB1]  }
0x2d: {  	s3 =	simm.s32 $0x108;
	s8 =	sld [smem:$0x3FB2]  }
0x2e: {  	s3 =	simm.s32 @!p0 $0x1082;
	s9 =	sld [smem:$0x3FB3]  }
0x2f: {  	lr =	sadd.s32 s0, s3;
	s0 =	sld [smem:$0x3FAA]  }
0x30: {  	s3 =	sld [smem:$0x3FAD]  }
0x31: {  	[smem:$0x3FB6] =	sst s10  }
0x32: {  	s10 =	sld [smem:$0x3FB4];
	_ =	sdelay $0x3  }
0x33: {  	p0 =	seq.s32 s10, $0x1;
	s10 =	sld [smem:$0x3FB6];
	_ =	sdelay $0x3  }
0x34: {  	[smem:$0x3FB6] =	sst s10  }
0x35: {  	s10 =	sld [smem:$0x3FB5];
	_ =	sdelay $0x3  }
0x36: {  	p1 =	seq.s32 s10, $0x1;
	s10 =	sld [smem:$0x3FB6];
	_ =	sdelay $0x3  }
0x37: {  	[smem:$0x3FB6] =	sst s10  }
0x38: {  	s10 =	sld [smem:$0x3FB7]  }
0x39: {  	_ = 	snop;
	(pc) =	sbr.ind lr, $3  }
0x3a: {  	_ = 	snop  }
0x3b: {  	_ = 	snop  }
0x3c: {  	p2 =	seq.s32 s10, $0x1;
	s10 =	sld [smem:$0x3FB6]  }
0x3d: {  	_ =	shalt  }
0x3e: {  	_ =	shalt  }
0x3f: {  	_ =	shalt  }
0x40: {  	_ =	shalt  }
0x41: {  	_ =	shalt  }
0x42: {  	_ =	shalt  }
0x43: {  	_ =	shalt  }
0x44: {  	_ =	shalt  }
0x45: {  	_ =	shalt  }
0x46: {  	_ =	shalt  }
0x47: {  	_ =	shalt  }
0x48: {  	_ =	shalt  }
0x49: {  	_ =	shalt  }
0x4a: {  	_ =	shalt  }
0x4b: {  	_ =	shalt  }
0x4c: {  	_ =	shalt  }
0x4d: {  	_ =	shalt  }
0x4e: {  	_ =	shalt  }
0x4f: {  	_ =	shalt  }
0x50: {  	_ =	shalt  }
0x51: {  	_ =	shalt  }
0x52: {  	_ =	shalt  }
0x53: {  	_ =	shalt  }
0x54: {  	_ =	shalt  }
0x55: {  	_ =	shalt  }
0x56: {  	_ =	shalt  }
0x57: {  	_ =	shalt  }
0x58: {  	_ =	shalt  }
0x59: {  	_ =	shalt  }
0x5a: {  	_ =	shalt  }
0x5b: {  	_ =	shalt  }
0x5c: {  	_ =	shalt  }
0x5d: {  	_ =	shalt  }
0x5e: {  	_ =	shalt  }
0x5f: {  	_ =	shalt  }
0x60: {  	_ =	shalt  }
0x61: {  	_ =	shalt  }
0x62: {  	_ =	shalt  }
0x63: {  	_ =	shalt  }
0x64: {  	_ =	shalt  }
0x65: {  	_ =	shalt  }
0x66: {  	_ =	shalt  }
0x67: {  	_ =	shalt  }
0x68: {  	_ =	shalt  }
0x69: {  	_ =	shalt  }
0x6a: {  	_ =	shalt  }
0x6b: {  	_ =	shalt  }
0x6c: {  	_ =	shalt  }
0x6d: {  	_ =	shalt  }
0x6e: {  	_ =	shalt  }
0x6f: {  	_ =	shalt  }
0x70: {  	_ =	shalt  }
0x71: {  	_ =	shalt  }
0x72: {  	_ =	shalt  }
0x73: {  	_ =	shalt  }
0x74: {  	_ =	shalt  }
0x75: {  	_ =	shalt  }
0x76: {  	_ =	shalt  }
0x77: {  	_ =	shalt  }
0x78: {  	_ =	shalt  }
0x79: {  	_ =	shalt  }
0x7a: {  	_ =	shalt  }
0x7b: {  	_ =	shalt  }
0x7c: {  	_ =	shalt  }
0x7d: {  	_ =	shalt  }
0x7e: {  	_ =	shalt  }
0x7f: {  	_ =	shalt  }
0x80: {  	_ =	shalt  }
0x81: {  	_ =	shalt  }
0x82: {  	_ =	shalt  }
0x83: {  	_ =	shalt  }
0x84: {  	_ =	shalt  }
0x85: {  	_ =	shalt  }
0x86: {  	_ =	shalt  }
0x87: {  	_ =	shalt  }
.Lfunc_end0:
.L_simem_size_0:
called_computation_lowered:
.L_overlay_start_0:
0x88: {  	s2 =	sld [smem:$0x3FD9]  }
0x89: {  	s3 =	sld [smem:$0x3FFE];
	_ =	sdelay $0x1  }
0x8a: {  	s1 =	srdreg.scid  }
0x8b: {  	s0 =	sand.u32 $0x1, s1  }
0x8c: {  	s17 =	sshll.u32 s0, $0xA;
	s2 =	sadd.s32 s3, s2  }
0x8d: {  	s2 =	sadd.s32 s2, s17  }
0x8e: {  	[smem:$0x3FC2] =	sst s2  }
0x8f: {  	_ = 	snop  }
0x90: {  	s2 =	sld [smem:$0x3FD0];
	(tm) =	ssettm $0x1  }
0x91: {  	s18 =	sld [smem:$0x3FFB];
	_ =	sdelay $0x3  }
0x92: {  	_ =	strace s18  }
0x93: {  	s3 =	sld [smem:$0x3FFC];
	_ =	sdelay $0x3  }
0x94: {  	_ =	strace s3  }
0x95: {  	s3 =	sld [smem:$0x3FFD];
	_ =	sdelay $0x3  }
0x96: {  	_ =	strace s3  }
0x97: {  	_ =	strace $0x8FFFFFFF  }
0x98: {  	s19 =	sld [smem:$0x3FDB];
	_ =	sdelay $0x1  }
0x99: {  	s4 =	simm.s32 $_scs_section_size  }
0x9a: {  	s5 =	simm.s32 $_size__tile_overlayer_lowered;
	s6 =	simm.s32 $_tile_overlayer_lowered  }
0x9b: {  	s22 =	simm.s32 $0x1BFF;
	s21 =	sshll.u32 s6, $0x1;
	s3 =	sadd.s32 s4, s19  }
0x9c: {  	s7 =	simm.s32 $0x0;
	s20 =	sshll.u32 s5, $0x1;
	s5 =	sadd.s32 s21, s3  }
0x9d: {  	[timem:s7], [sflag:s22] =	dma.local [hbm:s5], s20  }
0x9e: {  	_ =	swait.ge [sflag:s22], s20  }
0x9f: {  	s4 =	ssub.s32 $0x0, s20;
	[sflag:s22] =	ssyncset.done $0x0  }
0xa0: {  	[sflag:s22] =	ssyncadd.s32 s4;
	_ =	sdelay $0x1  }
0xa1: {  	s23 =	simm.s32 $0x1B8B  }
0xa2: {  	_ =	swait.ge [sflag:s23], $0x1  }
0xa3: {  	[sflag:s23] =	ssyncset.done $0x0  }
0xa4: {  	s25 =	simm.s32 $0x1B8E;
	s24 =	sld [smem:$0x3FFE];
	[sflag:s23] =	ssyncadd.s32 $0xFFFFFFFF  }
0xa5: {  	s26 =	simm.s32 $execute0_lowered;
	[smem:$0x3FD2] =	sst s25  }
0xa6: {  	s5 =	sshll.u32 s26, $0x1;
	_ =	strace $0x80000046;
	[dreg:$0x1] =	wrdreg $0xFFFFFFFF  }
0xa7: {  	s28 =	simm.s32 $_size_execute0_lowered;
	s3 =	sadd.s32 s3, s5;
	[dreg:$0x0] =	wrdreg $0x0  }
0xa8: {  	s5 =	sshll.u32 s28, $0x1;
	[dreg:$0x2] =	wrdreg s3  }
0xa9: {  	[dreg:$0x3] =	wrdreg s5  }
0xaa: {  	[dreg:$0x4] =	wrdreg $0xC0  }
0xab: {  	_ =	task [dreg:s7], $0x5FFFF  }
0xac: {  	[dreg:$0x1] =	wrdreg $0xFFFFFFFF  }
0xad: {  	[dreg:$0x0] =	wrdreg $0x60  }
0xae: {  	[dreg:$0x2] =	wrdreg s24  }
0xaf: {  	[dreg:$0x3] =	wrdreg s2  }
0xb0: {  	[dreg:$0x4] =	wrdreg $0x9  }
0xb1: {  	_ =	task.clear_ibuf [dreg:s7], $0x5FFFF;
	_ =	strace $0x90000046  }
0xb2: {  	s29 =	simm.s32 $0x9;
	_ =	strace $0x80000048  }
0xb3: {  	_ =	swait.ge [sflag:s29], $0x1  }
0xb4: {  	[sflag:s29] =	ssyncadd.s32 $0xFFFFFFFF  }
0xb5: {  	_ =	strace $0x90000048  }
0xb6: {  	_ =	sfence  }
0xb7: {  	s30 =	sld [smem:$0x0];
	_ =	sdelay $0x2  }
0xb8: {  	s31 =	sshll.u32 s1, $0xD;
	s1 =	sshrl.u32 s1, $0x2  }
0xb9: {  	s3 =	sand.u32 $0x4000, s31;
	s1 =	sadd.s32 s1, s30  }
0xba: {  	s0 =	sor.u32 s3, s0;
	s1 =	sshll.u32 s1, $0x11  }
0xbb: {  	s0 =	sor.u32 s1, s0  }
0xbc: {  	s0 =	sadd.s32 $0x8F2B, s0  }
0xbd: {  	[sflag:s0] =	ssyncadd.remote.s32 $0x1  }
0xbe: {  	_ =	sfence.sel $0xFFFF  }
0xbf: {  	[dreg:$0x0] =	wrdreg $0xFFFFFFFF;
	(pc) =	sbr.abs _section_cstart, $3  }
0xc0: {  	[dreg:$0x1] =	wrdreg $0xFFFFFFFF  }
0xc1: {  	_ =	task.clear_ibuf [dreg:s7], $0x2FFFF;
	_ =	strace $0x9FFFFFFF  }
0xc2: {  	(tm) =	ssettm $0x7FFFFFFF  }
0xc3: {  	_ =	shalt  }
tec
execute0_lowered:
.L_overlay_start_1:
0x0: {  	(tag) =	ssettag $0x1  }
0x1: {  	s1 =	rddreg [dreg:$0x0]  }
0x2: {  	s2 =	rddreg [dreg:$0x1]  }
0x3: {  	s4 =	srdreg.scid;
	s0 =	rddreg [dreg:$0x2];
	s3 =	simm.s32 $0x0  }
0x4: {  	s9 =	simm.s32 $0x50;
	s10 =	simm.s32 $0xA0;
	s11 =	simm.s32 $0x5A0  }
0x5: {  	s12 =	simm.s32 $0xAA0;
	s13 =	simm.s32 $0x1;
	s14 =	simm.s32 $0x2  }
0x6: {  	s15 =	simm.s32 $0xB20;
	s16 =	simm.s32 $0x0;
	s5 =	sand.u32 $0x1, s4  }
0x7: {  	[smem:$0x7FF] =	sst s3;
	s4 =	stileid.u32;
	s6 =	ssub.s32 $0x2, s5  }
0x8: {  	_ =	strace $0x80000047;
	s31 =	sshll.u32 s4, $0x8;
	s7 =	sshrl.u32 s6, $0x1  }
0x9: {  	s8 =	sshll.u32 s5, $0x7;
	s5 =	sadd.s32 $0x2000, s1;
	s7 =	ssub.s32 s6, s7  }
0xa: {  	s6 =	sor.u32 s8, s31;
	s8 =	simm.s32 $0x3;
	s7 =	smax.u32 s7, $0x1  }
.LBB2_1:
0xb: {  	s17 =	simm.s32 $0x0  }
.LBB2_2:
0xc: {  	s18 =	sshll.u32 s17, $0x3  }
0xd: {  	s18 =	sadd.s32 s6, s18  }
0xe: {  	s19 =	smul.u32 $0x14, s18;
	_ =	sdelay $0x1  }
0xf: {  	s19 =	sshrl.u32 s19, $0x3  }
0x10: {  	s20 =	simm.s32 $0x0;
	s19 =	sadd.s32 s2, s19  }
0x11: {  	[tilespmem:s20], [sflag:$0x3] =	stream.linear.gather [hbm4b:s19+s20], $0xA0, $0x38;
	[tilespmem:$0x1F20] =	vst v63  }
0x12: {  	_ =	swait.ge [sflag:s8], $0xA0  }
0x13: {  	[sflag:s8] =	ssyncset.done $0x0  }
0x14: {  	[sflag:s8] =	ssyncadd.s32 $0xFFFFFF60  }
0x15: {  	[tilespmem:s10], [sflag:$0x1] =	stream.indirect.gather [hbm4b:s1+s9], $0x10, s20, s9, $0xb8;
	[tilespmem:$0x1F20] =	vst v63  }
0x16: {  	s31 =	sshll.u32 s18, $0x1  }
0x17: {  	[tilespmem:s11], [sflag:$0x2] =	stream.indirect.gather [hbm4b:s1+s9], $0x10, s9, s9, $0xb8;
	[tilespmem:$0x1F20] =	vst v63  }
0x18: {  	s19 =	sadd.s32 s1, s31  }
0x19: {  	[tilespmem:s12], [sflag:$0x3] =	stream.linear.gather [hbm4b:s19+s20], $0x80, $0x38;
	[tilespmem:$0x1F20] =	vst v63  }
0x1a: {  	_ =	swait.ge [sflag:s8], $0x80  }
0x1b: {  	[sflag:s8] =	ssyncset.done $0x0  }
0x1c: {  	[sflag:s8] =	ssyncadd.s32 $0xFFFFFF80  }
0x1d: {  	_ =	swait.ge [sflag:s13], $0x500  }
0x1e: {  	[sflag:s13] =	ssyncset.done $0x0  }
0x1f: {  	[sflag:s13] =	ssyncadd.s32 $0xFFFFFB00  }
0x20: {  	_ =	swait.ge [sflag:s14], $0x500  }
0x21: {  	[sflag:s14] =	ssyncset.done $0x0  }
0x22: {  	[sflag:s14] =	ssyncadd.s32 $0xFFFFFB00  }
0x23: {  	s19 =	simm.s32 $0x0;
	v0 =	vld [tilespmem:$0xAA0]  }
0x24: {  	v1 =	vld [tilespmem:s19+$0xA0];
	_ =	sdelay $0x4  }
0x25: {  	s20 =	simm.s32 $0xB30;
	v1 =	vsub.f32 v1, v0  }
0x26: {  	[tilespmem:s20+$0x0] =	vst v0  }
0x27: {  	[tilespmem:s20+$0xFFFFFFF0] =	vst v1  }
0x28: {  	s22 =	simm.s32 $0x10;
	s21 =	simm.s32 $0x80;
	v0 =	vld [tilespmem:$0xAA0]  }
.LBB2_3:
0x29: {  	p0 =	sne.s32 s21, $0x4C0;
	v1 =	vld [tilespmem:s22+$0xA0];
	_ =	sdelay $0x2  }
0x2a: {  	s20 =	sadd.s32 $0x20, s20  }
.Ltmp0:
0x2b: {  	[tilespmem:s20+$0x0] =	vst v0;
	(pc) =	sbr.rel @p0 .LBB2_3-.Ltmp0, $3  }
0x2c: {  	v0 =	vsub.f32 v1, v0;
	_ =	sdelay $0x1  }
0x2d: {  	[tilespmem:s20+$0xFFFFFFF0] =	vst v0  }
0x2e: {  	s22 =	sshra.s32 s21, $0x2;
	s21 =	sadd.s32 $0x40, s21;
	v0 =	vld [tilespmem:$0xAA0]  }
0x2f: {  	v1 =	vld [tilespmem:s22+$0xA0];
	_ =	sdelay $0x4  }
0x30: {  	s20 =	sadd.s32 $0x20, s20;
	v1 =	vsub.f32 v1, v0  }
0x31: {  	[tilespmem:s20+$0x0] =	vst v0  }
0x32: {  	[tilespmem:s20+$0xFFFFFFF0] =	vst v1  }
0x33: {  	v0 =	vld [tilespmem:$0xAB0]  }
0x34: {  	v1 =	vld [tilespmem:s19+$0x1E0];
	_ =	sdelay $0x4  }
0x35: {  	s19 =	simm.s32 $0xDB0;
	v1 =	vsub.f32 v1, v0  }
0x36: {  	[tilespmem:s19+$0x0] =	vst v0  }
0x37: {  	[tilespmem:s19+$0xFFFFFFF0] =	vst v1  }
0x38: {  	s21 =	simm.s32 $0x10;
	s20 =	simm.s32 $0x80;
	v0 =	vld [tilespmem:$0xAB0]  }
.LBB2_5:
0x39: {  	p0 =	sne.s32 s20, $0x4C0;
	v1 =	vld [tilespmem:s21+$0x1E0];
	_ =	sdelay $0x2  }
0x3a: {  	s19 =	sadd.s32 $0x20, s19  }
.Ltmp1:
0x3b: {  	[tilespmem:s19+$0x0] =	vst v0;
	(pc) =	sbr.rel @p0 .LBB2_5-.Ltmp1, $3  }
0x3c: {  	v0 =	vsub.f32 v1, v0;
	_ =	sdelay $0x1  }
0x3d: {  	[tilespmem:s19+$0xFFFFFFF0] =	vst v0  }
0x3e: {  	s21 =	sshra.s32 s20, $0x2;
	s20 =	sadd.s32 $0x40, s20;
	v0 =	vld [tilespmem:$0xAB0]  }
0x3f: {  	v1 =	vld [tilespmem:s21+$0x1E0];
	_ =	sdelay $0x4  }
0x40: {  	s19 =	sadd.s32 $0x20, s19;
	v1 =	vsub.f32 v1, v0  }
0x41: {  	[tilespmem:s19+$0x0] =	vst v0  }
0x42: {  	[tilespmem:s19+$0xFFFFFFF0] =	vst v1  }
0x43: {  	s19 =	simm.s32 $0x0;
	v0 =	vld [tilespmem:$0xAC0]  }
0x44: {  	v1 =	vld [tilespmem:s19+$0x320];
	_ =	sdelay $0x4  }
0x45: {  	s20 =	simm.s32 $0x1030;
	v1 =	vsub.f32 v1, v0  }
0x46: {  	[tilespmem:s20+$0x0] =	vst v0  }
0x47: {  	[tilespmem:s20+$0xFFFFFFF0] =	vst v1  }
0x48: {  	s22 =	simm.s32 $0x10;
	s21 =	simm.s32 $0x80;
	v0 =	vld [tilespmem:$0xAC0]  }
.LBB2_7:
0x49: {  	p0 =	sne.s32 s21, $0x4C0;
	v1 =	vld [tilespmem:s22+$0x320];
	_ =	sdelay $0x2  }
0x4a: {  	s20 =	sadd.s32 $0x20, s20  }
.Ltmp2:
0x4b: {  	[tilespmem:s20+$0x0] =	vst v0;
	(pc) =	sbr.rel @p0 .LBB2_7-.Ltmp2, $3  }
0x4c: {  	v0 =	vsub.f32 v1, v0;
	_ =	sdelay $0x1  }
0x4d: {  	[tilespmem:s20+$0xFFFFFFF0] =	vst v0  }
0x4e: {  	s22 =	sshra.s32 s21, $0x2;
	s21 =	sadd.s32 $0x40, s21;
	v0 =	vld [tilespmem:$0xAC0]  }
0x4f: {  	v1 =	vld [tilespmem:s22+$0x320];
	_ =	sdelay $0x4  }
0x50: {  	s20 =	sadd.s32 $0x20, s20;
	v1 =	vsub.f32 v1, v0  }
0x51: {  	[tilespmem:s20+$0x0] =	vst v0  }
0x52: {  	[tilespmem:s20+$0xFFFFFFF0] =	vst v1  }
0x53: {  	v0 =	vld [tilespmem:$0xAD0]  }
0x54: {  	v1 =	vld [tilespmem:s19+$0x460];
	_ =	sdelay $0x4  }
0x55: {  	s19 =	simm.s32 $0x12B0;
	v1 =	vsub.f32 v1, v0  }
0x56: {  	[tilespmem:s19+$0x0] =	vst v0  }
0x57: {  	[tilespmem:s19+$0xFFFFFFF0] =	vst v1  }
0x58: {  	s21 =	simm.s32 $0x10;
	s20 =	simm.s32 $0x80;
	v0 =	vld [tilespmem:$0xAD0]  }
.LBB2_9:
0x59: {  	p0 =	sne.s32 s20, $0x4C0;
	v1 =	vld [tilespmem:s21+$0x460];
	_ =	sdelay $0x2  }
0x5a: {  	s19 =	sadd.s32 $0x20, s19  }
.Ltmp3:
0x5b: {  	[tilespmem:s19+$0x0] =	vst v0;
	(pc) =	sbr.rel @p0 .LBB2_9-.Ltmp3, $3  }
0x5c: {  	v0 =	vsub.f32 v1, v0;
	_ =	sdelay $0x1  }
0x5d: {  	[tilespmem:s19+$0xFFFFFFF0] =	vst v0  }
0x5e: {  	s21 =	sshra.s32 s20, $0x2;
	s20 =	sadd.s32 $0x40, s20;
	v0 =	vld [tilespmem:$0xAD0]  }
0x5f: {  	v1 =	vld [tilespmem:s21+$0x460];
	_ =	sdelay $0x4  }
0x60: {  	s19 =	sadd.s32 $0x20, s19;
	v1 =	vsub.f32 v1, v0  }
0x61: {  	[tilespmem:s19+$0x0] =	vst v0  }
0x62: {  	[tilespmem:s19+$0xFFFFFFF0] =	vst v1  }
0x63: {  	s19 =	simm.s32 $0x0;
	v0 =	vld [tilespmem:$0xAE0]  }
0x64: {  	v1 =	vld [tilespmem:s19+$0x5A0];
	_ =	sdelay $0x4  }
0x65: {  	s20 =	simm.s32 $0x1530;
	v1 =	vsub.f32 v1, v0  }
0x66: {  	[tilespmem:s20+$0x0] =	vst v0  }
0x67: {  	[tilespmem:s20+$0xFFFFFFF0] =	vst v1  }
0x68: {  	s22 =	simm.s32 $0x10;
	s21 =	simm.s32 $0x80;
	v0 =	vld [tilespmem:$0xAE0]  }
.LBB2_11:
0x69: {  	p0 =	sne.s32 s21, $0x4C0;
	v1 =	vld [tilespmem:s22+$0x5A0];
	_ =	sdelay $0x2  }
0x6a: {  	s20 =	sadd.s32 $0x20, s20  }
.Ltmp4:
0x6b: {  	[tilespmem:s20+$0x0] =	vst v0;
	(pc) =	sbr.rel @p0 .LBB2_11-.Ltmp4, $3  }
0x6c: {  	v0 =	vsub.f32 v1, v0;
	_ =	sdelay $0x1  }
0x6d: {  	[tilespmem:s20+$0xFFFFFFF0] =	vst v0  }
0x6e: {  	s22 =	sshra.s32 s21, $0x2;
	s21 =	sadd.s32 $0x40, s21;
	v0 =	vld [tilespmem:$0xAE0]  }
0x6f: {  	v1 =	vld [tilespmem:s22+$0x5A0];
	_ =	sdelay $0x4  }
0x70: {  	s20 =	sadd.s32 $0x20, s20;
	v1 =	vsub.f32 v1, v0  }
0x71: {  	[tilespmem:s20+$0x0] =	vst v0  }
0x72: {  	[tilespmem:s20+$0xFFFFFFF0] =	vst v1  }
0x73: {  	v0 =	vld [tilespmem:$0xAF0]  }
0x74: {  	v1 =	vld [tilespmem:s19+$0x6E0];
	_ =	sdelay $0x4  }
0x75: {  	s19 =	simm.s32 $0x17B0;
	v1 =	vsub.f32 v1, v0  }
0x76: {  	[tilespmem:s19+$0x0] =	vst v0  }
0x77: {  	[tilespmem:s19+$0xFFFFFFF0] =	vst v1  }
0x78: {  	s21 =	simm.s32 $0x10;
	s20 =	simm.s32 $0x80;
	v0 =	vld [tilespmem:$0xAF0]  }
.LBB2_13:
0x79: {  	p0 =	sne.s32 s20, $0x4C0;
	v1 =	vld [tilespmem:s21+$0x6E0];
	_ =	sdelay $0x2  }
0x7a: {  	s19 =	sadd.s32 $0x20, s19  }
.Ltmp5:
0x7b: {  	[tilespmem:s19+$0x0] =	vst v0;
	(pc) =	sbr.rel @p0 .LBB2_13-.Ltmp5, $3  }
0x7c: {  	v0 =	vsub.f32 v1, v0;
	_ =	sdelay $0x1  }
0x7d: {  	[tilespmem:s19+$0xFFFFFFF0] =	vst v0  }
0x7e: {  	s21 =	sshra.s32 s20, $0x2;
	s20 =	sadd.s32 $0x40, s20;
	v0 =	vld [tilespmem:$0xAF0]  }
0x7f: {  	v1 =	vld [tilespmem:s21+$0x6E0];
	_ =	sdelay $0x4  }
0x80: {  	s19 =	sadd.s32 $0x20, s19;
	v1 =	vsub.f32 v1, v0  }
0x81: {  	[tilespmem:s19+$0x0] =	vst v0  }
0x82: {  	[tilespmem:s19+$0xFFFFFFF0] =	vst v1  }
0x83: {  	s19 =	simm.s32 $0x0;
	v0 =	vld [tilespmem:$0xB00]  }
0x84: {  	v1 =	vld [tilespmem:s19+$0x820];
	_ =	sdelay $0x4  }
0x85: {  	s20 =	simm.s32 $0x1A30;
	v1 =	vsub.f32 v1, v0  }
0x86: {  	[tilespmem:s20+$0x0] =	vst v0  }
0x87: {  	[tilespmem:s20+$0xFFFFFFF0] =	vst v1  }
0x88: {  	s22 =	simm.s32 $0x10;
	s21 =	simm.s32 $0x80;
	v0 =	vld [tilespmem:$0xB00]  }
.LBB2_15:
0x89: {  	p0 =	sne.s32 s21, $0x4C0;
	v1 =	vld [tilespmem:s22+$0x820];
	_ =	sdelay $0x2  }
0x8a: {  	s20 =	sadd.s32 $0x20, s20  }
.Ltmp6:
0x8b: {  	[tilespmem:s20+$0x0] =	vst v0;
	(pc) =	sbr.rel @p0 .LBB2_15-.Ltmp6, $3  }
0x8c: {  	v0 =	vsub.f32 v1, v0;
	_ =	sdelay $0x1  }
0x8d: {  	[tilespmem:s20+$0xFFFFFFF0] =	vst v0  }
0x8e: {  	s22 =	sshra.s32 s21, $0x2;
	s21 =	sadd.s32 $0x40, s21;
	v0 =	vld [tilespmem:$0xB00]  }
0x8f: {  	v1 =	vld [tilespmem:s22+$0x820];
	_ =	sdelay $0x4  }
0x90: {  	s20 =	sadd.s32 $0x20, s20;
	v1 =	vsub.f32 v1, v0  }
0x91: {  	[tilespmem:s20+$0x0] =	vst v0  }
0x92: {  	[tilespmem:s20+$0xFFFFFFF0] =	vst v1  }
0x93: {  	v0 =	vld [tilespmem:$0xB10]  }
0x94: {  	v1 =	vld [tilespmem:s19+$0x960];
	_ =	sdelay $0x4  }
0x95: {  	s19 =	simm.s32 $0x1CB0;
	v1 =	vsub.f32 v1, v0  }
0x96: {  	[tilespmem:s19+$0x0] =	vst v0  }
0x97: {  	[tilespmem:s19+$0xFFFFFFF0] =	vst v1  }
0x98: {  	s21 =	simm.s32 $0x10;
	s20 =	simm.s32 $0x80;
	v0 =	vld [tilespmem:$0xB10]  }
.LBB2_17:
0x99: {  	p0 =	sne.s32 s20, $0x4C0;
	v1 =	vld [tilespmem:s21+$0x960];
	_ =	sdelay $0x2  }
0x9a: {  	s19 =	sadd.s32 $0x20, s19  }
.Ltmp7:
0x9b: {  	[tilespmem:s19+$0x0] =	vst v0;
	(pc) =	sbr.rel @p0 .LBB2_17-.Ltmp7, $3  }
0x9c: {  	v0 =	vsub.f32 v1, v0;
	_ =	sdelay $0x1  }
0x9d: {  	[tilespmem:s19+$0xFFFFFFF0] =	vst v0  }
0x9e: {  	s21 =	sshra.s32 s20, $0x2;
	s20 =	sadd.s32 $0x40, s20;
	v0 =	vld [tilespmem:$0xB10]  }
0x9f: {  	v1 =	vld [tilespmem:s21+$0x960];
	_ =	sdelay $0x4  }
0xa0: {  	s19 =	sadd.s32 $0x20, s19;
	s18 =	smul.u32 $0x50, s18;
	s17 =	sadd.s32 $0x1, s17;
	v1 =	vsub.f32 v1, v0  }
0xa1: {  	p0 =	sne.s32 s17, $0x10;
	[tilespmem:s19+$0x0] =	vst v0  }
.Ltmp8:
0xa2: {  	s18 =	sadd.s32 s5, s18;
	[tilespmem:s19+$0xFFFFFFF0] =	vst v1;
	(pc) =	sbr.rel @p0 .LBB2_2-.Ltmp8, $4  }
0xa3: {  	[hbm4b:s18+s3] =	stream.linear.scatter [tilespmem:s15], [sflag:$0x3], $0x1400, $0x38;
	[tilespmem:$0x1F20] =	vst v63  }
0xa4: {  	_ =	swait.ge [sflag:s8], $0x1400  }
0xa5: {  	[sflag:s8] =	ssyncset.done $0x0  }
0xa6: {  	[sflag:s8] =	ssyncadd.s32 $0xFFFFEC00  }
0xa7: {  	s16 =	sadd.s32 $0x1, s16  }
0xa8: {  	p0 =	sne.s32 s16, s7  }
.Ltmp9:
0xa9: {  	_ = 	snop;
	(pc) =	sbr.rel @p0 .LBB2_1-.Ltmp9, $1  }
0xaa: {  	_ =	sdelay $0x3  }
0xab: {  	_ =	sfence.sel $0x180000  }
0xac: {  	[bflag:$0x0] =	sbarrier.arrive $0xFFFF  }
0xad: {  	p0 =	sne.s32 s4, $0x0;
	_ =	strace $0x90000047  }
0xae: {  	s0 =	sadd.s32 @!p0 $0x100000, s0;
	[bflag:$0x2] =	sbarrier.arrive $0xFFFF  }
0xaf: {  	[sflag:s0] =	ssyncadd.tile.s32 @!p0 $0x1;
	_ =	shalt  }
.Lfunc_end2:
_tile_overlayer_lowered:
.L_overlay_start_2:
0xb0: {  	(tag) =	ssettag $0x2  }
0xb1: {  	s0 =	rddreg [dreg:$0x0];
	s2 =	stileid.u32  }
0xb2: {  	s1 =	rddreg [dreg:$0x1];
	p0 =	sne.s32 s2, $0x0  }
0xb3: {  	s3 =	rddreg [dreg:$0x2];
	[bflag:$0x3] =	sbarrier.arrive $0xFFFF;
	s2 =	simm.s32 @!p0 $0x1C03  }
0xb4: {  	[timem:s3], [sflag:s2] =	dma.local @!p0 [hbm:s0], s1  }
0xb5: {  	s0 =	simm.s32 @!p0 $0x3  }
0xb6: {  	_ =	swait.ge @!p0 [sflag:s0], s1  }
0xb7: {  	s1 =	ssub.s32 @!p0 $0x0, s1;
	[sflag:s0] =	ssyncset.done @!p0 $0x0  }
0xb8: {  	[sflag:s0] =	ssyncadd.s32 @!p0 s1  }
0xb9: {  	[bflag:$0x3] =	sbarrier.arrive $0xFFFF  }
0xba: {  	_ =	shalt  }

// kernel: kernel.22.cloned.1.call-start
scs
__scs_entry_jumppad:
0x0: {  	(pc) =	sbr.rel $0x88, $3  }
0x1: {  	(tag) =	ssettag $0x0;
	lr =	simm.s32 $0x1  }
0x2: {  	[smem:$0x3F9B] =	sst lr;
	_ =	strace $0xD0000000  }
0x3: {  	_ = 	snop  }
0x4: {  	_ = 	snop  }
0x5: {  	_ = 	snop  }
0x6: {  	_ = 	snop  }
0x7: {  	_ = 	snop  }
__scs_overlays_trampoline_lowered:
0x8: {  	[smem:$0x3FAA] =	sst s0  }
0x9: {  	[smem:$0x3FAB] =	sst s1  }
0xa: {  	[smem:$0x3FAC] =	sst s2  }
0xb: {  	[smem:$0x3FAD] =	sst s3  }
0xc: {  	[smem:$0x3FAE] =	sst s4  }
0xd: {  	[smem:$0x3FAF] =	sst s5  }
0xe: {  	[smem:$0x3FB0] =	sst s6  }
0xf: {  	[smem:$0x3FB1] =	sst s7  }
0x10: {  	[smem:$0x3FB2] =	sst s8  }
0x11: {  	[smem:$0x3FB3] =	sst s9;
	s0 =	simm.s32 @!p0 $0x0  }
0x12: {  	s1 =	sld [smem:$0x3F99];
	s0 =	simm.s32 @p0 $0x1  }
0x13: {  	[smem:$0x3FB4] =	sst s0;
	s0 =	simm.s32 @!p1 $0x0  }
0x14: {  	s2 =	sld [smem:$0x3F98];
	s0 =	simm.s32 @p1 $0x1  }
0x15: {  	[smem:$0x3FB5] =	sst s0;
	s0 =	simm.s32 @!p2 $0x0  }
0x16: {  	s3 =	sld [smem:$0x3FDB];
	s0 =	simm.s32 @p2 $0x1  }
0x17: {  	s4 =	simm.s32 $0x1BF5;
	[smem:$0x3FB7] =	sst s0  }
0x18: {  	s0 =	sld [smem:$0x3F9A];
	_ =	swait.ge [sflag:s4], $0x0  }
0x19: {  	s7 =	sld [smem:$0x3F9B]  }
0x1a: {  	s8 =	sadd.s32 $0xFFFFE003, lr  }
0x1b: {  	s9 =	sadd.s32 $0xFFFFFEF7, lr;
	s5 =	simm.s32 $0xFFFFFFFF;
	p2 =	slt.u32 s8, $0xFFFFF086  }
0x1c: {  	p1 =	slt.u32 s9, $0xF7A;
	s5 =	simm.s32 @!p2 $0x0  }
0x1d: {  	s5 =	simm.s32 @p1 $0x1;
	p0 =	seq.s32 s7, s2  }
0x1e: {  	s7 =	smul.u32 @!p0 $0xF7A, s2;
	p2 =	seq.s32 @!p0 s5, $0x0  }
0x1f: {  	s9 =	smul.u32 $0xF7A, s1;
	s8 =	simm.s32 @!p0 $0x1BF5;
	p2 =	por !p2, p0  }
0x20: {  	[sflag:s8] =	ssyncset.s32 @!p0 $0xFFFFF086;
	s6 =	sadd.s32 @!p0 s3, s7;
	s7 =	simm.s32 @!p0 $0x108  }
0x21: {  	s3 =	sadd.s32 s3, s9;
	s6 =	sadd.s32 @!p0 $0x88, s6;
	s7 =	simm.s32 @p2 $0x1082  }
0x22: {  	[simem:s7], [sflag:s8] =	dma.local @!p0 [hbm:s6], $0xF7A  }
0x23: {  	s9 =	sor.u32 $0xD0000000, s2;
	s6 =	simm.s32 $0x108;
	_ =	swait.ge @!p0 [sflag:s8], $0x0  }
0x24: {  	s3 =	sadd.s32 $0x88, s3;
	s6 =	simm.s32 @!p1 $0x1082;
	[sflag:s4] =	ssyncset.s32 $0xFFFFF086  }
0x25: {  	[simem:s6], [sflag:s4] =	dma.local [hbm:s3], $0xF7A  }
0x26: {  	[smem:$0x3F9B] =	sst s1;
	(tag) =	ssettag s2;
	_ =	strace s9  }
0x27: {  	s1 =	sld [smem:$0x3FAB]  }
0x28: {  	s2 =	sld [smem:$0x3FAC]  }
0x29: {  	s4 =	sld [smem:$0x3FAE]  }
0x2a: {  	p0 =	seq.s32 s5, $0x0;
	s5 =	sld [smem:$0x3FAF]  }
0x2b: {  	s6 =	sld [smem:$0x3FB0]  }
0x2c: {  	s7 =	sld [smem:$0x3FB1]  }
0x2d: {  	s3 =	simm.s32 $0x108;
	s8 =	sld [smem:$0x3FB2]  }
0x2e: {  	s3 =	simm.s32 @!p0 $0x1082;
	s9 =	sld [smem:$0x3FB3]  }
0x2f: {  	lr =	sadd.s32 s0, s3;
	s0 =	sld [smem:$0x3FAA]  }
0x30: {  	s3 =	sld [smem:$0x3FAD]  }
0x31: {  	[smem:$0x3FB6] =	sst s10  }
0x32: {  	s10 =	sld [smem:$0x3FB4];
	_ =	sdelay $0x3  }
0x33: {  	p0 =	seq.s32 s10, $0x1;
	s10 =	sld [smem:$0x3FB6];
	_ =	sdelay $0x3  }
0x34: {  	[smem:$0x3FB6] =	sst s10  }
0x35: {  	s10 =	sld [smem:$0x3FB5];
	_ =	sdelay $0x3  }
0x36: {  	p1 =	seq.s32 s10, $0x1;
	s10 =	sld [smem:$0x3FB6];
	_ =	sdelay $0x3  }
0x37: {  	[smem:$0x3FB6] =	sst s10  }
0x38: {  	s10 =	sld [smem:$0x3FB7]  }
0x39: {  	_ = 	snop;
	(pc) =	sbr.ind lr, $3  }
0x3a: {  	_ = 	snop  }
0x3b: {  	_ = 	snop  }
0x3c: {  	p2 =	seq.s32 s10, $0x1;
	s10 =	sld [smem:$0x3FB6]  }
0x3d: {  	_ =	shalt  }
0x3e: {  	_ =	shalt  }
0x3f: {  	_ =	shalt  }
0x40: {  	_ =	shalt  }
0x41: {  	_ =	shalt  }
0x42: {  	_ =	shalt  }
0x43: {  	_ =	shalt  }
0x44: {  	_ =	shalt  }
0x45: {  	_ =	shalt  }
0x46: {  	_ =	shalt  }
0x47: {  	_ =	shalt  }
0x48: {  	_ =	shalt  }
0x49: {  	_ =	shalt  }
0x4a: {  	_ =	shalt  }
0x4b: {  	_ =	shalt  }
0x4c: {  	_ =	shalt  }
0x4d: {  	_ =	shalt  }
0x4e: {  	_ =	shalt  }
0x4f: {  	_ =	shalt  }
0x50: {  	_ =	shalt  }
0x51: {  	_ =	shalt  }
0x52: {  	_ =	shalt  }
0x53: {  	_ =	shalt  }
0x54: {  	_ =	shalt  }
0x55: {  	_ =	shalt  }
0x56: {  	_ =	shalt  }
0x57: {  	_ =	shalt  }
0x58: {  	_ =	shalt  }
0x59: {  	_ =	shalt  }
0x5a: {  	_ =	shalt  }
0x5b: {  	_ =	shalt  }
0x5c: {  	_ =	shalt  }
0x5d: {  	_ =	shalt  }
0x5e: {  	_ =	shalt  }
0x5f: {  	_ =	shalt  }
0x60: {  	_ =	shalt  }
0x61: {  	_ =	shalt  }
0x62: {  	_ =	shalt  }
0x63: {  	_ =	shalt  }
0x64: {  	_ =	shalt  }
0x65: {  	_ =	shalt  }
0x66: {  	_ =	shalt  }
0x67: {  	_ =	shalt  }
0x68: {  	_ =	shalt  }
0x69: {  	_ =	shalt  }
0x6a: {  	_ =	shalt  }
0x6b: {  	_ =	shalt  }
0x6c: {  	_ =	shalt  }
0x6d: {  	_ =	shalt  }
0x6e: {  	_ =	shalt  }
0x6f: {  	_ =	shalt  }
0x70: {  	_ =	shalt  }
0x71: {  	_ =	shalt  }
0x72: {  	_ =	shalt  }
0x73: {  	_ =	shalt  }
0x74: {  	_ =	shalt  }
0x75: {  	_ =	shalt  }
0x76: {  	_ =	shalt  }
0x77: {  	_ =	shalt  }
0x78: {  	_ =	shalt  }
0x79: {  	_ =	shalt  }
0x7a: {  	_ =	shalt  }
0x7b: {  	_ =	shalt  }
0x7c: {  	_ =	shalt  }
0x7d: {  	_ =	shalt  }
0x7e: {  	_ =	shalt  }
0x7f: {  	_ =	shalt  }
0x80: {  	_ =	shalt  }
0x81: {  	_ =	shalt  }
0x82: {  	_ =	shalt  }
0x83: {  	_ =	shalt  }
0x84: {  	_ =	shalt  }
0x85: {  	_ =	shalt  }
0x86: {  	_ =	shalt  }
0x87: {  	_ =	shalt  }
.Lfunc_end0:
.L_simem_size_0:
called_computation.1_lowered:
.L_overlay_start_0:
0x88: {  	s2 =	sld [smem:$0x3FD9]  }
0x89: {  	s3 =	sld [smem:$0x3FFE];
	_ =	sdelay $0x1  }
0x8a: {  	s1 =	srdreg.scid  }
0x8b: {  	s0 =	sand.u32 $0x1, s1  }
0x8c: {  	s16 =	sshll.u32 s0, $0xA;
	s2 =	sadd.s32 s3, s2  }
0x8d: {  	s2 =	sadd.s32 s2, s16  }
0x8e: {  	[smem:$0x3FC2] =	sst s2  }
0x8f: {  	_ = 	snop  }
0x90: {  	(tm) =	ssettm $0x1  }
0x91: {  	s17 =	sld [smem:$0x3FFB];
	_ =	sdelay $0x3  }
0x92: {  	_ =	strace s17  }
0x93: {  	s2 =	sld [smem:$0x3FFC];
	_ =	sdelay $0x3  }
0x94: {  	_ =	strace s2  }
0x95: {  	s2 =	sld [smem:$0x3FFD];
	_ =	sdelay $0x3  }
0x96: {  	_ =	strace s2  }
0x97: {  	_ =	strace $0x8FFFFFFF  }
0x98: {  	s18 =	sld [smem:$0x3FDB];
	_ =	sdelay $0x1  }
0x99: {  	s19 =	simm.s32 $_scs_section_size  }
0x9a: {  	s4 =	simm.s32 $_size__tile_overlayer_lowered;
	s5 =	simm.s32 $_tile_overlayer_lowered  }
0x9b: {  	s22 =	simm.s32 $0x1BFF;
	s21 =	sshll.u32 s5, $0x1;
	s2 =	sadd.s32 s19, s18  }
0x9c: {  	s6 =	simm.s32 $0x0;
	s20 =	sshll.u32 s4, $0x1;
	s4 =	sadd.s32 s21, s2  }
0x9d: {  	[timem:s6], [sflag:s22] =	dma.local [hbm:s4], s20  }
0x9e: {  	_ =	swait.ge [sflag:s22], s20  }
0x9f: {  	s3 =	ssub.s32 $0x0, s20;
	[sflag:s22] =	ssyncset.done $0x0  }
0xa0: {  	[sflag:s22] =	ssyncadd.s32 s3;
	_ =	sdelay $0x1  }
0xa1: {  	s23 =	simm.s32 $0x1B8B  }
0xa2: {  	_ =	swait.ge [sflag:s23], $0x1  }
0xa3: {  	[sflag:s23] =	ssyncset.done $0x0  }
0xa4: {  	s25 =	simm.s32 $0x1B8E;
	s24 =	sld [smem:$0x3FFE];
	[sflag:s23] =	ssyncadd.s32 $0xFFFFFFFF  }
0xa5: {  	s26 =	simm.s32 $execute0_lowered;
	[smem:$0x3FD2] =	sst s25  }
0xa6: {  	s4 =	sshll.u32 s26, $0x1;
	_ =	strace $0x80000049;
	[dreg:$0x1] =	wrdreg $0xFFFFFFFF  }
0xa7: {  	s28 =	simm.s32 $_size_execute0_lowered;
	s2 =	sadd.s32 s2, s4;
	[dreg:$0x0] =	wrdreg $0x0  }
0xa8: {  	s4 =	sshll.u32 s28, $0x1;
	[dreg:$0x2] =	wrdreg s2  }
0xa9: {  	[dreg:$0x3] =	wrdreg s4  }
0xaa: {  	[dreg:$0x4] =	wrdreg $0xC0  }
0xab: {  	_ =	task [dreg:s6], $0x5FFFF  }
0xac: {  	[dreg:$0x1] =	wrdreg $0xFFFFFFFF  }
0xad: {  	[dreg:$0x0] =	wrdreg $0x60  }
0xae: {  	[dreg:$0x2] =	wrdreg s24  }
0xaf: {  	[dreg:$0x3] =	wrdreg $0x9  }
0xb0: {  	_ =	task.clear_ibuf [dreg:s6], $0x4FFFF;
	_ =	strace $0x90000049  }
0xb1: {  	s29 =	simm.s32 $0x9;
	_ =	strace $0x8000004B  }
0xb2: {  	_ =	swait.ge [sflag:s29], $0x1  }
0xb3: {  	[sflag:s29] =	ssyncadd.s32 $0xFFFFFFFF  }
0xb4: {  	_ =	strace $0x9000004B  }
0xb5: {  	_ =	sfence  }
0xb6: {  	s30 =	sld [smem:$0x0];
	_ =	sdelay $0x2  }
0xb7: {  	s31 =	sshll.u32 s1, $0xD;
	s1 =	sshrl.u32 s1, $0x2  }
0xb8: {  	s3 =	sand.u32 $0x4000, s31;
	s1 =	sadd.s32 s1, s30  }
0xb9: {  	s0 =	sor.u32 s3, s0;
	s1 =	sshll.u32 s1, $0x11  }
0xba: {  	s0 =	sor.u32 s1, s0  }
0xbb: {  	s0 =	sadd.s32 $0x8F2B, s0  }
0xbc: {  	[sflag:s0] =	ssyncadd.remote.s32 $0x1  }
0xbd: {  	_ =	sfence.sel $0xFFFF  }
0xbe: {  	[dreg:$0x0] =	wrdreg $0xFFFFFFFF;
	(pc) =	sbr.abs _section_cstart, $3  }
0xbf: {  	[dreg:$0x1] =	wrdreg $0xFFFFFFFF  }
0xc0: {  	_ =	task.clear_ibuf [dreg:s6], $0x2FFFF;
	_ =	strace $0x9FFFFFFF  }
0xc1: {  	(tm) =	ssettm $0x7FFFFFFF  }
tec
execute0_lowered:
.L_overlay_start_1:
0x0: {  	(tag) =	ssettag $0x1  }
0x1: {  	s1 =	rddreg [dreg:$0x0]  }
0x2: {  	s0 =	rddreg [dreg:$0x1];
	s2 =	simm.s32 $0x0;
	s3 =	srdreg.scid  }
0x3: {  	s10 =	simm.s32 $0x14A0;
	s11 =	simm.s32 $0x28A0;
	s12 =	simm.s32 $0x1  }
0x4: {  	s13 =	simm.s32 $0x2;
	s14 =	simm.s32 $0x2AA0;
	s15 =	simm.s32 $0x0  }
0x5: {  	[smem:$0x7FF] =	sst s2;
	s5 =	sand.u32 $0x1, s3;
	s4 =	sadd.s32 $0x2800, s1  }
0x6: {  	s3 =	stileid.u32;
	_ =	strace $0x8000004A;
	s6 =	ssub.s32 $0x2, s5  }
0x7: {  	s8 =	sshll.u32 s3, $0x8;
	s9 =	sshll.u32 s5, $0x7;
	s7 =	sshrl.u32 s6, $0x1  }
0x8: {  	s5 =	sadd.s32 $0xA800, s1;
	s7 =	ssub.s32 s6, s7;
	s6 =	sor.u32 s9, s8  }
0x9: {  	s8 =	simm.s32 $0x3;
	s9 =	simm.s32 $0x50;
	s7 =	smax.u32 s7, $0x1  }
.LBB2_1:
0xa: {  	s16 =	simm.s32 $0x0  }
.LBB2_2:
0xb: {  	s17 =	sshll.u32 s16, $0x3  }
0xc: {  	s17 =	sadd.s32 s6, s17  }
0xd: {  	s18 =	smul.u32 $0x14, s17;
	_ =	sdelay $0x1  }
0xe: {  	s18 =	sshrl.u32 s18, $0x3  }
0xf: {  	s19 =	sadd.s32 s1, s18;
	s18 =	simm.s32 $0x0  }
0x10: {  	[tilespmem:s18], [sflag:$0x3] =	stream.linear.gather [hbm4b:s19+s18], $0xA0, $0x38;
	[tilespmem:$0x7AA0] =	vst v63  }
0x11: {  	_ =	swait.ge [sflag:s8], $0xA0  }
0x12: {  	[sflag:s8] =	ssyncset.done $0x0  }
0x13: {  	s19 =	simm.s32 $0xA0;
	[sflag:s8] =	ssyncadd.s32 $0xFFFFFF60  }
0x14: {  	[tilespmem:s19], [sflag:$0x1] =	stream.indirect.gather [hbm4b:s4+s9], $0x40, s18, s9, $0xb8;
	[tilespmem:$0x7AA0] =	vst v63  }
0x15: {  	s20 =	sshll.u32 s17, $0x3  }
0x16: {  	[tilespmem:s10], [sflag:$0x2] =	stream.indirect.gather [hbm4b:s4+s9], $0x40, s9, s9, $0xb8;
	[tilespmem:$0x7AA0] =	vst v63  }
0x17: {  	s20 =	sadd.s32 s4, s20  }
0x18: {  	[tilespmem:s11], [sflag:$0x3] =	stream.linear.gather [hbm4b:s20+s18], $0x200, $0x38;
	[tilespmem:$0x7AA0] =	vst v63  }
0x19: {  	_ =	swait.ge [sflag:s8], $0x200  }
0x1a: {  	[sflag:s8] =	ssyncset.done $0x0  }
0x1b: {  	[sflag:s8] =	ssyncadd.s32 $0xFFFFFE00  }
0x1c: {  	_ =	swait.ge [sflag:s12], $0x1400  }
0x1d: {  	[sflag:s12] =	ssyncset.done $0x0  }
0x1e: {  	[sflag:s12] =	ssyncadd.s32 $0xFFFFEC00  }
0x1f: {  	_ =	swait.ge [sflag:s13], $0x1400  }
0x20: {  	[sflag:s13] =	ssyncset.done $0x0  }
0x21: {  	s20 =	simm.s32 $0x2AE0;
	[sflag:s13] =	ssyncadd.s32 $0xFFFFEC00  }
.LBB2_3:
0x22: {  	v0 =	vmov s19;
	_ =	sdelay $0x1  }
0x23: {  	s21 =	sshll.u32 s18, $0x6  }
0x24: {  	s21 =	sand.u32 $0x3FFFFFC0, s21  }
0x25: {  	s22 =	simm.s32 $0x0;
	v2 =	vld [tilespmem:s21+$0x28A0]  }
0x26: {  	v1 =	vld.idx.msk [tilespmem:v0+s22+$0x0 ss:$0x1], $0xffff;
	_ =	sdelay $0x4  }
0x27: {  	v1 =	vsub.f32 v1, v2  }
0x28: {  	[tilespmem:s20+$0x0] =	vst v2  }
0x29: {  	[tilespmem:s20+$0xFFFFFFC0] =	vst v1  }
0x2a: {  	v1 =	vld.idx.msk [tilespmem:v0+s22+$0x10 ss:$0x1], $0xffff  }
0x2b: {  	v2 =	vld [tilespmem:s21+$0x28B0];
	_ =	sdelay $0x4  }
0x2c: {  	v1 =	vsub.f32 v1, v2  }
0x2d: {  	[tilespmem:s20+$0x10] =	vst v2  }
0x2e: {  	[tilespmem:s20+$0xFFFFFFD0] =	vst v1  }
0x2f: {  	v1 =	vld.idx.msk [tilespmem:v0+s22+$0x20 ss:$0x1], $0xffff  }
0x30: {  	v2 =	vld [tilespmem:s21+$0x28C0];
	_ =	sdelay $0x4  }
0x31: {  	v1 =	vsub.f32 v1, v2  }
0x32: {  	[tilespmem:s20+$0x20] =	vst v2  }
0x33: {  	[tilespmem:s20+$0xFFFFFFE0] =	vst v1  }
0x34: {  	v1 =	vld.idx.msk [tilespmem:v0+s22+$0x30 ss:$0x1], $0xffff  }
0x35: {  	v2 =	vld [tilespmem:s21+$0x28D0];
	_ =	sdelay $0x4  }
0x36: {  	s23 =	simm.s32 $0x100;
	s24 =	simm.s32 $0x200;
	s22 =	smov.u32 s20;
	v1 =	vsub.f32 v1, v2;
	[tilespmem:s20+$0x30] =	vst v2  }
.LBB2_4:
0x37: {  	s25 =	sshra.s32 s23, $0x2  }
0x38: {  	s23 =	smov.u32 s24;
	s26 =	sadd.s32 $0x100, s24;
	[tilespmem:s22+$0xFFFFFFF0] =	vst v1;
	s22 =	sadd.s32 $0x80, s22  }
0x39: {  	p0 =	sne.s32 s24, $0x1300;
	v1 =	vld.idx.msk [tilespmem:v0+s25+$0x0 ss:$0x1], $0xffff  }
0x3a: {  	v2 =	vld [tilespmem:s21+$0x28A0];
	_ =	sdelay $0x4  }
0x3b: {  	v1 =	vsub.f32 v1, v2  }
0x3c: {  	[tilespmem:s22+$0x0] =	vst v2  }
0x3d: {  	[tilespmem:s22+$0xFFFFFFC0] =	vst v1  }
0x3e: {  	v1 =	vld.idx.msk [tilespmem:v0+s25+$0x10 ss:$0x1], $0xffff  }
0x3f: {  	v2 =	vld [tilespmem:s21+$0x28B0];
	_ =	sdelay $0x4  }
0x40: {  	v1 =	vsub.f32 v1, v2;
	[tilespmem:s22+$0x10] =	vst v2;
	_ =	sdelay $0x1  }
0x41: {  	[tilespmem:s22+$0xFFFFFFD0] =	vst v1  }
0x42: {  	v1 =	vld.idx.msk [tilespmem:v0+s25+$0x20 ss:$0x1], $0xffff  }
0x43: {  	v2 =	vld [tilespmem:s21+$0x28C0];
	_ =	sdelay $0x4  }
0x44: {  	v1 =	vsub.f32 v1, v2;
	[tilespmem:s22+$0x20] =	vst v2;
	_ =	sdelay $0x1  }
0x45: {  	[tilespmem:s22+$0xFFFFFFE0] =	vst v1  }
0x46: {  	v1 =	vld.idx.msk [tilespmem:v0+s25+$0x30 ss:$0x1], $0xffff  }
0x47: {  	v2 =	vld [tilespmem:s21+$0x28D0]  }
.Ltmp0:
0x48: {  	(pc) =	sbr.rel @p0 .LBB2_4-.Ltmp0, $2  }
0x49: {  	_ =	sdelay $0x2  }
0x4a: {  	s24 =	smov.u32 s26;
	v1 =	vsub.f32 v1, v2;
	[tilespmem:s22+$0x30] =	vst v2  }
0x4b: {  	_ =	sdelay $0x2  }
0x4c: {  	s23 =	sshra.s32 s23, $0x2;
	[tilespmem:s22+$0xFFFFFFF0] =	vst v1  }
0x4d: {  	v1 =	vld.idx.msk [tilespmem:v0+s23+$0x0 ss:$0x1], $0xffff  }
0x4e: {  	v2 =	vld [tilespmem:s21+$0x28A0];
	_ =	sdelay $0x4  }
0x4f: {  	s31 =	sadd.s32 $0x80, s22;
	v1 =	vsub.f32 v1, v2  }
0x50: {  	[tilespmem:s31+$0x0] =	vst v2  }
0x51: {  	[tilespmem:s31+$0xFFFFFFC0] =	vst v1  }
0x52: {  	v1 =	vld.idx.msk [tilespmem:v0+s23+$0x10 ss:$0x1], $0xffff  }
0x53: {  	v2 =	vld [tilespmem:s21+$0x28B0];
	_ =	sdelay $0x4  }
0x54: {  	v1 =	vsub.f32 v1, v2  }
0x55: {  	[tilespmem:s31+$0x10] =	vst v2  }
0x56: {  	[tilespmem:s31+$0xFFFFFFD0] =	vst v1  }
0x57: {  	v1 =	vld.idx.msk [tilespmem:v0+s23+$0x20 ss:$0x1], $0xffff  }
0x58: {  	v2 =	vld [tilespmem:s21+$0x28C0];
	_ =	sdelay $0x4  }
0x59: {  	v1 =	vsub.f32 v1, v2  }
0x5a: {  	[tilespmem:s31+$0x20] =	vst v2  }
0x5b: {  	[tilespmem:s31+$0xFFFFFFE0] =	vst v1  }
0x5c: {  	v63 =	vld.idx.msk [tilespmem:v0+s23+$0x30 ss:$0x1], $0xffff  }
0x5d: {  	v1 =	vld [tilespmem:s21+$0x28D0]  }
0x5e: {  	s18 =	sadd.s32 $0x1, s18  }
0x5f: {  	p0 =	sne.s32 s18, $0x8  }
.Ltmp1:
0x60: {  	_ = 	snop;
	(pc) =	sbr.rel @p0 .LBB2_3-.Ltmp1, $4  }
0x61: {  	_ = 	snop  }
0x62: {  	v0 =	vsub.f32 v63, v1  }
0x63: {  	[tilespmem:s31+$0x30] =	vst v1  }
0x64: {  	s19 =	sadd.s32 $0x500, s19;
	s20 =	sadd.s32 $0xA00, s20;
	[tilespmem:s31+$0xFFFFFFF0] =	vst v0  }
0x65: {  	s17 =	smul.u32 $0x140, s17;
	s16 =	sadd.s32 $0x1, s16  }
0x66: {  	p0 =	sne.s32 s16, $0x10  }
.Ltmp2:
0x67: {  	s17 =	sadd.s32 s5, s17;
	(pc) =	sbr.rel @p0 .LBB2_2-.Ltmp2, $4  }
0x68: {  	[hbm4b:s17+s2] =	stream.linear.scatter [tilespmem:s14], [sflag:$0x3], $0x5000, $0x38;
	[tilespmem:$0x7AA0] =	vst v63  }
0x69: {  	_ =	swait.ge [sflag:s8], $0x5000  }
0x6a: {  	[sflag:s8] =	ssyncset.done $0x0  }
0x6b: {  	[sflag:s8] =	ssyncadd.s32 $0xFFFFB000  }
0x6c: {  	s15 =	sadd.s32 $0x1, s15  }
0x6d: {  	p0 =	sne.s32 s15, s7  }
.Ltmp3:
0x6e: {  	_ = 	snop;
	(pc) =	sbr.rel @p0 .LBB2_1-.Ltmp3, $1  }
0x6f: {  	_ =	sdelay $0x3  }
0x70: {  	_ =	sfence.sel $0x180000  }
0x71: {  	[bflag:$0x0] =	sbarrier.arrive $0xFFFF  }
0x72: {  	p0 =	sne.s32 s3, $0x0;
	_ =	strace $0x9000004A  }
0x73: {  	s0 =	sadd.s32 @!p0 $0x100000, s0;
	[bflag:$0x2] =	sbarrier.arrive $0xFFFF  }
0x74: {  	[sflag:s0] =	ssyncadd.tile.s32 @!p0 $0x1;
	_ =	shalt  }
.Lfunc_end2:
_tile_overlayer_lowered:
.L_overlay_start_2:
0x75: {  	(tag) =	ssettag $0x2  }
0x76: {  	s0 =	rddreg [dreg:$0x0];
	s2 =	stileid.u32  }
0x77: {  	s1 =	rddreg [dreg:$0x1];
	p0 =	sne.s32 s2, $0x0  }
0x78: {  	s3 =	rddreg [dreg:$0x2];
	[bflag:$0x3] =	sbarrier.arrive $0xFFFF;
	s2 =	simm.s32 @!p0 $0x1C03  }
0x79: {  	[timem:s3], [sflag:s2] =	dma.local @!p0 [hbm:s0], s1  }
0x7a: {  	s0 =	simm.s32 @!p0 $0x3  }
0x7b: {  	_ =	swait.ge @!p0 [sflag:s0], s1  }
0x7c: {  	s1 =	ssub.s32 @!p0 $0x0, s1;
	[sflag:s0] =	ssyncset.done @!p0 $0x0  }
0x7d: {  	[sflag:s0] =	ssyncadd.s32 @!p0 s1  }
0x7e: {  	[bflag:$0x3] =	sbarrier.arrive $0xFFFF  }
0x7f: {  	_ =	shalt  }

// kernel: kernel.25.cloned.1.call-start
scs
__scs_entry_jumppad:
0x0: {  	(pc) =	sbr.rel $0x88, $3  }
0x1: {  	(tag) =	ssettag $0x0;
	lr =	simm.s32 $0x1  }
0x2: {  	[smem:$0x3F9B] =	sst lr;
	_ =	strace $0xD0000000  }
0x3: {  	_ = 	snop  }
0x4: {  	_ = 	snop  }
0x5: {  	_ = 	snop  }
0x6: {  	_ = 	snop  }
0x7: {  	_ = 	snop  }
__scs_overlays_trampoline_lowered:
0x8: {  	[smem:$0x3FAA] =	sst s0  }
0x9: {  	[smem:$0x3FAB] =	sst s1  }
0xa: {  	[smem:$0x3FAC] =	sst s2  }
0xb: {  	[smem:$0x3FAD] =	sst s3  }
0xc: {  	[smem:$0x3FAE] =	sst s4  }
0xd: {  	[smem:$0x3FAF] =	sst s5  }
0xe: {  	[smem:$0x3FB0] =	sst s6  }
0xf: {  	[smem:$0x3FB1] =	sst s7  }
0x10: {  	[smem:$0x3FB2] =	sst s8  }
0x11: {  	[smem:$0x3FB3] =	sst s9;
	s0 =	simm.s32 @!p0 $0x0  }
0x12: {  	s1 =	sld [smem:$0x3F99];
	s0 =	simm.s32 @p0 $0x1  }
0x13: {  	[smem:$0x3FB4] =	sst s0;
	s0 =	simm.s32 @!p1 $0x0  }
0x14: {  	s2 =	sld [smem:$0x3F98];
	s0 =	simm.s32 @p1 $0x1  }
0x15: {  	[smem:$0x3FB5] =	sst s0;
	s0 =	simm.s32 @!p2 $0x0  }
0x16: {  	s3 =	sld [smem:$0x3FDB];
	s0 =	simm.s32 @p2 $0x1  }
0x17: {  	s4 =	simm.s32 $0x1BF5;
	[smem:$0x3FB7] =	sst s0  }
0x18: {  	s0 =	sld [smem:$0x3F9A];
	_ =	swait.ge [sflag:s4], $0x0  }
0x19: {  	s7 =	sld [smem:$0x3F9B]  }
0x1a: {  	s8 =	sadd.s32 $0xFFFFE003, lr  }
0x1b: {  	s9 =	sadd.s32 $0xFFFFFEF7, lr;
	s5 =	simm.s32 $0xFFFFFFFF;
	p2 =	slt.u32 s8, $0xFFFFF086  }
0x1c: {  	p1 =	slt.u32 s9, $0xF7A;
	s5 =	simm.s32 @!p2 $0x0  }
0x1d: {  	s5 =	simm.s32 @p1 $0x1;
	p0 =	seq.s32 s7, s2  }
0x1e: {  	s7 =	smul.u32 @!p0 $0xF7A, s2;
	p2 =	seq.s32 @!p0 s5, $0x0  }
0x1f: {  	s9 =	smul.u32 $0xF7A, s1;
	s8 =	simm.s32 @!p0 $0x1BF5;
	p2 =	por !p2, p0  }
0x20: {  	[sflag:s8] =	ssyncset.s32 @!p0 $0xFFFFF086;
	s6 =	sadd.s32 @!p0 s3, s7;
	s7 =	simm.s32 @!p0 $0x108  }
0x21: {  	s3 =	sadd.s32 s3, s9;
	s6 =	sadd.s32 @!p0 $0x88, s6;
	s7 =	simm.s32 @p2 $0x1082  }
0x22: {  	[simem:s7], [sflag:s8] =	dma.local @!p0 [hbm:s6], $0xF7A  }
0x23: {  	s9 =	sor.u32 $0xD0000000, s2;
	s6 =	simm.s32 $0x108;
	_ =	swait.ge @!p0 [sflag:s8], $0x0  }
0x24: {  	s3 =	sadd.s32 $0x88, s3;
	s6 =	simm.s32 @!p1 $0x1082;
	[sflag:s4] =	ssyncset.s32 $0xFFFFF086  }
0x25: {  	[simem:s6], [sflag:s4] =	dma.local [hbm:s3], $0xF7A  }
0x26: {  	[smem:$0x3F9B] =	sst s1;
	(tag) =	ssettag s2;
	_ =	strace s9  }
0x27: {  	s1 =	sld [smem:$0x3FAB]  }
0x28: {  	s2 =	sld [smem:$0x3FAC]  }
0x29: {  	s4 =	sld [smem:$0x3FAE]  }
0x2a: {  	p0 =	seq.s32 s5, $0x0;
	s5 =	sld [smem:$0x3FAF]  }
0x2b: {  	s6 =	sld [smem:$0x3FB0]  }
0x2c: {  	s7 =	sld [smem:$0x3FB1]  }
0x2d: {  	s3 =	simm.s32 $0x108;
	s8 =	sld [smem:$0x3FB2]  }
0x2e: {  	s3 =	simm.s32 @!p0 $0x1082;
	s9 =	sld [smem:$0x3FB3]  }
0x2f: {  	lr =	sadd.s32 s0, s3;
	s0 =	sld [smem:$0x3FAA]  }
0x30: {  	s3 =	sld [smem:$0x3FAD]  }
0x31: {  	[smem:$0x3FB6] =	sst s10  }
0x32: {  	s10 =	sld [smem:$0x3FB4];
	_ =	sdelay $0x3  }
0x33: {  	p0 =	seq.s32 s10, $0x1;
	s10 =	sld [smem:$0x3FB6];
	_ =	sdelay $0x3  }
0x34: {  	[smem:$0x3FB6] =	sst s10  }
0x35: {  	s10 =	sld [smem:$0x3FB5];
	_ =	sdelay $0x3  }
0x36: {  	p1 =	seq.s32 s10, $0x1;
	s10 =	sld [smem:$0x3FB6];
	_ =	sdelay $0x3  }
0x37: {  	[smem:$0x3FB6] =	sst s10  }
0x38: {  	s10 =	sld [smem:$0x3FB7]  }
0x39: {  	_ = 	snop;
	(pc) =	sbr.ind lr, $3  }
0x3a: {  	_ = 	snop  }
0x3b: {  	_ = 	snop  }
0x3c: {  	p2 =	seq.s32 s10, $0x1;
	s10 =	sld [smem:$0x3FB6]  }
0x3d: {  	_ =	shalt  }
0x3e: {  	_ =	shalt  }
0x3f: {  	_ =	shalt  }
0x40: {  	_ =	shalt  }
0x41: {  	_ =	shalt  }
0x42: {  	_ =	shalt  }
0x43: {  	_ =	shalt  }
0x44: {  	_ =	shalt  }
0x45: {  	_ =	shalt  }
0x46: {  	_ =	shalt  }
0x47: {  	_ =	shalt  }
0x48: {  	_ =	shalt  }
0x49: {  	_ =	shalt  }
0x4a: {  	_ =	shalt  }
0x4b: {  	_ =	shalt  }
0x4c: {  	_ =	shalt  }
0x4d: {  	_ =	shalt  }
0x4e: {  	_ =	shalt  }
0x4f: {  	_ =	shalt  }
0x50: {  	_ =	shalt  }
0x51: {  	_ =	shalt  }
0x52: {  	_ =	shalt  }
0x53: {  	_ =	shalt  }
0x54: {  	_ =	shalt  }
0x55: {  	_ =	shalt  }
0x56: {  	_ =	shalt  }
0x57: {  	_ =	shalt  }
0x58: {  	_ =	shalt  }
0x59: {  	_ =	shalt  }
0x5a: {  	_ =	shalt  }
0x5b: {  	_ =	shalt  }
0x5c: {  	_ =	shalt  }
0x5d: {  	_ =	shalt  }
0x5e: {  	_ =	shalt  }
0x5f: {  	_ =	shalt  }
0x60: {  	_ =	shalt  }
0x61: {  	_ =	shalt  }
0x62: {  	_ =	shalt  }
0x63: {  	_ =	shalt  }
0x64: {  	_ =	shalt  }
0x65: {  	_ =	shalt  }
0x66: {  	_ =	shalt  }
0x67: {  	_ =	shalt  }
0x68: {  	_ =	shalt  }
0x69: {  	_ =	shalt  }
0x6a: {  	_ =	shalt  }
0x6b: {  	_ =	shalt  }
0x6c: {  	_ =	shalt  }
0x6d: {  	_ =	shalt  }
0x6e: {  	_ =	shalt  }
0x6f: {  	_ =	shalt  }
0x70: {  	_ =	shalt  }
0x71: {  	_ =	shalt  }
0x72: {  	_ =	shalt  }
0x73: {  	_ =	shalt  }
0x74: {  	_ =	shalt  }
0x75: {  	_ =	shalt  }
0x76: {  	_ =	shalt  }
0x77: {  	_ =	shalt  }
0x78: {  	_ =	shalt  }
0x79: {  	_ =	shalt  }
0x7a: {  	_ =	shalt  }
0x7b: {  	_ =	shalt  }
0x7c: {  	_ =	shalt  }
0x7d: {  	_ =	shalt  }
0x7e: {  	_ =	shalt  }
0x7f: {  	_ =	shalt  }
0x80: {  	_ =	shalt  }
0x81: {  	_ =	shalt  }
0x82: {  	_ =	shalt  }
0x83: {  	_ =	shalt  }
0x84: {  	_ =	shalt  }
0x85: {  	_ =	shalt  }
0x86: {  	_ =	shalt  }
0x87: {  	_ =	shalt  }
.Lfunc_end0:
.L_simem_size_0:
called_computation.2_lowered:
.L_overlay_start_0:
0x88: {  	s2 =	sld [smem:$0x3FD9]  }
0x89: {  	s3 =	sld [smem:$0x3FFE];
	_ =	sdelay $0x1  }
0x8a: {  	s1 =	srdreg.scid  }
0x8b: {  	s0 =	sand.u32 $0x1, s1  }
0x8c: {  	s16 =	sshll.u32 s0, $0xA;
	s2 =	sadd.s32 s3, s2  }
0x8d: {  	s2 =	sadd.s32 s2, s16  }
0x8e: {  	[smem:$0x3FC2] =	sst s2  }
0x8f: {  	_ = 	snop  }
0x90: {  	(tm) =	ssettm $0x1  }
0x91: {  	s17 =	sld [smem:$0x3FFB];
	_ =	sdelay $0x3  }
0x92: {  	_ =	strace s17  }
0x93: {  	s2 =	sld [smem:$0x3FFC];
	_ =	sdelay $0x3  }
0x94: {  	_ =	strace s2  }
0x95: {  	s2 =	sld [smem:$0x3FFD];
	_ =	sdelay $0x3  }
0x96: {  	_ =	strace s2  }
0x97: {  	_ =	strace $0x8FFFFFFF  }
0x98: {  	s18 =	sld [smem:$0x3FDB];
	_ =	sdelay $0x1  }
0x99: {  	s19 =	simm.s32 $_scs_section_size  }
0x9a: {  	s4 =	simm.s32 $_size__tile_overlayer_lowered;
	s5 =	simm.s32 $_tile_overlayer_lowered  }
0x9b: {  	s22 =	simm.s32 $0x1BFF;
	s21 =	sshll.u32 s5, $0x1;
	s2 =	sadd.s32 s19, s18  }
0x9c: {  	s6 =	simm.s32 $0x0;
	s20 =	sshll.u32 s4, $0x1;
	s4 =	sadd.s32 s21, s2  }
0x9d: {  	[timem:s6], [sflag:s22] =	dma.local [hbm:s4], s20  }
0x9e: {  	_ =	swait.ge [sflag:s22], s20  }
0x9f: {  	s3 =	ssub.s32 $0x0, s20;
	[sflag:s22] =	ssyncset.done $0x0  }
0xa0: {  	[sflag:s22] =	ssyncadd.s32 s3;
	_ =	sdelay $0x1  }
0xa1: {  	s23 =	simm.s32 $0x1B8B  }
0xa2: {  	_ =	swait.ge [sflag:s23], $0x1  }
0xa3: {  	[sflag:s23] =	ssyncset.done $0x0  }
0xa4: {  	s25 =	simm.s32 $0x1B8E;
	s24 =	sld [smem:$0x3FFE];
	[sflag:s23] =	ssyncadd.s32 $0xFFFFFFFF  }
0xa5: {  	s26 =	simm.s32 $execute0_lowered;
	[smem:$0x3FD2] =	sst s25  }
0xa6: {  	s4 =	sshll.u32 s26, $0x1;
	_ =	strace $0x8000004C;
	[dreg:$0x1] =	wrdreg $0xFFFFFFFF  }
0xa7: {  	s28 =	simm.s32 $_size_execute0_lowered;
	s2 =	sadd.s32 s2, s4;
	[dreg:$0x0] =	wrdreg $0x0  }
0xa8: {  	s4 =	sshll.u32 s28, $0x1;
	[dreg:$0x2] =	wrdreg s2  }
0xa9: {  	[dreg:$0x3] =	wrdreg s4  }
0xaa: {  	[dreg:$0x4] =	wrdreg $0xC0  }
0xab: {  	_ =	task [dreg:s6], $0x5FFFF  }
0xac: {  	[dreg:$0x1] =	wrdreg $0xFFFFFFFF  }
0xad: {  	[dreg:$0x0] =	wrdreg $0x60  }
0xae: {  	[dreg:$0x2] =	wrdreg s24  }
0xaf: {  	[dreg:$0x3] =	wrdreg $0x9  }
0xb0: {  	_ =	task.clear_ibuf [dreg:s6], $0x4FFFF;
	_ =	strace $0x9000004C  }
0xb1: {  	s29 =	simm.s32 $0x9;
	_ =	strace $0x8000004E  }
0xb2: {  	_ =	swait.ge [sflag:s29], $0x1  }
0xb3: {  	[sflag:s29] =	ssyncadd.s32 $0xFFFFFFFF  }
0xb4: {  	_ =	strace $0x9000004E  }
0xb5: {  	_ =	sfence  }
0xb6: {  	s30 =	sld [smem:$0x0];
	_ =	sdelay $0x2  }
0xb7: {  	s31 =	sshll.u32 s1, $0xD;
	s1 =	sshrl.u32 s1, $0x2  }
0xb8: {  	s3 =	sand.u32 $0x4000, s31;
	s1 =	sadd.s32 s1, s30  }
0xb9: {  	s0 =	sor.u32 s3, s0;
	s1 =	sshll.u32 s1, $0x11  }
0xba: {  	s0 =	sor.u32 s1, s0  }
0xbb: {  	s0 =	sadd.s32 $0x8F2B, s0  }
0xbc: {  	[sflag:s0] =	ssyncadd.remote.s32 $0x1  }
0xbd: {  	_ =	sfence.sel $0xFFFF  }
0xbe: {  	[dreg:$0x0] =	wrdreg $0xFFFFFFFF;
	(pc) =	sbr.abs _section_cstart, $3  }
0xbf: {  	[dreg:$0x1] =	wrdreg $0xFFFFFFFF  }
0xc0: {  	_ =	task.clear_ibuf [dreg:s6], $0x2FFFF;
	_ =	strace $0x9FFFFFFF  }
0xc1: {  	(tm) =	ssettm $0x7FFFFFFF  }
tec
execute0_lowered:
.L_overlay_start_1:
0x0: {  	(tag) =	ssettag $0x1  }
0x1: {  	s5 =	rddreg [dreg:$0x0]  }
0x2: {  	s0 =	rddreg [dreg:$0x1]  }
0x3: {  	s1 =	simm.s32 $0x0;
	s2 =	srdreg.scid;
	s10 =	simm.s32 $0x14A0  }
0x4: {  	s11 =	simm.s32 $0x28A0;
	s12 =	simm.s32 $0x1;
	s13 =	simm.s32 $0x2  }
0x5: {  	s14 =	simm.s32 $0x2AA0;
	s15 =	simm.s32 $0x0;
	[smem:$0x7FF] =	sst s1  }
0x6: {  	s3 =	sadd.s32 $0x12800, s5;
	s6 =	sand.u32 $0x1, s2;
	s4 =	sadd.s32 $0x10000, s5  }
0x7: {  	s2 =	stileid.u32;
	s5 =	sadd.s32 $0x14AA00, s5;
	s7 =	ssub.s32 $0x2, s6  }
0x8: {  	s9 =	sshll.u32 s2, $0x8;
	s6 =	sshll.u32 s6, $0x7;
	s8 =	sshrl.u32 s7, $0x1  }
0x9: {  	_ =	strace $0x8000004D;
	s6 =	sor.u32 s6, s9;
	s7 =	ssub.s32 s7, s8  }
0xa: {  	s9 =	simm.s32 $0x50;
	s8 =	simm.s32 $0x3;
	s7 =	smax.u32 s7, $0x1  }
.LBB2_1:
0xb: {  	s16 =	simm.s32 $0x0  }
.LBB2_2:
0xc: {  	s17 =	sshll.u32 s16, $0x3  }
0xd: {  	s17 =	sadd.s32 s6, s17  }
0xe: {  	s18 =	smul.u32 $0x14, s17;
	_ =	sdelay $0x1  }
0xf: {  	s18 =	sshrl.u32 s18, $0x3  }
0x10: {  	s19 =	sadd.s32 s4, s18;
	s18 =	simm.s32 $0x0  }
0x11: {  	[tilespmem:s18], [sflag:$0x3] =	stream.linear.gather [hbm4b:s19+s18], $0xA0, $0x38;
	[tilespmem:$0x7AA0] =	vst v63  }
0x12: {  	_ =	swait.ge [sflag:s8], $0xA0  }
0x13: {  	[sflag:s8] =	ssyncset.done $0x0  }
0x14: {  	s19 =	simm.s32 $0xA0;
	[sflag:s8] =	ssyncadd.s32 $0xFFFFFF60  }
0x15: {  	[tilespmem:s19], [sflag:$0x1] =	stream.indirect.gather [hbm4b:s3+s9], $0x40, s18, s9, $0xb8;
	[tilespmem:$0x7AA0] =	vst v63  }
0x16: {  	s20 =	sshll.u32 s17, $0x3  }
0x17: {  	[tilespmem:s10], [sflag:$0x2] =	stream.indirect.gather [hbm4b:s3+s9], $0x40, s9, s9, $0xb8;
	[tilespmem:$0x7AA0] =	vst v63  }
0x18: {  	s20 =	sadd.s32 s3, s20  }
0x19: {  	[tilespmem:s11], [sflag:$0x3] =	stream.linear.gather [hbm4b:s20+s18], $0x200, $0x38;
	[tilespmem:$0x7AA0] =	vst v63  }
0x1a: {  	_ =	swait.ge [sflag:s8], $0x200  }
0x1b: {  	[sflag:s8] =	ssyncset.done $0x0  }
0x1c: {  	[sflag:s8] =	ssyncadd.s32 $0xFFFFFE00  }
0x1d: {  	_ =	swait.ge [sflag:s12], $0x1400  }
0x1e: {  	[sflag:s12] =	ssyncset.done $0x0  }
0x1f: {  	[sflag:s12] =	ssyncadd.s32 $0xFFFFEC00  }
0x20: {  	_ =	swait.ge [sflag:s13], $0x1400  }
0x21: {  	[sflag:s13] =	ssyncset.done $0x0  }
0x22: {  	s20 =	simm.s32 $0x2AE0;
	[sflag:s13] =	ssyncadd.s32 $0xFFFFEC00  }
.LBB2_3:
0x23: {  	v0 =	vmov s19;
	_ =	sdelay $0x1  }
0x24: {  	s21 =	sshll.u32 s18, $0x6  }
0x25: {  	s21 =	sand.u32 $0x3FFFFFC0, s21  }
0x26: {  	s22 =	simm.s32 $0x0;
	v2 =	vld [tilespmem:s21+$0x28A0]  }
0x27: {  	v1 =	vld.idx.msk [tilespmem:v0+s22+$0x0 ss:$0x1], $0xffff;
	_ =	sdelay $0x4  }
0x28: {  	v1 =	vsub.f32 v1, v2  }
0x29: {  	[tilespmem:s20+$0x0] =	vst v2  }
0x2a: {  	[tilespmem:s20+$0xFFFFFFC0] =	vst v1  }
0x2b: {  	v1 =	vld.idx.msk [tilespmem:v0+s22+$0x10 ss:$0x1], $0xffff  }
0x2c: {  	v2 =	vld [tilespmem:s21+$0x28B0];
	_ =	sdelay $0x4  }
0x2d: {  	v1 =	vsub.f32 v1, v2  }
0x2e: {  	[tilespmem:s20+$0x10] =	vst v2  }
0x2f: {  	[tilespmem:s20+$0xFFFFFFD0] =	vst v1  }
0x30: {  	v1 =	vld.idx.msk [tilespmem:v0+s22+$0x20 ss:$0x1], $0xffff  }
0x31: {  	v2 =	vld [tilespmem:s21+$0x28C0];
	_ =	sdelay $0x4  }
0x32: {  	v1 =	vsub.f32 v1, v2  }
0x33: {  	[tilespmem:s20+$0x20] =	vst v2  }
0x34: {  	[tilespmem:s20+$0xFFFFFFE0] =	vst v1  }
0x35: {  	v1 =	vld.idx.msk [tilespmem:v0+s22+$0x30 ss:$0x1], $0xffff  }
0x36: {  	v2 =	vld [tilespmem:s21+$0x28D0];
	_ =	sdelay $0x4  }
0x37: {  	s23 =	simm.s32 $0x100;
	s24 =	simm.s32 $0x200;
	s22 =	smov.u32 s20;
	v1 =	vsub.f32 v1, v2;
	[tilespmem:s20+$0x30] =	vst v2  }
.LBB2_4:
0x38: {  	s25 =	sshra.s32 s23, $0x2  }
0x39: {  	s23 =	smov.u32 s24;
	s26 =	sadd.s32 $0x100, s24;
	[tilespmem:s22+$0xFFFFFFF0] =	vst v1;
	s22 =	sadd.s32 $0x80, s22  }
0x3a: {  	p0 =	sne.s32 s24, $0x1300;
	v1 =	vld.idx.msk [tilespmem:v0+s25+$0x0 ss:$0x1], $0xffff  }
0x3b: {  	v2 =	vld [tilespmem:s21+$0x28A0];
	_ =	sdelay $0x4  }
0x3c: {  	v1 =	vsub.f32 v1, v2  }
0x3d: {  	[tilespmem:s22+$0x0] =	vst v2  }
0x3e: {  	[tilespmem:s22+$0xFFFFFFC0] =	vst v1  }
0x3f: {  	v1 =	vld.idx.msk [tilespmem:v0+s25+$0x10 ss:$0x1], $0xffff  }
0x40: {  	v2 =	vld [tilespmem:s21+$0x28B0];
	_ =	sdelay $0x4  }
0x41: {  	v1 =	vsub.f32 v1, v2;
	[tilespmem:s22+$0x10] =	vst v2;
	_ =	sdelay $0x1  }
0x42: {  	[tilespmem:s22+$0xFFFFFFD0] =	vst v1  }
0x43: {  	v1 =	vld.idx.msk [tilespmem:v0+s25+$0x20 ss:$0x1], $0xffff  }
0x44: {  	v2 =	vld [tilespmem:s21+$0x28C0];
	_ =	sdelay $0x4  }
0x45: {  	v1 =	vsub.f32 v1, v2;
	[tilespmem:s22+$0x20] =	vst v2;
	_ =	sdelay $0x1  }
0x46: {  	[tilespmem:s22+$0xFFFFFFE0] =	vst v1  }
0x47: {  	v1 =	vld.idx.msk [tilespmem:v0+s25+$0x30 ss:$0x1], $0xffff  }
0x48: {  	v2 =	vld [tilespmem:s21+$0x28D0]  }
.Ltmp0:
0x49: {  	(pc) =	sbr.rel @p0 .LBB2_4-.Ltmp0, $2  }
0x4a: {  	_ =	sdelay $0x2  }
0x4b: {  	s24 =	smov.u32 s26;
	v1 =	vsub.f32 v1, v2;
	[tilespmem:s22+$0x30] =	vst v2  }
0x4c: {  	_ =	sdelay $0x2  }
0x4d: {  	s23 =	sshra.s32 s23, $0x2;
	[tilespmem:s22+$0xFFFFFFF0] =	vst v1  }
0x4e: {  	v1 =	vld.idx.msk [tilespmem:v0+s23+$0x0 ss:$0x1], $0xffff  }
0x4f: {  	v2 =	vld [tilespmem:s21+$0x28A0];
	_ =	sdelay $0x4  }
0x50: {  	s31 =	sadd.s32 $0x80, s22;
	v1 =	vsub.f32 v1, v2  }
0x51: {  	[tilespmem:s31+$0x0] =	vst v2  }
0x52: {  	[tilespmem:s31+$0xFFFFFFC0] =	vst v1  }
0x53: {  	v1 =	vld.idx.msk [tilespmem:v0+s23+$0x10 ss:$0x1], $0xffff  }
0x54: {  	v2 =	vld [tilespmem:s21+$0x28B0];
	_ =	sdelay $0x4  }
0x55: {  	v1 =	vsub.f32 v1, v2  }
0x56: {  	[tilespmem:s31+$0x10] =	vst v2  }
0x57: {  	[tilespmem:s31+$0xFFFFFFD0] =	vst v1  }
0x58: {  	v1 =	vld.idx.msk [tilespmem:v0+s23+$0x20 ss:$0x1], $0xffff  }
0x59: {  	v2 =	vld [tilespmem:s21+$0x28C0];
	_ =	sdelay $0x4  }
0x5a: {  	v1 =	vsub.f32 v1, v2  }
0x5b: {  	[tilespmem:s31+$0x20] =	vst v2  }
0x5c: {  	[tilespmem:s31+$0xFFFFFFE0] =	vst v1  }
0x5d: {  	v63 =	vld.idx.msk [tilespmem:v0+s23+$0x30 ss:$0x1], $0xffff  }
0x5e: {  	v1 =	vld [tilespmem:s21+$0x28D0]  }
0x5f: {  	s18 =	sadd.s32 $0x1, s18  }
0x60: {  	p0 =	sne.s32 s18, $0x8  }
.Ltmp1:
0x61: {  	_ = 	snop;
	(pc) =	sbr.rel @p0 .LBB2_3-.Ltmp1, $4  }
0x62: {  	_ = 	snop  }
0x63: {  	v0 =	vsub.f32 v63, v1  }
0x64: {  	[tilespmem:s31+$0x30] =	vst v1  }
0x65: {  	s19 =	sadd.s32 $0x500, s19;
	s20 =	sadd.s32 $0xA00, s20;
	[tilespmem:s31+$0xFFFFFFF0] =	vst v0  }
0x66: {  	s17 =	smul.u32 $0x140, s17;
	s16 =	sadd.s32 $0x1, s16  }
0x67: {  	p0 =	sne.s32 s16, $0x10  }
.Ltmp2:
0x68: {  	s17 =	sadd.s32 s5, s17;
	(pc) =	sbr.rel @p0 .LBB2_2-.Ltmp2, $4  }
0x69: {  	[hbm4b:s17+s1] =	stream.linear.scatter [tilespmem:s14], [sflag:$0x3], $0x5000, $0x38;
	[tilespmem:$0x7AA0] =	vst v63  }
0x6a: {  	_ =	swait.ge [sflag:s8], $0x5000  }
0x6b: {  	[sflag:s8] =	ssyncset.done $0x0  }
0x6c: {  	[sflag:s8] =	ssyncadd.s32 $0xFFFFB000  }
0x6d: {  	s15 =	sadd.s32 $0x1, s15  }
0x6e: {  	p0 =	sne.s32 s15, s7  }
.Ltmp3:
0x6f: {  	_ = 	snop;
	(pc) =	sbr.rel @p0 .LBB2_1-.Ltmp3, $1  }
0x70: {  	_ =	sdelay $0x3  }
0x71: {  	_ =	sfence.sel $0x180000  }
0x72: {  	[bflag:$0x0] =	sbarrier.arrive $0xFFFF  }
0x73: {  	p0 =	sne.s32 s2, $0x0;
	_ =	strace $0x9000004D  }
0x74: {  	s0 =	sadd.s32 @!p0 $0x100000, s0;
	[bflag:$0x2] =	sbarrier.arrive $0xFFFF  }
0x75: {  	[sflag:s0] =	ssyncadd.tile.s32 @!p0 $0x1;
	_ =	shalt  }
.Lfunc_end2:
_tile_overlayer_lowered:
.L_overlay_start_2:
0x76: {  	(tag) =	ssettag $0x2  }
0x77: {  	s0 =	rddreg [dreg:$0x0];
	s2 =	stileid.u32  }
0x78: {  	s1 =	rddreg [dreg:$0x1];
	p0 =	sne.s32 s2, $0x0  }
0x79: {  	s3 =	rddreg [dreg:$0x2];
	[bflag:$0x3] =	sbarrier.arrive $0xFFFF;
	s2 =	simm.s32 @!p0 $0x1C03  }
0x7a: {  	[timem:s3], [sflag:s2] =	dma.local @!p0 [hbm:s0], s1  }
0x7b: {  	s0 =	simm.s32 @!p0 $0x3  }
0x7c: {  	_ =	swait.ge @!p0 [sflag:s0], s1  }
0x7d: {  	s1 =	ssub.s32 @!p0 $0x0, s1;
	[sflag:s0] =	ssyncset.done @!p0 $0x0  }
0x7e: {  	[sflag:s0] =	ssyncadd.s32 @!p0 s1  }
0x7f: {  	[bflag:$0x3] =	sbarrier.arrive $0xFFFF  }
0x80: {  	_ =	shalt  }

// kernel: kernel.28.cloned.1.call-start
scs
__scs_entry_jumppad:
0x0: {  	(pc) =	sbr.rel $0x88, $3  }
0x1: {  	(tag) =	ssettag $0x0;
	lr =	simm.s32 $0x1  }
0x2: {  	[smem:$0x3F9B] =	sst lr;
	_ =	strace $0xD0000000  }
0x3: {  	_ = 	snop  }
0x4: {  	_ = 	snop  }
0x5: {  	_ = 	snop  }
0x6: {  	_ = 	snop  }
0x7: {  	_ = 	snop  }
__scs_overlays_trampoline_lowered:
0x8: {  	[smem:$0x3FAA] =	sst s0  }
0x9: {  	[smem:$0x3FAB] =	sst s1  }
0xa: {  	[smem:$0x3FAC] =	sst s2  }
0xb: {  	[smem:$0x3FAD] =	sst s3  }
0xc: {  	[smem:$0x3FAE] =	sst s4  }
0xd: {  	[smem:$0x3FAF] =	sst s5  }
0xe: {  	[smem:$0x3FB0] =	sst s6  }
0xf: {  	[smem:$0x3FB1] =	sst s7  }
0x10: {  	[smem:$0x3FB2] =	sst s8  }
0x11: {  	[smem:$0x3FB3] =	sst s9;
	s0 =	simm.s32 @!p0 $0x0  }
0x12: {  	s1 =	sld [smem:$0x3F99];
	s0 =	simm.s32 @p0 $0x1  }
0x13: {  	[smem:$0x3FB4] =	sst s0;
	s0 =	simm.s32 @!p1 $0x0  }
0x14: {  	s2 =	sld [smem:$0x3F98];
	s0 =	simm.s32 @p1 $0x1  }
0x15: {  	[smem:$0x3FB5] =	sst s0;
	s0 =	simm.s32 @!p2 $0x0  }
0x16: {  	s3 =	sld [smem:$0x3FDB];
	s0 =	simm.s32 @p2 $0x1  }
0x17: {  	s4 =	simm.s32 $0x1BF5;
	[smem:$0x3FB7] =	sst s0  }
0x18: {  	s0 =	sld [smem:$0x3F9A];
	_ =	swait.ge [sflag:s4], $0x0  }
0x19: {  	s7 =	sld [smem:$0x3F9B]  }
0x1a: {  	s8 =	sadd.s32 $0xFFFFE003, lr  }
0x1b: {  	s9 =	sadd.s32 $0xFFFFFEF7, lr;
	s5 =	simm.s32 $0xFFFFFFFF;
	p2 =	slt.u32 s8, $0xFFFFF086  }
0x1c: {  	p1 =	slt.u32 s9, $0xF7A;
	s5 =	simm.s32 @!p2 $0x0  }
0x1d: {  	s5 =	simm.s32 @p1 $0x1;
	p0 =	seq.s32 s7, s2  }
0x1e: {  	s7 =	smul.u32 @!p0 $0xF7A, s2;
	p2 =	seq.s32 @!p0 s5, $0x0  }
0x1f: {  	s9 =	smul.u32 $0xF7A, s1;
	s8 =	simm.s32 @!p0 $0x1BF5;
	p2 =	por !p2, p0  }
0x20: {  	[sflag:s8] =	ssyncset.s32 @!p0 $0xFFFFF086;
	s6 =	sadd.s32 @!p0 s3, s7;
	s7 =	simm.s32 @!p0 $0x108  }
0x21: {  	s3 =	sadd.s32 s3, s9;
	s6 =	sadd.s32 @!p0 $0x88, s6;
	s7 =	simm.s32 @p2 $0x1082  }
0x22: {  	[simem:s7], [sflag:s8] =	dma.local @!p0 [hbm:s6], $0xF7A  }
0x23: {  	s9 =	sor.u32 $0xD0000000, s2;
	s6 =	simm.s32 $0x108;
	_ =	swait.ge @!p0 [sflag:s8], $0x0  }
0x24: {  	s3 =	sadd.s32 $0x88, s3;
	s6 =	simm.s32 @!p1 $0x1082;
	[sflag:s4] =	ssyncset.s32 $0xFFFFF086  }
0x25: {  	[simem:s6], [sflag:s4] =	dma.local [hbm:s3], $0xF7A  }
0x26: {  	[smem:$0x3F9B] =	sst s1;
	(tag) =	ssettag s2;
	_ =	strace s9  }
0x27: {  	s1 =	sld [smem:$0x3FAB]  }
0x28: {  	s2 =	sld [smem:$0x3FAC]  }
0x29: {  	s4 =	sld [smem:$0x3FAE]  }
0x2a: {  	p0 =	seq.s32 s5, $0x0;
	s5 =	sld [smem:$0x3FAF]  }
0x2b: {  	s6 =	sld [smem:$0x3FB0]  }
0x2c: {  	s7 =	sld [smem:$0x3FB1]  }
0x2d: {  	s3 =	simm.s32 $0x108;
	s8 =	sld [smem:$0x3FB2]  }
0x2e: {  	s3 =	simm.s32 @!p0 $0x1082;
	s9 =	sld [smem:$0x3FB3]  }
0x2f: {  	lr =	sadd.s32 s0, s3;
	s0 =	sld [smem:$0x3FAA]  }
0x30: {  	s3 =	sld [smem:$0x3FAD]  }
0x31: {  	[smem:$0x3FB6] =	sst s10  }
0x32: {  	s10 =	sld [smem:$0x3FB4];
	_ =	sdelay $0x3  }
0x33: {  	p0 =	seq.s32 s10, $0x1;
	s10 =	sld [smem:$0x3FB6];
	_ =	sdelay $0x3  }
0x34: {  	[smem:$0x3FB6] =	sst s10  }
0x35: {  	s10 =	sld [smem:$0x3FB5];
	_ =	sdelay $0x3  }
0x36: {  	p1 =	seq.s32 s10, $0x1;
	s10 =	sld [smem:$0x3FB6];
	_ =	sdelay $0x3  }
0x37: {  	[smem:$0x3FB6] =	sst s10  }
0x38: {  	s10 =	sld [smem:$0x3FB7]  }
0x39: {  	_ = 	snop;
	(pc) =	sbr.ind lr, $3  }
0x3a: {  	_ = 	snop  }
0x3b: {  	_ = 	snop  }
0x3c: {  	p2 =	seq.s32 s10, $0x1;
	s10 =	sld [smem:$0x3FB6]  }
0x3d: {  	_ =	shalt  }
0x3e: {  	_ =	shalt  }
0x3f: {  	_ =	shalt  }
0x40: {  	_ =	shalt  }
0x41: {  	_ =	shalt  }
0x42: {  	_ =	shalt  }
0x43: {  	_ =	shalt  }
0x44: {  	_ =	shalt  }
0x45: {  	_ =	shalt  }
0x46: {  	_ =	shalt  }
0x47: {  	_ =	shalt  }
0x48: {  	_ =	shalt  }
0x49: {  	_ =	shalt  }
0x4a: {  	_ =	shalt  }
0x4b: {  	_ =	shalt  }
0x4c: {  	_ =	shalt  }
0x4d: {  	_ =	shalt  }
0x4e: {  	_ =	shalt  }
0x4f: {  	_ =	shalt  }
0x50: {  	_ =	shalt  }
0x51: {  	_ =	shalt  }
0x52: {  	_ =	shalt  }
0x53: {  	_ =	shalt  }
0x54: {  	_ =	shalt  }
0x55: {  	_ =	shalt  }
0x56: {  	_ =	shalt  }
0x57: {  	_ =	shalt  }
0x58: {  	_ =	shalt  }
0x59: {  	_ =	shalt  }
0x5a: {  	_ =	shalt  }
0x5b: {  	_ =	shalt  }
0x5c: {  	_ =	shalt  }
0x5d: {  	_ =	shalt  }
0x5e: {  	_ =	shalt  }
0x5f: {  	_ =	shalt  }
0x60: {  	_ =	shalt  }
0x61: {  	_ =	shalt  }
0x62: {  	_ =	shalt  }
0x63: {  	_ =	shalt  }
0x64: {  	_ =	shalt  }
0x65: {  	_ =	shalt  }
0x66: {  	_ =	shalt  }
0x67: {  	_ =	shalt  }
0x68: {  	_ =	shalt  }
0x69: {  	_ =	shalt  }
0x6a: {  	_ =	shalt  }
0x6b: {  	_ =	shalt  }
0x6c: {  	_ =	shalt  }
0x6d: {  	_ =	shalt  }
0x6e: {  	_ =	shalt  }
0x6f: {  	_ =	shalt  }
0x70: {  	_ =	shalt  }
0x71: {  	_ =	shalt  }
0x72: {  	_ =	shalt  }
0x73: {  	_ =	shalt  }
0x74: {  	_ =	shalt  }
0x75: {  	_ =	shalt  }
0x76: {  	_ =	shalt  }
0x77: {  	_ =	shalt  }
0x78: {  	_ =	shalt  }
0x79: {  	_ =	shalt  }
0x7a: {  	_ =	shalt  }
0x7b: {  	_ =	shalt  }
0x7c: {  	_ =	shalt  }
0x7d: {  	_ =	shalt  }
0x7e: {  	_ =	shalt  }
0x7f: {  	_ =	shalt  }
0x80: {  	_ =	shalt  }
0x81: {  	_ =	shalt  }
0x82: {  	_ =	shalt  }
0x83: {  	_ =	shalt  }
0x84: {  	_ =	shalt  }
0x85: {  	_ =	shalt  }
0x86: {  	_ =	shalt  }
0x87: {  	_ =	shalt  }
.Lfunc_end0:
.L_simem_size_0:
called_computation.3_lowered:
.L_overlay_start_0:
0x88: {  	s2 =	sld [smem:$0x3FD9]  }
0x89: {  	s3 =	sld [smem:$0x3FFE];
	_ =	sdelay $0x1  }
0x8a: {  	s1 =	srdreg.scid  }
0x8b: {  	s0 =	sand.u32 $0x1, s1  }
0x8c: {  	s16 =	sshll.u32 s0, $0xA;
	s2 =	sadd.s32 s3, s2  }
0x8d: {  	s2 =	sadd.s32 s2, s16  }
0x8e: {  	[smem:$0x3FC2] =	sst s2  }
0x8f: {  	_ = 	snop  }
0x90: {  	(tm) =	ssettm $0x1  }
0x91: {  	s17 =	sld [smem:$0x3FFB];
	_ =	sdelay $0x3  }
0x92: {  	_ =	strace s17  }
0x93: {  	s2 =	sld [smem:$0x3FFC];
	_ =	sdelay $0x3  }
0x94: {  	_ =	strace s2  }
0x95: {  	s2 =	sld [smem:$0x3FFD];
	_ =	sdelay $0x3  }
0x96: {  	_ =	strace s2  }
0x97: {  	_ =	strace $0x8FFFFFFF  }
0x98: {  	s18 =	sld [smem:$0x3FDB];
	_ =	sdelay $0x1  }
0x99: {  	s19 =	simm.s32 $_scs_section_size  }
0x9a: {  	s4 =	simm.s32 $_size__tile_overlayer_lowered;
	s5 =	simm.s32 $_tile_overlayer_lowered  }
0x9b: {  	s22 =	simm.s32 $0x1BFF;
	s21 =	sshll.u32 s5, $0x1;
	s2 =	sadd.s32 s19, s18  }
0x9c: {  	s6 =	simm.s32 $0x0;
	s20 =	sshll.u32 s4, $0x1;
	s4 =	sadd.s32 s21, s2  }
0x9d: {  	[timem:s6], [sflag:s22] =	dma.local [hbm:s4], s20  }
0x9e: {  	_ =	swait.ge [sflag:s22], s20  }
0x9f: {  	s3 =	ssub.s32 $0x0, s20;
	[sflag:s22] =	ssyncset.done $0x0  }
0xa0: {  	[sflag:s22] =	ssyncadd.s32 s3;
	_ =	sdelay $0x1  }
0xa1: {  	s23 =	simm.s32 $0x1B8B  }
0xa2: {  	_ =	swait.ge [sflag:s23], $0x1  }
0xa3: {  	[sflag:s23] =	ssyncset.done $0x0  }
0xa4: {  	s25 =	simm.s32 $0x1B8E;
	s24 =	sld [smem:$0x3FFE];
	[sflag:s23] =	ssyncadd.s32 $0xFFFFFFFF  }
0xa5: {  	s26 =	simm.s32 $execute0_lowered;
	[smem:$0x3FD2] =	sst s25  }
0xa6: {  	s4 =	sshll.u32 s26, $0x1;
	_ =	strace $0x8000004F;
	[dreg:$0x1] =	wrdreg $0xFFFFFFFF  }
0xa7: {  	s28 =	simm.s32 $_size_execute0_lowered;
	s2 =	sadd.s32 s2, s4;
	[dreg:$0x0] =	wrdreg $0x0  }
0xa8: {  	s4 =	sshll.u32 s28, $0x1;
	[dreg:$0x2] =	wrdreg s2  }
0xa9: {  	[dreg:$0x3] =	wrdreg s4  }
0xaa: {  	[dreg:$0x4] =	wrdreg $0xC0  }
0xab: {  	_ =	task [dreg:s6], $0x5FFFF  }
0xac: {  	[dreg:$0x1] =	wrdreg $0xFFFFFFFF  }
0xad: {  	[dreg:$0x0] =	wrdreg $0x60  }
0xae: {  	[dreg:$0x2] =	wrdreg s24  }
0xaf: {  	[dreg:$0x3] =	wrdreg $0x9  }
0xb0: {  	_ =	task.clear_ibuf [dreg:s6], $0x4FFFF;
	_ =	strace $0x9000004F  }
0xb1: {  	s29 =	simm.s32 $0x9;
	_ =	strace $0x80000051  }
0xb2: {  	_ =	swait.ge [sflag:s29], $0x1  }
0xb3: {  	[sflag:s29] =	ssyncadd.s32 $0xFFFFFFFF  }
0xb4: {  	_ =	strace $0x90000051  }
0xb5: {  	_ =	sfence  }
0xb6: {  	s30 =	sld [smem:$0x0];
	_ =	sdelay $0x2  }
0xb7: {  	s31 =	sshll.u32 s1, $0xD;
	s1 =	sshrl.u32 s1, $0x2  }
0xb8: {  	s3 =	sand.u32 $0x4000, s31;
	s1 =	sadd.s32 s1, s30  }
0xb9: {  	s0 =	sor.u32 s3, s0;
	s1 =	sshll.u32 s1, $0x11  }
0xba: {  	s0 =	sor.u32 s1, s0  }
0xbb: {  	s0 =	sadd.s32 $0x8F2B, s0  }
0xbc: {  	[sflag:s0] =	ssyncadd.remote.s32 $0x1  }
0xbd: {  	_ =	sfence.sel $0xFFFF  }
0xbe: {  	[dreg:$0x0] =	wrdreg $0xFFFFFFFF;
	(pc) =	sbr.abs _section_cstart, $3  }
0xbf: {  	[dreg:$0x1] =	wrdreg $0xFFFFFFFF  }
0xc0: {  	_ =	task.clear_ibuf [dreg:s6], $0x2FFFF;
	_ =	strace $0x9FFFFFFF  }
0xc1: {  	(tm) =	ssettm $0x7FFFFFFF  }
tec
execute0_lowered:
.L_overlay_start_1:
0x0: {  	(tag) =	ssettag $0x1  }
0x1: {  	s5 =	rddreg [dreg:$0x0]  }
0x2: {  	s0 =	rddreg [dreg:$0x1]  }
0x3: {  	s1 =	simm.s32 $0x0;
	s2 =	srdreg.scid;
	s10 =	simm.s32 $0x28A0  }
0x4: {  	s11 =	simm.s32 $0x50A0;
	s12 =	simm.s32 $0x1;
	s13 =	simm.s32 $0x2  }
0x5: {  	s14 =	simm.s32 $0x54A0;
	s15 =	simm.s32 $0x0;
	[smem:$0x7FF] =	sst s1  }
0x6: {  	s3 =	sadd.s32 $0x10000, s5;
	s6 =	sand.u32 $0x1, s2;
	s4 =	sadd.s32 $0x20000, s5  }
0x7: {  	s2 =	stileid.u32;
	s5 =	sadd.s32 $0x22800, s5;
	s7 =	ssub.s32 $0x2, s6  }
0x8: {  	s9 =	sshll.u32 s2, $0x8;
	s6 =	sshll.u32 s6, $0x7;
	s8 =	sshrl.u32 s7, $0x1  }
0x9: {  	_ =	strace $0x80000050;
	s6 =	sor.u32 s6, s9;
	s7 =	ssub.s32 s7, s8  }
0xa: {  	s9 =	simm.s32 $0x50;
	s8 =	simm.s32 $0x3;
	s7 =	smax.u32 s7, $0x1  }
.LBB2_1:
0xb: {  	s16 =	simm.s32 $0x0  }
.LBB2_2:
0xc: {  	s17 =	sshll.u32 s16, $0x3  }
0xd: {  	s17 =	sadd.s32 s6, s17  }
0xe: {  	s18 =	smul.u32 $0x14, s17;
	_ =	sdelay $0x1  }
0xf: {  	s18 =	sshrl.u32 s18, $0x3  }
0x10: {  	s19 =	sadd.s32 s4, s18;
	s18 =	simm.s32 $0x0  }
0x11: {  	[tilespmem:s18], [sflag:$0x3] =	stream.linear.gather [hbm4b:s19+s18], $0xA0, $0x38;
	[tilespmem:$0xF4A0] =	vst v63  }
0x12: {  	_ =	swait.ge [sflag:s8], $0xA0  }
0x13: {  	[sflag:s8] =	ssyncset.done $0x0  }
0x14: {  	s19 =	simm.s32 $0xA0;
	[sflag:s8] =	ssyncadd.s32 $0xFFFFFF60  }
0x15: {  	[tilespmem:s19], [sflag:$0x1] =	stream.indirect.gather [hbm4b:s3+s9], $0x80, s18, s9, $0xb8;
	[tilespmem:$0xF4A0] =	vst v63  }
0x16: {  	s20 =	sshll.u32 s17, $0x4  }
0x17: {  	[tilespmem:s10], [sflag:$0x2] =	stream.indirect.gather [hbm4b:s3+s9], $0x80, s9, s9, $0xb8;
	[tilespmem:$0xF4A0] =	vst v63  }
0x18: {  	s20 =	sadd.s32 s3, s20  }
0x19: {  	[tilespmem:s11], [sflag:$0x3] =	stream.linear.gather [hbm4b:s20+s18], $0x400, $0x38;
	[tilespmem:$0xF4A0] =	vst v63  }
0x1a: {  	_ =	swait.ge [sflag:s8], $0x400  }
0x1b: {  	[sflag:s8] =	ssyncset.done $0x0  }
0x1c: {  	[sflag:s8] =	ssyncadd.s32 $0xFFFFFC00  }
0x1d: {  	_ =	swait.ge [sflag:s12], $0x2800  }
0x1e: {  	[sflag:s12] =	ssyncset.done $0x0  }
0x1f: {  	[sflag:s12] =	ssyncadd.s32 $0xFFFFD800  }
0x20: {  	_ =	swait.ge [sflag:s13], $0x2800  }
0x21: {  	[sflag:s13] =	ssyncset.done $0x0  }
0x22: {  	s20 =	simm.s32 $0x5520;
	[sflag:s13] =	ssyncadd.s32 $0xFFFFD800  }
.LBB2_3:
0x23: {  	v0 =	vmov s19;
	_ =	sdelay $0x1  }
0x24: {  	s21 =	sshll.u32 s18, $0x7  }
0x25: {  	s21 =	sand.u32 $0x3FFFFF80, s21  }
0x26: {  	s22 =	simm.s32 $0x0;
	v2 =	vld [tilespmem:s21+$0x50A0]  }
0x27: {  	v1 =	vld.idx.msk [tilespmem:v0+s22+$0x0 ss:$0x1], $0xffff;
	_ =	sdelay $0x4  }
0x28: {  	v1 =	vsub.f32 v1, v2  }
0x29: {  	[tilespmem:s20+$0x0] =	vst v2  }
0x2a: {  	[tilespmem:s20+$0xFFFFFF80] =	vst v1  }
0x2b: {  	v1 =	vld.idx.msk [tilespmem:v0+s22+$0x10 ss:$0x1], $0xffff  }
0x2c: {  	v2 =	vld [tilespmem:s21+$0x50B0];
	_ =	sdelay $0x4  }
0x2d: {  	v1 =	vsub.f32 v1, v2  }
0x2e: {  	[tilespmem:s20+$0x10] =	vst v2  }
0x2f: {  	[tilespmem:s20+$0xFFFFFF90] =	vst v1  }
0x30: {  	v1 =	vld.idx.msk [tilespmem:v0+s22+$0x20 ss:$0x1], $0xffff  }
0x31: {  	v2 =	vld [tilespmem:s21+$0x50C0];
	_ =	sdelay $0x4  }
0x32: {  	v1 =	vsub.f32 v1, v2  }
0x33: {  	[tilespmem:s20+$0x20] =	vst v2  }
0x34: {  	[tilespmem:s20+$0xFFFFFFA0] =	vst v1  }
0x35: {  	v1 =	vld.idx.msk [tilespmem:v0+s22+$0x30 ss:$0x1], $0xffff  }
0x36: {  	v2 =	vld [tilespmem:s21+$0x50D0];
	_ =	sdelay $0x4  }
0x37: {  	v1 =	vsub.f32 v1, v2  }
0x38: {  	[tilespmem:s20+$0x30] =	vst v2  }
0x39: {  	[tilespmem:s20+$0xFFFFFFB0] =	vst v1  }
0x3a: {  	v1 =	vld.idx.msk [tilespmem:v0+s22+$0x40 ss:$0x1], $0xffff  }
0x3b: {  	v2 =	vld [tilespmem:s21+$0x50E0];
	_ =	sdelay $0x4  }
0x3c: {  	v1 =	vsub.f32 v1, v2  }
0x3d: {  	[tilespmem:s20+$0x40] =	vst v2  }
0x3e: {  	[tilespmem:s20+$0xFFFFFFC0] =	vst v1  }
0x3f: {  	v1 =	vld.idx.msk [tilespmem:v0+s22+$0x50 ss:$0x1], $0xffff  }
0x40: {  	v2 =	vld [tilespmem:s21+$0x50F0];
	_ =	sdelay $0x4  }
0x41: {  	v1 =	vsub.f32 v1, v2  }
0x42: {  	[tilespmem:s20+$0x50] =	vst v2  }
0x43: {  	[tilespmem:s20+$0xFFFFFFD0] =	vst v1  }
0x44: {  	v1 =	vld.idx.msk [tilespmem:v0+s22+$0x60 ss:$0x1], $0xffff  }
0x45: {  	v2 =	vld [tilespmem:s21+$0x5100];
	_ =	sdelay $0x4  }
0x46: {  	v1 =	vsub.f32 v1, v2  }
0x47: {  	[tilespmem:s20+$0x60] =	vst v2  }
0x48: {  	[tilespmem:s20+$0xFFFFFFE0] =	vst v1  }
0x49: {  	v1 =	vld.idx.msk [tilespmem:v0+s22+$0x70 ss:$0x1], $0xffff  }
0x4a: {  	v2 =	vld [tilespmem:s21+$0x5110];
	_ =	sdelay $0x4  }
0x4b: {  	s23 =	simm.s32 $0x200;
	s26 =	simm.s32 $0x400;
	s22 =	smov.u32 s20;
	v1 =	vsub.f32 v1, v2;
	[tilespmem:s20+$0x70] =	vst v2  }
.LBB2_4:
0x4c: {  	s25 =	sshra.s32 s23, $0x2  }
0x4d: {  	s23 =	smov.u32 s26;
	s24 =	sadd.s32 $0x200, s26;
	[tilespmem:s22+$0xFFFFFFF0] =	vst v1;
	s22 =	sadd.s32 $0x100, s22  }
0x4e: {  	p0 =	sne.s32 s26, $0x2600;
	v1 =	vld.idx.msk [tilespmem:v0+s25+$0x0 ss:$0x1], $0xffff  }
0x4f: {  	v2 =	vld [tilespmem:s21+$0x50A0];
	_ =	sdelay $0x4  }
0x50: {  	v1 =	vsub.f32 v1, v2  }
0x51: {  	[tilespmem:s22+$0x0] =	vst v2  }
0x52: {  	[tilespmem:s22+$0xFFFFFF80] =	vst v1  }
0x53: {  	v1 =	vld.idx.msk [tilespmem:v0+s25+$0x10 ss:$0x1], $0xffff  }
0x54: {  	v2 =	vld [tilespmem:s21+$0x50B0];
	_ =	sdelay $0x4  }
0x55: {  	v1 =	vsub.f32 v1, v2  }
0x56: {  	[tilespmem:s22+$0x10] =	vst v2  }
0x57: {  	[tilespmem:s22+$0xFFFFFF90] =	vst v1  }
0x58: {  	v1 =	vld.idx.msk [tilespmem:v0+s25+$0x20 ss:$0x1], $0xffff  }
0x59: {  	v2 =	vld [tilespmem:s21+$0x50C0];
	_ =	sdelay $0x4  }
0x5a: {  	v1 =	vsub.f32 v1, v2  }
0x5b: {  	[tilespmem:s22+$0x20] =	vst v2  }
0x5c: {  	[tilespmem:s22+$0xFFFFFFA0] =	vst v1  }
0x5d: {  	v1 =	vld.idx.msk [tilespmem:v0+s25+$0x30 ss:$0x1], $0xffff  }
0x5e: {  	v2 =	vld [tilespmem:s21+$0x50D0];
	_ =	sdelay $0x4  }
0x5f: {  	v1 =	vsub.f32 v1, v2;
	[tilespmem:s22+$0x30] =	vst v2;
	_ =	sdelay $0x1  }
0x60: {  	[tilespmem:s22+$0xFFFFFFB0] =	vst v1  }
0x61: {  	v1 =	vld.idx.msk [tilespmem:v0+s25+$0x40 ss:$0x1], $0xffff  }
0x62: {  	v2 =	vld [tilespmem:s21+$0x50E0];
	_ =	sdelay $0x4  }
0x63: {  	v1 =	vsub.f32 v1, v2;
	[tilespmem:s22+$0x40] =	vst v2;
	_ =	sdelay $0x1  }
0x64: {  	[tilespmem:s22+$0xFFFFFFC0] =	vst v1  }
0x65: {  	v1 =	vld.idx.msk [tilespmem:v0+s25+$0x50 ss:$0x1], $0xffff  }
0x66: {  	v2 =	vld [tilespmem:s21+$0x50F0];
	_ =	sdelay $0x4  }
0x67: {  	v1 =	vsub.f32 v1, v2;
	[tilespmem:s22+$0x50] =	vst v2;
	_ =	sdelay $0x1  }
0x68: {  	[tilespmem:s22+$0xFFFFFFD0] =	vst v1  }
0x69: {  	v1 =	vld.idx.msk [tilespmem:v0+s25+$0x60 ss:$0x1], $0xffff  }
0x6a: {  	v2 =	vld [tilespmem:s21+$0x5100];
	_ =	sdelay $0x4  }
0x6b: {  	v1 =	vsub.f32 v1, v2;
	[tilespmem:s22+$0x60] =	vst v2;
	_ =	sdelay $0x1  }
0x6c: {  	[tilespmem:s22+$0xFFFFFFE0] =	vst v1  }
0x6d: {  	v1 =	vld.idx.msk [tilespmem:v0+s25+$0x70 ss:$0x1], $0xffff  }
0x6e: {  	v2 =	vld [tilespmem:s21+$0x5110]  }
.Ltmp0:
0x6f: {  	(pc) =	sbr.rel @p0 .LBB2_4-.Ltmp0, $2  }
0x70: {  	_ =	sdelay $0x2  }
0x71: {  	s26 =	smov.u32 s24;
	v1 =	vsub.f32 v1, v2;
	[tilespmem:s22+$0x70] =	vst v2  }
0x72: {  	_ =	sdelay $0x2  }
0x73: {  	s23 =	sshra.s32 s23, $0x2;
	[tilespmem:s22+$0xFFFFFFF0] =	vst v1  }
0x74: {  	v1 =	vld.idx.msk [tilespmem:v0+s23+$0x0 ss:$0x1], $0xffff  }
0x75: {  	v2 =	vld [tilespmem:s21+$0x50A0];
	_ =	sdelay $0x4  }
0x76: {  	s31 =	sadd.s32 $0x100, s22;
	v1 =	vsub.f32 v1, v2  }
0x77: {  	[tilespmem:s31+$0x0] =	vst v2  }
0x78: {  	[tilespmem:s31+$0xFFFFFF80] =	vst v1  }
0x79: {  	v1 =	vld.idx.msk [tilespmem:v0+s23+$0x10 ss:$0x1], $0xffff  }
0x7a: {  	v2 =	vld [tilespmem:s21+$0x50B0];
	_ =	sdelay $0x4  }
0x7b: {  	v1 =	vsub.f32 v1, v2  }
0x7c: {  	[tilespmem:s31+$0x10] =	vst v2  }
0x7d: {  	[tilespmem:s31+$0xFFFFFF90] =	vst v1  }
0x7e: {  	v1 =	vld.idx.msk [tilespmem:v0+s23+$0x20 ss:$0x1], $0xffff  }
0x7f: {  	v2 =	vld [tilespmem:s21+$0x50C0];
	_ =	sdelay $0x4  }
0x80: {  	v1 =	vsub.f32 v1, v2  }
0x81: {  	[tilespmem:s31+$0x20] =	vst v2  }
0x82: {  	[tilespmem:s31+$0xFFFFFFA0] =	vst v1  }
0x83: {  	v1 =	vld.idx.msk [tilespmem:v0+s23+$0x30 ss:$0x1], $0xffff  }
0x84: {  	v2 =	vld [tilespmem:s21+$0x50D0];
	_ =	sdelay $0x4  }
0x85: {  	v1 =	vsub.f32 v1, v2  }
0x86: {  	[tilespmem:s31+$0x30] =	vst v2  }
0x87: {  	[tilespmem:s31+$0xFFFFFFB0] =	vst v1  }
0x88: {  	v1 =	vld.idx.msk [tilespmem:v0+s23+$0x40 ss:$0x1], $0xffff  }
0x89: {  	v2 =	vld [tilespmem:s21+$0x50E0];
	_ =	sdelay $0x4  }
0x8a: {  	v1 =	vsub.f32 v1, v2  }
0x8b: {  	[tilespmem:s31+$0x40] =	vst v2  }
0x8c: {  	[tilespmem:s31+$0xFFFFFFC0] =	vst v1  }
0x8d: {  	v1 =	vld.idx.msk [tilespmem:v0+s23+$0x50 ss:$0x1], $0xffff  }
0x8e: {  	v2 =	vld [tilespmem:s21+$0x50F0];
	_ =	sdelay $0x4  }
0x8f: {  	v1 =	vsub.f32 v1, v2  }
0x90: {  	[tilespmem:s31+$0x50] =	vst v2  }
0x91: {  	[tilespmem:s31+$0xFFFFFFD0] =	vst v1  }
0x92: {  	v1 =	vld.idx.msk [tilespmem:v0+s23+$0x60 ss:$0x1], $0xffff  }
0x93: {  	v2 =	vld [tilespmem:s21+$0x5100];
	_ =	sdelay $0x4  }
0x94: {  	v1 =	vsub.f32 v1, v2  }
0x95: {  	[tilespmem:s31+$0x60] =	vst v2  }
0x96: {  	[tilespmem:s31+$0xFFFFFFE0] =	vst v1  }
0x97: {  	v63 =	vld.idx.msk [tilespmem:v0+s23+$0x70 ss:$0x1], $0xffff  }
0x98: {  	v1 =	vld [tilespmem:s21+$0x5110]  }
0x99: {  	s18 =	sadd.s32 $0x1, s18  }
0x9a: {  	p0 =	sne.s32 s18, $0x8  }
.Ltmp1:
0x9b: {  	_ = 	snop;
	(pc) =	sbr.rel @p0 .LBB2_3-.Ltmp1, $4  }
0x9c: {  	_ = 	snop  }
0x9d: {  	v0 =	vsub.f32 v63, v1  }
0x9e: {  	[tilespmem:s31+$0x70] =	vst v1  }
0x9f: {  	s19 =	sadd.s32 $0xA00, s19;
	s20 =	sadd.s32 $0x1400, s20;
	[tilespmem:s31+$0xFFFFFFF0] =	vst v0  }
0xa0: {  	s17 =	smul.u32 $0x280, s17;
	s16 =	sadd.s32 $0x1, s16  }
0xa1: {  	p0 =	sne.s32 s16, $0x10  }
.Ltmp2:
0xa2: {  	s17 =	sadd.s32 s5, s17;
	(pc) =	sbr.rel @p0 .LBB2_2-.Ltmp2, $4  }
0xa3: {  	[hbm4b:s17+s1] =	stream.linear.scatter [tilespmem:s14], [sflag:$0x3], $0xA000, $0x38;
	[tilespmem:$0xF4A0] =	vst v63  }
0xa4: {  	_ =	swait.ge [sflag:s8], $0xA000  }
0xa5: {  	[sflag:s8] =	ssyncset.done $0x0  }
0xa6: {  	[sflag:s8] =	ssyncadd.s32 $0xFFFF6000  }
0xa7: {  	s15 =	sadd.s32 $0x1, s15  }
0xa8: {  	p0 =	sne.s32 s15, s7  }
.Ltmp3:
0xa9: {  	_ = 	snop;
	(pc) =	sbr.rel @p0 .LBB2_1-.Ltmp3, $1  }
0xaa: {  	_ =	sdelay $0x3  }
0xab: {  	_ =	sfence.sel $0x180000  }
0xac: {  	[bflag:$0x0] =	sbarrier.arrive $0xFFFF  }
0xad: {  	p0 =	sne.s32 s2, $0x0;
	_ =	strace $0x90000050  }
0xae: {  	s0 =	sadd.s32 @!p0 $0x100000, s0;
	[bflag:$0x2] =	sbarrier.arrive $0xFFFF  }
0xaf: {  	[sflag:s0] =	ssyncadd.tile.s32 @!p0 $0x1;
	_ =	shalt  }
.Lfunc_end2:
_tile_overlayer_lowered:
.L_overlay_start_2:
0xb0: {  	(tag) =	ssettag $0x2  }
0xb1: {  	s0 =	rddreg [dreg:$0x0];
	s2 =	stileid.u32  }
0xb2: {  	s1 =	rddreg [dreg:$0x1];
	p0 =	sne.s32 s2, $0x0  }
0xb3: {  	s3 =	rddreg [dreg:$0x2];
	[bflag:$0x3] =	sbarrier.arrive $0xFFFF;
	s2 =	simm.s32 @!p0 $0x1C03  }
0xb4: {  	[timem:s3], [sflag:s2] =	dma.local @!p0 [hbm:s0], s1  }
0xb5: {  	s0 =	simm.s32 @!p0 $0x3  }
0xb6: {  	_ =	swait.ge @!p0 [sflag:s0], s1  }
0xb7: {  	s1 =	ssub.s32 @!p0 $0x0, s1;
	[sflag:s0] =	ssyncset.done @!p0 $0x0  }
0xb8: {  	[sflag:s0] =	ssyncadd.s32 @!p0 s1  }
0xb9: {  	[bflag:$0x3] =	sbarrier.arrive $0xFFFF  }
0xba: {  	_ =	shalt  }

</sc_bundles>
